<compile_context>
chip_gen: v7x
topology: tpu7x:2x2x1
jax: 0.10.2.dev20260603
libtpu: 0.0.44.dev20260713+nightly
codegen_flags: <defaults>
</compile_context>

<pallas_src>
import functools

import jax
import jax.numpy as jnp
from jax import lax
from jax.experimental import pallas as pl
from jax.experimental.pallas import tpu as pltpu
from jax.experimental.pallas import tpu_sc as plsc

_THRESHOLD = -0.1
_EPS_W = 1e-10
_IN_CH = 128
_HID = 16
_OUT_CH = 64
_HEADS = 8
_N = 10000
_E = 320000
_N_PAD = 10112
_BLK = 632
_CHUNK = 80

_NC = 2
_NS = 16
_LANES = 16



def _stage1_body(x_ref, w1_ref, as_ref, ad_ref, g_ref, t1_ref, t2_ref):
    f32 = jnp.float32
    h = jnp.dot(x_ref[...], w1_ref[...], preferred_element_type=f32)
    hp = jax.lax.Precision.HIGHEST
    asg = jnp.dot(h * as_ref[...], g_ref[...], precision=hp,
                  preferred_element_type=f32)
    t2_ref[...] = jnp.dot(h * ad_ref[...], g_ref[...], precision=hp,
                          preferred_element_type=f32)
    t1_ref[...] = jnp.concatenate([h, asg], axis=1)


def _tables_call(x, w1, asf, adf, g):
    n = x.shape[0]
    grid = n // _BLK
    return pl.pallas_call(
        _stage1_body,
        grid=(grid,),
        in_specs=[
            pl.BlockSpec((_BLK, x.shape[1]), lambda i: (i, 0)),
            pl.BlockSpec(w1.shape, lambda i: (0, 0)),
            pl.BlockSpec(asf.shape, lambda i: (0, 0)),
            pl.BlockSpec(adf.shape, lambda i: (0, 0)),
            pl.BlockSpec(g.shape, lambda i: (0, 0)),
        ],
        out_specs=[
            pl.BlockSpec((_BLK, 144), lambda i: (i, 0)),
            pl.BlockSpec((_BLK, 16), lambda i: (i, 0)),
        ],
        out_shape=[
            jax.ShapeDtypeStruct((n, 144), jnp.float32),
            jax.ShapeDtypeStruct((n, 16), jnp.float32),
        ],
    )(x, w1, asf, adf, g)


def _mid_body(p_ref, r1_ref, b1_ref, w2_ref, as2_ref, ad2_ref, g2_ref,
              t1b_ref, t2b_ref):
    f32 = jnp.float32
    s = p_ref[0] + p_ref[1]
    hp = jax.lax.Precision.HIGHEST
    den = jnp.dot(s[:, _IN_CH:_IN_CH + 16], r1_ref[...], precision=hp,
                  preferred_element_type=f32) + 1e-16
    h1 = s[:, 0:_IN_CH] / den + b1_ref[...]
    e1 = jnp.where(h1 > 0.0, h1, jnp.exp(h1) - 1.0)
    h2 = jnp.dot(e1, w2_ref[...], preferred_element_type=f32)
    a2g = jnp.dot(h2 * as2_ref[...], g2_ref[...], precision=hp,
                  preferred_element_type=f32)
    t2b_ref[...] = jnp.dot(h2 * ad2_ref[...], g2_ref[...], precision=hp,
                           preferred_element_type=f32)
    t1b_ref[...] = jnp.concatenate([h2, a2g], axis=1)


def _mid_call(part, r1, b1, w2, as2, ad2, g2):
    n = part.shape[1]
    grid = n // _BLK
    return pl.pallas_call(
        _mid_body,
        grid=(grid,),
        in_specs=[
            pl.BlockSpec((2, _BLK, part.shape[2]), lambda i: (0, i, 0)),
            pl.BlockSpec(r1.shape, lambda i: (0, 0)),
            pl.BlockSpec(b1.shape, lambda i: (0, 0)),
            pl.BlockSpec(w2.shape, lambda i: (0, 0)),
            pl.BlockSpec(as2.shape, lambda i: (0, 0)),
            pl.BlockSpec(ad2.shape, lambda i: (0, 0)),
            pl.BlockSpec(g2.shape, lambda i: (0, 0)),
        ],
        out_specs=[
            pl.BlockSpec((_BLK, 80), lambda i: (i, 0)),
            pl.BlockSpec((_BLK, 16), lambda i: (i, 0)),
        ],
        out_shape=[
            jax.ShapeDtypeStruct((n, 80), jnp.float32),
            jax.ShapeDtypeStruct((n, 16), jnp.float32),
        ],
    )(part, r1, b1, w2, as2, ad2, g2)


def _fin_body(p_ref, s2_ref, b2_ref, o_ref):
    s = p_ref[0] + p_ref[1]
    den = jnp.dot(s[:, _OUT_CH:_OUT_CH + 16], s2_ref[...],
                  precision=jax.lax.Precision.HIGHEST,
                  preferred_element_type=jnp.float32) + 1e-16
    o_ref[...] = s[:, 0:_OUT_CH] / den + b2_ref[...]


def _fin_call(part, s2, b2):
    n = part.shape[1]
    grid = n // _BLK
    return pl.pallas_call(
        _fin_body,
        grid=(grid,),
        in_specs=[
            pl.BlockSpec((2, _BLK, part.shape[2]), lambda i: (0, i, 0)),
            pl.BlockSpec(s2.shape, lambda i: (0, 0)),
            pl.BlockSpec(b2.shape, lambda i: (0, 0)),
        ],
        out_specs=pl.BlockSpec((_BLK, _OUT_CH), lambda i: (i, 0)),
        out_shape=jax.ShapeDtypeStruct((n, _OUT_CH), jnp.float32),
    )(part, s2, b2)



def _make_edge_pass(width, hoff, group_head, chunk):
    mesh = plsc.VectorSubcoreMesh(core_axis_name="c", subcore_axis_name="s")
    _CHUNK = chunk
    n_chunks = _E // _CHUNK
    per_core = n_chunks // _NC
    n_iter = (per_core + _NS - 1) // _NS
    rows_per_tile = _N_PAD // _NS

    n_groups = (n_iter + 1) // 2

    @functools.partial(
        pl.kernel,
        mesh=mesh,
        compiler_params=pltpu.CompilerParams(use_tc_tiling_on_sc=False),
        out_type=jax.ShapeDtypeStruct((_NC, _N_PAD, width), jnp.float32),
        scratch_types=[
            pltpu.VMEM((2, _CHUNK), jnp.int32),
            pltpu.VMEM((2, _CHUNK), jnp.int32),
            pltpu.VMEM((_CHUNK, width), jnp.float32),
            pltpu.VMEM((_CHUNK, width), jnp.float32),
            pltpu.VMEM((_CHUNK, 16), jnp.float32),
            pltpu.VMEM((_CHUNK, 16), jnp.float32),
            pltpu.VMEM_SHARED((_N_PAD, width), jnp.float32),
            pltpu.SemaphoreType.DMA,
            pltpu.SemaphoreType.DMA,
            pltpu.SemaphoreType.DMA,
            pltpu.SemaphoreType.DMA,
        ],
    )
    def edge_pass(t1_hbm, t2_hbm, ei_hbm, zeros_hbm, out_hbm,
                  iv0, iv1, rows_v0, rows_v1,
                  drows_v0, drows_v1, acc, sg1_0, sg1_1, sg2_0, sg2_1):
        cid = lax.axis_index("c")
        sid = lax.axis_index("s")
        bufs = ((iv0, rows_v0, drows_v0, sg1_0, sg2_0),
                (iv1, rows_v1, drows_v1, sg1_1, sg2_1))

        @pl.when(sid == 0)
        def _init():
            pltpu.sync_copy(zeros_hbm, acc)

        plsc.subcore_barrier()

        def issue(k, b):
            iv, rv, drv, s1, s2 = bufs[b]

            @pl.when(sid + k * _NS < per_core)
            def _():
                base = (cid * per_core + sid + k * _NS) * _CHUNK
                pltpu.sync_copy(ei_hbm.at[:, pl.ds(base, _CHUNK)], iv)
                pltpu.async_copy(t1_hbm.at[iv.at[0]], rv, s1)
                pltpu.async_copy(t2_hbm.at[iv.at[1]], drv, s2)

        def process(k, b):
            iv, rv, drv, s1, s2 = bufs[b]

            @pl.when(sid + k * _NS < per_core)
            def _compute():
                pltpu.make_async_copy(t1_hbm.at[iv.at[0]], rv, s1).wait()
                pltpu.make_async_copy(t2_hbm.at[iv.at[1]], drv, s2).wait()
                @plsc.parallel_loop(0, _CHUNK, unroll=16)
                def edge_body(e):
                    a = rv[e, pl.ds(hoff, 16)] + drv[e]
                    lr = jnp.where(a >= 0.0, a, 0.2 * a)
                    w = jnp.where(lr < _THRESHOLD, _EPS_W, jnp.exp(lr))
                    dnums = lax.GatherDimensionNumbers(
                        offset_dims=(), collapsed_slice_dims=(0,),
                        start_index_map=(0,))
                    for g, h in enumerate(group_head):
                        wh = lax.gather(
                            w, jnp.full((_LANES, 1), h, jnp.int32), dnums,
                            slice_sizes=(1,),
                            mode=lax.GatherScatterMode.PROMISE_IN_BOUNDS)
                        seg = rv[e, pl.ds(g * 16, 16)]
                        rv[e, pl.ds(g * 16, 16)] = seg * wh
                    rv[e, pl.ds(hoff, 16)] = w
                pltpu.sync_copy(rv, acc.at[iv.at[1]], add=True)

            issue(k + 2, b)

        issue(0, 0)
        issue(1, 1)

        def group_body(i, carry):
            process(2 * i, 0)
            process(2 * i + 1, 1)
            return carry

        lax.fori_loop(0, n_groups, group_body, 0)
        plsc.subcore_barrier()
        r0 = sid * rows_per_tile
        pltpu.sync_copy(acc.at[pl.ds(r0, rows_per_tile)],
                        out_hbm.at[cid, pl.ds(r0, rows_per_tile)])

    return edge_pass


_edge_pass_1 = _make_edge_pass(144, 128, tuple(range(8)), 80)
_edge_pass_2 = _make_edge_pass(80, 64, (0, 0, 0, 0), 128)



def kernel(x, edge_index, W1, att_src1, att_dst1, b1, W2, att_src2, att_dst2,
           b2):
    f32 = jnp.float32
    ei32 = edge_index.astype(jnp.int32)
    x_pad = jnp.pad(x.astype(f32), ((0, _N_PAD - _N), (0, 0)))

    as1f = att_src1.reshape(1, _IN_CH).astype(f32)
    ad1f = att_dst1.reshape(1, _IN_CH).astype(f32)
    as2f = att_src2.reshape(1, _OUT_CH).astype(f32)
    ad2f = att_dst2.reshape(1, _OUT_CH).astype(f32)
    g1 = jnp.concatenate(
        [jnp.repeat(jnp.eye(_HEADS, dtype=f32), _HID, axis=0),
         jnp.zeros((_IN_CH, 8), f32)], axis=1)
    g2 = jnp.concatenate(
        [jnp.ones((_OUT_CH, 1), f32),
         jnp.zeros((_OUT_CH, 15), f32)], axis=1)

    r1 = jnp.concatenate(
        [jnp.repeat(jnp.eye(_HEADS, dtype=f32), _HID, axis=1),
         jnp.zeros((8, _IN_CH), f32)], axis=0)
    s2 = jnp.concatenate(
        [jnp.ones((1, _OUT_CH), f32),
         jnp.zeros((15, _OUT_CH), f32)], axis=0)

    b1r = b1.reshape(1, _IN_CH).astype(f32)
    b2r = b2.reshape(1, _OUT_CH).astype(f32)
    z144 = jnp.zeros((_N_PAD, 144), f32)
    z80 = jnp.zeros((_N_PAD, 80), f32)

    t1, t2 = _tables_call(x_pad, W1.astype(f32), as1f, ad1f, g1)
    part1 = _edge_pass_1(t1, t2, ei32, z144)
    t1b, t2b = _mid_call(part1, r1, b1r, W2.astype(f32), as2f, ad2f, g2)
    part2 = _edge_pass_2(t1b, t2b, ei32, z80)
    out = _fin_call(part2, s2, b2r)
    return out[:_N]

# --- scband reference (transcript-rebuilt; emitter-appended) ---
"""Pipeline reference for scband-gat-70781061038413 (READ-ONLY COPY).

The authoritative reference and input builder live on the scoring server;
editing this copy changes nothing except your own understanding.
"""

import jax, jax.numpy as jnp
import numpy as np

THRESHOLD = -0.1
IN_CH = 128
HID = 16
OUT_CH = 64
HEADS = 8
N_NODES = 10000
N_EDGES = 320000


def setup_inputs(seed: int = 0) -> dict:
    key = jax.random.key(seed)
    ks = jax.random.split(key, 12)
    x = jax.random.normal(ks[0], (N_NODES, IN_CH), dtype=jnp.float32)
    edge_index = jax.random.randint(ks[1], (2, N_EDGES), 0, N_NODES, dtype=jnp.int64)
    # conv1 params: GATConv(in=128, out=16, heads=8, concat=True)
    W1 = jax.random.normal(ks[2], (IN_CH, HEADS * HID), dtype=jnp.float32) * (1.0 / np.sqrt(IN_CH))
    att_src1 = jax.random.normal(ks[3], (HEADS, HID), dtype=jnp.float32) * 0.1
    att_dst1 = jax.random.normal(ks[4], (HEADS, HID), dtype=jnp.float32) * 0.1
    b1 = jnp.zeros((HEADS * HID,), dtype=jnp.float32)
    # conv2 params: GATConv(in=128, out=64, heads=1, concat=False)
    W2 = jax.random.normal(ks[5], (HEADS * HID, OUT_CH), dtype=jnp.float32) * (1.0 / np.sqrt(HEADS * HID))
    att_src2 = jax.random.normal(ks[6], (1, OUT_CH), dtype=jnp.float32) * 0.1
    att_dst2 = jax.random.normal(ks[7], (1, OUT_CH), dtype=jnp.float32) * 0.1
    b2 = jnp.zeros((OUT_CH,), dtype=jnp.float32)
    return {"x": x, "edge_index": edge_index, "W1": W1, "att_src1": att_src1,
            "att_dst1": att_dst1, "b1": b1, "W2": W2, "att_src2": att_src2,
            "att_dst2": att_dst2, "b2": b2}


def _gat_conv(x, edge_index, W, att_src, att_dst, bias, heads, out_ch, concat):
    N = x.shape[0]
    src = edge_index[0]
    dst = edge_index[1]
    h = (x @ W).reshape(N, heads, out_ch)
    a_src = jnp.sum(h * att_src[None, :, :], axis=-1)  # [N, H]
    a_dst = jnp.sum(h * att_dst[None, :, :], axis=-1)  # [N, H]
    e = a_src[src] + a_dst[dst]                        # [E, H] gather
    e = jax.nn.leaky_relu(e, negative_slope=0.2)
    # threshold pruning of attention logits (custom GATConv threshold arg)
    e = jnp.where(e < THRESHOLD, -1e9, e)
    e_max = jax.ops.segment_max(e, dst, num_segments=N)
    e_max = jnp.where(jnp.isfinite(e_max), e_max, 0.0)
    exp_e = jnp.exp(e - e_max[dst])
    denom = jax.ops.segment_sum(exp_e, dst, num_segments=N) + 1e-16
    alpha = exp_e / denom[dst]                         # [E, H]
    msg = h[src] * alpha[:, :, None]                   # [E, H, C]
    out = jax.ops.segment_sum(msg, dst, num_segments=N)  # scatter-add
    if concat:
        out = out.reshape(N, heads * out_ch)
    else:
        out = jnp.mean(out, axis=1)
    return out + bias


def reference(x, edge_index, W1, att_src1, att_dst1, b1, W2, att_src2, att_dst2, b2):
    # dropout is identity in eval mode (training=False)
    h = _gat_conv(x, edge_index, W1, att_src1, att_dst1, b1, HEADS, HID, True)
    h = jax.nn.elu(h)
    out = _gat_conv(h, edge_index, W2, att_src2, att_dst2, b2, 1, OUT_CH, False)
    return out

if __name__ == "__main__":
    import jax
    _d = setup_inputs()
    print(jax.jit(kernel)(*tuple(_d.values())))

</pallas_src>

<mosaic_0001>
#map = affine_map<(d0, d1) -> (0, 0)>
#map1 = affine_map<(d0, d1) -> (0, 0, 0)>
module attributes {stable_mosaic.version = 14 : i64} {
  func.func @edge_pass(%arg0: i32, %arg1: i32, %arg2: memref<10112x144xf32, #tpu.memory_space<hbm>>, %arg3: memref<10112x16xf32, #tpu.memory_space<hbm>>, %arg4: memref<2x320000xi32, #tpu.memory_space<hbm>>, %arg5: memref<10112x144xf32, #tpu.memory_space<hbm>>, %arg6: memref<2x10112x144xf32, #tpu.memory_space<hbm>>, %arg7: memref<2x80xi32, #tpu.memory_space<vmem>>, %arg8: memref<2x80xi32, #tpu.memory_space<vmem>>, %arg9: memref<80x144xf32, #tpu.memory_space<vmem>>, %arg10: memref<80x144xf32, #tpu.memory_space<vmem>>, %arg11: memref<80x16xf32, #tpu.memory_space<vmem>>, %arg12: memref<80x16xf32, #tpu.memory_space<vmem>>, %arg13: memref<10112x144xf32, #tpu.memory_space<vmem_shared>>, %arg14: memref<!tpu.dma_semaphore, #tpu.memory_space<semaphore_mem>>, %arg15: memref<!tpu.dma_semaphore, #tpu.memory_space<semaphore_mem>>, %arg16: memref<!tpu.dma_semaphore, #tpu.memory_space<semaphore_mem>>, %arg17: memref<!tpu.dma_semaphore, #tpu.memory_space<semaphore_mem>>) attributes {dimension_semantics = [#tpu.dimension_semantics<core_parallel>, #tpu.dimension_semantics<subcore_parallel>], iteration_bounds = array<i64: 2, 16>, scalar_prefetch = 0 : i64, scratch_operands = 11 : i64, tpu.core_type = #tpu.core_type<sc_vector_subcore>, window_params = [{transform_indices = #map}, {transform_indices = #map}, {transform_indices = #map}, {transform_indices = #map}, {transform_indices = #map1}]} {
    %eq3A = arith.constant 0 : i32
    %eq3A_0 = arith.cmpi eq, %arg1, %eq3A : i32
    %convert_element_type3A = arith.extui %eq3A_0 : i1 to i32
    %cond3A = arith.constant 0 : i32
    %cond3A_1 = arith.cmpi ne, %convert_element_type3A, %cond3A : i32
    scf.if %cond3A_1 {
      "tpu.region"() ({
        %run_scoped3A = tpu.sem_alloc : memref<!tpu.dma_semaphore, #tpu.memory_space<semaphore_mem>>
        tpu.enqueue_dma source(%arg5 : memref<10112x144xf32, #tpu.memory_space<hbm>>) target(%arg13 : memref<10112x144xf32, #tpu.memory_space<vmem_shared>>) target_semaphore(%run_scoped3A : memref<!tpu.dma_semaphore, #tpu.memory_space<semaphore_mem>>)
        tpu.wait_dma2 semaphore(%run_scoped3A : memref<!tpu.dma_semaphore, #tpu.memory_space<semaphore_mem>>) src(%arg5 : memref<10112x144xf32, #tpu.memory_space<hbm>>) dst(%arg13 : memref<10112x144xf32, #tpu.memory_space<vmem_shared>>)
        tpu.yield
      }) : () -> ()
    } else {
    }
    %barrier3A = arith.constant 0 : index
    tpu.barrier barrier_id(%barrier3A)
    %add3A = arith.constant 0 : i32
    %add3A_2 = arith.addi %arg1, %add3A : i32
    %lt3A = arith.constant 2000 : i32
    %lt3A_3 = arith.cmpi slt, %add3A_2, %lt3A : i32
    %convert_element_type3A_4 = arith.extui %lt3A_3 : i1 to i32
    %cond3A_5 = arith.constant 0 : i32
    %cond3A_6 = arith.cmpi ne, %convert_element_type3A_4, %cond3A_5 : i32
    scf.if %cond3A_6 {
      %mul3A_21 = arith.constant 2000 : i32
      %mul3A_22 = arith.muli %arg0, %mul3A_21 : i32
      %add3A_23 = arith.addi %mul3A_22, %arg1 : i32
      %add3A_24 = arith.constant 0 : i32
      %add3A_25 = arith.addi %add3A_23, %add3A_24 : i32
      %mul3A_26 = arith.constant 80 : i32
      %mul3A_27 = arith.muli %add3A_25, %mul3A_26 : i32
      "tpu.region"() ({
        %run_scoped3A = tpu.sem_alloc : memref<!tpu.dma_semaphore, #tpu.memory_space<semaphore_mem>>
        %dma_start3A_41 = arith.constant 0 : i32
        %dma_start3A_42 = tpu.memref_slice %arg4[%dma_start3A_41, %mul3A_27] : memref<2x320000xi32, #tpu.memory_space<hbm>> -> memref<2x80xi32, #tpu.memory_space<hbm>>
        %dma_start3A_43 = arith.constant 0 : i32
        %dma_start3A_44 = tpu.memref_slice %arg4[%dma_start3A_43, %mul3A_27] : memref<2x320000xi32, #tpu.memory_space<hbm>> -> memref<2x80xi32, #tpu.memory_space<hbm>>
        tpu.enqueue_dma source(%dma_start3A_44 : memref<2x80xi32, #tpu.memory_space<hbm>>) target(%arg7 : memref<2x80xi32, #tpu.memory_space<vmem>>) target_semaphore(%run_scoped3A : memref<!tpu.dma_semaphore, #tpu.memory_space<semaphore_mem>>)
        %dma_wait3A = arith.constant 0 : i32
        %dma_wait3A_45 = tpu.memref_slice %arg4[%dma_wait3A, %mul3A_27] : memref<2x320000xi32, #tpu.memory_space<hbm>> -> memref<2x80xi32, #tpu.memory_space<hbm>>
        %dma_wait3A_46 = arith.constant 0 : i32
        %dma_wait3A_47 = tpu.memref_slice %arg4[%dma_wait3A_46, %mul3A_27] : memref<2x320000xi32, #tpu.memory_space<hbm>> -> memref<2x80xi32, #tpu.memory_space<hbm>>
        tpu.wait_dma2 semaphore(%run_scoped3A : memref<!tpu.dma_semaphore, #tpu.memory_space<semaphore_mem>>) src(%dma_wait3A_47 : memref<2x80xi32, #tpu.memory_space<hbm>>) dst(%arg7 : memref<2x80xi32, #tpu.memory_space<vmem>>)
        tpu.yield
      }) : () -> ()
      %dma_start3A = arith.constant 0 : i32
      %dma_start3A_28 = arith.constant 0 : i32
      %dma_start3A_29 = tpu.memref_slice %arg7[%dma_start3A, %dma_start3A_28] : memref<2x80xi32, #tpu.memory_space<vmem>> -> memref<1x80xi32, #tpu.memory_space<vmem>>
      %dma_start3A_30 = tpu.memref_squeeze %dma_start3A_29 : memref<1x80xi32, #tpu.memory_space<vmem>> -> memref<80xi32, #tpu.memory_space<vmem>>
      %dma_start3A_31 = arith.constant 0 : i32
      %dma_start3A_32 = arith.constant 0 : i32
      %dma_start3A_33 = tpu.memref_slice %arg2[%dma_start3A_31, %dma_start3A_32] : memref<10112x144xf32, #tpu.memory_space<hbm>> -> memref<10112x144xf32, #tpu.memory_space<hbm>>
      tpu.enqueue_indirect_dma source(%dma_start3A_33 : memref<10112x144xf32, #tpu.memory_space<hbm>>) target(%arg9 : memref<80x144xf32, #tpu.memory_space<vmem>>) offsets(%dma_start3A_30 : memref<80xi32, #tpu.memory_space<vmem>>) semaphore(%arg14 : memref<!tpu.dma_semaphore, #tpu.memory_space<semaphore_mem>>)
      %dma_start3A_34 = arith.constant 1 : i32
      %dma_start3A_35 = arith.constant 0 : i32
      %dma_start3A_36 = tpu.memref_slice %arg7[%dma_start3A_34, %dma_start3A_35] : memref<2x80xi32, #tpu.memory_space<vmem>> -> memref<1x80xi32, #tpu.memory_space<vmem>>
      %dma_start3A_37 = tpu.memref_squeeze %dma_start3A_36 : memref<1x80xi32, #tpu.memory_space<vmem>> -> memref<80xi32, #tpu.memory_space<vmem>>
      %dma_start3A_38 = arith.constant 0 : i32
      %dma_start3A_39 = arith.constant 0 : i32
      %dma_start3A_40 = tpu.memref_slice %arg3[%dma_start3A_38, %dma_start3A_39] : memref<10112x16xf32, #tpu.memory_space<hbm>> -> memref<10112x16xf32, #tpu.memory_space<hbm>>
      tpu.enqueue_indirect_dma source(%dma_start3A_40 : memref<10112x16xf32, #tpu.memory_space<hbm>>) target(%arg11 : memref<80x16xf32, #tpu.memory_space<vmem>>) offsets(%dma_start3A_37 : memref<80xi32, #tpu.memory_space<vmem>>) semaphore(%arg16 : memref<!tpu.dma_semaphore, #tpu.memory_space<semaphore_mem>>)
    } else {
    }
    %add3A_7 = arith.constant 16 : i32
    %add3A_8 = arith.addi %arg1, %add3A_7 : i32
    %lt3A_9 = arith.constant 2000 : i32
    %lt3A_10 = arith.cmpi slt, %add3A_8, %lt3A_9 : i32
    %convert_element_type3A_11 = arith.extui %lt3A_10 : i1 to i32
    %cond3A_12 = arith.constant 0 : i32
    %cond3A_13 = arith.cmpi ne, %convert_element_type3A_11, %cond3A_12 : i32
    scf.if %cond3A_13 {
      %mul3A_21 = arith.constant 2000 : i32
      %mul3A_22 = arith.muli %arg0, %mul3A_21 : i32
      %add3A_23 = arith.addi %mul3A_22, %arg1 : i32
      %add3A_24 = arith.constant 16 : i32
      %add3A_25 = arith.addi %add3A_23, %add3A_24 : i32
      %mul3A_26 = arith.constant 80 : i32
      %mul3A_27 = arith.muli %add3A_25, %mul3A_26 : i32
      "tpu.region"() ({
        %run_scoped3A = tpu.sem_alloc : memref<!tpu.dma_semaphore, #tpu.memory_space<semaphore_mem>>
        %dma_start3A_41 = arith.constant 0 : i32
        %dma_start3A_42 = tpu.memref_slice %arg4[%dma_start3A_41, %mul3A_27] : memref<2x320000xi32, #tpu.memory_space<hbm>> -> memref<2x80xi32, #tpu.memory_space<hbm>>
        %dma_start3A_43 = arith.constant 0 : i32
        %dma_start3A_44 = tpu.memref_slice %arg4[%dma_start3A_43, %mul3A_27] : memref<2x320000xi32, #tpu.memory_space<hbm>> -> memref<2x80xi32, #tpu.memory_space<hbm>>
        tpu.enqueue_dma source(%dma_start3A_44 : memref<2x80xi32, #tpu.memory_space<hbm>>) target(%arg8 : memref<2x80xi32, #tpu.memory_space<vmem>>) target_semaphore(%run_scoped3A : memref<!tpu.dma_semaphore, #tpu.memory_space<semaphore_mem>>)
        %dma_wait3A = arith.constant 0 : i32
        %dma_wait3A_45 = tpu.memref_slice %arg4[%dma_wait3A, %mul3A_27] : memref<2x320000xi32, #tpu.memory_space<hbm>> -> memref<2x80xi32, #tpu.memory_space<hbm>>
        %dma_wait3A_46 = arith.constant 0 : i32
        %dma_wait3A_47 = tpu.memref_slice %arg4[%dma_wait3A_46, %mul3A_27] : memref<2x320000xi32, #tpu.memory_space<hbm>> -> memref<2x80xi32, #tpu.memory_space<hbm>>
        tpu.wait_dma2 semaphore(%run_scoped3A : memref<!tpu.dma_semaphore, #tpu.memory_space<semaphore_mem>>) src(%dma_wait3A_47 : memref<2x80xi32, #tpu.memory_space<hbm>>) dst(%arg8 : memref<2x80xi32, #tpu.memory_space<vmem>>)
        tpu.yield
      }) : () -> ()
      %dma_start3A = arith.constant 0 : i32
      %dma_start3A_28 = arith.constant 0 : i32
      %dma_start3A_29 = tpu.memref_slice %arg8[%dma_start3A, %dma_start3A_28] : memref<2x80xi32, #tpu.memory_space<vmem>> -> memref<1x80xi32, #tpu.memory_space<vmem>>
      %dma_start3A_30 = tpu.memref_squeeze %dma_start3A_29 : memref<1x80xi32, #tpu.memory_space<vmem>> -> memref<80xi32, #tpu.memory_space<vmem>>
      %dma_start3A_31 = arith.constant 0 : i32
      %dma_start3A_32 = arith.constant 0 : i32
      %dma_start3A_33 = tpu.memref_slice %arg2[%dma_start3A_31, %dma_start3A_32] : memref<10112x144xf32, #tpu.memory_space<hbm>> -> memref<10112x144xf32, #tpu.memory_space<hbm>>
      tpu.enqueue_indirect_dma source(%dma_start3A_33 : memref<10112x144xf32, #tpu.memory_space<hbm>>) target(%arg10 : memref<80x144xf32, #tpu.memory_space<vmem>>) offsets(%dma_start3A_30 : memref<80xi32, #tpu.memory_space<vmem>>) semaphore(%arg15 : memref<!tpu.dma_semaphore, #tpu.memory_space<semaphore_mem>>)
      %dma_start3A_34 = arith.constant 1 : i32
      %dma_start3A_35 = arith.constant 0 : i32
      %dma_start3A_36 = tpu.memref_slice %arg8[%dma_start3A_34, %dma_start3A_35] : memref<2x80xi32, #tpu.memory_space<vmem>> -> memref<1x80xi32, #tpu.memory_space<vmem>>
      %dma_start3A_37 = tpu.memref_squeeze %dma_start3A_36 : memref<1x80xi32, #tpu.memory_space<vmem>> -> memref<80xi32, #tpu.memory_space<vmem>>
      %dma_start3A_38 = arith.constant 0 : i32
      %dma_start3A_39 = arith.constant 0 : i32
      %dma_start3A_40 = tpu.memref_slice %arg3[%dma_start3A_38, %dma_start3A_39] : memref<10112x16xf32, #tpu.memory_space<hbm>> -> memref<10112x16xf32, #tpu.memory_space<hbm>>
      tpu.enqueue_indirect_dma source(%dma_start3A_40 : memref<10112x16xf32, #tpu.memory_space<hbm>>) target(%arg12 : memref<80x16xf32, #tpu.memory_space<vmem>>) offsets(%dma_start3A_37 : memref<80xi32, #tpu.memory_space<vmem>>) semaphore(%arg17 : memref<!tpu.dma_semaphore, #tpu.memory_space<semaphore_mem>>)
    } else {
    }
    %scan3A = arith.constant 0 : i32
    %scan3A_14 = arith.constant 0 : i32
    %scan3A_15 = arith.constant 63 : i32
    %scan3A_16 = arith.addi %scan3A_14, %scan3A_15 : i32
    %scan3A_17 = arith.constant 1 : i32
    scf.for %scan3A_21 = %scan3A_14 to %scan3A_16 step %scan3A_17  : i32 {
      %mul3A_22 = arith.constant 2 : i32
      %mul3A_23 = arith.muli %mul3A_22, %scan3A_21 : i32
      %mul3A_24 = arith.constant 16 : i32
      %mul3A_25 = arith.muli %mul3A_23, %mul3A_24 : i32
      %add3A_26 = arith.addi %arg1, %mul3A_25 : i32
      %lt3A_27 = arith.constant 2000 : i32
      %lt3A_28 = arith.cmpi slt, %add3A_26, %lt3A_27 : i32
      %convert_element_type3A_29 = arith.extui %lt3A_28 : i1 to i32
      %cond3A_30 = arith.constant 0 : i32
      %cond3A_31 = arith.cmpi ne, %convert_element_type3A_29, %cond3A_30 : i32
      scf.if %cond3A_31 {
        %dma_wait3A = arith.constant 0 : i32
        %dma_wait3A_64 = arith.constant 0 : i32
        %dma_wait3A_65 = tpu.memref_slice %arg7[%dma_wait3A, %dma_wait3A_64] : memref<2x80xi32, #tpu.memory_space<vmem>> -> memref<1x80xi32, #tpu.memory_space<vmem>>
        %dma_wait3A_66 = tpu.memref_squeeze %dma_wait3A_65 : memref<1x80xi32, #tpu.memory_space<vmem>> -> memref<80xi32, #tpu.memory_space<vmem>>
        %dma_wait3A_67 = arith.constant 0 : i32
        %dma_wait3A_68 = arith.constant 0 : i32
        %dma_wait3A_69 = tpu.memref_slice %arg2[%dma_wait3A_67, %dma_wait3A_68] : memref<10112x144xf32, #tpu.memory_space<hbm>> -> memref<10112x144xf32, #tpu.memory_space<hbm>>
        tpu.wait_indirect_dma semaphore(%arg14 : memref<!tpu.dma_semaphore, #tpu.memory_space<semaphore_mem>>) src(%dma_wait3A_69 : memref<10112x144xf32, #tpu.memory_space<hbm>>) dst(%arg9 : memref<80x144xf32, #tpu.memory_space<vmem>>)
        %dma_wait3A_70 = arith.constant 1 : i32
        %dma_wait3A_71 = arith.constant 0 : i32
        %dma_wait3A_72 = tpu.memref_slice %arg7[%dma_wait3A_70, %dma_wait3A_71] : memref<2x80xi32, #tpu.memory_space<vmem>> -> memref<1x80xi32, #tpu.memory_space<vmem>>
        %dma_wait3A_73 = tpu.memref_squeeze %dma_wait3A_72 : memref<1x80xi32, #tpu.memory_space<vmem>> -> memref<80xi32, #tpu.memory_space<vmem>>
        %dma_wait3A_74 = arith.constant 0 : i32
        %dma_wait3A_75 = arith.constant 0 : i32
        %dma_wait3A_76 = tpu.memref_slice %arg3[%dma_wait3A_74, %dma_wait3A_75] : memref<10112x16xf32, #tpu.memory_space<hbm>> -> memref<10112x16xf32, #tpu.memory_space<hbm>>
        tpu.wait_indirect_dma semaphore(%arg16 : memref<!tpu.dma_semaphore, #tpu.memory_space<semaphore_mem>>) src(%dma_wait3A_76 : memref<10112x16xf32, #tpu.memory_space<hbm>>) dst(%arg11 : memref<80x16xf32, #tpu.memory_space<vmem>>)
        %parallel_loop3A = arith.constant 0 : i32
        %parallel_loop3A_77 = arith.constant 80 : i32
        %parallel_loop3A_78 = arith.constant 1 : i32
        scf.for %parallel_loop3A_79 = %parallel_loop3A to %parallel_loop3A_77 step %parallel_loop3A_78  : i32 {
          %parallel_loop3A_80 = arith.index_cast %parallel_loop3A_79 : i32 to index
          %parallel_loop3A_81 = arith.constant 128 : index
          %parallel_loop3A_82 = tpu.vector_load %arg9[%parallel_loop3A_80, %parallel_loop3A_81] {strides = array<i32>} : memref<80x144xf32, #tpu.memory_space<vmem>>, vector<1x16xf32>,
          %parallel_loop3A_83 = vector.shape_cast %parallel_loop3A_82 : vector<1x16xf32> to vector<16xf32>
          %parallel_loop3A_84 = arith.index_cast %parallel_loop3A_79 : i32 to index
          %parallel_loop3A_85 = arith.constant 0 : index
          %parallel_loop3A_86 = tpu.vector_load %arg11[%parallel_loop3A_84, %parallel_loop3A_85] {strides = array<i32>} : memref<80x16xf32, #tpu.memory_space<vmem>>, vector<1x16xf32>,
          %parallel_loop3A_87 = vector.shape_cast %parallel_loop3A_86 : vector<1x16xf32> to vector<16xf32>
          %parallel_loop3A_88 = arith.addf %parallel_loop3A_83, %parallel_loop3A_87 : vector<16xf32>
          %parallel_loop3A_89 = arith.constant 0.000000e+00 : f32
          %parallel_loop3A_90 = vector.broadcast %parallel_loop3A_89 : f32 to vector<16xf32>
          %parallel_loop3A_91 = arith.cmpf oge, %parallel_loop3A_88, %parallel_loop3A_90 : vector<16xf32>
          %parallel_loop3A_92 = arith.constant 2.000000e-01 : f32
          %parallel_loop3A_93 = vector.broadcast %parallel_loop3A_92 : f32 to vector<16xf32>
          %parallel_loop3A_94 = arith.mulf %parallel_loop3A_93, %parallel_loop3A_88 : vector<16xf32>
          %parallel_loop3A_95 = arith.select %parallel_loop3A_91, %parallel_loop3A_88, %parallel_loop3A_94 : vector<16xi1>, vector<16xf32>
          %parallel_loop3A_96 = arith.constant -1.000000e-01 : f32
          %parallel_loop3A_97 = vector.broadcast %parallel_loop3A_96 : f32 to vector<16xf32>
          %parallel_loop3A_98 = arith.cmpf olt, %parallel_loop3A_95, %parallel_loop3A_97 : vector<16xf32>
          %parallel_loop3A_99 = math.exp %parallel_loop3A_95 : vector<16xf32>
          %parallel_loop3A_100 = arith.constant 1.000000e-10 : f32
          %parallel_loop3A_101 = vector.broadcast %parallel_loop3A_100 : f32 to vector<16xf32>
          %parallel_loop3A_102 = arith.select %parallel_loop3A_98, %parallel_loop3A_101, %parallel_loop3A_99 : vector<16xi1>, vector<16xf32>
          %parallel_loop3A_103 = arith.constant 0 : i32
          %parallel_loop3A_104 = vector.broadcast %parallel_loop3A_103 : i32 to vector<16x1xi32>
          %parallel_loop3A_105 = vector.shape_cast %parallel_loop3A_104 : vector<16x1xi32> to vector<16xi32>
          %parallel_loop3A_106 = tpu.dynamic_gather %parallel_loop3A_102[%parallel_loop3A_105] in [0] : vector<16xf32>, vector<16xi32> -> vector<16xf32>
          %parallel_loop3A_107 = arith.index_cast %parallel_loop3A_79 : i32 to index
          %parallel_loop3A_108 = arith.constant 0 : index
          %parallel_loop3A_109 = tpu.vector_load %arg9[%parallel_loop3A_107, %parallel_loop3A_108] {strides = array<i32>} : memref<80x144xf32, #tpu.memory_space<vmem>>, vector<1x16xf32>,
          %parallel_loop3A_110 = vector.shape_cast %parallel_loop3A_109 : vector<1x16xf32> to vector<16xf32>
          %parallel_loop3A_111 = arith.mulf %parallel_loop3A_110, %parallel_loop3A_106 : vector<16xf32>
          %parallel_loop3A_112 = arith.index_cast %parallel_loop3A_79 : i32 to index
          %parallel_loop3A_113 = arith.constant 0 : index
          %parallel_loop3A_114 = tpu.vector_load %arg9[%parallel_loop3A_112, %parallel_loop3A_113] {strides = array<i32>} : memref<80x144xf32, #tpu.memory_space<vmem>>, vector<1x16xf32>,
          %parallel_loop3A_115 = vector.shape_cast %parallel_loop3A_114 : vector<1x16xf32> to vector<16xf32>
          %parallel_loop3A_116 = vector.shape_cast %parallel_loop3A_111 : vector<16xf32> to vector<1x16xf32>
          tpu.vector_store %arg9[%parallel_loop3A_112, %parallel_loop3A_113], %parallel_loop3A_116 {strides = array<i32>} : memref<80x144xf32, #tpu.memory_space<vmem>>, vector<1x16xf32>,
          %parallel_loop3A_117 = arith.constant 1 : i32
          %parallel_loop3A_118 = vector.broadcast %parallel_loop3A_117 : i32 to vector<16x1xi32>
          %parallel_loop3A_119 = vector.shape_cast %parallel_loop3A_118 : vector<16x1xi32> to vector<16xi32>
          %parallel_loop3A_120 = tpu.dynamic_gather %parallel_loop3A_102[%parallel_loop3A_119] in [0] : vector<16xf32>, vector<16xi32> -> vector<16xf32>
          %parallel_loop3A_121 = arith.index_cast %parallel_loop3A_79 : i32 to index
          %parallel_loop3A_122 = arith.constant 16 : index
          %parallel_loop3A_123 = tpu.vector_load %arg9[%parallel_loop3A_121, %parallel_loop3A_122] {strides = array<i32>} : memref<80x144xf32, #tpu.memory_space<vmem>>, vector<1x16xf32>,
          %parallel_loop3A_124 = vector.shape_cast %parallel_loop3A_123 : vector<1x16xf32> to vector<16xf32>
          %parallel_loop3A_125 = arith.mulf %parallel_loop3A_124, %parallel_loop3A_120 : vector<16xf32>
          %parallel_loop3A_126 = arith.index_cast %parallel_loop3A_79 : i32 to index
          %parallel_loop3A_127 = arith.constant 16 : index
          %parallel_loop3A_128 = tpu.vector_load %arg9[%parallel_loop3A_126, %parallel_loop3A_127] {strides = array<i32>} : memref<80x144xf32, #tpu.memory_space<vmem>>, vector<1x16xf32>,
          %parallel_loop3A_129 = vector.shape_cast %parallel_loop3A_128 : vector<1x16xf32> to vector<16xf32>
          %parallel_loop3A_130 = vector.shape_cast %parallel_loop3A_125 : vector<16xf32> to vector<1x16xf32>
          tpu.vector_store %arg9[%parallel_loop3A_126, %parallel_loop3A_127], %parallel_loop3A_130 {strides = array<i32>} : memref<80x144xf32, #tpu.memory_space<vmem>>, vector<1x16xf32>,
          %parallel_loop3A_131 = arith.constant 2 : i32
          %parallel_loop3A_132 = vector.broadcast %parallel_loop3A_131 : i32 to vector<16x1xi32>
          %parallel_loop3A_133 = vector.shape_cast %parallel_loop3A_132 : vector<16x1xi32> to vector<16xi32>
          %parallel_loop3A_134 = tpu.dynamic_gather %parallel_loop3A_102[%parallel_loop3A_133] in [0] : vector<16xf32>, vector<16xi32> -> vector<16xf32>
          %parallel_loop3A_135 = arith.index_cast %parallel_loop3A_79 : i32 to index
          %parallel_loop3A_136 = arith.constant 32 : index
          %parallel_loop3A_137 = tpu.vector_load %arg9[%parallel_loop3A_135, %parallel_loop3A_136] {strides = array<i32>} : memref<80x144xf32, #tpu.memory_space<vmem>>, vector<1x16xf32>,
          %parallel_loop3A_138 = vector.shape_cast %parallel_loop3A_137 : vector<1x16xf32> to vector<16xf32>
          %parallel_loop3A_139 = arith.mulf %parallel_loop3A_138, %parallel_loop3A_134 : vector<16xf32>
          %parallel_loop3A_140 = arith.index_cast %parallel_loop3A_79 : i32 to index
          %parallel_loop3A_141 = arith.constant 32 : index
          %parallel_loop3A_142 = tpu.vector_load %arg9[%parallel_loop3A_140, %parallel_loop3A_141] {strides = array<i32>} : memref<80x144xf32, #tpu.memory_space<vmem>>, vector<1x16xf32>,
          %parallel_loop3A_143 = vector.shape_cast %parallel_loop3A_142 : vector<1x16xf32> to vector<16xf32>
          %parallel_loop3A_144 = vector.shape_cast %parallel_loop3A_139 : vector<16xf32> to vector<1x16xf32>
          tpu.vector_store %arg9[%parallel_loop3A_140, %parallel_loop3A_141], %parallel_loop3A_144 {strides = array<i32>} : memref<80x144xf32, #tpu.memory_space<vmem>>, vector<1x16xf32>,
          %parallel_loop3A_145 = arith.constant 3 : i32
          %parallel_loop3A_146 = vector.broadcast %parallel_loop3A_145 : i32 to vector<16x1xi32>
          %parallel_loop3A_147 = vector.shape_cast %parallel_loop3A_146 : vector<16x1xi32> to vector<16xi32>
          %parallel_loop3A_148 = tpu.dynamic_gather %parallel_loop3A_102[%parallel_loop3A_147] in [0] : vector<16xf32>, vector<16xi32> -> vector<16xf32>
          %parallel_loop3A_149 = arith.index_cast %parallel_loop3A_79 : i32 to index
          %parallel_loop3A_150 = arith.constant 48 : index
          %parallel_loop3A_151 = tpu.vector_load %arg9[%parallel_loop3A_149, %parallel_loop3A_150] {strides = array<i32>} : memref<80x144xf32, #tpu.memory_space<vmem>>, vector<1x16xf32>,
          %parallel_loop3A_152 = vector.shape_cast %parallel_loop3A_151 : vector<1x16xf32> to vector<16xf32>
          %parallel_loop3A_153 = arith.mulf %parallel_loop3A_152, %parallel_loop3A_148 : vector<16xf32>
          %parallel_loop3A_154 = arith.index_cast %parallel_loop3A_79 : i32 to index
          %parallel_loop3A_155 = arith.constant 48 : index
          %parallel_loop3A_156 = tpu.vector_load %arg9[%parallel_loop3A_154, %parallel_loop3A_155] {strides = array<i32>} : memref<80x144xf32, #tpu.memory_space<vmem>>, vector<1x16xf32>,
          %parallel_loop3A_157 = vector.shape_cast %parallel_loop3A_156 : vector<1x16xf32> to vector<16xf32>
          %parallel_loop3A_158 = vector.shape_cast %parallel_loop3A_153 : vector<16xf32> to vector<1x16xf32>
          tpu.vector_store %arg9[%parallel_loop3A_154, %parallel_loop3A_155], %parallel_loop3A_158 {strides = array<i32>} : memref<80x144xf32, #tpu.memory_space<vmem>>, vector<1x16xf32>,
          %parallel_loop3A_159 = arith.constant 4 : i32
          %parallel_loop3A_160 = vector.broadcast %parallel_loop3A_159 : i32 to vector<16x1xi32>
          %parallel_loop3A_161 = vector.shape_cast %parallel_loop3A_160 : vector<16x1xi32> to vector<16xi32>
          %parallel_loop3A_162 = tpu.dynamic_gather %parallel_loop3A_102[%parallel_loop3A_161] in [0] : vector<16xf32>, vector<16xi32> -> vector<16xf32>
          %parallel_loop3A_163 = arith.index_cast %parallel_loop3A_79 : i32 to index
          %parallel_loop3A_164 = arith.constant 64 : index
          %parallel_loop3A_165 = tpu.vector_load %arg9[%parallel_loop3A_163, %parallel_loop3A_164] {strides = array<i32>} : memref<80x144xf32, #tpu.memory_space<vmem>>, vector<1x16xf32>,
          %parallel_loop3A_166 = vector.shape_cast %parallel_loop3A_165 : vector<1x16xf32> to vector<16xf32>
          %parallel_loop3A_167 = arith.mulf %parallel_loop3A_166, %parallel_loop3A_162 : vector<16xf32>
          %parallel_loop3A_168 = arith.index_cast %parallel_loop3A_79 : i32 to index
          %parallel_loop3A_169 = arith.constant 64 : index
          %parallel_loop3A_170 = tpu.vector_load %arg9[%parallel_loop3A_168, %parallel_loop3A_169] {strides = array<i32>} : memref<80x144xf32, #tpu.memory_space<vmem>>, vector<1x16xf32>,
          %parallel_loop3A_171 = vector.shape_cast %parallel_loop3A_170 : vector<1x16xf32> to vector<16xf32>
          %parallel_loop3A_172 = vector.shape_cast %parallel_loop3A_167 : vector<16xf32> to vector<1x16xf32>
          tpu.vector_store %arg9[%parallel_loop3A_168, %parallel_loop3A_169], %parallel_loop3A_172 {strides = array<i32>} : memref<80x144xf32, #tpu.memory_space<vmem>>, vector<1x16xf32>,
          %parallel_loop3A_173 = arith.constant 5 : i32
          %parallel_loop3A_174 = vector.broadcast %parallel_loop3A_173 : i32 to vector<16x1xi32>
          %parallel_loop3A_175 = vector.shape_cast %parallel_loop3A_174 : vector<16x1xi32> to vector<16xi32>
          %parallel_loop3A_176 = tpu.dynamic_gather %parallel_loop3A_102[%parallel_loop3A_175] in [0] : vector<16xf32>, vector<16xi32> -> vector<16xf32>
          %parallel_loop3A_177 = arith.index_cast %parallel_loop3A_79 : i32 to index
          %parallel_loop3A_178 = arith.constant 80 : index
          %parallel_loop3A_179 = tpu.vector_load %arg9[%parallel_loop3A_177, %parallel_loop3A_178] {strides = array<i32>} : memref<80x144xf32, #tpu.memory_space<vmem>>, vector<1x16xf32>,
          %parallel_loop3A_180 = vector.shape_cast %parallel_loop3A_179 : vector<1x16xf32> to vector<16xf32>
          %parallel_loop3A_181 = arith.mulf %parallel_loop3A_180, %parallel_loop3A_176 : vector<16xf32>
          %parallel_loop3A_182 = arith.index_cast %parallel_loop3A_79 : i32 to index
          %parallel_loop3A_183 = arith.constant 80 : index
          %parallel_loop3A_184 = tpu.vector_load %arg9[%parallel_loop3A_182, %parallel_loop3A_183] {strides = array<i32>} : memref<80x144xf32, #tpu.memory_space<vmem>>, vector<1x16xf32>,
          %parallel_loop3A_185 = vector.shape_cast %parallel_loop3A_184 : vector<1x16xf32> to vector<16xf32>
          %parallel_loop3A_186 = vector.shape_cast %parallel_loop3A_181 : vector<16xf32> to vector<1x16xf32>
          tpu.vector_store %arg9[%parallel_loop3A_182, %parallel_loop3A_183], %parallel_loop3A_186 {strides = array<i32>} : memref<80x144xf32, #tpu.memory_space<vmem>>, vector<1x16xf32>,
          %parallel_loop3A_187 = arith.constant 6 : i32
          %parallel_loop3A_188 = vector.broadcast %parallel_loop3A_187 : i32 to vector<16x1xi32>
          %parallel_loop3A_189 = vector.shape_cast %parallel_loop3A_188 : vector<16x1xi32> to vector<16xi32>
          %parallel_loop3A_190 = tpu.dynamic_gather %parallel_loop3A_102[%parallel_loop3A_189] in [0] : vector<16xf32>, vector<16xi32> -> vector<16xf32>
          %parallel_loop3A_191 = arith.index_cast %parallel_loop3A_79 : i32 to index
          %parallel_loop3A_192 = arith.constant 96 : index
          %parallel_loop3A_193 = tpu.vector_load %arg9[%parallel_loop3A_191, %parallel_loop3A_192] {strides = array<i32>} : memref<80x144xf32, #tpu.memory_space<vmem>>, vector<1x16xf32>,
          %parallel_loop3A_194 = vector.shape_cast %parallel_loop3A_193 : vector<1x16xf32> to vector<16xf32>
          %parallel_loop3A_195 = arith.mulf %parallel_loop3A_194, %parallel_loop3A_190 : vector<16xf32>
          %parallel_loop3A_196 = arith.index_cast %parallel_loop3A_79 : i32 to index
          %parallel_loop3A_197 = arith.constant 96 : index
          %parallel_loop3A_198 = tpu.vector_load %arg9[%parallel_loop3A_196, %parallel_loop3A_197] {strides = array<i32>} : memref<80x144xf32, #tpu.memory_space<vmem>>, vector<1x16xf32>,
          %parallel_loop3A_199 = vector.shape_cast %parallel_loop3A_198 : vector<1x16xf32> to vector<16xf32>
          %parallel_loop3A_200 = vector.shape_cast %parallel_loop3A_195 : vector<16xf32> to vector<1x16xf32>
          tpu.vector_store %arg9[%parallel_loop3A_196, %parallel_loop3A_197], %parallel_loop3A_200 {strides = array<i32>} : memref<80x144xf32, #tpu.memory_space<vmem>>, vector<1x16xf32>,
          %parallel_loop3A_201 = arith.constant 7 : i32
          %parallel_loop3A_202 = vector.broadcast %parallel_loop3A_201 : i32 to vector<16x1xi32>
          %parallel_loop3A_203 = vector.shape_cast %parallel_loop3A_202 : vector<16x1xi32> to vector<16xi32>
          %parallel_loop3A_204 = tpu.dynamic_gather %parallel_loop3A_102[%parallel_loop3A_203] in [0] : vector<16xf32>, vector<16xi32> -> vector<16xf32>
          %parallel_loop3A_205 = arith.index_cast %parallel_loop3A_79 : i32 to index
          %parallel_loop3A_206 = arith.constant 112 : index
          %parallel_loop3A_207 = tpu.vector_load %arg9[%parallel_loop3A_205, %parallel_loop3A_206] {strides = array<i32>} : memref<80x144xf32, #tpu.memory_space<vmem>>, vector<1x16xf32>,
          %parallel_loop3A_208 = vector.shape_cast %parallel_loop3A_207 : vector<1x16xf32> to vector<16xf32>
          %parallel_loop3A_209 = arith.mulf %parallel_loop3A_208, %parallel_loop3A_204 : vector<16xf32>
          %parallel_loop3A_210 = arith.index_cast %parallel_loop3A_79 : i32 to index
          %parallel_loop3A_211 = arith.constant 112 : index
          %parallel_loop3A_212 = tpu.vector_load %arg9[%parallel_loop3A_210, %parallel_loop3A_211] {strides = array<i32>} : memref<80x144xf32, #tpu.memory_space<vmem>>, vector<1x16xf32>,
          %parallel_loop3A_213 = vector.shape_cast %parallel_loop3A_212 : vector<1x16xf32> to vector<16xf32>
          %parallel_loop3A_214 = vector.shape_cast %parallel_loop3A_209 : vector<16xf32> to vector<1x16xf32>
          tpu.vector_store %arg9[%parallel_loop3A_210, %parallel_loop3A_211], %parallel_loop3A_214 {strides = array<i32>} : memref<80x144xf32, #tpu.memory_space<vmem>>, vector<1x16xf32>,
          %parallel_loop3A_215 = arith.index_cast %parallel_loop3A_79 : i32 to index
          %parallel_loop3A_216 = arith.constant 128 : index
          %parallel_loop3A_217 = tpu.vector_load %arg9[%parallel_loop3A_215, %parallel_loop3A_216] {strides = array<i32>} : memref<80x144xf32, #tpu.memory_space<vmem>>, vector<1x16xf32>,
          %parallel_loop3A_218 = vector.shape_cast %parallel_loop3A_217 : vector<1x16xf32> to vector<16xf32>
          %parallel_loop3A_219 = vector.shape_cast %parallel_loop3A_102 : vector<16xf32> to vector<1x16xf32>
          tpu.vector_store %arg9[%parallel_loop3A_215, %parallel_loop3A_216], %parallel_loop3A_219 {strides = array<i32>} : memref<80x144xf32, #tpu.memory_space<vmem>>, vector<1x16xf32>,
        } {sc.loop_unroll_factor = 16 : i64, sc.parallel_access}
        %run_scoped3A = arith.constant 1 : i32
        "tpu.region"() ({
          %run_scoped3A_79 = tpu.sem_alloc : memref<!tpu.dma_semaphore, #tpu.memory_space<semaphore_mem>>
          %dma_start3A = arith.constant 0 : i32
          %dma_start3A_80 = tpu.memref_slice %arg7[%run_scoped3A, %dma_start3A] : memref<2x80xi32, #tpu.memory_space<vmem>> -> memref<1x80xi32, #tpu.memory_space<vmem>>
          %dma_start3A_81 = tpu.memref_squeeze %dma_start3A_80 : memref<1x80xi32, #tpu.memory_space<vmem>> -> memref<80xi32, #tpu.memory_space<vmem>>
          %dma_start3A_82 = arith.constant 0 : i32
          %dma_start3A_83 = arith.constant 0 : i32
          %dma_start3A_84 = tpu.memref_slice %arg13[%dma_start3A_82, %dma_start3A_83] : memref<10112x144xf32, #tpu.memory_space<vmem_shared>> -> memref<10112x144xf32, #tpu.memory_space<vmem_shared>>
          tpu.enqueue_indirect_dma source(%arg9 : memref<80x144xf32, #tpu.memory_space<vmem>>) target(%dma_start3A_84 : memref<10112x144xf32, #tpu.memory_space<vmem_shared>>) offsets(%dma_start3A_81 : memref<80xi32, #tpu.memory_space<vmem>>) semaphore(%run_scoped3A_79 : memref<!tpu.dma_semaphore, #tpu.memory_space<semaphore_mem>>) {add = true}
          %dma_wait3A_85 = arith.constant 0 : i32
          %dma_wait3A_86 = tpu.memref_slice %arg7[%run_scoped3A, %dma_wait3A_85] : memref<2x80xi32, #tpu.memory_space<vmem>> -> memref<1x80xi32, #tpu.memory_space<vmem>>
          %dma_wait3A_87 = tpu.memref_squeeze %dma_wait3A_86 : memref<1x80xi32, #tpu.memory_space<vmem>> -> memref<80xi32, #tpu.memory_space<vmem>>
          %dma_wait3A_88 = arith.constant 0 : i32
          %dma_wait3A_89 = arith.constant 0 : i32
          %dma_wait3A_90 = tpu.memref_slice %arg13[%dma_wait3A_88, %dma_wait3A_89] : memref<10112x144xf32, #tpu.memory_space<vmem_shared>> -> memref<10112x144xf32, #tpu.memory_space<vmem_shared>>
          tpu.wait_indirect_dma semaphore(%run_scoped3A_79 : memref<!tpu.dma_semaphore, #tpu.memory_space<semaphore_mem>>) src(%arg9 : memref<80x144xf32, #tpu.memory_space<vmem>>) dst(%dma_wait3A_90 : memref<10112x144xf32, #tpu.memory_space<vmem_shared>>)
          tpu.yield
        }) : () -> ()
      } else {
      }
      %add3A_32 = arith.constant 2 : i32
      %add3A_33 = arith.addi %mul3A_23, %add3A_32 : i32
      %mul3A_34 = arith.constant 16 : i32
      %mul3A_35 = arith.muli %add3A_33, %mul3A_34 : i32
      %add3A_36 = arith.addi %arg1, %mul3A_35 : i32
      %lt3A_37 = arith.constant 2000 : i32
      %lt3A_38 = arith.cmpi slt, %add3A_36, %lt3A_37 : i32
      %convert_element_type3A_39 = arith.extui %lt3A_38 : i1 to i32
      %cond3A_40 = arith.constant 0 : i32
      %cond3A_41 = arith.cmpi ne, %convert_element_type3A_39, %cond3A_40 : i32
      scf.if %cond3A_41 {
        %mul3A_64 = arith.constant 2000 : i32
        %mul3A_65 = arith.muli %arg0, %mul3A_64 : i32
        %add3A_66 = arith.addi %mul3A_65, %arg1 : i32
        %mul3A_67 = arith.constant 16 : i32
        %mul3A_68 = arith.muli %add3A_33, %mul3A_67 : i32
        %add3A_69 = arith.addi %add3A_66, %mul3A_68 : i32
        %mul3A_70 = arith.constant 80 : i32
        %mul3A_71 = arith.muli %add3A_69, %mul3A_70 : i32
        "tpu.region"() ({
          %run_scoped3A = tpu.sem_alloc : memref<!tpu.dma_semaphore, #tpu.memory_space<semaphore_mem>>
          %dma_start3A_85 = arith.constant 0 : i32
          %dma_start3A_86 = tpu.memref_slice %arg4[%dma_start3A_85, %mul3A_71] : memref<2x320000xi32, #tpu.memory_space<hbm>> -> memref<2x80xi32, #tpu.memory_space<hbm>>
          %dma_start3A_87 = arith.constant 0 : i32
          %dma_start3A_88 = tpu.memref_slice %arg4[%dma_start3A_87, %mul3A_71] : memref<2x320000xi32, #tpu.memory_space<hbm>> -> memref<2x80xi32, #tpu.memory_space<hbm>>
          tpu.enqueue_dma source(%dma_start3A_88 : memref<2x80xi32, #tpu.memory_space<hbm>>) target(%arg7 : memref<2x80xi32, #tpu.memory_space<vmem>>) target_semaphore(%run_scoped3A : memref<!tpu.dma_semaphore, #tpu.memory_space<semaphore_mem>>)
          %dma_wait3A = arith.constant 0 : i32
          %dma_wait3A_89 = tpu.memref_slice %arg4[%dma_wait3A, %mul3A_71] : memref<2x320000xi32, #tpu.memory_space<hbm>> -> memref<2x80xi32, #tpu.memory_space<hbm>>
          %dma_wait3A_90 = arith.constant 0 : i32
          %dma_wait3A_91 = tpu.memref_slice %arg4[%dma_wait3A_90, %mul3A_71] : memref<2x320000xi32, #tpu.memory_space<hbm>> -> memref<2x80xi32, #tpu.memory_space<hbm>>
          tpu.wait_dma2 semaphore(%run_scoped3A : memref<!tpu.dma_semaphore, #tpu.memory_space<semaphore_mem>>) src(%dma_wait3A_91 : memref<2x80xi32, #tpu.memory_space<hbm>>) dst(%arg7 : memref<2x80xi32, #tpu.memory_space<vmem>>)
          tpu.yield
        }) : () -> ()
        %dma_start3A = arith.constant 0 : i32
        %dma_start3A_72 = arith.constant 0 : i32
        %dma_start3A_73 = tpu.memref_slice %arg7[%dma_start3A, %dma_start3A_72] : memref<2x80xi32, #tpu.memory_space<vmem>> -> memref<1x80xi32, #tpu.memory_space<vmem>>
        %dma_start3A_74 = tpu.memref_squeeze %dma_start3A_73 : memref<1x80xi32, #tpu.memory_space<vmem>> -> memref<80xi32, #tpu.memory_space<vmem>>
        %dma_start3A_75 = arith.constant 0 : i32
        %dma_start3A_76 = arith.constant 0 : i32
        %dma_start3A_77 = tpu.memref_slice %arg2[%dma_start3A_75, %dma_start3A_76] : memref<10112x144xf32, #tpu.memory_space<hbm>> -> memref<10112x144xf32, #tpu.memory_space<hbm>>
        tpu.enqueue_indirect_dma source(%dma_start3A_77 : memref<10112x144xf32, #tpu.memory_space<hbm>>) target(%arg9 : memref<80x144xf32, #tpu.memory_space<vmem>>) offsets(%dma_start3A_74 : memref<80xi32, #tpu.memory_space<vmem>>) semaphore(%arg14 : memref<!tpu.dma_semaphore, #tpu.memory_space<semaphore_mem>>)
        %dma_start3A_78 = arith.constant 1 : i32
        %dma_start3A_79 = arith.constant 0 : i32
        %dma_start3A_80 = tpu.memref_slice %arg7[%dma_start3A_78, %dma_start3A_79] : memref<2x80xi32, #tpu.memory_space<vmem>> -> memref<1x80xi32, #tpu.memory_space<vmem>>
        %dma_start3A_81 = tpu.memref_squeeze %dma_start3A_80 : memref<1x80xi32, #tpu.memory_space<vmem>> -> memref<80xi32, #tpu.memory_space<vmem>>
        %dma_start3A_82 = arith.constant 0 : i32
        %dma_start3A_83 = arith.constant 0 : i32
        %dma_start3A_84 = tpu.memref_slice %arg3[%dma_start3A_82, %dma_start3A_83] : memref<10112x16xf32, #tpu.memory_space<hbm>> -> memref<10112x16xf32, #tpu.memory_space<hbm>>
        tpu.enqueue_indirect_dma source(%dma_start3A_84 : memref<10112x16xf32, #tpu.memory_space<hbm>>) target(%arg11 : memref<80x16xf32, #tpu.memory_space<vmem>>) offsets(%dma_start3A_81 : memref<80xi32, #tpu.memory_space<vmem>>) semaphore(%arg16 : memref<!tpu.dma_semaphore, #tpu.memory_space<semaphore_mem>>)
      } else {
      }
      %mul3A_42 = arith.constant 2 : i32
      %mul3A_43 = arith.muli %mul3A_42, %scan3A_21 : i32
      %add3A_44 = arith.constant 1 : i32
      %add3A_45 = arith.addi %mul3A_43, %add3A_44 : i32
      %mul3A_46 = arith.constant 16 : i32
      %mul3A_47 = arith.muli %add3A_45, %mul3A_46 : i32
      %add3A_48 = arith.addi %arg1, %mul3A_47 : i32
      %lt3A_49 = arith.constant 2000 : i32
      %lt3A_50 = arith.cmpi slt, %add3A_48, %lt3A_49 : i32
      %convert_element_type3A_51 = arith.extui %lt3A_50 : i1 to i32
      %cond3A_52 = arith.constant 0 : i32
      %cond3A_53 = arith.cmpi ne, %convert_element_type3A_51, %cond3A_52 : i32
      scf.if %cond3A_53 {
        %dma_wait3A = arith.constant 0 : i32
        %dma_wait3A_64 = arith.constant 0 : i32
        %dma_wait3A_65 = tpu.memref_slice %arg8[%dma_wait3A, %dma_wait3A_64] : memref<2x80xi32, #tpu.memory_space<vmem>> -> memref<1x80xi32, #tpu.memory_space<vmem>>
        %dma_wait3A_66 = tpu.memref_squeeze %dma_wait3A_65 : memref<1x80xi32, #tpu.memory_space<vmem>> -> memref<80xi32, #tpu.memory_space<vmem>>
        %dma_wait3A_67 = arith.constant 0 : i32
        %dma_wait3A_68 = arith.constant 0 : i32
        %dma_wait3A_69 = tpu.memref_slice %arg2[%dma_wait3A_67, %dma_wait3A_68] : memref<10112x144xf32, #tpu.memory_space<hbm>> -> memref<10112x144xf32, #tpu.memory_space<hbm>>
        tpu.wait_indirect_dma semaphore(%arg15 : memref<!tpu.dma_semaphore, #tpu.memory_space<semaphore_mem>>) src(%dma_wait3A_69 : memref<10112x144xf32, #tpu.memory_space<hbm>>) dst(%arg10 : memref<80x144xf32, #tpu.memory_space<vmem>>)
        %dma_wait3A_70 = arith.constant 1 : i32
        %dma_wait3A_71 = arith.constant 0 : i32
        %dma_wait3A_72 = tpu.memref_slice %arg8[%dma_wait3A_70, %dma_wait3A_71] : memref<2x80xi32, #tpu.memory_space<vmem>> -> memref<1x80xi32, #tpu.memory_space<vmem>>
        %dma_wait3A_73 = tpu.memref_squeeze %dma_wait3A_72 : memref<1x80xi32, #tpu.memory_space<vmem>> -> memref<80xi32, #tpu.memory_space<vmem>>
        %dma_wait3A_74 = arith.constant 0 : i32
        %dma_wait3A_75 = arith.constant 0 : i32
        %dma_wait3A_76 = tpu.memref_slice %arg3[%dma_wait3A_74, %dma_wait3A_75] : memref<10112x16xf32, #tpu.memory_space<hbm>> -> memref<10112x16xf32, #tpu.memory_space<hbm>>
        tpu.wait_indirect_dma semaphore(%arg17 : memref<!tpu.dma_semaphore, #tpu.memory_space<semaphore_mem>>) src(%dma_wait3A_76 : memref<10112x16xf32, #tpu.memory_space<hbm>>) dst(%arg12 : memref<80x16xf32, #tpu.memory_space<vmem>>)
        %parallel_loop3A = arith.constant 0 : i32
        %parallel_loop3A_77 = arith.constant 80 : i32
        %parallel_loop3A_78 = arith.constant 1 : i32
        scf.for %parallel_loop3A_79 = %parallel_loop3A to %parallel_loop3A_77 step %parallel_loop3A_78  : i32 {
          %parallel_loop3A_80 = arith.index_cast %parallel_loop3A_79 : i32 to index
          %parallel_loop3A_81 = arith.constant 128 : index
          %parallel_loop3A_82 = tpu.vector_load %arg10[%parallel_loop3A_80, %parallel_loop3A_81] {strides = array<i32>} : memref<80x144xf32, #tpu.memory_space<vmem>>, vector<1x16xf32>,
          %parallel_loop3A_83 = vector.shape_cast %parallel_loop3A_82 : vector<1x16xf32> to vector<16xf32>
          %parallel_loop3A_84 = arith.index_cast %parallel_loop3A_79 : i32 to index
          %parallel_loop3A_85 = arith.constant 0 : index
          %parallel_loop3A_86 = tpu.vector_load %arg12[%parallel_loop3A_84, %parallel_loop3A_85] {strides = array<i32>} : memref<80x16xf32, #tpu.memory_space<vmem>>, vector<1x16xf32>,
          %parallel_loop3A_87 = vector.shape_cast %parallel_loop3A_86 : vector<1x16xf32> to vector<16xf32>
          %parallel_loop3A_88 = arith.addf %parallel_loop3A_83, %parallel_loop3A_87 : vector<16xf32>
          %parallel_loop3A_89 = arith.constant 0.000000e+00 : f32
          %parallel_loop3A_90 = vector.broadcast %parallel_loop3A_89 : f32 to vector<16xf32>
          %parallel_loop3A_91 = arith.cmpf oge, %parallel_loop3A_88, %parallel_loop3A_90 : vector<16xf32>
          %parallel_loop3A_92 = arith.constant 2.000000e-01 : f32
          %parallel_loop3A_93 = vector.broadcast %parallel_loop3A_92 : f32 to vector<16xf32>
          %parallel_loop3A_94 = arith.mulf %parallel_loop3A_93, %parallel_loop3A_88 : vector<16xf32>
          %parallel_loop3A_95 = arith.select %parallel_loop3A_91, %parallel_loop3A_88, %parallel_loop3A_94 : vector<16xi1>, vector<16xf32>
          %parallel_loop3A_96 = arith.constant -1.000000e-01 : f32
          %parallel_loop3A_97 = vector.broadcast %parallel_loop3A_96 : f32 to vector<16xf32>
          %parallel_loop3A_98 = arith.cmpf olt, %parallel_loop3A_95, %parallel_loop3A_97 : vector<16xf32>
          %parallel_loop3A_99 = math.exp %parallel_loop3A_95 : vector<16xf32>
          %parallel_loop3A_100 = arith.constant 1.000000e-10 : f32
          %parallel_loop3A_101 = vector.broadcast %parallel_loop3A_100 : f32 to vector<16xf32>
          %parallel_loop3A_102 = arith.select %parallel_loop3A_98, %parallel_loop3A_101, %parallel_loop3A_99 : vector<16xi1>, vector<16xf32>
          %parallel_loop3A_103 = arith.constant 0 : i32
          %parallel_loop3A_104 = vector.broadcast %parallel_loop3A_103 : i32 to vector<16x1xi32>
          %parallel_loop3A_105 = vector.shape_cast %parallel_loop3A_104 : vector<16x1xi32> to vector<16xi32>
          %parallel_loop3A_106 = tpu.dynamic_gather %parallel_loop3A_102[%parallel_loop3A_105] in [0] : vector<16xf32>, vector<16xi32> -> vector<16xf32>
          %parallel_loop3A_107 = arith.index_cast %parallel_loop3A_79 : i32 to index
          %parallel_loop3A_108 = arith.constant 0 : index
          %parallel_loop3A_109 = tpu.vector_load %arg10[%parallel_loop3A_107, %parallel_loop3A_108] {strides = array<i32>} : memref<80x144xf32, #tpu.memory_space<vmem>>, vector<1x16xf32>,
          %parallel_loop3A_110 = vector.shape_cast %parallel_loop3A_109 : vector<1x16xf32> to vector<16xf32>
          %parallel_loop3A_111 = arith.mulf %parallel_loop3A_110, %parallel_loop3A_106 : vector<16xf32>
          %parallel_loop3A_112 = arith.index_cast %parallel_loop3A_79 : i32 to index
          %parallel_loop3A_113 = arith.constant 0 : index
          %parallel_loop3A_114 = tpu.vector_load %arg10[%parallel_loop3A_112, %parallel_loop3A_113] {strides = array<i32>} : memref<80x144xf32, #tpu.memory_space<vmem>>, vector<1x16xf32>,
          %parallel_loop3A_115 = vector.shape_cast %parallel_loop3A_114 : vector<1x16xf32> to vector<16xf32>
          %parallel_loop3A_116 = vector.shape_cast %parallel_loop3A_111 : vector<16xf32> to vector<1x16xf32>
          tpu.vector_store %arg10[%parallel_loop3A_112, %parallel_loop3A_113], %parallel_loop3A_116 {strides = array<i32>} : memref<80x144xf32, #tpu.memory_space<vmem>>, vector<1x16xf32>,
          %parallel_loop3A_117 = arith.constant 1 : i32
          %parallel_loop3A_118 = vector.broadcast %parallel_loop3A_117 : i32 to vector<16x1xi32>
          %parallel_loop3A_119 = vector.shape_cast %parallel_loop3A_118 : vector<16x1xi32> to vector<16xi32>
          %parallel_loop3A_120 = tpu.dynamic_gather %parallel_loop3A_102[%parallel_loop3A_119] in [0] : vector<16xf32>, vector<16xi32> -> vector<16xf32>
          %parallel_loop3A_121 = arith.index_cast %parallel_loop3A_79 : i32 to index
          %parallel_loop3A_122 = arith.constant 16 : index
          %parallel_loop3A_123 = tpu.vector_load %arg10[%parallel_loop3A_121, %parallel_loop3A_122] {strides = array<i32>} : memref<80x144xf32, #tpu.memory_space<vmem>>, vector<1x16xf32>,
          %parallel_loop3A_124 = vector.shape_cast %parallel_loop3A_123 : vector<1x16xf32> to vector<16xf32>
          %parallel_loop3A_125 = arith.mulf %parallel_loop3A_124, %parallel_loop3A_120 : vector<16xf32>
          %parallel_loop3A_126 = arith.index_cast %parallel_loop3A_79 : i32 to index
          %parallel_loop3A_127 = arith.constant 16 : index
          %parallel_loop3A_128 = tpu.vector_load %arg10[%parallel_loop3A_126, %parallel_loop3A_127] {strides = array<i32>} : memref<80x144xf32, #tpu.memory_space<vmem>>, vector<1x16xf32>,
          %parallel_loop3A_129 = vector.shape_cast %parallel_loop3A_128 : vector<1x16xf32> to vector<16xf32>
          %parallel_loop3A_130 = vector.shape_cast %parallel_loop3A_125 : vector<16xf32> to vector<1x16xf32>
          tpu.vector_store %arg10[%parallel_loop3A_126, %parallel_loop3A_127], %parallel_loop3A_130 {strides = array<i32>} : memref<80x144xf32, #tpu.memory_space<vmem>>, vector<1x16xf32>,
          %parallel_loop3A_131 = arith.constant 2 : i32
          %parallel_loop3A_132 = vector.broadcast %parallel_loop3A_131 : i32 to vector<16x1xi32>
          %parallel_loop3A_133 = vector.shape_cast %parallel_loop3A_132 : vector<16x1xi32> to vector<16xi32>
          %parallel_loop3A_134 = tpu.dynamic_gather %parallel_loop3A_102[%parallel_loop3A_133] in [0] : vector<16xf32>, vector<16xi32> -> vector<16xf32>
          %parallel_loop3A_135 = arith.index_cast %parallel_loop3A_79 : i32 to index
          %parallel_loop3A_136 = arith.constant 32 : index
          %parallel_loop3A_137 = tpu.vector_load %arg10[%parallel_loop3A_135, %parallel_loop3A_136] {strides = array<i32>} : memref<80x144xf32, #tpu.memory_space<vmem>>, vector<1x16xf32>,
          %parallel_loop3A_138 = vector.shape_cast %parallel_loop3A_137 : vector<1x16xf32> to vector<16xf32>
          %parallel_loop3A_139 = arith.mulf %parallel_loop3A_138, %parallel_loop3A_134 : vector<16xf32>
          %parallel_loop3A_140 = arith.index_cast %parallel_loop3A_79 : i32 to index
          %parallel_loop3A_141 = arith.constant 32 : index
          %parallel_loop3A_142 = tpu.vector_load %arg10[%parallel_loop3A_140, %parallel_loop3A_141] {strides = array<i32>} : memref<80x144xf32, #tpu.memory_space<vmem>>, vector<1x16xf32>,
          %parallel_loop3A_143 = vector.shape_cast %parallel_loop3A_142 : vector<1x16xf32> to vector<16xf32>
          %parallel_loop3A_144 = vector.shape_cast %parallel_loop3A_139 : vector<16xf32> to vector<1x16xf32>
          tpu.vector_store %arg10[%parallel_loop3A_140, %parallel_loop3A_141], %parallel_loop3A_144 {strides = array<i32>} : memref<80x144xf32, #tpu.memory_space<vmem>>, vector<1x16xf32>,
          %parallel_loop3A_145 = arith.constant 3 : i32
          %parallel_loop3A_146 = vector.broadcast %parallel_loop3A_145 : i32 to vector<16x1xi32>
          %parallel_loop3A_147 = vector.shape_cast %parallel_loop3A_146 : vector<16x1xi32> to vector<16xi32>
          %parallel_loop3A_148 = tpu.dynamic_gather %parallel_loop3A_102[%parallel_loop3A_147] in [0] : vector<16xf32>, vector<16xi32> -> vector<16xf32>
          %parallel_loop3A_149 = arith.index_cast %parallel_loop3A_79 : i32 to index
          %parallel_loop3A_150 = arith.constant 48 : index
          %parallel_loop3A_151 = tpu.vector_load %arg10[%parallel_loop3A_149, %parallel_loop3A_150] {strides = array<i32>} : memref<80x144xf32, #tpu.memory_space<vmem>>, vector<1x16xf32>,
          %parallel_loop3A_152 = vector.shape_cast %parallel_loop3A_151 : vector<1x16xf32> to vector<16xf32>
          %parallel_loop3A_153 = arith.mulf %parallel_loop3A_152, %parallel_loop3A_148 : vector<16xf32>
          %parallel_loop3A_154 = arith.index_cast %parallel_loop3A_79 : i32 to index
          %parallel_loop3A_155 = arith.constant 48 : index
          %parallel_loop3A_156 = tpu.vector_load %arg10[%parallel_loop3A_154, %parallel_loop3A_155] {strides = array<i32>} : memref<80x144xf32, #tpu.memory_space<vmem>>, vector<1x16xf32>,
          %parallel_loop3A_157 = vector.shape_cast %parallel_loop3A_156 : vector<1x16xf32> to vector<16xf32>
          %parallel_loop3A_158 = vector.shape_cast %parallel_loop3A_153 : vector<16xf32> to vector<1x16xf32>
          tpu.vector_store %arg10[%parallel_loop3A_154, %parallel_loop3A_155], %parallel_loop3A_158 {strides = array<i32>} : memref<80x144xf32, #tpu.memory_space<vmem>>, vector<1x16xf32>,
          %parallel_loop3A_159 = arith.constant 4 : i32
          %parallel_loop3A_160 = vector.broadcast %parallel_loop3A_159 : i32 to vector<16x1xi32>
          %parallel_loop3A_161 = vector.shape_cast %parallel_loop3A_160 : vector<16x1xi32> to vector<16xi32>
          %parallel_loop3A_162 = tpu.dynamic_gather %parallel_loop3A_102[%parallel_loop3A_161] in [0] : vector<16xf32>, vector<16xi32> -> vector<16xf32>
          %parallel_loop3A_163 = arith.index_cast %parallel_loop3A_79 : i32 to index
          %parallel_loop3A_164 = arith.constant 64 : index
          %parallel_loop3A_165 = tpu.vector_load %arg10[%parallel_loop3A_163, %parallel_loop3A_164] {strides = array<i32>} : memref<80x144xf32, #tpu.memory_space<vmem>>, vector<1x16xf32>,
          %parallel_loop3A_166 = vector.shape_cast %parallel_loop3A_165 : vector<1x16xf32> to vector<16xf32>
          %parallel_loop3A_167 = arith.mulf %parallel_loop3A_166, %parallel_loop3A_162 : vector<16xf32>
          %parallel_loop3A_168 = arith.index_cast %parallel_loop3A_79 : i32 to index
          %parallel_loop3A_169 = arith.constant 64 : index
          %parallel_loop3A_170 = tpu.vector_load %arg10[%parallel_loop3A_168, %parallel_loop3A_169] {strides = array<i32>} : memref<80x144xf32, #tpu.memory_space<vmem>>, vector<1x16xf32>,
          %parallel_loop3A_171 = vector.shape_cast %parallel_loop3A_170 : vector<1x16xf32> to vector<16xf32>
          %parallel_loop3A_172 = vector.shape_cast %parallel_loop3A_167 : vector<16xf32> to vector<1x16xf32>
          tpu.vector_store %arg10[%parallel_loop3A_168, %parallel_loop3A_169], %parallel_loop3A_172 {strides = array<i32>} : memref<80x144xf32, #tpu.memory_space<vmem>>, vector<1x16xf32>,
          %parallel_loop3A_173 = arith.constant 5 : i32
          %parallel_loop3A_174 = vector.broadcast %parallel_loop3A_173 : i32 to vector<16x1xi32>
          %parallel_loop3A_175 = vector.shape_cast %parallel_loop3A_174 : vector<16x1xi32> to vector<16xi32>
          %parallel_loop3A_176 = tpu.dynamic_gather %parallel_loop3A_102[%parallel_loop3A_175] in [0] : vector<16xf32>, vector<16xi32> -> vector<16xf32>
          %parallel_loop3A_177 = arith.index_cast %parallel_loop3A_79 : i32 to index
          %parallel_loop3A_178 = arith.constant 80 : index
          %parallel_loop3A_179 = tpu.vector_load %arg10[%parallel_loop3A_177, %parallel_loop3A_178] {strides = array<i32>} : memref<80x144xf32, #tpu.memory_space<vmem>>, vector<1x16xf32>,
          %parallel_loop3A_180 = vector.shape_cast %parallel_loop3A_179 : vector<1x16xf32> to vector<16xf32>
          %parallel_loop3A_181 = arith.mulf %parallel_loop3A_180, %parallel_loop3A_176 : vector<16xf32>
          %parallel_loop3A_182 = arith.index_cast %parallel_loop3A_79 : i32 to index
          %parallel_loop3A_183 = arith.constant 80 : index
          %parallel_loop3A_184 = tpu.vector_load %arg10[%parallel_loop3A_182, %parallel_loop3A_183] {strides = array<i32>} : memref<80x144xf32, #tpu.memory_space<vmem>>, vector<1x16xf32>,
          %parallel_loop3A_185 = vector.shape_cast %parallel_loop3A_184 : vector<1x16xf32> to vector<16xf32>
          %parallel_loop3A_186 = vector.shape_cast %parallel_loop3A_181 : vector<16xf32> to vector<1x16xf32>
          tpu.vector_store %arg10[%parallel_loop3A_182, %parallel_loop3A_183], %parallel_loop3A_186 {strides = array<i32>} : memref<80x144xf32, #tpu.memory_space<vmem>>, vector<1x16xf32>,
          %parallel_loop3A_187 = arith.constant 6 : i32
          %parallel_loop3A_188 = vector.broadcast %parallel_loop3A_187 : i32 to vector<16x1xi32>
          %parallel_loop3A_189 = vector.shape_cast %parallel_loop3A_188 : vector<16x1xi32> to vector<16xi32>
          %parallel_loop3A_190 = tpu.dynamic_gather %parallel_loop3A_102[%parallel_loop3A_189] in [0] : vector<16xf32>, vector<16xi32> -> vector<16xf32>
          %parallel_loop3A_191 = arith.index_cast %parallel_loop3A_79 : i32 to index
          %parallel_loop3A_192 = arith.constant 96 : index
          %parallel_loop3A_193 = tpu.vector_load %arg10[%parallel_loop3A_191, %parallel_loop3A_192] {strides = array<i32>} : memref<80x144xf32, #tpu.memory_space<vmem>>, vector<1x16xf32>,
          %parallel_loop3A_194 = vector.shape_cast %parallel_loop3A_193 : vector<1x16xf32> to vector<16xf32>
          %parallel_loop3A_195 = arith.mulf %parallel_loop3A_194, %parallel_loop3A_190 : vector<16xf32>
          %parallel_loop3A_196 = arith.index_cast %parallel_loop3A_79 : i32 to index
          %parallel_loop3A_197 = arith.constant 96 : index
          %parallel_loop3A_198 = tpu.vector_load %arg10[%parallel_loop3A_196, %parallel_loop3A_197] {strides = array<i32>} : memref<80x144xf32, #tpu.memory_space<vmem>>, vector<1x16xf32>,
          %parallel_loop3A_199 = vector.shape_cast %parallel_loop3A_198 : vector<1x16xf32> to vector<16xf32>
          %parallel_loop3A_200 = vector.shape_cast %parallel_loop3A_195 : vector<16xf32> to vector<1x16xf32>
          tpu.vector_store %arg10[%parallel_loop3A_196, %parallel_loop3A_197], %parallel_loop3A_200 {strides = array<i32>} : memref<80x144xf32, #tpu.memory_space<vmem>>, vector<1x16xf32>,
          %parallel_loop3A_201 = arith.constant 7 : i32
          %parallel_loop3A_202 = vector.broadcast %parallel_loop3A_201 : i32 to vector<16x1xi32>
          %parallel_loop3A_203 = vector.shape_cast %parallel_loop3A_202 : vector<16x1xi32> to vector<16xi32>
          %parallel_loop3A_204 = tpu.dynamic_gather %parallel_loop3A_102[%parallel_loop3A_203] in [0] : vector<16xf32>, vector<16xi32> -> vector<16xf32>
          %parallel_loop3A_205 = arith.index_cast %parallel_loop3A_79 : i32 to index
          %parallel_loop3A_206 = arith.constant 112 : index
          %parallel_loop3A_207 = tpu.vector_load %arg10[%parallel_loop3A_205, %parallel_loop3A_206] {strides = array<i32>} : memref<80x144xf32, #tpu.memory_space<vmem>>, vector<1x16xf32>,
          %parallel_loop3A_208 = vector.shape_cast %parallel_loop3A_207 : vector<1x16xf32> to vector<16xf32>
          %parallel_loop3A_209 = arith.mulf %parallel_loop3A_208, %parallel_loop3A_204 : vector<16xf32>
          %parallel_loop3A_210 = arith.index_cast %parallel_loop3A_79 : i32 to index
          %parallel_loop3A_211 = arith.constant 112 : index
          %parallel_loop3A_212 = tpu.vector_load %arg10[%parallel_loop3A_210, %parallel_loop3A_211] {strides = array<i32>} : memref<80x144xf32, #tpu.memory_space<vmem>>, vector<1x16xf32>,
          %parallel_loop3A_213 = vector.shape_cast %parallel_loop3A_212 : vector<1x16xf32> to vector<16xf32>
          %parallel_loop3A_214 = vector.shape_cast %parallel_loop3A_209 : vector<16xf32> to vector<1x16xf32>
          tpu.vector_store %arg10[%parallel_loop3A_210, %parallel_loop3A_211], %parallel_loop3A_214 {strides = array<i32>} : memref<80x144xf32, #tpu.memory_space<vmem>>, vector<1x16xf32>,
          %parallel_loop3A_215 = arith.index_cast %parallel_loop3A_79 : i32 to index
          %parallel_loop3A_216 = arith.constant 128 : index
          %parallel_loop3A_217 = tpu.vector_load %arg10[%parallel_loop3A_215, %parallel_loop3A_216] {strides = array<i32>} : memref<80x144xf32, #tpu.memory_space<vmem>>, vector<1x16xf32>,
          %parallel_loop3A_218 = vector.shape_cast %parallel_loop3A_217 : vector<1x16xf32> to vector<16xf32>
          %parallel_loop3A_219 = vector.shape_cast %parallel_loop3A_102 : vector<16xf32> to vector<1x16xf32>
          tpu.vector_store %arg10[%parallel_loop3A_215, %parallel_loop3A_216], %parallel_loop3A_219 {strides = array<i32>} : memref<80x144xf32, #tpu.memory_space<vmem>>, vector<1x16xf32>,
        } {sc.loop_unroll_factor = 16 : i64, sc.parallel_access}
        %run_scoped3A = arith.constant 1 : i32
        "tpu.region"() ({
          %run_scoped3A_79 = tpu.sem_alloc : memref<!tpu.dma_semaphore, #tpu.memory_space<semaphore_mem>>
          %dma_start3A = arith.constant 0 : i32
          %dma_start3A_80 = tpu.memref_slice %arg8[%run_scoped3A, %dma_start3A] : memref<2x80xi32, #tpu.memory_space<vmem>> -> memref<1x80xi32, #tpu.memory_space<vmem>>
          %dma_start3A_81 = tpu.memref_squeeze %dma_start3A_80 : memref<1x80xi32, #tpu.memory_space<vmem>> -> memref<80xi32, #tpu.memory_space<vmem>>
          %dma_start3A_82 = arith.constant 0 : i32
          %dma_start3A_83 = arith.constant 0 : i32
          %dma_start3A_84 = tpu.memref_slice %arg13[%dma_start3A_82, %dma_start3A_83] : memref<10112x144xf32, #tpu.memory_space<vmem_shared>> -> memref<10112x144xf32, #tpu.memory_space<vmem_shared>>
          tpu.enqueue_indirect_dma source(%arg10 : memref<80x144xf32, #tpu.memory_space<vmem>>) target(%dma_start3A_84 : memref<10112x144xf32, #tpu.memory_space<vmem_shared>>) offsets(%dma_start3A_81 : memref<80xi32, #tpu.memory_space<vmem>>) semaphore(%run_scoped3A_79 : memref<!tpu.dma_semaphore, #tpu.memory_space<semaphore_mem>>) {add = true}
          %dma_wait3A_85 = arith.constant 0 : i32
          %dma_wait3A_86 = tpu.memref_slice %arg8[%run_scoped3A, %dma_wait3A_85] : memref<2x80xi32, #tpu.memory_space<vmem>> -> memref<1x80xi32, #tpu.memory_space<vmem>>
          %dma_wait3A_87 = tpu.memref_squeeze %dma_wait3A_86 : memref<1x80xi32, #tpu.memory_space<vmem>> -> memref<80xi32, #tpu.memory_space<vmem>>
          %dma_wait3A_88 = arith.constant 0 : i32
          %dma_wait3A_89 = arith.constant 0 : i32
          %dma_wait3A_90 = tpu.memref_slice %arg13[%dma_wait3A_88, %dma_wait3A_89] : memref<10112x144xf32, #tpu.memory_space<vmem_shared>> -> memref<10112x144xf32, #tpu.memory_space<vmem_shared>>
          tpu.wait_indirect_dma semaphore(%run_scoped3A_79 : memref<!tpu.dma_semaphore, #tpu.memory_space<semaphore_mem>>) src(%arg10 : memref<80x144xf32, #tpu.memory_space<vmem>>) dst(%dma_wait3A_90 : memref<10112x144xf32, #tpu.memory_space<vmem_shared>>)
          tpu.yield
        }) : () -> ()
      } else {
      }
      %add3A_54 = arith.constant 2 : i32
      %add3A_55 = arith.addi %add3A_45, %add3A_54 : i32
      %mul3A_56 = arith.constant 16 : i32
      %mul3A_57 = arith.muli %add3A_55, %mul3A_56 : i32
      %add3A_58 = arith.addi %arg1, %mul3A_57 : i32
      %lt3A_59 = arith.constant 2000 : i32
      %lt3A_60 = arith.cmpi slt, %add3A_58, %lt3A_59 : i32
      %convert_element_type3A_61 = arith.extui %lt3A_60 : i1 to i32
      %cond3A_62 = arith.constant 0 : i32
      %cond3A_63 = arith.cmpi ne, %convert_element_type3A_61, %cond3A_62 : i32
      scf.if %cond3A_63 {
        %mul3A_64 = arith.constant 2000 : i32
        %mul3A_65 = arith.muli %arg0, %mul3A_64 : i32
        %add3A_66 = arith.addi %mul3A_65, %arg1 : i32
        %mul3A_67 = arith.constant 16 : i32
        %mul3A_68 = arith.muli %add3A_55, %mul3A_67 : i32
        %add3A_69 = arith.addi %add3A_66, %mul3A_68 : i32
        %mul3A_70 = arith.constant 80 : i32
        %mul3A_71 = arith.muli %add3A_69, %mul3A_70 : i32
        "tpu.region"() ({
          %run_scoped3A = tpu.sem_alloc : memref<!tpu.dma_semaphore, #tpu.memory_space<semaphore_mem>>
          %dma_start3A_85 = arith.constant 0 : i32
          %dma_start3A_86 = tpu.memref_slice %arg4[%dma_start3A_85, %mul3A_71] : memref<2x320000xi32, #tpu.memory_space<hbm>> -> memref<2x80xi32, #tpu.memory_space<hbm>>
          %dma_start3A_87 = arith.constant 0 : i32
          %dma_start3A_88 = tpu.memref_slice %arg4[%dma_start3A_87, %mul3A_71] : memref<2x320000xi32, #tpu.memory_space<hbm>> -> memref<2x80xi32, #tpu.memory_space<hbm>>
          tpu.enqueue_dma source(%dma_start3A_88 : memref<2x80xi32, #tpu.memory_space<hbm>>) target(%arg8 : memref<2x80xi32, #tpu.memory_space<vmem>>) target_semaphore(%run_scoped3A : memref<!tpu.dma_semaphore, #tpu.memory_space<semaphore_mem>>)
          %dma_wait3A = arith.constant 0 : i32
          %dma_wait3A_89 = tpu.memref_slice %arg4[%dma_wait3A, %mul3A_71] : memref<2x320000xi32, #tpu.memory_space<hbm>> -> memref<2x80xi32, #tpu.memory_space<hbm>>
          %dma_wait3A_90 = arith.constant 0 : i32
          %dma_wait3A_91 = tpu.memref_slice %arg4[%dma_wait3A_90, %mul3A_71] : memref<2x320000xi32, #tpu.memory_space<hbm>> -> memref<2x80xi32, #tpu.memory_space<hbm>>
          tpu.wait_dma2 semaphore(%run_scoped3A : memref<!tpu.dma_semaphore, #tpu.memory_space<semaphore_mem>>) src(%dma_wait3A_91 : memref<2x80xi32, #tpu.memory_space<hbm>>) dst(%arg8 : memref<2x80xi32, #tpu.memory_space<vmem>>)
          tpu.yield
        }) : () -> ()
        %dma_start3A = arith.constant 0 : i32
        %dma_start3A_72 = arith.constant 0 : i32
        %dma_start3A_73 = tpu.memref_slice %arg8[%dma_start3A, %dma_start3A_72] : memref<2x80xi32, #tpu.memory_space<vmem>> -> memref<1x80xi32, #tpu.memory_space<vmem>>
        %dma_start3A_74 = tpu.memref_squeeze %dma_start3A_73 : memref<1x80xi32, #tpu.memory_space<vmem>> -> memref<80xi32, #tpu.memory_space<vmem>>
        %dma_start3A_75 = arith.constant 0 : i32
        %dma_start3A_76 = arith.constant 0 : i32
        %dma_start3A_77 = tpu.memref_slice %arg2[%dma_start3A_75, %dma_start3A_76] : memref<10112x144xf32, #tpu.memory_space<hbm>> -> memref<10112x144xf32, #tpu.memory_space<hbm>>
        tpu.enqueue_indirect_dma source(%dma_start3A_77 : memref<10112x144xf32, #tpu.memory_space<hbm>>) target(%arg10 : memref<80x144xf32, #tpu.memory_space<vmem>>) offsets(%dma_start3A_74 : memref<80xi32, #tpu.memory_space<vmem>>) semaphore(%arg15 : memref<!tpu.dma_semaphore, #tpu.memory_space<semaphore_mem>>)
        %dma_start3A_78 = arith.constant 1 : i32
        %dma_start3A_79 = arith.constant 0 : i32
        %dma_start3A_80 = tpu.memref_slice %arg8[%dma_start3A_78, %dma_start3A_79] : memref<2x80xi32, #tpu.memory_space<vmem>> -> memref<1x80xi32, #tpu.memory_space<vmem>>
        %dma_start3A_81 = tpu.memref_squeeze %dma_start3A_80 : memref<1x80xi32, #tpu.memory_space<vmem>> -> memref<80xi32, #tpu.memory_space<vmem>>
        %dma_start3A_82 = arith.constant 0 : i32
        %dma_start3A_83 = arith.constant 0 : i32
        %dma_start3A_84 = tpu.memref_slice %arg3[%dma_start3A_82, %dma_start3A_83] : memref<10112x16xf32, #tpu.memory_space<hbm>> -> memref<10112x16xf32, #tpu.memory_space<hbm>>
        tpu.enqueue_indirect_dma source(%dma_start3A_84 : memref<10112x16xf32, #tpu.memory_space<hbm>>) target(%arg12 : memref<80x16xf32, #tpu.memory_space<vmem>>) offsets(%dma_start3A_81 : memref<80xi32, #tpu.memory_space<vmem>>) semaphore(%arg17 : memref<!tpu.dma_semaphore, #tpu.memory_space<semaphore_mem>>)
      } else {
      }
    }
    %scan3A_18 = arith.constant 63 : i32
    %barrier3A_19 = arith.constant 0 : index
    tpu.barrier barrier_id(%barrier3A_19)
    %mul3A = arith.constant 632 : i32
    %mul3A_20 = arith.muli %arg1, %mul3A : i32
    "tpu.region"() ({
      %run_scoped3A = tpu.sem_alloc : memref<!tpu.dma_semaphore, #tpu.memory_space<semaphore_mem>>
      %dma_start3A = arith.constant 0 : i32
      %dma_start3A_21 = tpu.memref_slice %arg6[%arg0, %mul3A_20, %dma_start3A] : memref<2x10112x144xf32, #tpu.memory_space<hbm>> -> memref<1x632x144xf32, #tpu.memory_space<hbm>>
      %dma_start3A_22 = tpu.memref_squeeze %dma_start3A_21 : memref<1x632x144xf32, #tpu.memory_space<hbm>> -> memref<632x144xf32, #tpu.memory_space<hbm>>
      %dma_start3A_23 = arith.constant 0 : i32
      %dma_start3A_24 = tpu.memref_slice %arg13[%mul3A_20, %dma_start3A_23] : memref<10112x144xf32, #tpu.memory_space<vmem_shared>> -> memref<632x144xf32, #tpu.memory_space<vmem_shared>>
      tpu.enqueue_dma source(%dma_start3A_24 : memref<632x144xf32, #tpu.memory_space<vmem_shared>>) target(%dma_start3A_22 : memref<632x144xf32, #tpu.memory_space<hbm>>) target_semaphore(%run_scoped3A : memref<!tpu.dma_semaphore, #tpu.memory_space<semaphore_mem>>)
      %dma_wait3A = arith.constant 0 : i32
      %dma_wait3A_25 = tpu.memref_slice %arg6[%arg0, %mul3A_20, %dma_wait3A] : memref<2x10112x144xf32, #tpu.memory_space<hbm>> -> memref<1x632x144xf32, #tpu.memory_space<hbm>>
      %dma_wait3A_26 = tpu.memref_squeeze %dma_wait3A_25 : memref<1x632x144xf32, #tpu.memory_space<hbm>> -> memref<632x144xf32, #tpu.memory_space<hbm>>
      %dma_wait3A_27 = arith.constant 0 : i32
      %dma_wait3A_28 = tpu.memref_slice %arg13[%mul3A_20, %dma_wait3A_27] : memref<10112x144xf32, #tpu.memory_space<vmem_shared>> -> memref<632x144xf32, #tpu.memory_space<vmem_shared>>
      tpu.wait_dma2 semaphore(%run_scoped3A : memref<!tpu.dma_semaphore, #tpu.memory_space<semaphore_mem>>) src(%dma_wait3A_28 : memref<632x144xf32, #tpu.memory_space<vmem_shared>>) dst(%dma_wait3A_26 : memref<632x144xf32, #tpu.memory_space<hbm>>)
      tpu.yield
    }) : () -> ()
    return
  }
}

#map = affine_map<(d0, d1) -> (0, 0)>
#map1 = affine_map<(d0, d1) -> (0, 0, 0)>
module attributes {stable_mosaic.version = 14 : i64} {
  func.func @edge_pass(%arg0: i32, %arg1: i32, %arg2: memref<10112x80xf32, #tpu.memory_space<hbm>>, %arg3: memref<10112x16xf32, #tpu.memory_space<hbm>>, %arg4: memref<2x320000xi32, #tpu.memory_space<hbm>>, %arg5: memref<10112x80xf32, #tpu.memory_space<hbm>>, %arg6: memref<2x10112x80xf32, #tpu.memory_space<hbm>>, %arg7: memref<2x128xi32, #tpu.memory_space<vmem>>, %arg8: memref<2x128xi32, #tpu.memory_space<vmem>>, %arg9: memref<128x80xf32, #tpu.memory_space<vmem>>, %arg10: memref<128x80xf32, #tpu.memory_space<vmem>>, %arg11: memref<128x16xf32, #tpu.memory_space<vmem>>, %arg12: memref<128x16xf32, #tpu.memory_space<vmem>>, %arg13: memref<10112x80xf32, #tpu.memory_space<vmem_shared>>, %arg14: memref<!tpu.dma_semaphore, #tpu.memory_space<semaphore_mem>>, %arg15: memref<!tpu.dma_semaphore, #tpu.memory_space<semaphore_mem>>, %arg16: memref<!tpu.dma_semaphore, #tpu.memory_space<semaphore_mem>>, %arg17: memref<!tpu.dma_semaphore, #tpu.memory_space<semaphore_mem>>) attributes {dimension_semantics = [#tpu.dimension_semantics<core_parallel>, #tpu.dimension_semantics<subcore_parallel>], iteration_bounds = array<i64: 2, 16>, scalar_prefetch = 0 : i64, scratch_operands = 11 : i64, tpu.core_type = #tpu.core_type<sc_vector_subcore>, window_params = [{transform_indices = #map}, {transform_indices = #map}, {transform_indices = #map}, {transform_indices = #map}, {transform_indices = #map1}]} {
    %eq3A = arith.constant 0 : i32
    %eq3A_0 = arith.cmpi eq, %arg1, %eq3A : i32
    %convert_element_type3A = arith.extui %eq3A_0 : i1 to i32
    %cond3A = arith.constant 0 : i32
    %cond3A_1 = arith.cmpi ne, %convert_element_type3A, %cond3A : i32
    scf.if %cond3A_1 {
      "tpu.region"() ({
        %run_scoped3A = tpu.sem_alloc : memref<!tpu.dma_semaphore, #tpu.memory_space<semaphore_mem>>
        tpu.enqueue_dma source(%arg5 : memref<10112x80xf32, #tpu.memory_space<hbm>>) target(%arg13 : memref<10112x80xf32, #tpu.memory_space<vmem_shared>>) target_semaphore(%run_scoped3A : memref<!tpu.dma_semaphore, #tpu.memory_space<semaphore_mem>>)
        tpu.wait_dma2 semaphore(%run_scoped3A : memref<!tpu.dma_semaphore, #tpu.memory_space<semaphore_mem>>) src(%arg5 : memref<10112x80xf32, #tpu.memory_space<hbm>>) dst(%arg13 : memref<10112x80xf32, #tpu.memory_space<vmem_shared>>)
        tpu.yield
      }) : () -> ()
    } else {
    }
    %barrier3A = arith.constant 0 : index
    tpu.barrier barrier_id(%barrier3A)
    %add3A = arith.constant 0 : i32
    %add3A_2 = arith.addi %arg1, %add3A : i32
    %lt3A = arith.constant 1250 : i32
    %lt3A_3 = arith.cmpi slt, %add3A_2, %lt3A : i32
    %convert_element_type3A_4 = arith.extui %lt3A_3 : i1 to i32
    %cond3A_5 = arith.constant 0 : i32
    %cond3A_6 = arith.cmpi ne, %convert_element_type3A_4, %cond3A_5 : i32
    scf.if %cond3A_6 {
      %mul3A_21 = arith.constant 1250 : i32
      %mul3A_22 = arith.muli %arg0, %mul3A_21 : i32
      %add3A_23 = arith.addi %mul3A_22, %arg1 : i32
      %add3A_24 = arith.constant 0 : i32
      %add3A_25 = arith.addi %add3A_23, %add3A_24 : i32
      %mul3A_26 = arith.constant 128 : i32
      %mul3A_27 = arith.muli %add3A_25, %mul3A_26 : i32
      "tpu.region"() ({
        %run_scoped3A = tpu.sem_alloc : memref<!tpu.dma_semaphore, #tpu.memory_space<semaphore_mem>>
        %dma_start3A_41 = arith.constant 0 : i32
        %dma_start3A_42 = tpu.memref_slice %arg4[%dma_start3A_41, %mul3A_27] : memref<2x320000xi32, #tpu.memory_space<hbm>> -> memref<2x128xi32, #tpu.memory_space<hbm>>
        %dma_start3A_43 = arith.constant 0 : i32
        %dma_start3A_44 = tpu.memref_slice %arg4[%dma_start3A_43, %mul3A_27] : memref<2x320000xi32, #tpu.memory_space<hbm>> -> memref<2x128xi32, #tpu.memory_space<hbm>>
        tpu.enqueue_dma source(%dma_start3A_44 : memref<2x128xi32, #tpu.memory_space<hbm>>) target(%arg7 : memref<2x128xi32, #tpu.memory_space<vmem>>) target_semaphore(%run_scoped3A : memref<!tpu.dma_semaphore, #tpu.memory_space<semaphore_mem>>)
        %dma_wait3A = arith.constant 0 : i32
        %dma_wait3A_45 = tpu.memref_slice %arg4[%dma_wait3A, %mul3A_27] : memref<2x320000xi32, #tpu.memory_space<hbm>> -> memref<2x128xi32, #tpu.memory_space<hbm>>
        %dma_wait3A_46 = arith.constant 0 : i32
        %dma_wait3A_47 = tpu.memref_slice %arg4[%dma_wait3A_46, %mul3A_27] : memref<2x320000xi32, #tpu.memory_space<hbm>> -> memref<2x128xi32, #tpu.memory_space<hbm>>
        tpu.wait_dma2 semaphore(%run_scoped3A : memref<!tpu.dma_semaphore, #tpu.memory_space<semaphore_mem>>) src(%dma_wait3A_47 : memref<2x128xi32, #tpu.memory_space<hbm>>) dst(%arg7 : memref<2x128xi32, #tpu.memory_space<vmem>>)
        tpu.yield
      }) : () -> ()
      %dma_start3A = arith.constant 0 : i32
      %dma_start3A_28 = arith.constant 0 : i32
      %dma_start3A_29 = tpu.memref_slice %arg7[%dma_start3A, %dma_start3A_28] : memref<2x128xi32, #tpu.memory_space<vmem>> -> memref<1x128xi32, #tpu.memory_space<vmem>>
      %dma_start3A_30 = tpu.memref_squeeze %dma_start3A_29 : memref<1x128xi32, #tpu.memory_space<vmem>> -> memref<128xi32, #tpu.memory_space<vmem>>
      %dma_start3A_31 = arith.constant 0 : i32
      %dma_start3A_32 = arith.constant 0 : i32
      %dma_start3A_33 = tpu.memref_slice %arg2[%dma_start3A_31, %dma_start3A_32] : memref<10112x80xf32, #tpu.memory_space<hbm>> -> memref<10112x80xf32, #tpu.memory_space<hbm>>
      tpu.enqueue_indirect_dma source(%dma_start3A_33 : memref<10112x80xf32, #tpu.memory_space<hbm>>) target(%arg9 : memref<128x80xf32, #tpu.memory_space<vmem>>) offsets(%dma_start3A_30 : memref<128xi32, #tpu.memory_space<vmem>>) semaphore(%arg14 : memref<!tpu.dma_semaphore, #tpu.memory_space<semaphore_mem>>)
      %dma_start3A_34 = arith.constant 1 : i32
      %dma_start3A_35 = arith.constant 0 : i32
      %dma_start3A_36 = tpu.memref_slice %arg7[%dma_start3A_34, %dma_start3A_35] : memref<2x128xi32, #tpu.memory_space<vmem>> -> memref<1x128xi32, #tpu.memory_space<vmem>>
      %dma_start3A_37 = tpu.memref_squeeze %dma_start3A_36 : memref<1x128xi32, #tpu.memory_space<vmem>> -> memref<128xi32, #tpu.memory_space<vmem>>
      %dma_start3A_38 = arith.constant 0 : i32
      %dma_start3A_39 = arith.constant 0 : i32
      %dma_start3A_40 = tpu.memref_slice %arg3[%dma_start3A_38, %dma_start3A_39] : memref<10112x16xf32, #tpu.memory_space<hbm>> -> memref<10112x16xf32, #tpu.memory_space<hbm>>
      tpu.enqueue_indirect_dma source(%dma_start3A_40 : memref<10112x16xf32, #tpu.memory_space<hbm>>) target(%arg11 : memref<128x16xf32, #tpu.memory_space<vmem>>) offsets(%dma_start3A_37 : memref<128xi32, #tpu.memory_space<vmem>>) semaphore(%arg16 : memref<!tpu.dma_semaphore, #tpu.memory_space<semaphore_mem>>)
    } else {
    }
    %add3A_7 = arith.constant 16 : i32
    %add3A_8 = arith.addi %arg1, %add3A_7 : i32
    %lt3A_9 = arith.constant 1250 : i32
    %lt3A_10 = arith.cmpi slt, %add3A_8, %lt3A_9 : i32
    %convert_element_type3A_11 = arith.extui %lt3A_10 : i1 to i32
    %cond3A_12 = arith.constant 0 : i32
    %cond3A_13 = arith.cmpi ne, %convert_element_type3A_11, %cond3A_12 : i32
    scf.if %cond3A_13 {
      %mul3A_21 = arith.constant 1250 : i32
      %mul3A_22 = arith.muli %arg0, %mul3A_21 : i32
      %add3A_23 = arith.addi %mul3A_22, %arg1 : i32
      %add3A_24 = arith.constant 16 : i32
      %add3A_25 = arith.addi %add3A_23, %add3A_24 : i32
      %mul3A_26 = arith.constant 128 : i32
      %mul3A_27 = arith.muli %add3A_25, %mul3A_26 : i32
      "tpu.region"() ({
        %run_scoped3A = tpu.sem_alloc : memref<!tpu.dma_semaphore, #tpu.memory_space<semaphore_mem>>
        %dma_start3A_41 = arith.constant 0 : i32
        %dma_start3A_42 = tpu.memref_slice %arg4[%dma_start3A_41, %mul3A_27] : memref<2x320000xi32, #tpu.memory_space<hbm>> -> memref<2x128xi32, #tpu.memory_space<hbm>>
        %dma_start3A_43 = arith.constant 0 : i32
        %dma_start3A_44 = tpu.memref_slice %arg4[%dma_start3A_43, %mul3A_27] : memref<2x320000xi32, #tpu.memory_space<hbm>> -> memref<2x128xi32, #tpu.memory_space<hbm>>
        tpu.enqueue_dma source(%dma_start3A_44 : memref<2x128xi32, #tpu.memory_space<hbm>>) target(%arg8 : memref<2x128xi32, #tpu.memory_space<vmem>>) target_semaphore(%run_scoped3A : memref<!tpu.dma_semaphore, #tpu.memory_space<semaphore_mem>>)
        %dma_wait3A = arith.constant 0 : i32
        %dma_wait3A_45 = tpu.memref_slice %arg4[%dma_wait3A, %mul3A_27] : memref<2x320000xi32, #tpu.memory_space<hbm>> -> memref<2x128xi32, #tpu.memory_space<hbm>>
        %dma_wait3A_46 = arith.constant 0 : i32
        %dma_wait3A_47 = tpu.memref_slice %arg4[%dma_wait3A_46, %mul3A_27] : memref<2x320000xi32, #tpu.memory_space<hbm>> -> memref<2x128xi32, #tpu.memory_space<hbm>>
        tpu.wait_dma2 semaphore(%run_scoped3A : memref<!tpu.dma_semaphore, #tpu.memory_space<semaphore_mem>>) src(%dma_wait3A_47 : memref<2x128xi32, #tpu.memory_space<hbm>>) dst(%arg8 : memref<2x128xi32, #tpu.memory_space<vmem>>)
        tpu.yield
      }) : () -> ()
      %dma_start3A = arith.constant 0 : i32
      %dma_start3A_28 = arith.constant 0 : i32
      %dma_start3A_29 = tpu.memref_slice %arg8[%dma_start3A, %dma_start3A_28] : memref<2x128xi32, #tpu.memory_space<vmem>> -> memref<1x128xi32, #tpu.memory_space<vmem>>
      %dma_start3A_30 = tpu.memref_squeeze %dma_start3A_29 : memref<1x128xi32, #tpu.memory_space<vmem>> -> memref<128xi32, #tpu.memory_space<vmem>>
      %dma_start3A_31 = arith.constant 0 : i32
      %dma_start3A_32 = arith.constant 0 : i32
      %dma_start3A_33 = tpu.memref_slice %arg2[%dma_start3A_31, %dma_start3A_32] : memref<10112x80xf32, #tpu.memory_space<hbm>> -> memref<10112x80xf32, #tpu.memory_space<hbm>>
      tpu.enqueue_indirect_dma source(%dma_start3A_33 : memref<10112x80xf32, #tpu.memory_space<hbm>>) target(%arg10 : memref<128x80xf32, #tpu.memory_space<vmem>>) offsets(%dma_start3A_30 : memref<128xi32, #tpu.memory_space<vmem>>) semaphore(%arg15 : memref<!tpu.dma_semaphore, #tpu.memory_space<semaphore_mem>>)
      %dma_start3A_34 = arith.constant 1 : i32
      %dma_start3A_35 = arith.constant 0 : i32
      %dma_start3A_36 = tpu.memref_slice %arg8[%dma_start3A_34, %dma_start3A_35] : memref<2x128xi32, #tpu.memory_space<vmem>> -> memref<1x128xi32, #tpu.memory_space<vmem>>
      %dma_start3A_37 = tpu.memref_squeeze %dma_start3A_36 : memref<1x128xi32, #tpu.memory_space<vmem>> -> memref<128xi32, #tpu.memory_space<vmem>>
      %dma_start3A_38 = arith.constant 0 : i32
      %dma_start3A_39 = arith.constant 0 : i32
      %dma_start3A_40 = tpu.memref_slice %arg3[%dma_start3A_38, %dma_start3A_39] : memref<10112x16xf32, #tpu.memory_space<hbm>> -> memref<10112x16xf32, #tpu.memory_space<hbm>>
      tpu.enqueue_indirect_dma source(%dma_start3A_40 : memref<10112x16xf32, #tpu.memory_space<hbm>>) target(%arg12 : memref<128x16xf32, #tpu.memory_space<vmem>>) offsets(%dma_start3A_37 : memref<128xi32, #tpu.memory_space<vmem>>) semaphore(%arg17 : memref<!tpu.dma_semaphore, #tpu.memory_space<semaphore_mem>>)
    } else {
    }
    %scan3A = arith.constant 0 : i32
    %scan3A_14 = arith.constant 0 : i32
    %scan3A_15 = arith.constant 40 : i32
    %scan3A_16 = arith.addi %scan3A_14, %scan3A_15 : i32
    %scan3A_17 = arith.constant 1 : i32
    scf.for %scan3A_21 = %scan3A_14 to %scan3A_16 step %scan3A_17  : i32 {
      %mul3A_22 = arith.constant 2 : i32
      %mul3A_23 = arith.muli %mul3A_22, %scan3A_21 : i32
      %mul3A_24 = arith.constant 16 : i32
      %mul3A_25 = arith.muli %mul3A_23, %mul3A_24 : i32
      %add3A_26 = arith.addi %arg1, %mul3A_25 : i32
      %lt3A_27 = arith.constant 1250 : i32
      %lt3A_28 = arith.cmpi slt, %add3A_26, %lt3A_27 : i32
      %convert_element_type3A_29 = arith.extui %lt3A_28 : i1 to i32
      %cond3A_30 = arith.constant 0 : i32
      %cond3A_31 = arith.cmpi ne, %convert_element_type3A_29, %cond3A_30 : i32
      scf.if %cond3A_31 {
        %dma_wait3A = arith.constant 0 : i32
        %dma_wait3A_64 = arith.constant 0 : i32
        %dma_wait3A_65 = tpu.memref_slice %arg7[%dma_wait3A, %dma_wait3A_64] : memref<2x128xi32, #tpu.memory_space<vmem>> -> memref<1x128xi32, #tpu.memory_space<vmem>>
        %dma_wait3A_66 = tpu.memref_squeeze %dma_wait3A_65 : memref<1x128xi32, #tpu.memory_space<vmem>> -> memref<128xi32, #tpu.memory_space<vmem>>
        %dma_wait3A_67 = arith.constant 0 : i32
        %dma_wait3A_68 = arith.constant 0 : i32
        %dma_wait3A_69 = tpu.memref_slice %arg2[%dma_wait3A_67, %dma_wait3A_68] : memref<10112x80xf32, #tpu.memory_space<hbm>> -> memref<10112x80xf32, #tpu.memory_space<hbm>>
        tpu.wait_indirect_dma semaphore(%arg14 : memref<!tpu.dma_semaphore, #tpu.memory_space<semaphore_mem>>) src(%dma_wait3A_69 : memref<10112x80xf32, #tpu.memory_space<hbm>>) dst(%arg9 : memref<128x80xf32, #tpu.memory_space<vmem>>)
        %dma_wait3A_70 = arith.constant 1 : i32
        %dma_wait3A_71 = arith.constant 0 : i32
        %dma_wait3A_72 = tpu.memref_slice %arg7[%dma_wait3A_70, %dma_wait3A_71] : memref<2x128xi32, #tpu.memory_space<vmem>> -> memref<1x128xi32, #tpu.memory_space<vmem>>
        %dma_wait3A_73 = tpu.memref_squeeze %dma_wait3A_72 : memref<1x128xi32, #tpu.memory_space<vmem>> -> memref<128xi32, #tpu.memory_space<vmem>>
        %dma_wait3A_74 = arith.constant 0 : i32
        %dma_wait3A_75 = arith.constant 0 : i32
        %dma_wait3A_76 = tpu.memref_slice %arg3[%dma_wait3A_74, %dma_wait3A_75] : memref<10112x16xf32, #tpu.memory_space<hbm>> -> memref<10112x16xf32, #tpu.memory_space<hbm>>
        tpu.wait_indirect_dma semaphore(%arg16 : memref<!tpu.dma_semaphore, #tpu.memory_space<semaphore_mem>>) src(%dma_wait3A_76 : memref<10112x16xf32, #tpu.memory_space<hbm>>) dst(%arg11 : memref<128x16xf32, #tpu.memory_space<vmem>>)
        %parallel_loop3A = arith.constant 0 : i32
        %parallel_loop3A_77 = arith.constant 128 : i32
        %parallel_loop3A_78 = arith.constant 1 : i32
        scf.for %parallel_loop3A_79 = %parallel_loop3A to %parallel_loop3A_77 step %parallel_loop3A_78  : i32 {
          %parallel_loop3A_80 = arith.index_cast %parallel_loop3A_79 : i32 to index
          %parallel_loop3A_81 = arith.constant 64 : index
          %parallel_loop3A_82 = tpu.vector_load %arg9[%parallel_loop3A_80, %parallel_loop3A_81] {strides = array<i32>} : memref<128x80xf32, #tpu.memory_space<vmem>>, vector<1x16xf32>,
          %parallel_loop3A_83 = vector.shape_cast %parallel_loop3A_82 : vector<1x16xf32> to vector<16xf32>
          %parallel_loop3A_84 = arith.index_cast %parallel_loop3A_79 : i32 to index
          %parallel_loop3A_85 = arith.constant 0 : index
          %parallel_loop3A_86 = tpu.vector_load %arg11[%parallel_loop3A_84, %parallel_loop3A_85] {strides = array<i32>} : memref<128x16xf32, #tpu.memory_space<vmem>>, vector<1x16xf32>,
          %parallel_loop3A_87 = vector.shape_cast %parallel_loop3A_86 : vector<1x16xf32> to vector<16xf32>
          %parallel_loop3A_88 = arith.addf %parallel_loop3A_83, %parallel_loop3A_87 : vector<16xf32>
          %parallel_loop3A_89 = arith.constant 0.000000e+00 : f32
          %parallel_loop3A_90 = vector.broadcast %parallel_loop3A_89 : f32 to vector<16xf32>
          %parallel_loop3A_91 = arith.cmpf oge, %parallel_loop3A_88, %parallel_loop3A_90 : vector<16xf32>
          %parallel_loop3A_92 = arith.constant 2.000000e-01 : f32
          %parallel_loop3A_93 = vector.broadcast %parallel_loop3A_92 : f32 to vector<16xf32>
          %parallel_loop3A_94 = arith.mulf %parallel_loop3A_93, %parallel_loop3A_88 : vector<16xf32>
          %parallel_loop3A_95 = arith.select %parallel_loop3A_91, %parallel_loop3A_88, %parallel_loop3A_94 : vector<16xi1>, vector<16xf32>
          %parallel_loop3A_96 = arith.constant -1.000000e-01 : f32
          %parallel_loop3A_97 = vector.broadcast %parallel_loop3A_96 : f32 to vector<16xf32>
          %parallel_loop3A_98 = arith.cmpf olt, %parallel_loop3A_95, %parallel_loop3A_97 : vector<16xf32>
          %parallel_loop3A_99 = math.exp %parallel_loop3A_95 : vector<16xf32>
          %parallel_loop3A_100 = arith.constant 1.000000e-10 : f32
          %parallel_loop3A_101 = vector.broadcast %parallel_loop3A_100 : f32 to vector<16xf32>
          %parallel_loop3A_102 = arith.select %parallel_loop3A_98, %parallel_loop3A_101, %parallel_loop3A_99 : vector<16xi1>, vector<16xf32>
          %parallel_loop3A_103 = arith.constant 0 : i32
          %parallel_loop3A_104 = vector.broadcast %parallel_loop3A_103 : i32 to vector<16x1xi32>
          %parallel_loop3A_105 = vector.shape_cast %parallel_loop3A_104 : vector<16x1xi32> to vector<16xi32>
          %parallel_loop3A_106 = tpu.dynamic_gather %parallel_loop3A_102[%parallel_loop3A_105] in [0] : vector<16xf32>, vector<16xi32> -> vector<16xf32>
          %parallel_loop3A_107 = arith.index_cast %parallel_loop3A_79 : i32 to index
          %parallel_loop3A_108 = arith.constant 0 : index
          %parallel_loop3A_109 = tpu.vector_load %arg9[%parallel_loop3A_107, %parallel_loop3A_108] {strides = array<i32>} : memref<128x80xf32, #tpu.memory_space<vmem>>, vector<1x16xf32>,
          %parallel_loop3A_110 = vector.shape_cast %parallel_loop3A_109 : vector<1x16xf32> to vector<16xf32>
          %parallel_loop3A_111 = arith.mulf %parallel_loop3A_110, %parallel_loop3A_106 : vector<16xf32>
          %parallel_loop3A_112 = arith.index_cast %parallel_loop3A_79 : i32 to index
          %parallel_loop3A_113 = arith.constant 0 : index
          %parallel_loop3A_114 = tpu.vector_load %arg9[%parallel_loop3A_112, %parallel_loop3A_113] {strides = array<i32>} : memref<128x80xf32, #tpu.memory_space<vmem>>, vector<1x16xf32>,
          %parallel_loop3A_115 = vector.shape_cast %parallel_loop3A_114 : vector<1x16xf32> to vector<16xf32>
          %parallel_loop3A_116 = vector.shape_cast %parallel_loop3A_111 : vector<16xf32> to vector<1x16xf32>
          tpu.vector_store %arg9[%parallel_loop3A_112, %parallel_loop3A_113], %parallel_loop3A_116 {strides = array<i32>} : memref<128x80xf32, #tpu.memory_space<vmem>>, vector<1x16xf32>,
          %parallel_loop3A_117 = arith.constant 0 : i32
          %parallel_loop3A_118 = vector.broadcast %parallel_loop3A_117 : i32 to vector<16x1xi32>
          %parallel_loop3A_119 = vector.shape_cast %parallel_loop3A_118 : vector<16x1xi32> to vector<16xi32>
          %parallel_loop3A_120 = tpu.dynamic_gather %parallel_loop3A_102[%parallel_loop3A_119] in [0] : vector<16xf32>, vector<16xi32> -> vector<16xf32>
          %parallel_loop3A_121 = arith.index_cast %parallel_loop3A_79 : i32 to index
          %parallel_loop3A_122 = arith.constant 16 : index
          %parallel_loop3A_123 = tpu.vector_load %arg9[%parallel_loop3A_121, %parallel_loop3A_122] {strides = array<i32>} : memref<128x80xf32, #tpu.memory_space<vmem>>, vector<1x16xf32>,
          %parallel_loop3A_124 = vector.shape_cast %parallel_loop3A_123 : vector<1x16xf32> to vector<16xf32>
          %parallel_loop3A_125 = arith.mulf %parallel_loop3A_124, %parallel_loop3A_120 : vector<16xf32>
          %parallel_loop3A_126 = arith.index_cast %parallel_loop3A_79 : i32 to index
          %parallel_loop3A_127 = arith.constant 16 : index
          %parallel_loop3A_128 = tpu.vector_load %arg9[%parallel_loop3A_126, %parallel_loop3A_127] {strides = array<i32>} : memref<128x80xf32, #tpu.memory_space<vmem>>, vector<1x16xf32>,
          %parallel_loop3A_129 = vector.shape_cast %parallel_loop3A_128 : vector<1x16xf32> to vector<16xf32>
          %parallel_loop3A_130 = vector.shape_cast %parallel_loop3A_125 : vector<16xf32> to vector<1x16xf32>
          tpu.vector_store %arg9[%parallel_loop3A_126, %parallel_loop3A_127], %parallel_loop3A_130 {strides = array<i32>} : memref<128x80xf32, #tpu.memory_space<vmem>>, vector<1x16xf32>,
          %parallel_loop3A_131 = arith.constant 0 : i32
          %parallel_loop3A_132 = vector.broadcast %parallel_loop3A_131 : i32 to vector<16x1xi32>
          %parallel_loop3A_133 = vector.shape_cast %parallel_loop3A_132 : vector<16x1xi32> to vector<16xi32>
          %parallel_loop3A_134 = tpu.dynamic_gather %parallel_loop3A_102[%parallel_loop3A_133] in [0] : vector<16xf32>, vector<16xi32> -> vector<16xf32>
          %parallel_loop3A_135 = arith.index_cast %parallel_loop3A_79 : i32 to index
          %parallel_loop3A_136 = arith.constant 32 : index
          %parallel_loop3A_137 = tpu.vector_load %arg9[%parallel_loop3A_135, %parallel_loop3A_136] {strides = array<i32>} : memref<128x80xf32, #tpu.memory_space<vmem>>, vector<1x16xf32>,
          %parallel_loop3A_138 = vector.shape_cast %parallel_loop3A_137 : vector<1x16xf32> to vector<16xf32>
          %parallel_loop3A_139 = arith.mulf %parallel_loop3A_138, %parallel_loop3A_134 : vector<16xf32>
          %parallel_loop3A_140 = arith.index_cast %parallel_loop3A_79 : i32 to index
          %parallel_loop3A_141 = arith.constant 32 : index
          %parallel_loop3A_142 = tpu.vector_load %arg9[%parallel_loop3A_140, %parallel_loop3A_141] {strides = array<i32>} : memref<128x80xf32, #tpu.memory_space<vmem>>, vector<1x16xf32>,
          %parallel_loop3A_143 = vector.shape_cast %parallel_loop3A_142 : vector<1x16xf32> to vector<16xf32>
          %parallel_loop3A_144 = vector.shape_cast %parallel_loop3A_139 : vector<16xf32> to vector<1x16xf32>
          tpu.vector_store %arg9[%parallel_loop3A_140, %parallel_loop3A_141], %parallel_loop3A_144 {strides = array<i32>} : memref<128x80xf32, #tpu.memory_space<vmem>>, vector<1x16xf32>,
          %parallel_loop3A_145 = arith.constant 0 : i32
          %parallel_loop3A_146 = vector.broadcast %parallel_loop3A_145 : i32 to vector<16x1xi32>
          %parallel_loop3A_147 = vector.shape_cast %parallel_loop3A_146 : vector<16x1xi32> to vector<16xi32>
          %parallel_loop3A_148 = tpu.dynamic_gather %parallel_loop3A_102[%parallel_loop3A_147] in [0] : vector<16xf32>, vector<16xi32> -> vector<16xf32>
          %parallel_loop3A_149 = arith.index_cast %parallel_loop3A_79 : i32 to index
          %parallel_loop3A_150 = arith.constant 48 : index
          %parallel_loop3A_151 = tpu.vector_load %arg9[%parallel_loop3A_149, %parallel_loop3A_150] {strides = array<i32>} : memref<128x80xf32, #tpu.memory_space<vmem>>, vector<1x16xf32>,
          %parallel_loop3A_152 = vector.shape_cast %parallel_loop3A_151 : vector<1x16xf32> to vector<16xf32>
          %parallel_loop3A_153 = arith.mulf %parallel_loop3A_152, %parallel_loop3A_148 : vector<16xf32>
          %parallel_loop3A_154 = arith.index_cast %parallel_loop3A_79 : i32 to index
          %parallel_loop3A_155 = arith.constant 48 : index
          %parallel_loop3A_156 = tpu.vector_load %arg9[%parallel_loop3A_154, %parallel_loop3A_155] {strides = array<i32>} : memref<128x80xf32, #tpu.memory_space<vmem>>, vector<1x16xf32>,
          %parallel_loop3A_157 = vector.shape_cast %parallel_loop3A_156 : vector<1x16xf32> to vector<16xf32>
          %parallel_loop3A_158 = vector.shape_cast %parallel_loop3A_153 : vector<16xf32> to vector<1x16xf32>
          tpu.vector_store %arg9[%parallel_loop3A_154, %parallel_loop3A_155], %parallel_loop3A_158 {strides = array<i32>} : memref<128x80xf32, #tpu.memory_space<vmem>>, vector<1x16xf32>,
          %parallel_loop3A_159 = arith.index_cast %parallel_loop3A_79 : i32 to index
          %parallel_loop3A_160 = arith.constant 64 : index
          %parallel_loop3A_161 = tpu.vector_load %arg9[%parallel_loop3A_159, %parallel_loop3A_160] {strides = array<i32>} : memref<128x80xf32, #tpu.memory_space<vmem>>, vector<1x16xf32>,
          %parallel_loop3A_162 = vector.shape_cast %parallel_loop3A_161 : vector<1x16xf32> to vector<16xf32>
          %parallel_loop3A_163 = vector.shape_cast %parallel_loop3A_102 : vector<16xf32> to vector<1x16xf32>
          tpu.vector_store %arg9[%parallel_loop3A_159, %parallel_loop3A_160], %parallel_loop3A_163 {strides = array<i32>} : memref<128x80xf32, #tpu.memory_space<vmem>>, vector<1x16xf32>,
        } {sc.loop_unroll_factor = 16 : i64, sc.parallel_access}
        %run_scoped3A = arith.constant 1 : i32
        "tpu.region"() ({
          %run_scoped3A_79 = tpu.sem_alloc : memref<!tpu.dma_semaphore, #tpu.memory_space<semaphore_mem>>
          %dma_start3A = arith.constant 0 : i32
          %dma_start3A_80 = tpu.memref_slice %arg7[%run_scoped3A, %dma_start3A] : memref<2x128xi32, #tpu.memory_space<vmem>> -> memref<1x128xi32, #tpu.memory_space<vmem>>
          %dma_start3A_81 = tpu.memref_squeeze %dma_start3A_80 : memref<1x128xi32, #tpu.memory_space<vmem>> -> memref<128xi32, #tpu.memory_space<vmem>>
          %dma_start3A_82 = arith.constant 0 : i32
          %dma_start3A_83 = arith.constant 0 : i32
          %dma_start3A_84 = tpu.memref_slice %arg13[%dma_start3A_82, %dma_start3A_83] : memref<10112x80xf32, #tpu.memory_space<vmem_shared>> -> memref<10112x80xf32, #tpu.memory_space<vmem_shared>>
          tpu.enqueue_indirect_dma source(%arg9 : memref<128x80xf32, #tpu.memory_space<vmem>>) target(%dma_start3A_84 : memref<10112x80xf32, #tpu.memory_space<vmem_shared>>) offsets(%dma_start3A_81 : memref<128xi32, #tpu.memory_space<vmem>>) semaphore(%run_scoped3A_79 : memref<!tpu.dma_semaphore, #tpu.memory_space<semaphore_mem>>) {add = true}
          %dma_wait3A_85 = arith.constant 0 : i32
          %dma_wait3A_86 = tpu.memref_slice %arg7[%run_scoped3A, %dma_wait3A_85] : memref<2x128xi32, #tpu.memory_space<vmem>> -> memref<1x128xi32, #tpu.memory_space<vmem>>
          %dma_wait3A_87 = tpu.memref_squeeze %dma_wait3A_86 : memref<1x128xi32, #tpu.memory_space<vmem>> -> memref<128xi32, #tpu.memory_space<vmem>>
          %dma_wait3A_88 = arith.constant 0 : i32
          %dma_wait3A_89 = arith.constant 0 : i32
          %dma_wait3A_90 = tpu.memref_slice %arg13[%dma_wait3A_88, %dma_wait3A_89] : memref<10112x80xf32, #tpu.memory_space<vmem_shared>> -> memref<10112x80xf32, #tpu.memory_space<vmem_shared>>
          tpu.wait_indirect_dma semaphore(%run_scoped3A_79 : memref<!tpu.dma_semaphore, #tpu.memory_space<semaphore_mem>>) src(%arg9 : memref<128x80xf32, #tpu.memory_space<vmem>>) dst(%dma_wait3A_90 : memref<10112x80xf32, #tpu.memory_space<vmem_shared>>)
          tpu.yield
        }) : () -> ()
      } else {
      }
      %add3A_32 = arith.constant 2 : i32
      %add3A_33 = arith.addi %mul3A_23, %add3A_32 : i32
      %mul3A_34 = arith.constant 16 : i32
      %mul3A_35 = arith.muli %add3A_33, %mul3A_34 : i32
      %add3A_36 = arith.addi %arg1, %mul3A_35 : i32
      %lt3A_37 = arith.constant 1250 : i32
      %lt3A_38 = arith.cmpi slt, %add3A_36, %lt3A_37 : i32
      %convert_element_type3A_39 = arith.extui %lt3A_38 : i1 to i32
      %cond3A_40 = arith.constant 0 : i32
      %cond3A_41 = arith.cmpi ne, %convert_element_type3A_39, %cond3A_40 : i32
      scf.if %cond3A_41 {
        %mul3A_64 = arith.constant 1250 : i32
        %mul3A_65 = arith.muli %arg0, %mul3A_64 : i32
        %add3A_66 = arith.addi %mul3A_65, %arg1 : i32
        %mul3A_67 = arith.constant 16 : i32
        %mul3A_68 = arith.muli %add3A_33, %mul3A_67 : i32
        %add3A_69 = arith.addi %add3A_66, %mul3A_68 : i32
        %mul3A_70 = arith.constant 128 : i32
        %mul3A_71 = arith.muli %add3A_69, %mul3A_70 : i32
        "tpu.region"() ({
          %run_scoped3A = tpu.sem_alloc : memref<!tpu.dma_semaphore, #tpu.memory_space<semaphore_mem>>
          %dma_start3A_85 = arith.constant 0 : i32
          %dma_start3A_86 = tpu.memref_slice %arg4[%dma_start3A_85, %mul3A_71] : memref<2x320000xi32, #tpu.memory_space<hbm>> -> memref<2x128xi32, #tpu.memory_space<hbm>>
          %dma_start3A_87 = arith.constant 0 : i32
          %dma_start3A_88 = tpu.memref_slice %arg4[%dma_start3A_87, %mul3A_71] : memref<2x320000xi32, #tpu.memory_space<hbm>> -> memref<2x128xi32, #tpu.memory_space<hbm>>
          tpu.enqueue_dma source(%dma_start3A_88 : memref<2x128xi32, #tpu.memory_space<hbm>>) target(%arg7 : memref<2x128xi32, #tpu.memory_space<vmem>>) target_semaphore(%run_scoped3A : memref<!tpu.dma_semaphore, #tpu.memory_space<semaphore_mem>>)
          %dma_wait3A = arith.constant 0 : i32
          %dma_wait3A_89 = tpu.memref_slice %arg4[%dma_wait3A, %mul3A_71] : memref<2x320000xi32, #tpu.memory_space<hbm>> -> memref<2x128xi32, #tpu.memory_space<hbm>>
          %dma_wait3A_90 = arith.constant 0 : i32
          %dma_wait3A_91 = tpu.memref_slice %arg4[%dma_wait3A_90, %mul3A_71] : memref<2x320000xi32, #tpu.memory_space<hbm>> -> memref<2x128xi32, #tpu.memory_space<hbm>>
          tpu.wait_dma2 semaphore(%run_scoped3A : memref<!tpu.dma_semaphore, #tpu.memory_space<semaphore_mem>>) src(%dma_wait3A_91 : memref<2x128xi32, #tpu.memory_space<hbm>>) dst(%arg7 : memref<2x128xi32, #tpu.memory_space<vmem>>)
          tpu.yield
        }) : () -> ()
        %dma_start3A = arith.constant 0 : i32
        %dma_start3A_72 = arith.constant 0 : i32
        %dma_start3A_73 = tpu.memref_slice %arg7[%dma_start3A, %dma_start3A_72] : memref<2x128xi32, #tpu.memory_space<vmem>> -> memref<1x128xi32, #tpu.memory_space<vmem>>
        %dma_start3A_74 = tpu.memref_squeeze %dma_start3A_73 : memref<1x128xi32, #tpu.memory_space<vmem>> -> memref<128xi32, #tpu.memory_space<vmem>>
        %dma_start3A_75 = arith.constant 0 : i32
        %dma_start3A_76 = arith.constant 0 : i32
        %dma_start3A_77 = tpu.memref_slice %arg2[%dma_start3A_75, %dma_start3A_76] : memref<10112x80xf32, #tpu.memory_space<hbm>> -> memref<10112x80xf32, #tpu.memory_space<hbm>>
        tpu.enqueue_indirect_dma source(%dma_start3A_77 : memref<10112x80xf32, #tpu.memory_space<hbm>>) target(%arg9 : memref<128x80xf32, #tpu.memory_space<vmem>>) offsets(%dma_start3A_74 : memref<128xi32, #tpu.memory_space<vmem>>) semaphore(%arg14 : memref<!tpu.dma_semaphore, #tpu.memory_space<semaphore_mem>>)
        %dma_start3A_78 = arith.constant 1 : i32
        %dma_start3A_79 = arith.constant 0 : i32
        %dma_start3A_80 = tpu.memref_slice %arg7[%dma_start3A_78, %dma_start3A_79] : memref<2x128xi32, #tpu.memory_space<vmem>> -> memref<1x128xi32, #tpu.memory_space<vmem>>
        %dma_start3A_81 = tpu.memref_squeeze %dma_start3A_80 : memref<1x128xi32, #tpu.memory_space<vmem>> -> memref<128xi32, #tpu.memory_space<vmem>>
        %dma_start3A_82 = arith.constant 0 : i32
        %dma_start3A_83 = arith.constant 0 : i32
        %dma_start3A_84 = tpu.memref_slice %arg3[%dma_start3A_82, %dma_start3A_83] : memref<10112x16xf32, #tpu.memory_space<hbm>> -> memref<10112x16xf32, #tpu.memory_space<hbm>>
        tpu.enqueue_indirect_dma source(%dma_start3A_84 : memref<10112x16xf32, #tpu.memory_space<hbm>>) target(%arg11 : memref<128x16xf32, #tpu.memory_space<vmem>>) offsets(%dma_start3A_81 : memref<128xi32, #tpu.memory_space<vmem>>) semaphore(%arg16 : memref<!tpu.dma_semaphore, #tpu.memory_space<semaphore_mem>>)
      } else {
      }
      %mul3A_42 = arith.constant 2 : i32
      %mul3A_43 = arith.muli %mul3A_42, %scan3A_21 : i32
      %add3A_44 = arith.constant 1 : i32
      %add3A_45 = arith.addi %mul3A_43, %add3A_44 : i32
      %mul3A_46 = arith.constant 16 : i32
      %mul3A_47 = arith.muli %add3A_45, %mul3A_46 : i32
      %add3A_48 = arith.addi %arg1, %mul3A_47 : i32
      %lt3A_49 = arith.constant 1250 : i32
      %lt3A_50 = arith.cmpi slt, %add3A_48, %lt3A_49 : i32
      %convert_element_type3A_51 = arith.extui %lt3A_50 : i1 to i32
      %cond3A_52 = arith.constant 0 : i32
      %cond3A_53 = arith.cmpi ne, %convert_element_type3A_51, %cond3A_52 : i32
      scf.if %cond3A_53 {
        %dma_wait3A = arith.constant 0 : i32
        %dma_wait3A_64 = arith.constant 0 : i32
        %dma_wait3A_65 = tpu.memref_slice %arg8[%dma_wait3A, %dma_wait3A_64] : memref<2x128xi32, #tpu.memory_space<vmem>> -> memref<1x128xi32, #tpu.memory_space<vmem>>
        %dma_wait3A_66 = tpu.memref_squeeze %dma_wait3A_65 : memref<1x128xi32, #tpu.memory_space<vmem>> -> memref<128xi32, #tpu.memory_space<vmem>>
        %dma_wait3A_67 = arith.constant 0 : i32
        %dma_wait3A_68 = arith.constant 0 : i32
        %dma_wait3A_69 = tpu.memref_slice %arg2[%dma_wait3A_67, %dma_wait3A_68] : memref<10112x80xf32, #tpu.memory_space<hbm>> -> memref<10112x80xf32, #tpu.memory_space<hbm>>
        tpu.wait_indirect_dma semaphore(%arg15 : memref<!tpu.dma_semaphore, #tpu.memory_space<semaphore_mem>>) src(%dma_wait3A_69 : memref<10112x80xf32, #tpu.memory_space<hbm>>) dst(%arg10 : memref<128x80xf32, #tpu.memory_space<vmem>>)
        %dma_wait3A_70 = arith.constant 1 : i32
        %dma_wait3A_71 = arith.constant 0 : i32
        %dma_wait3A_72 = tpu.memref_slice %arg8[%dma_wait3A_70, %dma_wait3A_71] : memref<2x128xi32, #tpu.memory_space<vmem>> -> memref<1x128xi32, #tpu.memory_space<vmem>>
        %dma_wait3A_73 = tpu.memref_squeeze %dma_wait3A_72 : memref<1x128xi32, #tpu.memory_space<vmem>> -> memref<128xi32, #tpu.memory_space<vmem>>
        %dma_wait3A_74 = arith.constant 0 : i32
        %dma_wait3A_75 = arith.constant 0 : i32
        %dma_wait3A_76 = tpu.memref_slice %arg3[%dma_wait3A_74, %dma_wait3A_75] : memref<10112x16xf32, #tpu.memory_space<hbm>> -> memref<10112x16xf32, #tpu.memory_space<hbm>>
        tpu.wait_indirect_dma semaphore(%arg17 : memref<!tpu.dma_semaphore, #tpu.memory_space<semaphore_mem>>) src(%dma_wait3A_76 : memref<10112x16xf32, #tpu.memory_space<hbm>>) dst(%arg12 : memref<128x16xf32, #tpu.memory_space<vmem>>)
        %parallel_loop3A = arith.constant 0 : i32
        %parallel_loop3A_77 = arith.constant 128 : i32
        %parallel_loop3A_78 = arith.constant 1 : i32
        scf.for %parallel_loop3A_79 = %parallel_loop3A to %parallel_loop3A_77 step %parallel_loop3A_78  : i32 {
          %parallel_loop3A_80 = arith.index_cast %parallel_loop3A_79 : i32 to index
          %parallel_loop3A_81 = arith.constant 64 : index
          %parallel_loop3A_82 = tpu.vector_load %arg10[%parallel_loop3A_80, %parallel_loop3A_81] {strides = array<i32>} : memref<128x80xf32, #tpu.memory_space<vmem>>, vector<1x16xf32>,
          %parallel_loop3A_83 = vector.shape_cast %parallel_loop3A_82 : vector<1x16xf32> to vector<16xf32>
          %parallel_loop3A_84 = arith.index_cast %parallel_loop3A_79 : i32 to index
          %parallel_loop3A_85 = arith.constant 0 : index
          %parallel_loop3A_86 = tpu.vector_load %arg12[%parallel_loop3A_84, %parallel_loop3A_85] {strides = array<i32>} : memref<128x16xf32, #tpu.memory_space<vmem>>, vector<1x16xf32>,
          %parallel_loop3A_87 = vector.shape_cast %parallel_loop3A_86 : vector<1x16xf32> to vector<16xf32>
          %parallel_loop3A_88 = arith.addf %parallel_loop3A_83, %parallel_loop3A_87 : vector<16xf32>
          %parallel_loop3A_89 = arith.constant 0.000000e+00 : f32
          %parallel_loop3A_90 = vector.broadcast %parallel_loop3A_89 : f32 to vector<16xf32>
          %parallel_loop3A_91 = arith.cmpf oge, %parallel_loop3A_88, %parallel_loop3A_90 : vector<16xf32>
          %parallel_loop3A_92 = arith.constant 2.000000e-01 : f32
          %parallel_loop3A_93 = vector.broadcast %parallel_loop3A_92 : f32 to vector<16xf32>
          %parallel_loop3A_94 = arith.mulf %parallel_loop3A_93, %parallel_loop3A_88 : vector<16xf32>
          %parallel_loop3A_95 = arith.select %parallel_loop3A_91, %parallel_loop3A_88, %parallel_loop3A_94 : vector<16xi1>, vector<16xf32>
          %parallel_loop3A_96 = arith.constant -1.000000e-01 : f32
          %parallel_loop3A_97 = vector.broadcast %parallel_loop3A_96 : f32 to vector<16xf32>
          %parallel_loop3A_98 = arith.cmpf olt, %parallel_loop3A_95, %parallel_loop3A_97 : vector<16xf32>
          %parallel_loop3A_99 = math.exp %parallel_loop3A_95 : vector<16xf32>
          %parallel_loop3A_100 = arith.constant 1.000000e-10 : f32
          %parallel_loop3A_101 = vector.broadcast %parallel_loop3A_100 : f32 to vector<16xf32>
          %parallel_loop3A_102 = arith.select %parallel_loop3A_98, %parallel_loop3A_101, %parallel_loop3A_99 : vector<16xi1>, vector<16xf32>
          %parallel_loop3A_103 = arith.constant 0 : i32
          %parallel_loop3A_104 = vector.broadcast %parallel_loop3A_103 : i32 to vector<16x1xi32>
          %parallel_loop3A_105 = vector.shape_cast %parallel_loop3A_104 : vector<16x1xi32> to vector<16xi32>
          %parallel_loop3A_106 = tpu.dynamic_gather %parallel_loop3A_102[%parallel_loop3A_105] in [0] : vector<16xf32>, vector<16xi32> -> vector<16xf32>
          %parallel_loop3A_107 = arith.index_cast %parallel_loop3A_79 : i32 to index
          %parallel_loop3A_108 = arith.constant 0 : index
          %parallel_loop3A_109 = tpu.vector_load %arg10[%parallel_loop3A_107, %parallel_loop3A_108] {strides = array<i32>} : memref<128x80xf32, #tpu.memory_space<vmem>>, vector<1x16xf32>,
          %parallel_loop3A_110 = vector.shape_cast %parallel_loop3A_109 : vector<1x16xf32> to vector<16xf32>
          %parallel_loop3A_111 = arith.mulf %parallel_loop3A_110, %parallel_loop3A_106 : vector<16xf32>
          %parallel_loop3A_112 = arith.index_cast %parallel_loop3A_79 : i32 to index
          %parallel_loop3A_113 = arith.constant 0 : index
          %parallel_loop3A_114 = tpu.vector_load %arg10[%parallel_loop3A_112, %parallel_loop3A_113] {strides = array<i32>} : memref<128x80xf32, #tpu.memory_space<vmem>>, vector<1x16xf32>,
          %parallel_loop3A_115 = vector.shape_cast %parallel_loop3A_114 : vector<1x16xf32> to vector<16xf32>
          %parallel_loop3A_116 = vector.shape_cast %parallel_loop3A_111 : vector<16xf32> to vector<1x16xf32>
          tpu.vector_store %arg10[%parallel_loop3A_112, %parallel_loop3A_113], %parallel_loop3A_116 {strides = array<i32>} : memref<128x80xf32, #tpu.memory_space<vmem>>, vector<1x16xf32>,
          %parallel_loop3A_117 = arith.constant 0 : i32
          %parallel_loop3A_118 = vector.broadcast %parallel_loop3A_117 : i32 to vector<16x1xi32>
          %parallel_loop3A_119 = vector.shape_cast %parallel_loop3A_118 : vector<16x1xi32> to vector<16xi32>
          %parallel_loop3A_120 = tpu.dynamic_gather %parallel_loop3A_102[%parallel_loop3A_119] in [0] : vector<16xf32>, vector<16xi32> -> vector<16xf32>
          %parallel_loop3A_121 = arith.index_cast %parallel_loop3A_79 : i32 to index
          %parallel_loop3A_122 = arith.constant 16 : index
          %parallel_loop3A_123 = tpu.vector_load %arg10[%parallel_loop3A_121, %parallel_loop3A_122] {strides = array<i32>} : memref<128x80xf32, #tpu.memory_space<vmem>>, vector<1x16xf32>,
          %parallel_loop3A_124 = vector.shape_cast %parallel_loop3A_123 : vector<1x16xf32> to vector<16xf32>
          %parallel_loop3A_125 = arith.mulf %parallel_loop3A_124, %parallel_loop3A_120 : vector<16xf32>
          %parallel_loop3A_126 = arith.index_cast %parallel_loop3A_79 : i32 to index
          %parallel_loop3A_127 = arith.constant 16 : index
          %parallel_loop3A_128 = tpu.vector_load %arg10[%parallel_loop3A_126, %parallel_loop3A_127] {strides = array<i32>} : memref<128x80xf32, #tpu.memory_space<vmem>>, vector<1x16xf32>,
          %parallel_loop3A_129 = vector.shape_cast %parallel_loop3A_128 : vector<1x16xf32> to vector<16xf32>
          %parallel_loop3A_130 = vector.shape_cast %parallel_loop3A_125 : vector<16xf32> to vector<1x16xf32>
          tpu.vector_store %arg10[%parallel_loop3A_126, %parallel_loop3A_127], %parallel_loop3A_130 {strides = array<i32>} : memref<128x80xf32, #tpu.memory_space<vmem>>, vector<1x16xf32>,
          %parallel_loop3A_131 = arith.constant 0 : i32
          %parallel_loop3A_132 = vector.broadcast %parallel_loop3A_131 : i32 to vector<16x1xi32>
          %parallel_loop3A_133 = vector.shape_cast %parallel_loop3A_132 : vector<16x1xi32> to vector<16xi32>
          %parallel_loop3A_134 = tpu.dynamic_gather %parallel_loop3A_102[%parallel_loop3A_133] in [0] : vector<16xf32>, vector<16xi32> -> vector<16xf32>
          %parallel_loop3A_135 = arith.index_cast %parallel_loop3A_79 : i32 to index
          %parallel_loop3A_136 = arith.constant 32 : index
          %parallel_loop3A_137 = tpu.vector_load %arg10[%parallel_loop3A_135, %parallel_loop3A_136] {strides = array<i32>} : memref<128x80xf32, #tpu.memory_space<vmem>>, vector<1x16xf32>,
          %parallel_loop3A_138 = vector.shape_cast %parallel_loop3A_137 : vector<1x16xf32> to vector<16xf32>
          %parallel_loop3A_139 = arith.mulf %parallel_loop3A_138, %parallel_loop3A_134 : vector<16xf32>
          %parallel_loop3A_140 = arith.index_cast %parallel_loop3A_79 : i32 to index
          %parallel_loop3A_141 = arith.constant 32 : index
          %parallel_loop3A_142 = tpu.vector_load %arg10[%parallel_loop3A_140, %parallel_loop3A_141] {strides = array<i32>} : memref<128x80xf32, #tpu.memory_space<vmem>>, vector<1x16xf32>,
          %parallel_loop3A_143 = vector.shape_cast %parallel_loop3A_142 : vector<1x16xf32> to vector<16xf32>
          %parallel_loop3A_144 = vector.shape_cast %parallel_loop3A_139 : vector<16xf32> to vector<1x16xf32>
          tpu.vector_store %arg10[%parallel_loop3A_140, %parallel_loop3A_141], %parallel_loop3A_144 {strides = array<i32>} : memref<128x80xf32, #tpu.memory_space<vmem>>, vector<1x16xf32>,
          %parallel_loop3A_145 = arith.constant 0 : i32
          %parallel_loop3A_146 = vector.broadcast %parallel_loop3A_145 : i32 to vector<16x1xi32>
          %parallel_loop3A_147 = vector.shape_cast %parallel_loop3A_146 : vector<16x1xi32> to vector<16xi32>
          %parallel_loop3A_148 = tpu.dynamic_gather %parallel_loop3A_102[%parallel_loop3A_147] in [0] : vector<16xf32>, vector<16xi32> -> vector<16xf32>
          %parallel_loop3A_149 = arith.index_cast %parallel_loop3A_79 : i32 to index
          %parallel_loop3A_150 = arith.constant 48 : index
          %parallel_loop3A_151 = tpu.vector_load %arg10[%parallel_loop3A_149, %parallel_loop3A_150] {strides = array<i32>} : memref<128x80xf32, #tpu.memory_space<vmem>>, vector<1x16xf32>,
          %parallel_loop3A_152 = vector.shape_cast %parallel_loop3A_151 : vector<1x16xf32> to vector<16xf32>
          %parallel_loop3A_153 = arith.mulf %parallel_loop3A_152, %parallel_loop3A_148 : vector<16xf32>
          %parallel_loop3A_154 = arith.index_cast %parallel_loop3A_79 : i32 to index
          %parallel_loop3A_155 = arith.constant 48 : index
          %parallel_loop3A_156 = tpu.vector_load %arg10[%parallel_loop3A_154, %parallel_loop3A_155] {strides = array<i32>} : memref<128x80xf32, #tpu.memory_space<vmem>>, vector<1x16xf32>,
          %parallel_loop3A_157 = vector.shape_cast %parallel_loop3A_156 : vector<1x16xf32> to vector<16xf32>
          %parallel_loop3A_158 = vector.shape_cast %parallel_loop3A_153 : vector<16xf32> to vector<1x16xf32>
          tpu.vector_store %arg10[%parallel_loop3A_154, %parallel_loop3A_155], %parallel_loop3A_158 {strides = array<i32>} : memref<128x80xf32, #tpu.memory_space<vmem>>, vector<1x16xf32>,
          %parallel_loop3A_159 = arith.index_cast %parallel_loop3A_79 : i32 to index
          %parallel_loop3A_160 = arith.constant 64 : index
          %parallel_loop3A_161 = tpu.vector_load %arg10[%parallel_loop3A_159, %parallel_loop3A_160] {strides = array<i32>} : memref<128x80xf32, #tpu.memory_space<vmem>>, vector<1x16xf32>,
          %parallel_loop3A_162 = vector.shape_cast %parallel_loop3A_161 : vector<1x16xf32> to vector<16xf32>
          %parallel_loop3A_163 = vector.shape_cast %parallel_loop3A_102 : vector<16xf32> to vector<1x16xf32>
          tpu.vector_store %arg10[%parallel_loop3A_159, %parallel_loop3A_160], %parallel_loop3A_163 {strides = array<i32>} : memref<128x80xf32, #tpu.memory_space<vmem>>, vector<1x16xf32>,
        } {sc.loop_unroll_factor = 16 : i64, sc.parallel_access}
        %run_scoped3A = arith.constant 1 : i32
        "tpu.region"() ({
          %run_scoped3A_79 = tpu.sem_alloc : memref<!tpu.dma_semaphore, #tpu.memory_space<semaphore_mem>>
          %dma_start3A = arith.constant 0 : i32
          %dma_start3A_80 = tpu.memref_slice %arg8[%run_scoped3A, %dma_start3A] : memref<2x128xi32, #tpu.memory_space<vmem>> -> memref<1x128xi32, #tpu.memory_space<vmem>>
          %dma_start3A_81 = tpu.memref_squeeze %dma_start3A_80 : memref<1x128xi32, #tpu.memory_space<vmem>> -> memref<128xi32, #tpu.memory_space<vmem>>
          %dma_start3A_82 = arith.constant 0 : i32
          %dma_start3A_83 = arith.constant 0 : i32
          %dma_start3A_84 = tpu.memref_slice %arg13[%dma_start3A_82, %dma_start3A_83] : memref<10112x80xf32, #tpu.memory_space<vmem_shared>> -> memref<10112x80xf32, #tpu.memory_space<vmem_shared>>
          tpu.enqueue_indirect_dma source(%arg10 : memref<128x80xf32, #tpu.memory_space<vmem>>) target(%dma_start3A_84 : memref<10112x80xf32, #tpu.memory_space<vmem_shared>>) offsets(%dma_start3A_81 : memref<128xi32, #tpu.memory_space<vmem>>) semaphore(%run_scoped3A_79 : memref<!tpu.dma_semaphore, #tpu.memory_space<semaphore_mem>>) {add = true}
          %dma_wait3A_85 = arith.constant 0 : i32
          %dma_wait3A_86 = tpu.memref_slice %arg8[%run_scoped3A, %dma_wait3A_85] : memref<2x128xi32, #tpu.memory_space<vmem>> -> memref<1x128xi32, #tpu.memory_space<vmem>>
          %dma_wait3A_87 = tpu.memref_squeeze %dma_wait3A_86 : memref<1x128xi32, #tpu.memory_space<vmem>> -> memref<128xi32, #tpu.memory_space<vmem>>
          %dma_wait3A_88 = arith.constant 0 : i32
          %dma_wait3A_89 = arith.constant 0 : i32
          %dma_wait3A_90 = tpu.memref_slice %arg13[%dma_wait3A_88, %dma_wait3A_89] : memref<10112x80xf32, #tpu.memory_space<vmem_shared>> -> memref<10112x80xf32, #tpu.memory_space<vmem_shared>>
          tpu.wait_indirect_dma semaphore(%run_scoped3A_79 : memref<!tpu.dma_semaphore, #tpu.memory_space<semaphore_mem>>) src(%arg10 : memref<128x80xf32, #tpu.memory_space<vmem>>) dst(%dma_wait3A_90 : memref<10112x80xf32, #tpu.memory_space<vmem_shared>>)
          tpu.yield
        }) : () -> ()
      } else {
      }
      %add3A_54 = arith.constant 2 : i32
      %add3A_55 = arith.addi %add3A_45, %add3A_54 : i32
      %mul3A_56 = arith.constant 16 : i32
      %mul3A_57 = arith.muli %add3A_55, %mul3A_56 : i32
      %add3A_58 = arith.addi %arg1, %mul3A_57 : i32
      %lt3A_59 = arith.constant 1250 : i32
      %lt3A_60 = arith.cmpi slt, %add3A_58, %lt3A_59 : i32
      %convert_element_type3A_61 = arith.extui %lt3A_60 : i1 to i32
      %cond3A_62 = arith.constant 0 : i32
      %cond3A_63 = arith.cmpi ne, %convert_element_type3A_61, %cond3A_62 : i32
      scf.if %cond3A_63 {
        %mul3A_64 = arith.constant 1250 : i32
        %mul3A_65 = arith.muli %arg0, %mul3A_64 : i32
        %add3A_66 = arith.addi %mul3A_65, %arg1 : i32
        %mul3A_67 = arith.constant 16 : i32
        %mul3A_68 = arith.muli %add3A_55, %mul3A_67 : i32
        %add3A_69 = arith.addi %add3A_66, %mul3A_68 : i32
        %mul3A_70 = arith.constant 128 : i32
        %mul3A_71 = arith.muli %add3A_69, %mul3A_70 : i32
        "tpu.region"() ({
          %run_scoped3A = tpu.sem_alloc : memref<!tpu.dma_semaphore, #tpu.memory_space<semaphore_mem>>
          %dma_start3A_85 = arith.constant 0 : i32
          %dma_start3A_86 = tpu.memref_slice %arg4[%dma_start3A_85, %mul3A_71] : memref<2x320000xi32, #tpu.memory_space<hbm>> -> memref<2x128xi32, #tpu.memory_space<hbm>>
          %dma_start3A_87 = arith.constant 0 : i32
          %dma_start3A_88 = tpu.memref_slice %arg4[%dma_start3A_87, %mul3A_71] : memref<2x320000xi32, #tpu.memory_space<hbm>> -> memref<2x128xi32, #tpu.memory_space<hbm>>
          tpu.enqueue_dma source(%dma_start3A_88 : memref<2x128xi32, #tpu.memory_space<hbm>>) target(%arg8 : memref<2x128xi32, #tpu.memory_space<vmem>>) target_semaphore(%run_scoped3A : memref<!tpu.dma_semaphore, #tpu.memory_space<semaphore_mem>>)
          %dma_wait3A = arith.constant 0 : i32
          %dma_wait3A_89 = tpu.memref_slice %arg4[%dma_wait3A, %mul3A_71] : memref<2x320000xi32, #tpu.memory_space<hbm>> -> memref<2x128xi32, #tpu.memory_space<hbm>>
          %dma_wait3A_90 = arith.constant 0 : i32
          %dma_wait3A_91 = tpu.memref_slice %arg4[%dma_wait3A_90, %mul3A_71] : memref<2x320000xi32, #tpu.memory_space<hbm>> -> memref<2x128xi32, #tpu.memory_space<hbm>>
          tpu.wait_dma2 semaphore(%run_scoped3A : memref<!tpu.dma_semaphore, #tpu.memory_space<semaphore_mem>>) src(%dma_wait3A_91 : memref<2x128xi32, #tpu.memory_space<hbm>>) dst(%arg8 : memref<2x128xi32, #tpu.memory_space<vmem>>)
          tpu.yield
        }) : () -> ()
        %dma_start3A = arith.constant 0 : i32
        %dma_start3A_72 = arith.constant 0 : i32
        %dma_start3A_73 = tpu.memref_slice %arg8[%dma_start3A, %dma_start3A_72] : memref<2x128xi32, #tpu.memory_space<vmem>> -> memref<1x128xi32, #tpu.memory_space<vmem>>
        %dma_start3A_74 = tpu.memref_squeeze %dma_start3A_73 : memref<1x128xi32, #tpu.memory_space<vmem>> -> memref<128xi32, #tpu.memory_space<vmem>>
        %dma_start3A_75 = arith.constant 0 : i32
        %dma_start3A_76 = arith.constant 0 : i32
        %dma_start3A_77 = tpu.memref_slice %arg2[%dma_start3A_75, %dma_start3A_76] : memref<10112x80xf32, #tpu.memory_space<hbm>> -> memref<10112x80xf32, #tpu.memory_space<hbm>>
        tpu.enqueue_indirect_dma source(%dma_start3A_77 : memref<10112x80xf32, #tpu.memory_space<hbm>>) target(%arg10 : memref<128x80xf32, #tpu.memory_space<vmem>>) offsets(%dma_start3A_74 : memref<128xi32, #tpu.memory_space<vmem>>) semaphore(%arg15 : memref<!tpu.dma_semaphore, #tpu.memory_space<semaphore_mem>>)
        %dma_start3A_78 = arith.constant 1 : i32
        %dma_start3A_79 = arith.constant 0 : i32
        %dma_start3A_80 = tpu.memref_slice %arg8[%dma_start3A_78, %dma_start3A_79] : memref<2x128xi32, #tpu.memory_space<vmem>> -> memref<1x128xi32, #tpu.memory_space<vmem>>
        %dma_start3A_81 = tpu.memref_squeeze %dma_start3A_80 : memref<1x128xi32, #tpu.memory_space<vmem>> -> memref<128xi32, #tpu.memory_space<vmem>>
        %dma_start3A_82 = arith.constant 0 : i32
        %dma_start3A_83 = arith.constant 0 : i32
        %dma_start3A_84 = tpu.memref_slice %arg3[%dma_start3A_82, %dma_start3A_83] : memref<10112x16xf32, #tpu.memory_space<hbm>> -> memref<10112x16xf32, #tpu.memory_space<hbm>>
        tpu.enqueue_indirect_dma source(%dma_start3A_84 : memref<10112x16xf32, #tpu.memory_space<hbm>>) target(%arg12 : memref<128x16xf32, #tpu.memory_space<vmem>>) offsets(%dma_start3A_81 : memref<128xi32, #tpu.memory_space<vmem>>) semaphore(%arg17 : memref<!tpu.dma_semaphore, #tpu.memory_space<semaphore_mem>>)
      } else {
      }
    }
    %scan3A_18 = arith.constant 40 : i32
    %barrier3A_19 = arith.constant 0 : index
    tpu.barrier barrier_id(%barrier3A_19)
    %mul3A = arith.constant 632 : i32
    %mul3A_20 = arith.muli %arg1, %mul3A : i32
    "tpu.region"() ({
      %run_scoped3A = tpu.sem_alloc : memref<!tpu.dma_semaphore, #tpu.memory_space<semaphore_mem>>
      %dma_start3A = arith.constant 0 : i32
      %dma_start3A_21 = tpu.memref_slice %arg6[%arg0, %mul3A_20, %dma_start3A] : memref<2x10112x80xf32, #tpu.memory_space<hbm>> -> memref<1x632x80xf32, #tpu.memory_space<hbm>>
      %dma_start3A_22 = tpu.memref_squeeze %dma_start3A_21 : memref<1x632x80xf32, #tpu.memory_space<hbm>> -> memref<632x80xf32, #tpu.memory_space<hbm>>
      %dma_start3A_23 = arith.constant 0 : i32
      %dma_start3A_24 = tpu.memref_slice %arg13[%mul3A_20, %dma_start3A_23] : memref<10112x80xf32, #tpu.memory_space<vmem_shared>> -> memref<632x80xf32, #tpu.memory_space<vmem_shared>>
      tpu.enqueue_dma source(%dma_start3A_24 : memref<632x80xf32, #tpu.memory_space<vmem_shared>>) target(%dma_start3A_22 : memref<632x80xf32, #tpu.memory_space<hbm>>) target_semaphore(%run_scoped3A : memref<!tpu.dma_semaphore, #tpu.memory_space<semaphore_mem>>)
      %dma_wait3A = arith.constant 0 : i32
      %dma_wait3A_25 = tpu.memref_slice %arg6[%arg0, %mul3A_20, %dma_wait3A] : memref<2x10112x80xf32, #tpu.memory_space<hbm>> -> memref<1x632x80xf32, #tpu.memory_space<hbm>>
      %dma_wait3A_26 = tpu.memref_squeeze %dma_wait3A_25 : memref<1x632x80xf32, #tpu.memory_space<hbm>> -> memref<632x80xf32, #tpu.memory_space<hbm>>
      %dma_wait3A_27 = arith.constant 0 : i32
      %dma_wait3A_28 = tpu.memref_slice %arg13[%mul3A_20, %dma_wait3A_27] : memref<10112x80xf32, #tpu.memory_space<vmem_shared>> -> memref<632x80xf32, #tpu.memory_space<vmem_shared>>
      tpu.wait_dma2 semaphore(%run_scoped3A : memref<!tpu.dma_semaphore, #tpu.memory_space<semaphore_mem>>) src(%dma_wait3A_28 : memref<632x80xf32, #tpu.memory_space<vmem_shared>>) dst(%dma_wait3A_26 : memref<632x80xf32, #tpu.memory_space<hbm>>)
      tpu.yield
    }) : () -> ()
    return
  }
}

module attributes {stable_mosaic.version = 14 : i64} {
  func.func @_stage1_body(%arg0: i32, %arg1: memref<632x128xf32, #tpu.memory_space<vmem>>, %arg2: memref<128x128xf32, #tpu.memory_space<vmem>>, %arg3: memref<1x128xf32, #tpu.memory_space<vmem>>, %arg4: memref<1x128xf32, #tpu.memory_space<vmem>>, %arg5: memref<128x16xf32, #tpu.memory_space<vmem>>, %arg6: memref<632x144xf32, #tpu.memory_space<vmem>>, %arg7: memref<632x16xf32, #tpu.memory_space<vmem>>) attributes {dimension_semantics = [#tpu.dimension_semantics<arbitrary>], iteration_bounds = array<i64: 16>, scalar_prefetch = 0 : i64, scratch_operands = 0 : i64, tpu.core_type = #tpu.core_type<tc>, window_params = [{transform_indices = @transform_0, window_bounds = array<i64: 632, 128>}, {pipeline_mode = #tpu.pipeline_mode<synchronous>, transform_indices = @transform_1, window_bounds = array<i64: 128, 128>}, {pipeline_mode = #tpu.pipeline_mode<synchronous>, transform_indices = @transform_2, window_bounds = array<i64: 1, 128>}, {pipeline_mode = #tpu.pipeline_mode<synchronous>, transform_indices = @transform_3, window_bounds = array<i64: 1, 128>}, {pipeline_mode = #tpu.pipeline_mode<synchronous>, transform_indices = @transform_4, window_bounds = array<i64: 128, 16>}, {transform_indices = @transform_5, window_bounds = array<i64: 632, 144>}, {transform_indices = @transform_6, window_bounds = array<i64: 632, 16>}]} {
    %get3A = arith.constant 0 : index
    %get3A_0 = arith.constant 0 : index
    %get3A_1 = vector.load %arg1[%get3A, %get3A_0] : memref<632x128xf32, #tpu.memory_space<vmem>>, vector<632x128xf32>
    %get3A_2 = arith.constant 0 : index
    %get3A_3 = arith.constant 0 : index
    %get3A_4 = vector.load %arg2[%get3A_2, %get3A_3] : memref<128x128xf32, #tpu.memory_space<vmem>>, vector<128x128xf32>
    %dot_general3A = arith.constant dense<0.000000e+00> : vector<632x128xf32>
    %dot_general3A_5 = tpu.matmul %get3A_1, %get3A_4, %dot_general3A {dimension_numbers = #tpu.dot_dimension_numbers<[1], [0], [0], [1], [0, 0, 1, 1], [], []>, transpose_lhs_hint = false} : vector<632x128xf32>, vector<128x128xf32>, vector<632x128xf32> -> vector<632x128xf32>
    %get3A_6 = arith.constant 0 : index
    %get3A_7 = arith.constant 0 : index
    %get3A_8 = vector.load %arg3[%get3A_6, %get3A_7] : memref<1x128xf32, #tpu.memory_space<vmem>>, vector<1x128xf32>
    %mul3A = vector.broadcast %get3A_8 : vector<1x128xf32> to vector<632x128xf32>
    %mul3A_9 = arith.mulf %dot_general3A_5, %mul3A : vector<632x128xf32>
    %get3A_10 = arith.constant 0 : index
    %get3A_11 = arith.constant 0 : index
    %get3A_12 = vector.load %arg5[%get3A_10, %get3A_11] : memref<128x16xf32, #tpu.memory_space<vmem>>, vector<128x16xf32>
    %dot_general3A_13 = arith.constant dense<0.000000e+00> : vector<632x16xf32>
    %dot_general3A_14 = tpu.matmul %mul3A_9, %get3A_12, %dot_general3A_13 {dimension_numbers = #tpu.dot_dimension_numbers<[1], [0], [0], [1], [0, 0, 1, 1], [], []>, precision = #tpu.contract_precision<fp32>, transpose_lhs_hint = false} : vector<632x128xf32>, vector<128x16xf32>, vector<632x16xf32> -> vector<632x16xf32>
    %get3A_15 = arith.constant 0 : index
    %get3A_16 = arith.constant 0 : index
    %get3A_17 = vector.load %arg4[%get3A_15, %get3A_16] : memref<1x128xf32, #tpu.memory_space<vmem>>, vector<1x128xf32>
    %mul3A_18 = vector.broadcast %get3A_17 : vector<1x128xf32> to vector<632x128xf32>
    %mul3A_19 = arith.mulf %dot_general3A_5, %mul3A_18 : vector<632x128xf32>
    %get3A_20 = arith.constant 0 : index
    %get3A_21 = arith.constant 0 : index
    %get3A_22 = vector.load %arg5[%get3A_20, %get3A_21] : memref<128x16xf32, #tpu.memory_space<vmem>>, vector<128x16xf32>
    %dot_general3A_23 = arith.constant dense<0.000000e+00> : vector<632x16xf32>
    %dot_general3A_24 = tpu.matmul %mul3A_19, %get3A_22, %dot_general3A_23 {dimension_numbers = #tpu.dot_dimension_numbers<[1], [0], [0], [1], [0, 0, 1, 1], [], []>, precision = #tpu.contract_precision<fp32>, transpose_lhs_hint = false} : vector<632x128xf32>, vector<128x16xf32>, vector<632x16xf32> -> vector<632x16xf32>
    %swap3A = arith.constant 0 : index
    %swap3A_25 = arith.constant 0 : index
    %swap3A_26 = vector.load %arg7[%swap3A, %swap3A_25] : memref<632x16xf32, #tpu.memory_space<vmem>>, vector<632x16xf32>
    tpu.vector_store %arg7[%swap3A, %swap3A_25], %dot_general3A_24 {strides = array<i32>} : memref<632x16xf32, #tpu.memory_space<vmem>>, vector<632x16xf32>,
    %concatenate3A = tpu.concatenate %dot_general3A_5, %dot_general3A_14 in 1 : vector<632x128xf32>, vector<632x16xf32> -> vector<632x144xf32>
    %swap3A_27 = arith.constant 0 : index
    %swap3A_28 = arith.constant 0 : index
    %swap3A_29 = vector.load %arg6[%swap3A_27, %swap3A_28] : memref<632x144xf32, #tpu.memory_space<vmem>>, vector<632x144xf32>
    tpu.vector_store %arg6[%swap3A_27, %swap3A_28], %concatenate3A {strides = array<i32>} : memref<632x144xf32, #tpu.memory_space<vmem>>, vector<632x144xf32>,
    return
  }
  func.func @transform_0(%arg0: i32) -> (i32, i32) {
    %c0_i32 = arith.constant 0 : i32
    %c0_i32_0 = arith.constant 0 : i32
    return %arg0, %c0_i32 : i32, i32
  }
  func.func @transform_1(%arg0: i32) -> (i32, i32) {
    %c0_i32 = arith.constant 0 : i32
    %c0_i32_0 = arith.constant 0 : i32
    %c0_i32_1 = arith.constant 0 : i32
    return %c0_i32, %c0_i32_0 : i32, i32
  }
  func.func @transform_2(%arg0: i32) -> (i32, i32) {
    %c0_i32 = arith.constant 0 : i32
    %c0_i32_0 = arith.constant 0 : i32
    %c0_i32_1 = arith.constant 0 : i32
    return %c0_i32, %c0_i32_0 : i32, i32
  }
  func.func @transform_3(%arg0: i32) -> (i32, i32) {
    %c0_i32 = arith.constant 0 : i32
    %c0_i32_0 = arith.constant 0 : i32
    %c0_i32_1 = arith.constant 0 : i32
    return %c0_i32, %c0_i32_0 : i32, i32
  }
  func.func @transform_4(%arg0: i32) -> (i32, i32) {
    %c0_i32 = arith.constant 0 : i32
    %c0_i32_0 = arith.constant 0 : i32
    %c0_i32_1 = arith.constant 0 : i32
    return %c0_i32, %c0_i32_0 : i32, i32
  }
  func.func @transform_5(%arg0: i32) -> (i32, i32) {
    %c0_i32 = arith.constant 0 : i32
    %c0_i32_0 = arith.constant 0 : i32
    return %arg0, %c0_i32 : i32, i32
  }
  func.func @transform_6(%arg0: i32) -> (i32, i32) {
    %c0_i32 = arith.constant 0 : i32
    %c0_i32_0 = arith.constant 0 : i32
    return %arg0, %c0_i32 : i32, i32
  }
}

module attributes {stable_mosaic.version = 14 : i64} {
  func.func @_mid_body(%arg0: i32, %arg1: memref<2x632x144xf32, #tpu.memory_space<vmem>>, %arg2: memref<16x128xf32, #tpu.memory_space<vmem>>, %arg3: memref<1x128xf32, #tpu.memory_space<vmem>>, %arg4: memref<128x64xf32, #tpu.memory_space<vmem>>, %arg5: memref<1x64xf32, #tpu.memory_space<vmem>>, %arg6: memref<1x64xf32, #tpu.memory_space<vmem>>, %arg7: memref<64x16xf32, #tpu.memory_space<vmem>>, %arg8: memref<632x80xf32, #tpu.memory_space<vmem>>, %arg9: memref<632x16xf32, #tpu.memory_space<vmem>>) attributes {dimension_semantics = [#tpu.dimension_semantics<arbitrary>], iteration_bounds = array<i64: 16>, scalar_prefetch = 0 : i64, scratch_operands = 0 : i64, tpu.core_type = #tpu.core_type<tc>, window_params = [{transform_indices = @transform_0, window_bounds = array<i64: 2, 632, 144>}, {pipeline_mode = #tpu.pipeline_mode<synchronous>, transform_indices = @transform_1, window_bounds = array<i64: 16, 128>}, {pipeline_mode = #tpu.pipeline_mode<synchronous>, transform_indices = @transform_2, window_bounds = array<i64: 1, 128>}, {pipeline_mode = #tpu.pipeline_mode<synchronous>, transform_indices = @transform_3, window_bounds = array<i64: 128, 64>}, {pipeline_mode = #tpu.pipeline_mode<synchronous>, transform_indices = @transform_4, window_bounds = array<i64: 1, 64>}, {pipeline_mode = #tpu.pipeline_mode<synchronous>, transform_indices = @transform_5, window_bounds = array<i64: 1, 64>}, {pipeline_mode = #tpu.pipeline_mode<synchronous>, transform_indices = @transform_6, window_bounds = array<i64: 64, 16>}, {transform_indices = @transform_7, window_bounds = array<i64: 632, 80>}, {transform_indices = @transform_8, window_bounds = array<i64: 632, 16>}]} {
    %get3A = arith.constant 0 : index
    %get3A_0 = arith.constant 0 : index
    %get3A_1 = arith.constant 0 : index
    %get3A_2 = vector.load %arg1[%get3A, %get3A_0, %get3A_1] : memref<2x632x144xf32, #tpu.memory_space<vmem>>, vector<1x632x144xf32>
    %get3A_3 = vector.shape_cast %get3A_2 : vector<1x632x144xf32> to vector<632x144xf32>
    %get3A_4 = arith.constant 1 : index
    %get3A_5 = arith.constant 0 : index
    %get3A_6 = arith.constant 0 : index
    %get3A_7 = vector.load %arg1[%get3A_4, %get3A_5, %get3A_6] : memref<2x632x144xf32, #tpu.memory_space<vmem>>, vector<1x632x144xf32>
    %get3A_8 = vector.shape_cast %get3A_7 : vector<1x632x144xf32> to vector<632x144xf32>
    %add3A = arith.addf %get3A_3, %get3A_8 : vector<632x144xf32>
    %slice3A = vector.extract_strided_slice %add3A {offsets = [0, 128], sizes = [632, 16], strides = [1, 1]} : vector<632x144xf32> to vector<632x16xf32>
    %get3A_9 = arith.constant 0 : index
    %get3A_10 = arith.constant 0 : index
    %get3A_11 = vector.load %arg2[%get3A_9, %get3A_10] : memref<16x128xf32, #tpu.memory_space<vmem>>, vector<16x128xf32>
    %dot_general3A = arith.constant dense<0.000000e+00> : vector<632x128xf32>
    %dot_general3A_12 = tpu.matmul %slice3A, %get3A_11, %dot_general3A {dimension_numbers = #tpu.dot_dimension_numbers<[1], [0], [0], [1], [0, 0, 1, 1], [], []>, precision = #tpu.contract_precision<fp32>, transpose_lhs_hint = false} : vector<632x16xf32>, vector<16x128xf32>, vector<632x128xf32> -> vector<632x128xf32>
    %add3A_13 = arith.constant 1.000000e-16 : f32
    %add3A_14 = vector.broadcast %add3A_13 : f32 to vector<632x128xf32>
    %add3A_15 = arith.addf %dot_general3A_12, %add3A_14 : vector<632x128xf32>
    %slice3A_16 = vector.extract_strided_slice %add3A {offsets = [0, 0], sizes = [632, 128], strides = [1, 1]} : vector<632x144xf32> to vector<632x128xf32>
    %div3A = arith.divf %slice3A_16, %add3A_15 : vector<632x128xf32>
    %get3A_17 = arith.constant 0 : index
    %get3A_18 = arith.constant 0 : index
    %get3A_19 = vector.load %arg3[%get3A_17, %get3A_18] : memref<1x128xf32, #tpu.memory_space<vmem>>, vector<1x128xf32>
    %add3A_20 = vector.broadcast %get3A_19 : vector<1x128xf32> to vector<632x128xf32>
    %add3A_21 = arith.addf %div3A, %add3A_20 : vector<632x128xf32>
    %gt3A = arith.constant 0.000000e+00 : f32
    %gt3A_22 = vector.broadcast %gt3A : f32 to vector<632x128xf32>
    %gt3A_23 = arith.cmpf ogt, %add3A_21, %gt3A_22 : vector<632x128xf32>
    %exp3A = math.exp %add3A_21 : vector<632x128xf32>
    %sub3A = arith.constant 1.000000e+00 : f32
    %sub3A_24 = vector.broadcast %sub3A : f32 to vector<632x128xf32>
    %sub3A_25 = arith.subf %exp3A, %sub3A_24 : vector<632x128xf32>
    %select_n3A = arith.select %gt3A_23, %add3A_21, %sub3A_25 : vector<632x128xi1>, vector<632x128xf32>
    %get3A_26 = arith.constant 0 : index
    %get3A_27 = arith.constant 0 : index
    %get3A_28 = vector.load %arg4[%get3A_26, %get3A_27] : memref<128x64xf32, #tpu.memory_space<vmem>>, vector<128x64xf32>
    %dot_general3A_29 = arith.constant dense<0.000000e+00> : vector<632x64xf32>
    %dot_general3A_30 = tpu.matmul %select_n3A, %get3A_28, %dot_general3A_29 {dimension_numbers = #tpu.dot_dimension_numbers<[1], [0], [0], [1], [0, 0, 1, 1], [], []>, transpose_lhs_hint = false} : vector<632x128xf32>, vector<128x64xf32>, vector<632x64xf32> -> vector<632x64xf32>
    %get3A_31 = arith.constant 0 : index
    %get3A_32 = arith.constant 0 : index
    %get3A_33 = vector.load %arg5[%get3A_31, %get3A_32] : memref<1x64xf32, #tpu.memory_space<vmem>>, vector<1x64xf32>
    %mul3A = vector.broadcast %get3A_33 : vector<1x64xf32> to vector<632x64xf32>
    %mul3A_34 = arith.mulf %dot_general3A_30, %mul3A : vector<632x64xf32>
    %get3A_35 = arith.constant 0 : index
    %get3A_36 = arith.constant 0 : index
    %get3A_37 = vector.load %arg7[%get3A_35, %get3A_36] : memref<64x16xf32, #tpu.memory_space<vmem>>, vector<64x16xf32>
    %dot_general3A_38 = arith.constant dense<0.000000e+00> : vector<632x16xf32>
    %dot_general3A_39 = tpu.matmul %mul3A_34, %get3A_37, %dot_general3A_38 {dimension_numbers = #tpu.dot_dimension_numbers<[1], [0], [0], [1], [0, 0, 1, 1], [], []>, precision = #tpu.contract_precision<fp32>, transpose_lhs_hint = false} : vector<632x64xf32>, vector<64x16xf32>, vector<632x16xf32> -> vector<632x16xf32>
    %get3A_40 = arith.constant 0 : index
    %get3A_41 = arith.constant 0 : index
    %get3A_42 = vector.load %arg6[%get3A_40, %get3A_41] : memref<1x64xf32, #tpu.memory_space<vmem>>, vector<1x64xf32>
    %mul3A_43 = vector.broadcast %get3A_42 : vector<1x64xf32> to vector<632x64xf32>
    %mul3A_44 = arith.mulf %dot_general3A_30, %mul3A_43 : vector<632x64xf32>
    %get3A_45 = arith.constant 0 : index
    %get3A_46 = arith.constant 0 : index
    %get3A_47 = vector.load %arg7[%get3A_45, %get3A_46] : memref<64x16xf32, #tpu.memory_space<vmem>>, vector<64x16xf32>
    %dot_general3A_48 = arith.constant dense<0.000000e+00> : vector<632x16xf32>
    %dot_general3A_49 = tpu.matmul %mul3A_44, %get3A_47, %dot_general3A_48 {dimension_numbers = #tpu.dot_dimension_numbers<[1], [0], [0], [1], [0, 0, 1, 1], [], []>, precision = #tpu.contract_precision<fp32>, transpose_lhs_hint = false} : vector<632x64xf32>, vector<64x16xf32>, vector<632x16xf32> -> vector<632x16xf32>
    %swap3A = arith.constant 0 : index
    %swap3A_50 = arith.constant 0 : index
    %swap3A_51 = vector.load %arg9[%swap3A, %swap3A_50] : memref<632x16xf32, #tpu.memory_space<vmem>>, vector<632x16xf32>
    tpu.vector_store %arg9[%swap3A, %swap3A_50], %dot_general3A_49 {strides = array<i32>} : memref<632x16xf32, #tpu.memory_space<vmem>>, vector<632x16xf32>,
    %concatenate3A = tpu.concatenate %dot_general3A_30, %dot_general3A_39 in 1 : vector<632x64xf32>, vector<632x16xf32> -> vector<632x80xf32>
    %swap3A_52 = arith.constant 0 : index
    %swap3A_53 = arith.constant 0 : index
    %swap3A_54 = vector.load %arg8[%swap3A_52, %swap3A_53] : memref<632x80xf32, #tpu.memory_space<vmem>>, vector<632x80xf32>
    tpu.vector_store %arg8[%swap3A_52, %swap3A_53], %concatenate3A {strides = array<i32>} : memref<632x80xf32, #tpu.memory_space<vmem>>, vector<632x80xf32>,
    return
  }
  func.func @transform_0(%arg0: i32) -> (i32, i32, i32) {
    %c0_i32 = arith.constant 0 : i32
    %c0_i32_0 = arith.constant 0 : i32
    %c0_i32_1 = arith.constant 0 : i32
    return %c0_i32, %arg0, %c0_i32_0 : i32, i32, i32
  }
  func.func @transform_1(%arg0: i32) -> (i32, i32) {
    %c0_i32 = arith.constant 0 : i32
    %c0_i32_0 = arith.constant 0 : i32
    %c0_i32_1 = arith.constant 0 : i32
    return %c0_i32, %c0_i32_0 : i32, i32
  }
  func.func @transform_2(%arg0: i32) -> (i32, i32) {
    %c0_i32 = arith.constant 0 : i32
    %c0_i32_0 = arith.constant 0 : i32
    %c0_i32_1 = arith.constant 0 : i32
    return %c0_i32, %c0_i32_0 : i32, i32
  }
  func.func @transform_3(%arg0: i32) -> (i32, i32) {
    %c0_i32 = arith.constant 0 : i32
    %c0_i32_0 = arith.constant 0 : i32
    %c0_i32_1 = arith.constant 0 : i32
    return %c0_i32, %c0_i32_0 : i32, i32
  }
  func.func @transform_4(%arg0: i32) -> (i32, i32) {
    %c0_i32 = arith.constant 0 : i32
    %c0_i32_0 = arith.constant 0 : i32
    %c0_i32_1 = arith.constant 0 : i32
    return %c0_i32, %c0_i32_0 : i32, i32
  }
  func.func @transform_5(%arg0: i32) -> (i32, i32) {
    %c0_i32 = arith.constant 0 : i32
    %c0_i32_0 = arith.constant 0 : i32
    %c0_i32_1 = arith.constant 0 : i32
    return %c0_i32, %c0_i32_0 : i32, i32
  }
  func.func @transform_6(%arg0: i32) -> (i32, i32) {
    %c0_i32 = arith.constant 0 : i32
    %c0_i32_0 = arith.constant 0 : i32
    %c0_i32_1 = arith.constant 0 : i32
    return %c0_i32, %c0_i32_0 : i32, i32
  }
  func.func @transform_7(%arg0: i32) -> (i32, i32) {
    %c0_i32 = arith.constant 0 : i32
    %c0_i32_0 = arith.constant 0 : i32
    return %arg0, %c0_i32 : i32, i32
  }
  func.func @transform_8(%arg0: i32) -> (i32, i32) {
    %c0_i32 = arith.constant 0 : i32
    %c0_i32_0 = arith.constant 0 : i32
    return %arg0, %c0_i32 : i32, i32
  }
}

module attributes {stable_mosaic.version = 14 : i64} {
  func.func @_fin_body(%arg0: i32, %arg1: memref<2x632x80xf32, #tpu.memory_space<vmem>>, %arg2: memref<16x64xf32, #tpu.memory_space<vmem>>, %arg3: memref<1x64xf32, #tpu.memory_space<vmem>>, %arg4: memref<632x64xf32, #tpu.memory_space<vmem>>) attributes {dimension_semantics = [#tpu.dimension_semantics<arbitrary>], iteration_bounds = array<i64: 16>, scalar_prefetch = 0 : i64, scratch_operands = 0 : i64, tpu.core_type = #tpu.core_type<tc>, window_params = [{transform_indices = @transform_0, window_bounds = array<i64: 2, 632, 80>}, {pipeline_mode = #tpu.pipeline_mode<synchronous>, transform_indices = @transform_1, window_bounds = array<i64: 16, 64>}, {pipeline_mode = #tpu.pipeline_mode<synchronous>, transform_indices = @transform_2, window_bounds = array<i64: 1, 64>}, {transform_indices = @transform_3, window_bounds = array<i64: 632, 64>}]} {
    %get3A = arith.constant 0 : index
    %get3A_0 = arith.constant 0 : index
    %get3A_1 = arith.constant 0 : index
    %get3A_2 = vector.load %arg1[%get3A, %get3A_0, %get3A_1] : memref<2x632x80xf32, #tpu.memory_space<vmem>>, vector<1x632x80xf32>
    %get3A_3 = vector.shape_cast %get3A_2 : vector<1x632x80xf32> to vector<632x80xf32>
    %get3A_4 = arith.constant 1 : index
    %get3A_5 = arith.constant 0 : index
    %get3A_6 = arith.constant 0 : index
    %get3A_7 = vector.load %arg1[%get3A_4, %get3A_5, %get3A_6] : memref<2x632x80xf32, #tpu.memory_space<vmem>>, vector<1x632x80xf32>
    %get3A_8 = vector.shape_cast %get3A_7 : vector<1x632x80xf32> to vector<632x80xf32>
    %add3A = arith.addf %get3A_3, %get3A_8 : vector<632x80xf32>
    %slice3A = vector.extract_strided_slice %add3A {offsets = [0, 64], sizes = [632, 16], strides = [1, 1]} : vector<632x80xf32> to vector<632x16xf32>
    %get3A_9 = arith.constant 0 : index
    %get3A_10 = arith.constant 0 : index
    %get3A_11 = vector.load %arg2[%get3A_9, %get3A_10] : memref<16x64xf32, #tpu.memory_space<vmem>>, vector<16x64xf32>
    %dot_general3A = arith.constant dense<0.000000e+00> : vector<632x64xf32>
    %dot_general3A_12 = tpu.matmul %slice3A, %get3A_11, %dot_general3A {dimension_numbers = #tpu.dot_dimension_numbers<[1], [0], [0], [1], [0, 0, 1, 1], [], []>, precision = #tpu.contract_precision<fp32>, transpose_lhs_hint = false} : vector<632x16xf32>, vector<16x64xf32>, vector<632x64xf32> -> vector<632x64xf32>
    %add3A_13 = arith.constant 1.000000e-16 : f32
    %add3A_14 = vector.broadcast %add3A_13 : f32 to vector<632x64xf32>
    %add3A_15 = arith.addf %dot_general3A_12, %add3A_14 : vector<632x64xf32>
    %slice3A_16 = vector.extract_strided_slice %add3A {offsets = [0, 0], sizes = [632, 64], strides = [1, 1]} : vector<632x80xf32> to vector<632x64xf32>
    %div3A = arith.divf %slice3A_16, %add3A_15 : vector<632x64xf32>
    %get3A_17 = arith.constant 0 : index
    %get3A_18 = arith.constant 0 : index
    %get3A_19 = vector.load %arg3[%get3A_17, %get3A_18] : memref<1x64xf32, #tpu.memory_space<vmem>>, vector<1x64xf32>
    %add3A_20 = vector.broadcast %get3A_19 : vector<1x64xf32> to vector<632x64xf32>
    %add3A_21 = arith.addf %div3A, %add3A_20 : vector<632x64xf32>
    %swap3A = arith.constant 0 : index
    %swap3A_22 = arith.constant 0 : index
    %swap3A_23 = vector.load %arg4[%swap3A, %swap3A_22] : memref<632x64xf32, #tpu.memory_space<vmem>>, vector<632x64xf32>
    tpu.vector_store %arg4[%swap3A, %swap3A_22], %add3A_21 {strides = array<i32>} : memref<632x64xf32, #tpu.memory_space<vmem>>, vector<632x64xf32>,
    return
  }
  func.func @transform_0(%arg0: i32) -> (i32, i32, i32) {
    %c0_i32 = arith.constant 0 : i32
    %c0_i32_0 = arith.constant 0 : i32
    %c0_i32_1 = arith.constant 0 : i32
    return %c0_i32, %arg0, %c0_i32_0 : i32, i32, i32
  }
  func.func @transform_1(%arg0: i32) -> (i32, i32) {
    %c0_i32 = arith.constant 0 : i32
    %c0_i32_0 = arith.constant 0 : i32
    %c0_i32_1 = arith.constant 0 : i32
    return %c0_i32, %c0_i32_0 : i32, i32
  }
  func.func @transform_2(%arg0: i32) -> (i32, i32) {
    %c0_i32 = arith.constant 0 : i32
    %c0_i32_0 = arith.constant 0 : i32
    %c0_i32_1 = arith.constant 0 : i32
    return %c0_i32, %c0_i32_0 : i32, i32
  }
  func.func @transform_3(%arg0: i32) -> (i32, i32) {
    %c0_i32 = arith.constant 0 : i32
    %c0_i32_0 = arith.constant 0 : i32
    return %arg0, %c0_i32 : i32, i32
  }
}

</mosaic_0001>

<sc_bundles>
// kernel: kernel.10.cloned.1.call-start
scs
__scs_entry_jumppad:
0x0: {  	(pc) =	sbr.rel $0x88, $3  }
0x1: {  	(tag) =	ssettag $0x0;
	lr =	simm.s32 $0x1  }
0x2: {  	[smem:$0x3F97] =	sst lr;
	_ =	strace $0xD0000000  }
0x3: {  	_ = 	snop  }
0x4: {  	_ = 	snop  }
0x5: {  	_ = 	snop  }
0x6: {  	_ = 	snop  }
0x7: {  	_ = 	snop  }
__scs_overlays_trampoline_lowered:
0x8: {  	[smem:$0x3FA6] =	sst s0  }
0x9: {  	[smem:$0x3FA7] =	sst s1  }
0xa: {  	[smem:$0x3FA8] =	sst s2  }
0xb: {  	[smem:$0x3FA9] =	sst s3  }
0xc: {  	[smem:$0x3FAA] =	sst s4  }
0xd: {  	[smem:$0x3FAB] =	sst s5  }
0xe: {  	[smem:$0x3FAC] =	sst s6  }
0xf: {  	[smem:$0x3FAD] =	sst s7  }
0x10: {  	[smem:$0x3FAE] =	sst s8  }
0x11: {  	[smem:$0x3FAF] =	sst s9;
	s0 =	simm.s32 @!p0 $0x0  }
0x12: {  	s1 =	sld [smem:$0x3F95];
	s0 =	simm.s32 @p0 $0x1  }
0x13: {  	[smem:$0x3FB0] =	sst s0;
	s0 =	simm.s32 @!p1 $0x0  }
0x14: {  	s2 =	sld [smem:$0x3F94];
	s0 =	simm.s32 @p1 $0x1  }
0x15: {  	[smem:$0x3FB1] =	sst s0;
	s0 =	simm.s32 @!p2 $0x0  }
0x16: {  	s3 =	sld [smem:$0x3FDB];
	s0 =	simm.s32 @p2 $0x1  }
0x17: {  	s4 =	simm.s32 $0x1BF5;
	[smem:$0x3FB3] =	sst s0  }
0x18: {  	s0 =	sld [smem:$0x3F96];
	_ =	swait.ge [sflag:s4], $0x0  }
0x19: {  	s7 =	sld [smem:$0x3F97]  }
0x1a: {  	s8 =	sadd.s32 $0xFFFFE003, lr  }
0x1b: {  	s9 =	sadd.s32 $0xFFFFFEF7, lr;
	s5 =	simm.s32 $0xFFFFFFFF;
	p2 =	slt.u32 s8, $0xFFFFF086  }
0x1c: {  	p1 =	slt.u32 s9, $0xF7A;
	s5 =	simm.s32 @!p2 $0x0  }
0x1d: {  	s5 =	simm.s32 @p1 $0x1;
	p0 =	seq.s32 s7, s2  }
0x1e: {  	s7 =	smul.u32 @!p0 $0xF7A, s2;
	p2 =	seq.s32 @!p0 s5, $0x0  }
0x1f: {  	s9 =	smul.u32 $0xF7A, s1;
	s8 =	simm.s32 @!p0 $0x1BF5;
	p2 =	por !p2, p0  }
0x20: {  	[sflag:s8] =	ssyncset.s32 @!p0 $0xFFFFF086;
	s6 =	sadd.s32 @!p0 s3, s7;
	s7 =	simm.s32 @!p0 $0x108  }
0x21: {  	s3 =	sadd.s32 s3, s9;
	s6 =	sadd.s32 @!p0 $0x88, s6;
	s7 =	simm.s32 @p2 $0x1082  }
0x22: {  	[simem:s7], [sflag:s8] =	dma.local @!p0 [hbm:s6], $0xF7A  }
0x23: {  	s9 =	sor.u32 $0xD0000000, s2;
	s6 =	simm.s32 $0x108;
	_ =	swait.ge @!p0 [sflag:s8], $0x0  }
0x24: {  	s3 =	sadd.s32 $0x88, s3;
	s6 =	simm.s32 @!p1 $0x1082;
	[sflag:s4] =	ssyncset.s32 $0xFFFFF086  }
0x25: {  	[simem:s6], [sflag:s4] =	dma.local [hbm:s3], $0xF7A  }
0x26: {  	[smem:$0x3F97] =	sst s1;
	(tag) =	ssettag s2;
	_ =	strace s9  }
0x27: {  	s1 =	sld [smem:$0x3FA7]  }
0x28: {  	s2 =	sld [smem:$0x3FA8]  }
0x29: {  	s4 =	sld [smem:$0x3FAA]  }
0x2a: {  	p0 =	seq.s32 s5, $0x0;
	s5 =	sld [smem:$0x3FAB]  }
0x2b: {  	s6 =	sld [smem:$0x3FAC]  }
0x2c: {  	s7 =	sld [smem:$0x3FAD]  }
0x2d: {  	s3 =	simm.s32 $0x108;
	s8 =	sld [smem:$0x3FAE]  }
0x2e: {  	s3 =	simm.s32 @!p0 $0x1082;
	s9 =	sld [smem:$0x3FAF]  }
0x2f: {  	lr =	sadd.s32 s0, s3;
	s0 =	sld [smem:$0x3FA6]  }
0x30: {  	s3 =	sld [smem:$0x3FA9]  }
0x31: {  	[smem:$0x3FB2] =	sst s10  }
0x32: {  	s10 =	sld [smem:$0x3FB0];
	_ =	sdelay $0x3  }
0x33: {  	p0 =	seq.s32 s10, $0x1;
	s10 =	sld [smem:$0x3FB2];
	_ =	sdelay $0x3  }
0x34: {  	[smem:$0x3FB2] =	sst s10  }
0x35: {  	s10 =	sld [smem:$0x3FB1];
	_ =	sdelay $0x3  }
0x36: {  	p1 =	seq.s32 s10, $0x1;
	s10 =	sld [smem:$0x3FB2];
	_ =	sdelay $0x3  }
0x37: {  	[smem:$0x3FB2] =	sst s10  }
0x38: {  	s10 =	sld [smem:$0x3FB3]  }
0x39: {  	_ = 	snop;
	(pc) =	sbr.ind lr, $3  }
0x3a: {  	_ = 	snop  }
0x3b: {  	_ = 	snop  }
0x3c: {  	p2 =	seq.s32 s10, $0x1;
	s10 =	sld [smem:$0x3FB2]  }
0x3d: {  	_ =	shalt  }
0x3e: {  	_ =	shalt  }
0x3f: {  	_ =	shalt  }
0x40: {  	_ =	shalt  }
0x41: {  	_ =	shalt  }
0x42: {  	_ =	shalt  }
0x43: {  	_ =	shalt  }
0x44: {  	_ =	shalt  }
0x45: {  	_ =	shalt  }
0x46: {  	_ =	shalt  }
0x47: {  	_ =	shalt  }
0x48: {  	_ =	shalt  }
0x49: {  	_ =	shalt  }
0x4a: {  	_ =	shalt  }
0x4b: {  	_ =	shalt  }
0x4c: {  	_ =	shalt  }
0x4d: {  	_ =	shalt  }
0x4e: {  	_ =	shalt  }
0x4f: {  	_ =	shalt  }
0x50: {  	_ =	shalt  }
0x51: {  	_ =	shalt  }
0x52: {  	_ =	shalt  }
0x53: {  	_ =	shalt  }
0x54: {  	_ =	shalt  }
0x55: {  	_ =	shalt  }
0x56: {  	_ =	shalt  }
0x57: {  	_ =	shalt  }
0x58: {  	_ =	shalt  }
0x59: {  	_ =	shalt  }
0x5a: {  	_ =	shalt  }
0x5b: {  	_ =	shalt  }
0x5c: {  	_ =	shalt  }
0x5d: {  	_ =	shalt  }
0x5e: {  	_ =	shalt  }
0x5f: {  	_ =	shalt  }
0x60: {  	_ =	shalt  }
0x61: {  	_ =	shalt  }
0x62: {  	_ =	shalt  }
0x63: {  	_ =	shalt  }
0x64: {  	_ =	shalt  }
0x65: {  	_ =	shalt  }
0x66: {  	_ =	shalt  }
0x67: {  	_ =	shalt  }
0x68: {  	_ =	shalt  }
0x69: {  	_ =	shalt  }
0x6a: {  	_ =	shalt  }
0x6b: {  	_ =	shalt  }
0x6c: {  	_ =	shalt  }
0x6d: {  	_ =	shalt  }
0x6e: {  	_ =	shalt  }
0x6f: {  	_ =	shalt  }
0x70: {  	_ =	shalt  }
0x71: {  	_ =	shalt  }
0x72: {  	_ =	shalt  }
0x73: {  	_ =	shalt  }
0x74: {  	_ =	shalt  }
0x75: {  	_ =	shalt  }
0x76: {  	_ =	shalt  }
0x77: {  	_ =	shalt  }
0x78: {  	_ =	shalt  }
0x79: {  	_ =	shalt  }
0x7a: {  	_ =	shalt  }
0x7b: {  	_ =	shalt  }
0x7c: {  	_ =	shalt  }
0x7d: {  	_ =	shalt  }
0x7e: {  	_ =	shalt  }
0x7f: {  	_ =	shalt  }
0x80: {  	_ =	shalt  }
0x81: {  	_ =	shalt  }
0x82: {  	_ =	shalt  }
0x83: {  	_ =	shalt  }
0x84: {  	_ =	shalt  }
0x85: {  	_ =	shalt  }
0x86: {  	_ =	shalt  }
0x87: {  	_ =	shalt  }
.Lfunc_end0:
.L_simem_size_0:
called_computation.1_lowered:
.L_overlay_start_0:
0x88: {  	s2 =	sld [smem:$0x3FD9]  }
0x89: {  	s3 =	sld [smem:$0x3FFE];
	_ =	sdelay $0x1  }
0x8a: {  	s1 =	srdreg.scid  }
0x8b: {  	s0 =	sand.u32 $0x1, s1  }
0x8c: {  	s17 =	sshll.u32 s0, $0xA;
	s2 =	sadd.s32 s3, s2  }
0x8d: {  	s2 =	sadd.s32 s2, s17  }
0x8e: {  	[smem:$0x3FBE] =	sst s2  }
0x8f: {  	_ = 	snop  }
0x90: {  	s2 =	sld [smem:$0x3FD0];
	(tm) =	ssettm $0x1  }
0x91: {  	s18 =	sld [smem:$0x3FFB];
	_ =	sdelay $0x3  }
0x92: {  	_ =	strace s18  }
0x93: {  	s3 =	sld [smem:$0x3FFC];
	_ =	sdelay $0x3  }
0x94: {  	_ =	strace s3  }
0x95: {  	s3 =	sld [smem:$0x3FFD];
	_ =	sdelay $0x3  }
0x96: {  	_ =	strace s3  }
0x97: {  	_ =	strace $0x8FFFFFFF  }
0x98: {  	s19 =	sld [smem:$0x3FDB];
	_ =	sdelay $0x1  }
0x99: {  	s4 =	simm.s32 $_scs_section_size  }
0x9a: {  	s5 =	simm.s32 $_size__tile_overlayer_lowered;
	s6 =	simm.s32 $_tile_overlayer_lowered  }
0x9b: {  	s22 =	simm.s32 $0x1BFF;
	s21 =	sshll.u32 s6, $0x1;
	s3 =	sadd.s32 s4, s19  }
0x9c: {  	s7 =	simm.s32 $0x0;
	s20 =	sshll.u32 s5, $0x1;
	s5 =	sadd.s32 s21, s3  }
0x9d: {  	[timem:s7], [sflag:s22] =	dma.local [hbm:s5], s20  }
0x9e: {  	_ =	swait.ge [sflag:s22], s20  }
0x9f: {  	s4 =	ssub.s32 $0x0, s20;
	[sflag:s22] =	ssyncset.done $0x0  }
0xa0: {  	[sflag:s22] =	ssyncadd.s32 s4;
	_ =	sdelay $0x1  }
0xa1: {  	s23 =	simm.s32 $0x1B8B  }
0xa2: {  	_ =	swait.ge [sflag:s23], $0x1  }
0xa3: {  	[sflag:s23] =	ssyncset.done $0x0  }
0xa4: {  	s25 =	simm.s32 $0x1B8E;
	s24 =	sld [smem:$0x3FFE];
	[sflag:s23] =	ssyncadd.s32 $0xFFFFFFFF  }
0xa5: {  	s26 =	simm.s32 $execute0_lowered;
	[smem:$0x3FD2] =	sst s25  }
0xa6: {  	s5 =	sshll.u32 s26, $0x1;
	_ =	strace $0x80000049;
	[dreg:$0x1] =	wrdreg $0xFFFFFFFF  }
0xa7: {  	s28 =	simm.s32 $_size_execute0_lowered;
	s3 =	sadd.s32 s3, s5;
	[dreg:$0x0] =	wrdreg $0x0  }
0xa8: {  	s5 =	sshll.u32 s28, $0x1;
	[dreg:$0x2] =	wrdreg s3  }
0xa9: {  	[dreg:$0x3] =	wrdreg s5  }
0xaa: {  	[dreg:$0x4] =	wrdreg $0xC0  }
0xab: {  	_ =	task [dreg:s7], $0x5FFFF  }
0xac: {  	[dreg:$0x1] =	wrdreg $0xFFFFFFFF  }
0xad: {  	[dreg:$0x0] =	wrdreg $0x60  }
0xae: {  	[dreg:$0x2] =	wrdreg s24  }
0xaf: {  	[dreg:$0x3] =	wrdreg s2  }
0xb0: {  	[dreg:$0x4] =	wrdreg $0x62000  }
0xb1: {  	[dreg:$0x5] =	wrdreg $0x9  }
0xb2: {  	_ =	task.clear_ibuf [dreg:s7], $0x6FFFF;
	_ =	strace $0x90000049  }
0xb3: {  	s29 =	simm.s32 $0x9;
	_ =	strace $0x8000004B  }
0xb4: {  	_ =	swait.ge [sflag:s29], $0x1  }
0xb5: {  	[sflag:s29] =	ssyncadd.s32 $0xFFFFFFFF  }
0xb6: {  	_ =	strace $0x9000004B  }
0xb7: {  	_ =	sfence  }
0xb8: {  	s30 =	sld [smem:$0x0];
	_ =	sdelay $0x2  }
0xb9: {  	s31 =	sshll.u32 s1, $0xD;
	s1 =	sshrl.u32 s1, $0x2  }
0xba: {  	s3 =	sand.u32 $0x4000, s31;
	s1 =	sadd.s32 s1, s30  }
0xbb: {  	s0 =	sor.u32 s3, s0;
	s1 =	sshll.u32 s1, $0x11  }
0xbc: {  	s0 =	sor.u32 s1, s0  }
0xbd: {  	s0 =	sadd.s32 $0x8F2B, s0  }
0xbe: {  	[sflag:s0] =	ssyncadd.remote.s32 $0x1  }
0xbf: {  	_ =	sfence.sel $0xFFFF  }
0xc0: {  	[dreg:$0x0] =	wrdreg $0xFFFFFFFF;
	(pc) =	sbr.abs _section_cstart, $3  }
0xc1: {  	[dreg:$0x1] =	wrdreg $0xFFFFFFFF  }
0xc2: {  	_ =	task.clear_ibuf [dreg:s7], $0x2FFFF;
	_ =	strace $0x9FFFFFFF  }
0xc3: {  	(tm) =	ssettm $0x7FFFFFFF  }
tec
execute0_lowered:
.L_overlay_start_1:
0x0: {  	(tag) =	ssettag $0x1  }
0x1: {  	s1 =	rddreg [dreg:$0x0]  }
0x2: {  	s0 =	rddreg [dreg:$0x1];
	s3 =	srdreg.scid  }
0x3: {  	s2 =	rddreg [dreg:$0x2];
	s15 =	stileid.u32  }
0x4: {  	s4 =	simm.s32 $0x0;
	s16 =	simm.s32 $0x80;
	s18 =	simm.s32 $0x5  }
0x5: {  	s19 =	simm.s32 $0x200;
	s22 =	simm.s32 $0x2A00;
	s23 =	simm.s32 $0x180  }
0x6: {  	s28 =	simm.s32 $0x3;
	s29 =	simm.s32 $0x2;
	s30 =	simm.s32 $0x4  }
0x7: {  	s31 =	simm.s32 $0x0;
	s3 =	sand.u32 $0x1, s3;
	s14 =	smul.u32 $0xC580, s15  }
0x8: {  	[smem:$0x7FF] =	sst s4;
	s5 =	sadd.s32 $0x2200, s1;
	s6 =	sadd.s32 $0x1AE00, s1  }
0x9: {  	s7 =	sadd.s32 $0x1FE00, s1;
	s12 =	ssub.s32 $0x4D2, s15;
	s8 =	smul.u32 $0xC5800, s3  }
0xa: {  	p0 =	sne.s32 s15, $0x0;
	s9 =	smul.u32 $0x4E2, s3;
	s3 =	ssub.s32 $0x2, s3  }
0xb: {  	_ =	strace $0x8000004A;
	s11 =	sshrl.u32 s3, $0x1;
	s26 =	sadd.s32 s14, s2  }
.Ltmp0:
0xc: {  	s10 =	sadd.s32 s14, s8;
	s8 =	sadd.s32 s15, s9;
	(pc) =	sbr.rel .LBB2_1-.Ltmp0, $4  }
0xd: {  	s3 =	ssub.s32 s3, s11;
	s11 =	ssub.s32 $0x4E2, s15;
	s15 =	sshrl.u32 @!p0 s2, $0x3  }
0xe: {  	s24 =	sshrl.u32 s10, $0x3;
	s25 =	sshll.u32 s8, $0x4;
	s14 =	smax.u32 s3, $0x1  }
0xf: {  	s1 =	sadd.s32 s24, s1;
	s9 =	sadd.s32 s0, s25;
	s25 =	sshrl.u32 s26, $0x3  }
0x10: {  	v0 =	vimm.s32 $0x0;
	s26 =	simm.s32 $0x1;
	s10 =	sadd.s32 $0x100, s9;
	s13 =	sadd.s32 $0x38A00, s1  }
.LBB2_11:
0x11: {  	s1 =	stileid.u32;
	s31 =	sadd.s32 $0x1, s31  }
0x12: {  	s1 =	sshll.u32 s1, $0x6;
	p1 =	sne.s32 s31, s14  }
.Ltmp1:
0x13: {  	[bflag:$0x0] =	sbarrier.arrive $0xFFFF;
	s1 =	sor.u32 $0x1C05, s1;
	(pc) =	sbr.rel @!p1 .LBB2_12-.Ltmp1, $4  }
0x14: {  	[hbm:s13], [sflag:s1] =	dma.local [spmem:s25], $0x18B0  }
0x15: {  	_ =	swait.ge [sflag:s18], $0x18B0  }
0x16: {  	[sflag:s18] =	ssyncset.done $0x0  }
0x17: {  	[sflag:s18] =	ssyncadd.s32 $0xFFFFE750  }
.LBB2_1:
0x18: {  	s1 =	simm.s32 @!p0 $0x1C05  }
0x19: {  	[spmem:s15], [sflag:s1] =	dma.local @!p0 [hbm:s7], $0x18B00  }
0x1a: {  	s1 =	simm.s32 @!p0 $0x5  }
0x1b: {  	_ =	swait.ge @!p0 [sflag:s1], $0x18B00  }
0x1c: {  	[sflag:s1] =	ssyncset.done @!p0 $0x0  }
0x1d: {  	[sflag:s1] =	ssyncadd.s32 @!p0 $0xFFFE7500  }
0x1e: {  	s20 =	simm.s32 $0x4E200;
	[bflag:$0x0] =	sbarrier.arrive $0xFFFF  }
0x1f: {  	[tilespmem:s4], [sflag:$0x5] =	stream.strided.gather [hbm4b:s9+s16], $0x100, s20, s16, $0x38;
	[tilespmem:$0x12780] =	vst v63  }
0x20: {  	_ =	swait.ge [sflag:s18], $0x100  }
0x21: {  	[sflag:s18] =	ssyncset.done $0x0  }
0x22: {  	[sflag:s18] =	ssyncadd.s32 $0xFFFFFF00  }
0x23: {  	[tilespmem:s19], [sflag:$0x1] =	stream.indirect.gather [hbm4b:s5+s16], $0x50, s4, s16, $0xb8;
	[tilespmem:$0x12780] =	vst v63  }
0x24: {  	s3 =	simm.s32 $0x5200  }
0x25: {  	[tilespmem:s3], [sflag:$0x3] =	stream.indirect.gather [hbm4b:s6+s16], $0x10, s16, s16, $0xb8;
	[tilespmem:$0x12780] =	vst v63  }
0x26: {  	s21 =	simm.s32 $0x100  }
0x27: {  	[tilespmem:s21], [sflag:$0x5] =	stream.strided.gather [hbm4b:s10+s16], $0x100, s20, s16, $0x38;
	[tilespmem:$0x12780] =	vst v63  }
0x28: {  	_ =	swait.ge [sflag:s18], $0x100  }
.Ltmp2:
0x29: {  	[sflag:s18] =	ssyncset.done $0x0;
	(pc) =	sbr.rel .LBB2_2-.Ltmp2, $4  }
0x2a: {  	[sflag:s18] =	ssyncadd.s32 $0xFFFFFF00  }
0x2b: {  	[tilespmem:s22], [sflag:$0x2] =	stream.indirect.gather [hbm4b:s5+s16], $0x50, s21, s16, $0xb8;
	[tilespmem:$0x12780] =	vst v63  }
0x2c: {  	s24 =	simm.s32 $0x5A00;
	s1 =	simm.s32 $0x0  }
0x2d: {  	[tilespmem:s24], [sflag:$0x4] =	stream.indirect.gather [hbm4b:s6+s16], $0x10, s23, s16, $0xb8;
	[tilespmem:$0x12780] =	vst v63  }
.LBB2_10:
0x2e: {  	s3 =	sadd.s32 $0x30, s20  }
0x2f: {  	p1 =	sge.u32 s3, s11  }
0x30: {  	s3 =	sadd.s32 @!p1 s8, s3  }
0x31: {  	s17 =	simm.s32 @!p1 $0x80;
	s3 =	sshll.u32 @!p1 s3, $0x4  }
0x32: {  	s20 =	simm.s32 @!p1 $0x4E200;
	s21 =	simm.s32 @!p1 $0x100;
	s3 =	sadd.s32 @!p1 s0, s3  }
0x33: {  	[tilespmem:s21], [sflag:$0x5] =	stream.strided.gather @!p1 [hbm4b:s3+s17], $0x100, s20, s17, $0x38;
	[tilespmem:$0x12780] =	vst v63  }
0x34: {  	s3 =	simm.s32 @!p1 $0x5  }
0x35: {  	_ =	swait.ge @!p1 [sflag:s3], $0x100  }
0x36: {  	[sflag:s3] =	ssyncset.done @!p1 $0x0  }
0x37: {  	[sflag:s3] =	ssyncadd.s32 @!p1 $0xFFFFFF00;
	s3 =	simm.s32 @!p1 $0x2A00  }
0x38: {  	[tilespmem:s3], [sflag:$0x2] =	stream.indirect.gather @!p1 [hbm4b:s5+s17], $0x50, s21, s17, $0xb8;
	[tilespmem:$0x12780] =	vst v63  }
0x39: {  	s1 =	sadd.s32 $0x1, s1;
	s20 =	simm.s32 @!p1 $0x5A00;
	s3 =	simm.s32 @!p1 $0x180  }
0x3a: {  	[tilespmem:s20], [sflag:$0x4] =	stream.indirect.gather @!p1 [hbm4b:s6+s17], $0x10, s3, s17, $0xb8;
	[tilespmem:$0x12780] =	vst v63  }
0x3b: {  	p1 =	sne.s32 s1, $0x28  }
.Ltmp3:
0x3c: {  	_ = 	snop;
	(pc) =	sbr.rel @!p1 .LBB2_11-.Ltmp3, $1  }
0x3d: {  	_ =	sdelay $0x3  }
.LBB2_2:
0x3e: {  	s20 =	sshll.u32 s1, $0x5  }
0x3f: {  	p1 =	sge.u32 s20, s11  }
.Ltmp4:
0x40: {  	_ = 	snop;
	(pc) =	sbr.rel @p1 .LBB2_6-.Ltmp4, $1  }
0x41: {  	_ =	sdelay $0x3  }
0x42: {  	_ =	swait.ge [sflag:s26], $0x2800  }
0x43: {  	[sflag:s26] =	ssyncset.done $0x0  }
0x44: {  	[sflag:s26] =	ssyncadd.s32 $0xFFFFD800  }
0x45: {  	_ =	swait.ge [sflag:s28], $0x800  }
0x46: {  	[sflag:s28] =	ssyncset.done $0x0  }
0x47: {  	s24 =	simm.s32 $0x480;
	[sflag:s28] =	ssyncadd.s32 $0xFFFFF800  }
0x48: {  	s3 =	simm.s32 $0x5280;
	v1 =	vld [tilespmem:s24+$0x270]  }
0x49: {  	v2 =	vld [tilespmem:s3+$0x70]  }
0x4a: {  	v3 =	vld [tilespmem:s3+$0xFFFFFF80]  }
0x4b: {  	v4 =	vld [tilespmem:s24+$0xFFFFFE10]  }
0x4c: {  	v5 =	vld [tilespmem:s3+$0xFFFFFF90]  }
0x4d: {  	v6 =	vld [tilespmem:s24+$0xFFFFFE60]  }
0x4e: {  	v7 =	vld [tilespmem:s3+$0xFFFFFFA0]  }
0x4f: {  	v8 =	vld [tilespmem:s24+$0xFFFFFEB0]  }
0x50: {  	v9 =	vld [tilespmem:s3+$0xFFFFFFB0]  }
0x51: {  	v10 =	vld [tilespmem:s24+$0xFFFFFF00]  }
0x52: {  	v11 =	vld [tilespmem:s3+$0xFFFFFFC0]  }
0x53: {  	v12 =	vld [tilespmem:s24+$0xFFFFFF50]  }
0x54: {  	v13 =	vld [tilespmem:s3+$0xFFFFFFD0]  }
0x55: {  	v14 =	vld [tilespmem:s3+$0xFFFFFFE0]  }
0x56: {  	v16 =	vld [tilespmem:s24+$0xFFFFFFF0]  }
0x57: {  	v17 =	vld [tilespmem:s3+$0xFFFFFFF0]  }
0x58: {  	v18 =	vld [tilespmem:s3+$0x0]  }
0x59: {  	v26 =	vld [tilespmem:s24+$0x220]  }
0x5a: {  	v29 =	vld [tilespmem:s24+$0xFFFFFD90]  }
0x5b: {  	v34 =	vld [tilespmem:s24+$0xFFFFFE80];
	v1 =	vadd.f32 v2, v1  }
0x5c: {  	v35 =	vld [tilespmem:s24+$0xFFFFFE90];
	v4 =	vadd.f32 v5, v4;
	v6 =	vadd.f32 v7, v6  }
0x5d: {  	v36 =	vld [tilespmem:s24+$0xFFFFFEA0];
	v8 =	vadd.f32 v9, v8;
	v10 =	vadd.f32 v11, v10  }
0x5e: {  	v37 =	vld [tilespmem:s24+$0xFFFFFEC0];
	v12 =	vadd.f32 v13, v12;
	v16 =	vadd.f32 v17, v16  }
0x5f: {  	v41 =	vld [tilespmem:s24+$0xFFFFFED0];
	v15 =	vmul.f32 $2.000000030e-01, v1;
	vm0 =	vge.f32 v1, $0.0e+00;
	v19 =	vmul.f32 $2.000000030e-01, v4  }
0x60: {  	v2 =	vld [tilespmem:s24+$0xFFFFFFA0];
	vm14 =	vge.f32 v4, $0.0e+00;
	vm1 =	vge.f32 v6, $0.0e+00;
	vm2 =	vge.f32 v8, $0.0e+00  }
0x61: {  	v5 =	vld [tilespmem:s24+$0x40];
	v20 =	vmul.f32 $2.000000030e-01, v8;
	vm15 =	vge.f32 v10, $0.0e+00;
	v21 =	vmul.f32 $2.000000030e-01, v10  }
0x62: {  	v7 =	vld [tilespmem:s24+$0x90];
	vm4 =	vge.f32 v12, $0.0e+00;
	v25 =	vmul.f32 $2.000000030e-01, v16;
	vm7 =	vge.f32 v16, $0.0e+00  }
0x63: {  	v9 =	vld [tilespmem:s3+$0x10];
	v1 =	vsel vm0, v1, v15;
	v4 =	vsel vm14, v4, v19;
	v8 =	vsel vm2, v8, v20  }
0x64: {  	v42 =	vld [tilespmem:s24+$0xFFFFFEE0];
	v20 =	vmul.f32 $2.000000030e-01, v12;
	v10 =	vsel vm15, v10, v21;
	v16 =	vsel vm7, v16, v25  }
0x65: {  	v43 =	vld [tilespmem:s24+$0xFFFFFEF0];
	v15 =	vmul.f32 $1.442695020e+00, v1;
	vm0 =	vlt.f32 v4, $-1.000000010e-01;
	v4 =	vmul.f32 $1.442695020e+00, v4  }
0x66: {  	v44 =	vld [tilespmem:s24+$0xFFFFFF10];
	v2 =	vadd.f32 v14, v2;
	v23 =	vmul.f32 $1.442695020e+00, v8;
	v24 =	vmul.f32 $1.442695020e+00, v10  }
0x67: {  	v11 =	vld [tilespmem:s24+$0xE0];
	vm6 =	vlt.f32 v1, $-1.000000010e-01;
	v5 =	vadd.f32 v18, v5;
	(erf) = vpow2.f32 v15  }
0x68: {  	v21 =	vld [tilespmem:s3+$0x40];
	v7 =	vadd.f32 v9, v7;
	v31 =	vmul.f32 $1.442695020e+00, v16;
	v15 =	vmul.f32 $2.000000030e-01, v6  }
0x69: {  	v9 =	vld [tilespmem:s24+$0xFFFFFDC0];
	vm3 =	vlt.f32 v8, $-1.000000010e-01;
	vm15 =	vlt.f32 v10, $-1.000000010e-01;
	vm7 =	vlt.f32 v16, $-1.000000010e-01  }
0x6a: {  	v12 =	vsel vm4, v12, v20;
	vm5 =	vge.f32 v2, $0.0e+00;
	v6 =	vsel vm1, v6, v15;
	v15 =	vld [tilespmem:s3+$0x20]  }
0x6b: {  	v14 =	vld [tilespmem:s24+$0x180];
	vm8 =	vge.f32 v5, $0.0e+00;
	v27 =	vmul.f32 $2.000000030e-01, v5;
	v22 =	vmul.f32 $1.442695020e+00, v6  }
0x6c: {  	v45 =	vld [tilespmem:s24+$0xFFFFFDB0];
	v28 =	vmul.f32 $1.442695020e+00, v12;
	vm9 =	vge.f32 v7, $0.0e+00;
	(erf) = vpow2.f32 v4  }
0x6d: {  	v58 =	vld [tilespmem:s24+$0xFFFFFF20];
	v5 =	vsel vm8, v5, v27;
	(erf) = vpow2.f32 v22;
	v22 =	vmul.f32 $2.000000030e-01, v2  }
0x6e: {  	v47 =	vld [tilespmem:s24+$0xFFFFFF70];
	v27 =	vmul.f32 $2.000000030e-01, v7;
	v32 =	vmul.f32 $1.442695020e+00, v5;
	v3 =	vadd.f32 v3, v9  }
0x6f: {  	v17 =	vld [tilespmem:s24+$0x1D0];
	vm12 =	vlt.f32 v6, $-1.000000010e-01;
	v2 =	vsel vm5, v2, v22;
	v11 =	vadd.f32 v15, v11  }
0x70: {  	v20 =	vld [tilespmem:s3+$0x50];
	v14 =	vadd.f32 v21, v14;
	v30 =	vmul.f32 $1.442695020e+00, v2;
	v1 =	vpop (erf);
	(erf) = vpow2.f32 v23  }
0x71: {  	v19 =	vld [tilespmem:s24+$0x260];
	v7 =	vsel vm9, v7, v27;
	v27 =	vmul.f32 $2.000000030e-01, v11;
	(erf) = vpow2.f32 v24  }
0x72: {  	v13 =	vld [tilespmem:s24+$0x130];
	vm10 =	vge.f32 v11, $0.0e+00;
	v18 =	vsel vm6, $0x2EDBE6FF, v1;
	(erf) = vpow2.f32 v28  }
0x73: {  	v4 =	vld [tilespmem:s3+$0x30];
	v1 =	vperm.xlane v18, v0;
	v11 =	vsel vm10, v11, v27;
	(erf) = vpow2.f32 v30  }
0x74: {  	vm8 =	vlt.f32 v5, $-1.000000010e-01;
	v23 =	vld [tilespmem:s24+$0xFFFFFDD0];
	(erf) = vpow2.f32 v31;
	v31 =	vmul.f32 $1.442695020e+00, v11  }
0x75: {  	v9 =	vld [tilespmem:s24+$0xFFFFFDE0];
	v17 =	vadd.f32 v20, v17;
	vm11 =	vge.f32 v3, $0.0e+00;
	v24 =	vmul.f32 $1.442695020e+00, v7;
	v54 =	vpop (erf)  }
0x76: {  	v28 =	vld [tilespmem:s24+$0xFFFFFDF0];
	v19 =	vmul.f32 v19, v1;
	(erf) = vpow2.f32 v32;
	v32 =	vsel vm0, $0x2EDBE6FF, v54  }
0x77: {  	vm4 =	vge.f32 v14, $0.0e+00;
	v30 =	vld [tilespmem:s24+$0xFFFFFE00];
	(erf) = vpow2.f32 v24;
	[tilespmem:s24+$0xFFFFFE10] =	vst v32;
	v32 =	vperm.xlane v32, v0  }
0x78: {  	v61 =	vld [tilespmem:s24+$0xA0];
	v8 =	vmul.f32 $2.000000030e-01, v14;
	v4 =	vadd.f32 v4, v13;
	[tilespmem:s24+$0x270] =	vst v18;
	(erf) = vpow2.f32 v31;
	v31 =	vpop (erf)  }
0x79: {  	v13 =	vmul.f32 $2.000000030e-01, v3;
	v22 =	vld [tilespmem:s3+$0x60];
	[tilespmem:s24+$0x260] =	vst v19;
	v23 =	vmul.f32 v23, v32;
	v31 =	vsel vm12, $0x2EDBE6FF, v31  }
0x7a: {  	v63 =	vld [tilespmem:s24+$0xB0];
	v55 =	vmul.f32 $2.000000030e-01, v17;
	vm14 =	vge.f32 v17, $0.0e+00;
	v9 =	vmul.f32 v9, v32;
	[tilespmem:s24+$0xFFFFFE60] =	vst v31  }
0x7b: {  	v49 =	vld [tilespmem:s24+$0xC0];
	v8 =	vsel vm4, v14, v8;
	vm4 =	vlt.f32 v12, $-1.000000010e-01;
	v28 =	vmul.f32 v28, v32;
	[tilespmem:s24+$0xFFFFFDD0] =	vst v23  }
0x7c: {  	v3 =	vsel vm11, v3, v13;
	vm13 =	vge.f32 v4, $0.0e+00;
	v27 =	vld [tilespmem:s24+$0xFFFFFE20];
	v30 =	vmul.f32 v30, v32;
	[tilespmem:s24+$0xFFFFFDE0] =	vst v9  }
0x7d: {  	v13 =	vld [tilespmem:s24+$0xFFFFFE30];
	v33 =	vmul.f32 $2.000000030e-01, v4;
	v17 =	vsel vm14, v17, v55;
	v38 =	vmul.f32 $1.442695020e+00, v8;
	v20 =	vpop (erf);
	[tilespmem:s24+$0xFFFFFDF0] =	vst v28  }
0x7e: {  	v50 =	vld [tilespmem:s24+$0xD0];
	v6 =	vmul.f32 $1.442695020e+00, v3;
	v22 =	vadd.f32 v22, v26;
	v26 =	vpop (erf);
	v10 =	vsel vm3, $0x2EDBE6FF, v20;
	[tilespmem:s24+$0xFFFFFE00] =	vst v30  }
0x7f: {  	vm5 =	vlt.f32 v2, $-1.000000010e-01;
	v24 =	vld [tilespmem:s24+$0xFFFFFE40];
	v31 =	vperm.xlane v31, v0;
	v14 =	vpop (erf);
	v12 =	vsel vm15, $0x2EDBE6FF, v26;
	[tilespmem:s24+$0xFFFFFEB0] =	vst v10  }
0x80: {  	v4 =	vsel vm13, v4, v33;
	(erf) = vpow2.f32 v6;
	v6 =	vld [tilespmem:s24+$0xFFFFFE70];
	v56 =	vpop (erf);
	v2 =	vsel vm4, $0x2EDBE6FF, v14;
	[tilespmem:s24+$0xFFFFFF00] =	vst v12  }
0x81: {  	v52 =	vld [tilespmem:s24+$0xF0];
	vm6 =	vlt.f32 v3, $-1.000000010e-01;
	v27 =	vmul.f32 v27, v31;
	v3 =	vsel vm5, $0x2EDBE6FF, v56;
	[tilespmem:s24+$0xFFFFFF50] =	vst v2  }
0x82: {  	v53 =	vld [tilespmem:s24+$0x110];
	vm11 =	vlt.f32 v11, $-1.000000010e-01;
	v11 =	vperm.xlane v12, v0;
	v12 =	vmul.f32 v13, v31;
	[tilespmem:s24+$0xFFFFFFA0] =	vst v3  }
0x83: {  	v21 =	vld [tilespmem:s24+$0xFFFFFE50];
	v18 =	vmul.f32 $2.000000030e-01, v22;
	vm9 =	vge.f32 v22, $0.0e+00;
	v10 =	vperm.xlane v10, v0;
	v40 =	vpop (erf);
	[tilespmem:s24+$0xFFFFFE20] =	vst v27  }
0x84: {  	v25 =	vld [tilespmem:s24+$0xFFFFFD80];
	v30 =	vperm.xlane v2, v0;
	v2 =	vmul.f32 v24, v31;
	v5 =	vsel vm7, $0x2EDBE6FF, v40;
	[tilespmem:s24+$0xFFFFFE30] =	vst v12  }
0x85: {  	v15 =	vld [tilespmem:s24+$0xFFFFFDA0];
	v19 =	vmul.f32 $1.442695020e+00, v4;
	vm12 =	vlt.f32 v4, $-1.000000010e-01;
	v4 =	vmul.f32 v6, v10;
	[tilespmem:s24+$0xFFFFFFF0] =	vst v5  }
0x86: {  	v55 =	vld [tilespmem:s24+$0x140];
	v39 =	vmul.f32 $1.442695020e+00, v17;
	v18 =	vsel vm9, v22, v18;
	v6 =	vmul.f32 v35, v10;
	[tilespmem:s24+$0xFFFFFE40] =	vst v2  }
0x87: {  	vm13 =	vlt.f32 v8, $-1.000000010e-01;
	vm10 =	vlt.f32 v7, $-1.000000010e-01;
	v46 =	vmul.f32 $1.442695020e+00, v18;
	v23 =	vld [tilespmem:s24+$0xFFFFFFD0];
	v20 =	vpop (erf);
	[tilespmem:s24+$0xFFFFFE70] =	vst v4  }
0x88: {  	v9 =	vld [tilespmem:s24+$0xFFFFFFE0];
	v8 =	vperm.xlane v3, v0;
	v3 =	vmul.f32 v21, v31;
	v7 =	vsel vm8, $0x2EDBE6FF, v20;
	[tilespmem:s24+$0xFFFFFE90] =	vst v6  }
0x89: {  	(erf) = vpow2.f32 v19;
	v28 =	vld [tilespmem:s24+$0x0];
	v60 =	vmul.f32 v37, v11;
	[tilespmem:s24+$0x40] =	vst v7  }
0x8a: {  	(erf) = vpow2.f32 v38;
	v13 =	vld [tilespmem:s24+$0x10];
	v62 =	vmul.f32 v41, v11;
	[tilespmem:s24+$0xFFFFFE50] =	vst v3  }
0x8b: {  	v24 =	vld [tilespmem:s24+$0x20];
	v48 =	vmul.f32 v42, v11;
	v11 =	vmul.f32 v43, v11;
	[tilespmem:s24+$0xFFFFFEC0] =	vst v60  }
0x8c: {  	vm14 =	vlt.f32 v17, $-1.000000010e-01;
	v12 =	vld [tilespmem:s24+$0x30];
	v17 =	vperm.xlane v5, v0;
	v5 =	vmul.f32 v34, v10;
	[tilespmem:s24+$0xFFFFFED0] =	vst v62  }
0x8d: {  	vm15 =	vlt.f32 v18, $-1.000000010e-01;
	v21 =	vld [tilespmem:s24+$0x50];
	v26 =	vpop (erf);
	v51 =	vmul.f32 v44, v30;
	v33 =	vmul.f32 v58, v30;
	[tilespmem:s24+$0xFFFFFEE0] =	vst v48  }
0x8e: {  	v27 =	vld [tilespmem:s24+$0x60];
	v14 =	vpop (erf);
	v22 =	vsel vm10, $0x2EDBE6FF, v26;
	(erf) = vpow2.f32 v39;
	v18 =	vperm.xlane v7, v0;
	[tilespmem:s24+$0xFFFFFEF0] =	vst v11  }
0x8f: {  	v20 =	vld [tilespmem:s24+$0xFFFFFF40];
	v7 =	vmul.f32 v36, v10;
	v57 =	vpop (erf);
	[tilespmem:s24+$0x90] =	vst v22;
	(erf) = vpow2.f32 v46  }
0x90: {  	v26 =	vld [tilespmem:s24+$0xFFFFFF60];
	v2 =	vsel vm11, $0x2EDBE6FF, v14;
	v22 =	vperm.xlane v22, v0;
	[tilespmem:s24+$0xFFFFFE80] =	vst v5;
	v23 =	vmul.f32 v23, v17  }
0x91: {  	v10 =	vld [tilespmem:s24+$0x80];
	[tilespmem:s24+$0xFFFFFF10] =	vst v51;
	v9 =	vmul.f32 v9, v17;
	v31 =	vperm.xlane v2, v0  }
0x92: {  	v60 =	vld [tilespmem:s24+$0x190];
	[tilespmem:s24+$0xFFFFFF20] =	vst v33;
	v16 =	vsel vm6, $0x2EDBE6FF, v57;
	v28 =	vmul.f32 v28, v18;
	v56 =	vmul.f32 v13, v18  }
0x93: {  	v62 =	vld [tilespmem:s24+$0x1C0];
	[tilespmem:s24+$0xFFFFFEA0] =	vst v7;
	v58 =	vmul.f32 v24, v18;
	v59 =	vperm.xlane v16, v0  }
0x94: {  	v14 =	vld [tilespmem:s24+$0x70];
	[tilespmem:s24+$0xFFFFFDC0] =	vst v16;
	v12 =	vmul.f32 v12, v18;
	v20 =	vmul.f32 v20, v30  }
0x95: {  	v57 =	vld [tilespmem:s24+$0x160];
	v3 =	vpop (erf);
	[tilespmem:s24+$0xFFFFFFE0] =	vst v9;
	v25 =	vmul.f32 v25, v59;
	v29 =	vmul.f32 v29, v59  }
0x96: {  	v16 =	vld [tilespmem:s24+$0xFFFFFF30];
	v3 =	vsel vm12, $0x2EDBE6FF, v3;
	[tilespmem:s24+$0x0] =	vst v28;
	v15 =	vmul.f32 v15, v59;
	v19 =	vmul.f32 v45, v59  }
0x97: {  	v18 =	vld [tilespmem:s24+$0x170];
	v32 =	vperm.xlane v3, v0;
	v11 =	vmul.f32 v26, v8;
	[tilespmem:s24+$0xFFFFFF40] =	vst v20  }
0x98: {  	v4 =	vpop (erf);
	v26 =	vmul.f32 v47, v8;
	v59 =	vmul.f32 v21, v22;
	[tilespmem:s24+$0xFFFFFD80] =	vst v25;
	v25 =	vld [tilespmem:s24+$0xFFFFFF80]  }
0x99: {  	v4 =	vsel vm13, $0x2EDBE6FF, v4;
	v13 =	vmul.f32 v10, v22;
	v10 =	vmul.f32 v61, v31;
	[tilespmem:s24+$0xFFFFFD90] =	vst v29;
	v29 =	vld [tilespmem:s24+$0xFFFFFF90]  }
0x9a: {  	v9 =	vld [tilespmem:s24+$0x1F0];
	v36 =	vperm.xlane v4, v0;
	v14 =	vmul.f32 v14, v22;
	[tilespmem:s24+$0xFFFFFDA0] =	vst v15  }
0x9b: {  	v15 =	vld [tilespmem:s24+$0xFFFFFFB0];
	[tilespmem:s24+$0xFFFFFF60] =	vst v11;
	v11 =	vmul.f32 v63, v31;
	v20 =	vmul.f32 v52, v32  }
0x9c: {  	[tilespmem:s24+$0xFFFFFDB0] =	vst v19;
	v19 =	vld [tilespmem:s24+$0xFFFFFFC0];
	v24 =	vmul.f32 v53, v32;
	v16 =	vmul.f32 v16, v30  }
0x9d: {  	[tilespmem:s24+$0xFFFFFF70] =	vst v26;
	v30 =	vld [tilespmem:s24+$0x100];
	v26 =	vmul.f32 v55, v36;
	v28 =	vmul.f32 v57, v36;
	v5 =	vpop (erf)  }
0x9e: {  	[tilespmem:s24+$0xFFFFFFD0] =	vst v23;
	v6 =	vpop (erf);
	v25 =	vmul.f32 v25, v8;
	v8 =	vmul.f32 v29, v8;
	v29 =	vld [tilespmem:s24+$0x120]  }
0x9f: {  	v61 =	vld [tilespmem:s24+$0x1B0];
	v5 =	vsel vm14, $0x2EDBE6FF, v5;
	[tilespmem:s24+$0xFFFFFF30] =	vst v16;
	v16 =	vmul.f32 v50, v31;
	v6 =	vsel vm15, $0x2EDBE6FF, v6  }
0xa0: {  	[tilespmem:s24+$0x10] =	vst v56;
	v63 =	vld [tilespmem:s24+$0x1E0];
	v39 =	vperm.xlane v5, v0;
	v7 =	vperm.xlane v6, v0  }
0xa1: {  	[tilespmem:s24+$0x20] =	vst v58;
	v15 =	vmul.f32 v15, v17;
	v54 =	vmul.f32 v19, v17;
	v17 =	vld [tilespmem:s24+$0x150]  }
0xa2: {  	v19 =	vmul.f32 v27, v22;
	v22 =	vmul.f32 v18, v36;
	[tilespmem:s24+$0xFFFFFF90] =	vst v8;
	v8 =	vld [tilespmem:s24+$0x1A0]  }
0xa3: {  	v21 =	vmul.f32 v30, v32;
	[tilespmem:s24+$0xFFFFFF80] =	vst v25;
	v25 =	vmul.f32 v29, v32;
	v29 =	vld [tilespmem:s24+$0x200]  }
0xa4: {  	[tilespmem:s24+$0x30] =	vst v12;
	v30 =	vld [tilespmem:s24+$0x210];
	v23 =	vmul.f32 v60, v39;
	v18 =	vmul.f32 v61, v39  }
0xa5: {  	[tilespmem:s24+$0xFFFFFFB0] =	vst v15;
	v15 =	vmul.f32 v49, v31;
	v31 =	vld [tilespmem:s24+$0x230];
	v12 =	vmul.f32 v63, v7  }
0xa6: {  	[tilespmem:s24+$0x50] =	vst v59;
	v9 =	vmul.f32 v9, v7;
	v27 =	vmul.f32 v17, v36;
	v32 =	vld [tilespmem:s24+$0x240]  }
0xa7: {  	s17 =	simm.s32 $0x0;
	s21 =	simm.s32 $0x980;
	v33 =	vld [tilespmem:s24+$0x250];
	[tilespmem:s24+$0xFFFFFFC0] =	vst v54;
	v17 =	vmul.f32 v8, v39;
	v8 =	vmul.f32 v62, v39  }
.LBB2_4:
0xa8: {  	v34 =	vld [tilespmem:s21+$0x270];
	[tilespmem:s24+$0x60] =	vst v19;
	v19 =	vmul.f32 v29, v7;
	s3 =	sadd.s32 $0x100, s3  }
0xa9: {  	s17 =	sadd.s32 $0x10, s17;
	v29 =	vld [tilespmem:s3+$0x70];
	[tilespmem:s24+$0x70] =	vst v14;
	v14 =	vmul.f32 v30, v7  }
0xaa: {  	p1 =	slt.u32 s17, $0x70;
	v7 =	vld [tilespmem:s3+$0xFFFFFF80];
	[tilespmem:s24+$0x80] =	vst v13;
	v13 =	vmul.f32 v31, v1  }
0xab: {  	v30 =	vld [tilespmem:s21+$0xFFFFFE10];
	[tilespmem:s24+$0xA0] =	vst v10;
	v10 =	vmul.f32 v32, v1  }
0xac: {  	v31 =	vld [tilespmem:s3+$0xFFFFFF90];
	[tilespmem:s24+$0xB0] =	vst v11;
	v11 =	vmul.f32 v33, v1  }
0xad: {  	v1 =	vld [tilespmem:s21+$0xFFFFFE60];
	[tilespmem:s24+$0xC0] =	vst v15  }
0xae: {  	v15 =	vld [tilespmem:s3+$0xFFFFFFA0];
	v29 =	vadd.f32 v29, v34;
	[tilespmem:s24+$0xD0] =	vst v16  }
0xaf: {  	v16 =	vld [tilespmem:s21+$0xFFFFFEB0];
	[tilespmem:s24+$0xF0] =	vst v20  }
0xb0: {  	v20 =	vld [tilespmem:s3+$0xFFFFFFB0];
	v32 =	vmul.f32 $2.000000030e-01, v29;
	[tilespmem:s24+$0x100] =	vst v21  }
0xb1: {  	vm0 =	vge.f32 v29, $0.0e+00;
	v21 =	vadd.f32 v31, v30;
	v30 =	vld [tilespmem:s21+$0xFFFFFF00];
	[tilespmem:s24+$0x110] =	vst v24  }
0xb2: {  	v24 =	vld [tilespmem:s3+$0xFFFFFFC0];
	v29 =	vsel vm0, v29, v32;
	[tilespmem:s24+$0x120] =	vst v25  }
0xb3: {  	v25 =	vmul.f32 $2.000000030e-01, v21;
	v1 =	vadd.f32 v15, v1;
	v15 =	vld [tilespmem:s21+$0xFFFFFF50];
	v31 =	vmul.f32 $1.442695020e+00, v29;
	[tilespmem:s24+$0x140] =	vst v26  }
0xb4: {  	vm0 =	vge.f32 v21, $0.0e+00;
	v26 =	vld [tilespmem:s3+$0xFFFFFFD0];
	[tilespmem:s24+$0x150] =	vst v27  }
0xb5: {  	v27 =	vmul.f32 $2.000000030e-01, v1;
	v16 =	vadd.f32 v20, v16;
	v20 =	vld [tilespmem:s21+$0xFFFFFFA0];
	(erf) = vpow2.f32 v31;
	[tilespmem:s24+$0x160] =	vst v28  }
0xb6: {  	v21 =	vsel vm0, v21, v25;
	vm1 =	vge.f32 v1, $0.0e+00;
	v25 =	vld [tilespmem:s3+$0xFFFFFFE0];
	[tilespmem:s24+$0x170] =	vst v22  }
0xb7: {  	vm2 =	vge.f32 v16, $0.0e+00;
	v22 =	vmul.f32 $2.000000030e-01, v16;
	v24 =	vadd.f32 v24, v30;
	v28 =	vld [tilespmem:s21+$0xFFFFFFF0];
	[tilespmem:s24+$0x190] =	vst v23  }
0xb8: {  	vm0 =	vlt.f32 v21, $-1.000000010e-01;
	v21 =	vmul.f32 $1.442695020e+00, v21;
	v23 =	vsel vm1, v1, v27;
	v1 =	vld [tilespmem:s3+$0xFFFFFFF0];
	[tilespmem:s24+$0x1A0] =	vst v17  }
0xb9: {  	vm1 =	vge.f32 v24, $0.0e+00;
	v17 =	vmul.f32 $2.000000030e-01, v24;
	v15 =	vadd.f32 v26, v15;
	v26 =	vld [tilespmem:s21+$0x40];
	[tilespmem:s24+$0x1B0] =	vst v18  }
0xba: {  	v18 =	vmul.f32 $1.442695020e+00, v23;
	v16 =	vsel vm2, v16, v22;
	v22 =	vld [tilespmem:s3+$0x0];
	(erf) = vpow2.f32 v21;
	[tilespmem:s24+$0x1C0] =	vst v8  }
0xbb: {  	vm2 =	vge.f32 v15, $0.0e+00;
	v21 =	vmul.f32 $2.000000030e-01, v15;
	v20 =	vadd.f32 v25, v20;
	v25 =	vld [tilespmem:s21+$0x90];
	[tilespmem:s24+$0x1E0] =	vst v12  }
0xbc: {  	v12 =	vmul.f32 $1.442695020e+00, v16;
	v8 =	vsel vm1, v24, v17;
	v17 =	vld [tilespmem:s3+$0x10];
	(erf) = vpow2.f32 v18;
	[tilespmem:s24+$0x1F0] =	vst v9  }
0xbd: {  	vm1 =	vge.f32 v20, $0.0e+00;
	v9 =	vmul.f32 $2.000000030e-01, v20;
	v18 =	vadd.f32 v1, v28;
	v24 =	vld [tilespmem:s21+$0x260];
	[tilespmem:s24+$0x200] =	vst v19  }
0xbe: {  	v19 =	vmul.f32 $1.442695020e+00, v8;
	v21 =	vsel vm2, v15, v21;
	vm2 =	vlt.f32 v29, $-1.000000010e-01;
	v15 =	vld [tilespmem:s21+$0xE0];
	v1 =	vpop (erf);
	[tilespmem:s24+$0x210] =	vst v14  }
0xbf: {  	v14 =	vmul.f32 $2.000000030e-01, v18;
	v22 =	vadd.f32 v22, v26;
	v26 =	vld [tilespmem:s3+$0x20];
	v27 =	vsel vm2, $0x2EDBE6FF, v1;
	[tilespmem:s24+$0x230] =	vst v13  }
0xc0: {  	v9 =	vsel vm1, v20, v9;
	vm1 =	vge.f32 v18, $0.0e+00;
	v13 =	vld [tilespmem:s21+$0x130];
	v1 =	vperm.xlane v27, v0;
	[tilespmem:s24+$0x240] =	vst v10  }
0xc1: {  	vm2 =	vge.f32 v22, $0.0e+00;
	v10 =	vmul.f32 $2.000000030e-01, v22;
	v17 =	vadd.f32 v17, v25;
	v20 =	vld [tilespmem:s3+$0x30];
	[tilespmem:s24+$0x250] =	vst v11  }
0xc2: {  	v11 =	vmul.f32 $1.442695020e+00, v21;
	v18 =	vsel vm1, v18, v14;
	v14 =	vld [tilespmem:s21+$0x180];
	v24 =	vmul.f32 v24, v1;
	[tilespmem:s24+$0xE0] =	vst v2  }
0xc3: {  	v2 =	vsel vm2, v22, v10;
	vm1 =	vge.f32 v17, $0.0e+00;
	v10 =	vmul.f32 $2.000000030e-01, v17;
	v22 =	vld [tilespmem:s3+$0x40];
	v25 =	vpop (erf);
	[tilespmem:s24+$0x130] =	vst v3  }
0xc4: {  	v28 =	vmul.f32 $1.442695020e+00, v18;
	v3 =	vmul.f32 $1.442695020e+00, v9;
	v15 =	vadd.f32 v26, v15;
	v26 =	vld [tilespmem:s21+$0x1D0];
	[tilespmem:s21+$0x260] =	vst v24  }
0xc5: {  	v24 =	vmul.f32 $1.442695020e+00, v2;
	v17 =	vsel vm1, v17, v10;
	v10 =	vld [tilespmem:s3+$0x50];
	v29 =	vpop (erf);
	(erf) = vpow2.f32 v12;
	[tilespmem:s24+$0x180] =	vst v4  }
0xc6: {  	vm3 =	vge.f32 v15, $0.0e+00;
	v4 =	vmul.f32 $2.000000030e-01, v15;
	v12 =	vadd.f32 v20, v13;
	v13 =	vld [tilespmem:s21+$0x220];
	[tilespmem:s24+$0x1D0] =	vst v5  }
0xc7: {  	vm1 =	vlt.f32 v23, $-1.000000010e-01;
	v20 =	vmul.f32 $1.442695020e+00, v17;
	v23 =	vld [tilespmem:s3+$0x60];
	(erf) = vpow2.f32 v19;
	[tilespmem:s24+$0x220] =	vst v6;
	s24 =	smov.u32 s21  }
0xc8: {  	v19 =	vld [tilespmem:s21+$0xFFFFFDC0];
	vm4 =	vge.f32 v12, $0.0e+00;
	v30 =	vmul.f32 $2.000000030e-01, v12;
	v14 =	vadd.f32 v22, v14;
	[tilespmem:s21+$0x270] =	vst v27  }
0xc9: {  	vm2 =	vlt.f32 v16, $-1.000000010e-01;
	v4 =	vsel vm3, v15, v4;
	v5 =	vld [tilespmem:s21+$0xFFFFFD80];
	(erf) = vpow2.f32 v11  }
0xca: {  	v6 =	vld [tilespmem:s21+$0xFFFFFD90];
	vm3 =	vge.f32 v14, $0.0e+00;
	v15 =	vmul.f32 $2.000000030e-01, v14;
	v16 =	vadd.f32 v10, v26  }
0xcb: {  	v22 =	vmul.f32 $1.442695020e+00, v4;
	v12 =	vsel vm4, v12, v30;
	v10 =	vld [tilespmem:s21+$0xFFFFFDA0];
	(erf) = vpow2.f32 v3  }
0xcc: {  	v11 =	vld [tilespmem:s21+$0xFFFFFDB0];
	vm4 =	vge.f32 v16, $0.0e+00;
	v3 =	vmul.f32 $2.000000030e-01, v16;
	v23 =	vadd.f32 v23, v13  }
0xcd: {  	v26 =	vsel vm3, v14, v15;
	v7 =	vadd.f32 v7, v19;
	v13 =	vld [tilespmem:s21+$0xFFFFFDD0];
	v19 =	vmul.f32 $1.442695020e+00, v12  }
0xce: {  	v14 =	vld [tilespmem:s21+$0xFFFFFDE0];
	v3 =	vsel vm4, v16, v3;
	vm3 =	vge.f32 v23, $0.0e+00;
	v34 =	vmul.f32 $2.000000030e-01, v23;
	v30 =	vpop (erf)  }
0xcf: {  	v32 =	vmul.f32 $1.442695020e+00, v26;
	vm4 =	vge.f32 v7, $0.0e+00;
	v31 =	vmul.f32 $2.000000030e-01, v7;
	v16 =	vld [tilespmem:s21+$0xFFFFFDF0]  }
0xd0: {  	v33 =	vmul.f32 $1.442695020e+00, v3;
	v15 =	vld [tilespmem:s21+$0xFFFFFE00];
	v23 =	vsel vm3, v23, v34;
	v27 =	vpop (erf);
	(erf) = vpow2.f32 v28  }
0xd1: {  	v7 =	vsel vm4, v7, v31;
	v28 =	vld [tilespmem:s21+$0xFFFFFE20];
	v31 =	vmul.f32 $1.442695020e+00, v23;
	(erf) = vpow2.f32 v24  }
0xd2: {  	vm3 =	vlt.f32 v7, $-1.000000010e-01;
	v35 =	vmul.f32 $1.442695020e+00, v7;
	v24 =	vld [tilespmem:s21+$0xFFFFFE30];
	v34 =	vpop (erf);
	(erf) = vpow2.f32 v20  }
0xd3: {  	vm13 =	vlt.f32 v8, $-1.000000010e-01;
	vm9 =	vlt.f32 v21, $-1.000000010e-01;
	v20 =	vld [tilespmem:s21+$0xFFFFFE40];
	(erf) = vpow2.f32 v22  }
0xd4: {  	vm11 =	vlt.f32 v9, $-1.000000010e-01;
	vm12 =	vlt.f32 v18, $-1.000000010e-01;
	v21 =	vld [tilespmem:s21+$0xFFFFFE50];
	(erf) = vpow2.f32 v35;
	v7 =	vpop (erf)  }
0xd5: {  	vm10 =	vlt.f32 v2, $-1.000000010e-01;
	vm8 =	vlt.f32 v17, $-1.000000010e-01;
	v18 =	vld [tilespmem:s21+$0xFFFFFE70];
	(erf) = vpow2.f32 v19  }
0xd6: {  	vm7 =	vlt.f32 v4, $-1.000000010e-01;
	vm6 =	vlt.f32 v12, $-1.000000010e-01;
	v17 =	vld [tilespmem:s21+$0xFFFFFE80];
	(erf) = vpow2.f32 v32  }
0xd7: {  	vm5 =	vlt.f32 v26, $-1.000000010e-01;
	vm4 =	vlt.f32 v3, $-1.000000010e-01;
	v19 =	vld [tilespmem:s21+$0xFFFFFE90];
	(erf) = vpow2.f32 v33  }
0xd8: {  	v2 =	vsel vm0, $0x2EDBE6FF, v25;
	vm0 =	vlt.f32 v23, $-1.000000010e-01;
	v22 =	vld [tilespmem:s21+$0xFFFFFEA0];
	(erf) = vpow2.f32 v31  }
0xd9: {  	v4 =	vsel vm2, $0x2EDBE6FF, v30;
	v3 =	vsel vm1, $0x2EDBE6FF, v29;
	v8 =	vsel vm13, $0x2EDBE6FF, v27;
	[tilespmem:s21+$0xFFFFFE10] =	vst v2;
	v23 =	vld [tilespmem:s21+$0xFFFFFEC0];
	v9 =	vpop (erf)  }
0xda: {  	v12 =	vsel vm9, $0x2EDBE6FF, v34;
	v7 =	vsel vm11, $0x2EDBE6FF, v7;
	[tilespmem:s21+$0xFFFFFE60] =	vst v3;
	v25 =	vld [tilespmem:s21+$0xFFFFFED0];
	v9 =	vsel vm12, $0x2EDBE6FF, v9;
	v26 =	vpop (erf)  }
0xdb: {  	v27 =	vperm.xlane v2, v0;
	v29 =	vperm.xlane v3, v0;
	[tilespmem:s21+$0xFFFFFEB0] =	vst v4;
	v30 =	vld [tilespmem:s21+$0xFFFFFEE0];
	v26 =	vsel vm10, $0x2EDBE6FF, v26;
	v2 =	vpop (erf)  }
0xdc: {  	v32 =	vperm.xlane v8, v0;
	v31 =	vperm.xlane v4, v0;
	v33 =	vld [tilespmem:s21+$0xFFFFFEF0];
	[tilespmem:s21+$0xFFFFFF00] =	vst v8;
	v8 =	vsel vm8, $0x2EDBE6FF, v2;
	v2 =	vpop (erf)  }
0xdd: {  	v34 =	vperm.xlane v12, v0;
	v36 =	vperm.xlane v7, v0;
	v35 =	vld [tilespmem:s21+$0xFFFFFF10];
	[tilespmem:s21+$0xFFFFFF50] =	vst v12;
	v2 =	vsel vm7, $0x2EDBE6FF, v2;
	v3 =	vpop (erf)  }
0xde: {  	v38 =	vperm.xlane v9, v0;
	v39 =	vperm.xlane v26, v0;
	v3 =	vsel vm3, $0x2EDBE6FF, v3;
	v37 =	vld [tilespmem:s21+$0xFFFFFF20];
	[tilespmem:s21+$0xFFFFFFA0] =	vst v7;
	v4 =	vpop (erf)  }
0xdf: {  	v42 =	vperm.xlane v8, v0;
	v40 =	vperm.xlane v3, v0;
	[tilespmem:s21+$0xFFFFFDC0] =	vst v3;
	v41 =	vld [tilespmem:s21+$0xFFFFFF30];
	v3 =	vsel vm6, $0x2EDBE6FF, v4;
	v4 =	vpop (erf)  }
0xe0: {  	v44 =	vperm.xlane v2, v0;
	v43 =	vld [tilespmem:s21+$0xFFFFFF40];
	[tilespmem:s21+$0xFFFFFFF0] =	vst v9;
	v12 =	vperm.xlane v3, v0;
	v4 =	vsel vm5, $0x2EDBE6FF, v4;
	v7 =	vpop (erf)  }
0xe1: {  	v45 =	vmul.f32 v5, v40;
	v46 =	vld [tilespmem:s21+$0xFFFFFF60];
	[tilespmem:s21+$0x40] =	vst v26;
	v9 =	vperm.xlane v4, v0;
	v5 =	vsel vm4, $0x2EDBE6FF, v7;
	v7 =	vpop (erf)  }
0xe2: {  	v26 =	vmul.f32 v6, v40;
	v47 =	vld [tilespmem:s21+$0xFFFFFF70];
	[tilespmem:s21+$0x90] =	vst v8;
	v8 =	vperm.xlane v5, v0;
	v6 =	vsel vm0, $0x2EDBE6FF, v7  }
0xe3: {  	v10 =	vmul.f32 v10, v40;
	[tilespmem:s21+$0xFFFFFD80] =	vst v45;
	v45 =	vld [tilespmem:s21+$0xFFFFFF80];
	v7 =	vperm.xlane v6, v0  }
0xe4: {  	v13 =	vmul.f32 v13, v27;
	v11 =	vmul.f32 v11, v40;
	[tilespmem:s21+$0xFFFFFD90] =	vst v26;
	v26 =	vld [tilespmem:s21+$0xFFFFFF90]  }
0xe5: {  	[tilespmem:s21+$0xFFFFFDA0] =	vst v10;
	v10 =	vmul.f32 v14, v27;
	v14 =	vmul.f32 v16, v27;
	v16 =	vld [tilespmem:s21+$0xFFFFFFB0]  }
0xe6: {  	[tilespmem:s21+$0xFFFFFDB0] =	vst v11;
	v11 =	vmul.f32 v15, v27;
	v15 =	vmul.f32 v28, v29;
	v27 =	vld [tilespmem:s21+$0xFFFFFFC0]  }
0xe7: {  	v20 =	vmul.f32 v20, v29;
	[tilespmem:s21+$0xFFFFFDD0] =	vst v13;
	v13 =	vmul.f32 v24, v29;
	v24 =	vld [tilespmem:s21+$0xFFFFFFD0]  }
0xe8: {  	v18 =	vmul.f32 v18, v31;
	[tilespmem:s21+$0xFFFFFDE0] =	vst v10;
	v10 =	vmul.f32 v21, v29;
	v21 =	vld [tilespmem:s21+$0xFFFFFFE0]  }
0xe9: {  	[tilespmem:s21+$0xFFFFFDF0] =	vst v14;
	v14 =	vmul.f32 v17, v31;
	v17 =	vmul.f32 v19, v31;
	v19 =	vld [tilespmem:s21+$0x0]  }
0xea: {  	[tilespmem:s21+$0xFFFFFE00] =	vst v11;
	v11 =	vmul.f32 v22, v31;
	v22 =	vmul.f32 v23, v32;
	v23 =	vld [tilespmem:s21+$0x10]  }
0xeb: {  	[tilespmem:s21+$0xFFFFFE20] =	vst v15;
	v15 =	vmul.f32 v25, v32;
	v25 =	vmul.f32 v30, v32;
	v28 =	vld [tilespmem:s21+$0x20]  }
0xec: {  	v29 =	vmul.f32 v35, v34;
	[tilespmem:s21+$0xFFFFFE30] =	vst v13;
	v13 =	vmul.f32 v33, v32;
	v30 =	vld [tilespmem:s21+$0x30]  }
0xed: {  	v31 =	vmul.f32 v41, v34;
	[tilespmem:s21+$0xFFFFFE40] =	vst v20;
	v20 =	vmul.f32 v37, v34;
	v32 =	vld [tilespmem:s21+$0x50]  }
0xee: {  	v33 =	vmul.f32 v43, v34;
	v34 =	vmul.f32 v46, v36;
	[tilespmem:s21+$0xFFFFFE50] =	vst v10;
	v10 =	vld [tilespmem:s21+$0x60]  }
0xef: {  	v35 =	vmul.f32 v45, v36;
	[tilespmem:s21+$0xFFFFFE70] =	vst v18;
	v18 =	vmul.f32 v47, v36;
	v37 =	vld [tilespmem:s21+$0x70]  }
0xf0: {  	v26 =	vmul.f32 v26, v36;
	v36 =	vmul.f32 v16, v38;
	[tilespmem:s21+$0xFFFFFE80] =	vst v14;
	v16 =	vld [tilespmem:s21+$0x80]  }
0xf1: {  	v40 =	vmul.f32 v24, v38;
	[tilespmem:s21+$0xFFFFFE90] =	vst v17;
	v17 =	vmul.f32 v27, v38;
	v24 =	vld [tilespmem:s21+$0xA0]  }
0xf2: {  	v41 =	vmul.f32 v19, v39;
	v38 =	vmul.f32 v21, v38;
	[tilespmem:s21+$0xFFFFFEA0] =	vst v11;
	v11 =	vld [tilespmem:s21+$0xB0]  }
0xf3: {  	v43 =	vmul.f32 v23, v39;
	v45 =	vmul.f32 v28, v39;
	[tilespmem:s21+$0xFFFFFEC0] =	vst v22;
	v21 =	vld [tilespmem:s21+$0xC0]  }
0xf4: {  	v39 =	vmul.f32 v30, v39;
	v46 =	vmul.f32 v32, v42;
	[tilespmem:s21+$0xFFFFFED0] =	vst v15;
	v22 =	vld [tilespmem:s21+$0xD0]  }
0xf5: {  	v19 =	vmul.f32 v10, v42;
	v14 =	vmul.f32 v37, v42;
	[tilespmem:s21+$0xFFFFFEE0] =	vst v25;
	v23 =	vld [tilespmem:s21+$0xF0]  }
0xf6: {  	[tilespmem:s21+$0xFFFFFEF0] =	vst v13;
	v13 =	vmul.f32 v16, v42;
	v10 =	vmul.f32 v24, v44;
	v24 =	vld [tilespmem:s21+$0x100]  }
0xf7: {  	[tilespmem:s21+$0xFFFFFF10] =	vst v29;
	v11 =	vmul.f32 v11, v44;
	v25 =	vld [tilespmem:s21+$0x110]  }
0xf8: {  	[tilespmem:s21+$0xFFFFFF20] =	vst v20;
	v15 =	vmul.f32 v21, v44;
	v27 =	vld [tilespmem:s21+$0x120]  }
0xf9: {  	[tilespmem:s21+$0xFFFFFF30] =	vst v31;
	v16 =	vmul.f32 v22, v44;
	v22 =	vld [tilespmem:s21+$0x140]  }
0xfa: {  	[tilespmem:s21+$0xFFFFFF40] =	vst v33;
	v20 =	vmul.f32 v23, v12;
	v23 =	vld [tilespmem:s21+$0x150]  }
0xfb: {  	[tilespmem:s21+$0xFFFFFF60] =	vst v34;
	v21 =	vmul.f32 v24, v12;
	v28 =	vld [tilespmem:s21+$0x160]  }
0xfc: {  	[tilespmem:s21+$0xFFFFFF70] =	vst v18;
	v24 =	vmul.f32 v25, v12;
	v18 =	vld [tilespmem:s21+$0x170]  }
0xfd: {  	[tilespmem:s21+$0xFFFFFF80] =	vst v35;
	v25 =	vmul.f32 v27, v12;
	v12 =	vld [tilespmem:s21+$0x190]  }
0xfe: {  	[tilespmem:s21+$0xFFFFFF90] =	vst v26;
	v26 =	vmul.f32 v22, v9;
	v29 =	vld [tilespmem:s21+$0x1A0]  }
0xff: {  	[tilespmem:s21+$0xFFFFFFB0] =	vst v36;
	v27 =	vmul.f32 v23, v9;
	v30 =	vld [tilespmem:s21+$0x1B0]  }
0x100: {  	[tilespmem:s21+$0xFFFFFFC0] =	vst v17;
	v28 =	vmul.f32 v28, v9;
	v31 =	vld [tilespmem:s21+$0x1C0]  }
0x101: {  	[tilespmem:s21+$0xFFFFFFD0] =	vst v40;
	v22 =	vmul.f32 v18, v9;
	v9 =	vld [tilespmem:s21+$0x1E0]  }
0x102: {  	[tilespmem:s21+$0xFFFFFFE0] =	vst v38;
	v23 =	vmul.f32 v12, v8;
	v33 =	vld [tilespmem:s21+$0x1F0]  }
.Ltmp5:
0x103: {  	[tilespmem:s21+$0x0] =	vst v41;
	v17 =	vmul.f32 v29, v8;
	v29 =	vld [tilespmem:s21+$0x200];
	(pc) =	sbr.rel @p1 .LBB2_4-.Ltmp5, $4  }
0x104: {  	[tilespmem:s21+$0x10] =	vst v43;
	v18 =	vmul.f32 v30, v8;
	v30 =	vld [tilespmem:s21+$0x210]  }
0x105: {  	[tilespmem:s21+$0x20] =	vst v45;
	v8 =	vmul.f32 v31, v8;
	v31 =	vld [tilespmem:s21+$0x230]  }
0x106: {  	[tilespmem:s21+$0x30] =	vst v39;
	v12 =	vmul.f32 v9, v7;
	v32 =	vld [tilespmem:s21+$0x240]  }
0x107: {  	s21 =	sadd.s32 $0x500, s21;
	[tilespmem:s24+$0x50] =	vst v46;
	v9 =	vmul.f32 v33, v7;
	v33 =	vld [tilespmem:s24+$0x250]  }
0x108: {  	[tilespmem:s24+$0x60] =	vst v19  }
0x109: {  	[tilespmem:s24+$0x70] =	vst v14  }
0x10a: {  	[tilespmem:s24+$0x80] =	vst v13  }
0x10b: {  	[tilespmem:s24+$0xA0] =	vst v10  }
0x10c: {  	[tilespmem:s24+$0xB0] =	vst v11  }
0x10d: {  	[tilespmem:s24+$0xC0] =	vst v15  }
0x10e: {  	[tilespmem:s24+$0xD0] =	vst v16  }
0x10f: {  	[tilespmem:s24+$0xF0] =	vst v20  }
0x110: {  	[tilespmem:s24+$0x100] =	vst v21  }
0x111: {  	[tilespmem:s24+$0x110] =	vst v24  }
0x112: {  	[tilespmem:s24+$0x120] =	vst v25  }
0x113: {  	[tilespmem:s24+$0x140] =	vst v26  }
0x114: {  	[tilespmem:s24+$0x150] =	vst v27  }
0x115: {  	[tilespmem:s24+$0x160] =	vst v28  }
0x116: {  	[tilespmem:s24+$0x170] =	vst v22  }
0x117: {  	[tilespmem:s24+$0x190] =	vst v23  }
0x118: {  	[tilespmem:s24+$0x1A0] =	vst v17  }
0x119: {  	[tilespmem:s24+$0x1B0] =	vst v18  }
0x11a: {  	[tilespmem:s24+$0x1C0] =	vst v8  }
0x11b: {  	[tilespmem:s24+$0x1E0] =	vst v12  }
0x11c: {  	[tilespmem:s24+$0xE0] =	vst v2  }
0x11d: {  	[tilespmem:s24+$0x130] =	vst v3  }
0x11e: {  	[tilespmem:s24+$0x180] =	vst v4  }
0x11f: {  	[tilespmem:s24+$0x1D0] =	vst v5  }
0x120: {  	v60 =	vmul.f32 v29, v7;
	[tilespmem:s24+$0x220] =	vst v6  }
0x121: {  	v61 =	vmul.f32 v30, v7;
	[tilespmem:s24+$0x1F0] =	vst v9  }
0x122: {  	v62 =	vmul.f32 v31, v1;
	[tilespmem:s24+$0x200] =	vst v60  }
0x123: {  	v63 =	vmul.f32 v32, v1;
	[tilespmem:s24+$0x210] =	vst v61  }
0x124: {  	v1 =	vmul.f32 v33, v1;
	[tilespmem:s24+$0x230] =	vst v62  }
0x125: {  	[tilespmem:s24+$0x240] =	vst v63  }
0x126: {  	[tilespmem:s24+$0x250] =	vst v1  }
0x127: {  	[spmem:s2] =	stream.indirect.scatter.add.f32 [tilespmem:s19], [sflag:$0x5], $0x50, s16, s16, $0xb8;
	[tilespmem:$0x12780] =	vst v63  }
0x128: {  	_ =	swait.ge [sflag:s18], $0x2800  }
0x129: {  	[sflag:s18] =	ssyncset.done $0x0  }
0x12a: {  	[sflag:s18] =	ssyncadd.s32 $0xFFFFD800  }
.LBB2_6:
0x12b: {  	s3 =	sadd.s32 $0x20, s20  }
0x12c: {  	p1 =	sge.u32 s3, s11  }
0x12d: {  	s3 =	sadd.s32 @!p1 s8, s3  }
0x12e: {  	s17 =	simm.s32 @!p1 $0x80;
	s3 =	sshll.u32 @!p1 s3, $0x4  }
0x12f: {  	s21 =	simm.s32 @!p1 $0x4E200;
	s24 =	simm.s32 @!p1 $0x0;
	s3 =	sadd.s32 @!p1 s0, s3  }
0x130: {  	[tilespmem:s24], [sflag:$0x5] =	stream.strided.gather @!p1 [hbm4b:s3+s17], $0x100, s21, s17, $0x38;
	[tilespmem:$0x12780] =	vst v63  }
0x131: {  	s3 =	simm.s32 @!p1 $0x5  }
0x132: {  	_ =	swait.ge @!p1 [sflag:s3], $0x100  }
0x133: {  	[sflag:s3] =	ssyncset.done @!p1 $0x0  }
0x134: {  	[sflag:s3] =	ssyncadd.s32 @!p1 $0xFFFFFF00;
	s3 =	simm.s32 @!p1 $0x200  }
0x135: {  	[tilespmem:s3], [sflag:$0x1] =	stream.indirect.gather @!p1 [hbm4b:s5+s17], $0x50, s24, s17, $0xb8;
	[tilespmem:$0x12780] =	vst v63  }
0x136: {  	s3 =	simm.s32 @!p1 $0x5200  }
0x137: {  	[tilespmem:s3], [sflag:$0x3] =	stream.indirect.gather @!p1 [hbm4b:s6+s17], $0x10, s17, s17, $0xb8;
	[tilespmem:$0x12780] =	vst v63  }
0x138: {  	p1 =	sge.u32 s20, s12  }
.Ltmp6:
0x139: {  	_ = 	snop;
	(pc) =	sbr.rel @p1 .LBB2_10-.Ltmp6, $1  }
0x13a: {  	_ =	sdelay $0x3  }
0x13b: {  	_ =	swait.ge [sflag:s29], $0x2800  }
0x13c: {  	[sflag:s29] =	ssyncset.done $0x0  }
0x13d: {  	[sflag:s29] =	ssyncadd.s32 $0xFFFFD800  }
0x13e: {  	_ =	swait.ge [sflag:s30], $0x800  }
0x13f: {  	[sflag:s30] =	ssyncset.done $0x0  }
0x140: {  	s24 =	simm.s32 $0x2C80;
	[sflag:s30] =	ssyncadd.s32 $0xFFFFF800  }
0x141: {  	s3 =	simm.s32 $0x5A80;
	v1 =	vld [tilespmem:s24+$0x270]  }
0x142: {  	v2 =	vld [tilespmem:s3+$0x70]  }
0x143: {  	v3 =	vld [tilespmem:s3+$0xFFFFFF80]  }
0x144: {  	v4 =	vld [tilespmem:s24+$0xFFFFFE10]  }
0x145: {  	v5 =	vld [tilespmem:s3+$0xFFFFFF90]  }
0x146: {  	v6 =	vld [tilespmem:s24+$0xFFFFFE60]  }
0x147: {  	v7 =	vld [tilespmem:s3+$0xFFFFFFA0]  }
0x148: {  	v8 =	vld [tilespmem:s24+$0xFFFFFEB0]  }
0x149: {  	v9 =	vld [tilespmem:s3+$0xFFFFFFB0]  }
0x14a: {  	v10 =	vld [tilespmem:s24+$0xFFFFFF00]  }
0x14b: {  	v11 =	vld [tilespmem:s3+$0xFFFFFFC0]  }
0x14c: {  	v12 =	vld [tilespmem:s24+$0xFFFFFF50]  }
0x14d: {  	v13 =	vld [tilespmem:s3+$0xFFFFFFD0]  }
0x14e: {  	v14 =	vld [tilespmem:s3+$0xFFFFFFE0]  }
0x14f: {  	v16 =	vld [tilespmem:s24+$0xFFFFFFF0]  }
0x150: {  	v17 =	vld [tilespmem:s3+$0xFFFFFFF0]  }
0x151: {  	v18 =	vld [tilespmem:s3+$0x0]  }
0x152: {  	v26 =	vld [tilespmem:s24+$0x220]  }
0x153: {  	v29 =	vld [tilespmem:s24+$0xFFFFFD90]  }
0x154: {  	v34 =	vld [tilespmem:s24+$0xFFFFFE80];
	v1 =	vadd.f32 v2, v1  }
0x155: {  	v35 =	vld [tilespmem:s24+$0xFFFFFE90];
	v4 =	vadd.f32 v5, v4;
	v6 =	vadd.f32 v7, v6  }
0x156: {  	v36 =	vld [tilespmem:s24+$0xFFFFFEA0];
	v8 =	vadd.f32 v9, v8;
	v10 =	vadd.f32 v11, v10  }
0x157: {  	v37 =	vld [tilespmem:s24+$0xFFFFFEC0];
	v12 =	vadd.f32 v13, v12;
	v16 =	vadd.f32 v17, v16  }
0x158: {  	v41 =	vld [tilespmem:s24+$0xFFFFFED0];
	v15 =	vmul.f32 $2.000000030e-01, v1;
	vm0 =	vge.f32 v1, $0.0e+00;
	v19 =	vmul.f32 $2.000000030e-01, v4  }
0x159: {  	v2 =	vld [tilespmem:s24+$0xFFFFFFA0];
	vm14 =	vge.f32 v4, $0.0e+00;
	vm1 =	vge.f32 v6, $0.0e+00;
	vm2 =	vge.f32 v8, $0.0e+00  }
0x15a: {  	v5 =	vld [tilespmem:s24+$0x40];
	v20 =	vmul.f32 $2.000000030e-01, v8;
	vm15 =	vge.f32 v10, $0.0e+00;
	v21 =	vmul.f32 $2.000000030e-01, v10  }
0x15b: {  	v7 =	vld [tilespmem:s24+$0x90];
	vm4 =	vge.f32 v12, $0.0e+00;
	v25 =	vmul.f32 $2.000000030e-01, v16;
	vm7 =	vge.f32 v16, $0.0e+00  }
0x15c: {  	v9 =	vld [tilespmem:s3+$0x10];
	v1 =	vsel vm0, v1, v15;
	v4 =	vsel vm14, v4, v19;
	v8 =	vsel vm2, v8, v20  }
0x15d: {  	v42 =	vld [tilespmem:s24+$0xFFFFFEE0];
	v20 =	vmul.f32 $2.000000030e-01, v12;
	v10 =	vsel vm15, v10, v21;
	v16 =	vsel vm7, v16, v25  }
0x15e: {  	v43 =	vld [tilespmem:s24+$0xFFFFFEF0];
	v15 =	vmul.f32 $1.442695020e+00, v1;
	vm0 =	vlt.f32 v4, $-1.000000010e-01;
	v4 =	vmul.f32 $1.442695020e+00, v4  }
0x15f: {  	v44 =	vld [tilespmem:s24+$0xFFFFFF10];
	v2 =	vadd.f32 v14, v2;
	v23 =	vmul.f32 $1.442695020e+00, v8;
	v24 =	vmul.f32 $1.442695020e+00, v10  }
0x160: {  	v11 =	vld [tilespmem:s24+$0xE0];
	vm6 =	vlt.f32 v1, $-1.000000010e-01;
	v5 =	vadd.f32 v18, v5;
	(erf) = vpow2.f32 v15  }
0x161: {  	v21 =	vld [tilespmem:s3+$0x40];
	v7 =	vadd.f32 v9, v7;
	v31 =	vmul.f32 $1.442695020e+00, v16;
	v15 =	vmul.f32 $2.000000030e-01, v6  }
0x162: {  	v9 =	vld [tilespmem:s24+$0xFFFFFDC0];
	vm3 =	vlt.f32 v8, $-1.000000010e-01;
	vm15 =	vlt.f32 v10, $-1.000000010e-01;
	vm7 =	vlt.f32 v16, $-1.000000010e-01  }
0x163: {  	v12 =	vsel vm4, v12, v20;
	vm5 =	vge.f32 v2, $0.0e+00;
	v6 =	vsel vm1, v6, v15;
	v15 =	vld [tilespmem:s3+$0x20]  }
0x164: {  	v14 =	vld [tilespmem:s24+$0x180];
	vm8 =	vge.f32 v5, $0.0e+00;
	v27 =	vmul.f32 $2.000000030e-01, v5;
	v22 =	vmul.f32 $1.442695020e+00, v6  }
0x165: {  	v45 =	vld [tilespmem:s24+$0xFFFFFDB0];
	v28 =	vmul.f32 $1.442695020e+00, v12;
	vm9 =	vge.f32 v7, $0.0e+00;
	(erf) = vpow2.f32 v4  }
0x166: {  	v58 =	vld [tilespmem:s24+$0xFFFFFF20];
	v5 =	vsel vm8, v5, v27;
	(erf) = vpow2.f32 v22;
	v22 =	vmul.f32 $2.000000030e-01, v2  }
0x167: {  	v47 =	vld [tilespmem:s24+$0xFFFFFF70];
	v27 =	vmul.f32 $2.000000030e-01, v7;
	v32 =	vmul.f32 $1.442695020e+00, v5;
	v3 =	vadd.f32 v3, v9  }
0x168: {  	v17 =	vld [tilespmem:s24+$0x1D0];
	vm12 =	vlt.f32 v6, $-1.000000010e-01;
	v2 =	vsel vm5, v2, v22;
	v11 =	vadd.f32 v15, v11  }
0x169: {  	v20 =	vld [tilespmem:s3+$0x50];
	v14 =	vadd.f32 v21, v14;
	v30 =	vmul.f32 $1.442695020e+00, v2;
	v1 =	vpop (erf);
	(erf) = vpow2.f32 v23  }
0x16a: {  	v19 =	vld [tilespmem:s24+$0x260];
	v7 =	vsel vm9, v7, v27;
	v27 =	vmul.f32 $2.000000030e-01, v11;
	(erf) = vpow2.f32 v24  }
0x16b: {  	v13 =	vld [tilespmem:s24+$0x130];
	vm10 =	vge.f32 v11, $0.0e+00;
	v18 =	vsel vm6, $0x2EDBE6FF, v1;
	(erf) = vpow2.f32 v28  }
0x16c: {  	v4 =	vld [tilespmem:s3+$0x30];
	v1 =	vperm.xlane v18, v0;
	v11 =	vsel vm10, v11, v27;
	(erf) = vpow2.f32 v30  }
0x16d: {  	vm8 =	vlt.f32 v5, $-1.000000010e-01;
	v23 =	vld [tilespmem:s24+$0xFFFFFDD0];
	(erf) = vpow2.f32 v31;
	v31 =	vmul.f32 $1.442695020e+00, v11  }
0x16e: {  	v9 =	vld [tilespmem:s24+$0xFFFFFDE0];
	v17 =	vadd.f32 v20, v17;
	vm11 =	vge.f32 v3, $0.0e+00;
	v24 =	vmul.f32 $1.442695020e+00, v7;
	v54 =	vpop (erf)  }
0x16f: {  	v28 =	vld [tilespmem:s24+$0xFFFFFDF0];
	v19 =	vmul.f32 v19, v1;
	(erf) = vpow2.f32 v32;
	v32 =	vsel vm0, $0x2EDBE6FF, v54  }
0x170: {  	vm4 =	vge.f32 v14, $0.0e+00;
	v30 =	vld [tilespmem:s24+$0xFFFFFE00];
	(erf) = vpow2.f32 v24;
	[tilespmem:s24+$0xFFFFFE10] =	vst v32;
	v32 =	vperm.xlane v32, v0  }
0x171: {  	v61 =	vld [tilespmem:s24+$0xA0];
	v8 =	vmul.f32 $2.000000030e-01, v14;
	v4 =	vadd.f32 v4, v13;
	[tilespmem:s24+$0x270] =	vst v18;
	(erf) = vpow2.f32 v31;
	v31 =	vpop (erf)  }
0x172: {  	v13 =	vmul.f32 $2.000000030e-01, v3;
	v22 =	vld [tilespmem:s3+$0x60];
	[tilespmem:s24+$0x260] =	vst v19;
	v23 =	vmul.f32 v23, v32;
	v31 =	vsel vm12, $0x2EDBE6FF, v31  }
0x173: {  	v63 =	vld [tilespmem:s24+$0xB0];
	v55 =	vmul.f32 $2.000000030e-01, v17;
	vm14 =	vge.f32 v17, $0.0e+00;
	v9 =	vmul.f32 v9, v32;
	[tilespmem:s24+$0xFFFFFE60] =	vst v31  }
0x174: {  	v49 =	vld [tilespmem:s24+$0xC0];
	v8 =	vsel vm4, v14, v8;
	vm4 =	vlt.f32 v12, $-1.000000010e-01;
	v28 =	vmul.f32 v28, v32;
	[tilespmem:s24+$0xFFFFFDD0] =	vst v23  }
0x175: {  	v3 =	vsel vm11, v3, v13;
	vm13 =	vge.f32 v4, $0.0e+00;
	v27 =	vld [tilespmem:s24+$0xFFFFFE20];
	v30 =	vmul.f32 v30, v32;
	[tilespmem:s24+$0xFFFFFDE0] =	vst v9  }
0x176: {  	v13 =	vld [tilespmem:s24+$0xFFFFFE30];
	v33 =	vmul.f32 $2.000000030e-01, v4;
	v17 =	vsel vm14, v17, v55;
	v38 =	vmul.f32 $1.442695020e+00, v8;
	v20 =	vpop (erf);
	[tilespmem:s24+$0xFFFFFDF0] =	vst v28  }
0x177: {  	v50 =	vld [tilespmem:s24+$0xD0];
	v6 =	vmul.f32 $1.442695020e+00, v3;
	v22 =	vadd.f32 v22, v26;
	v26 =	vpop (erf);
	v10 =	vsel vm3, $0x2EDBE6FF, v20;
	[tilespmem:s24+$0xFFFFFE00] =	vst v30  }
0x178: {  	vm5 =	vlt.f32 v2, $-1.000000010e-01;
	v24 =	vld [tilespmem:s24+$0xFFFFFE40];
	v31 =	vperm.xlane v31, v0;
	v14 =	vpop (erf);
	v12 =	vsel vm15, $0x2EDBE6FF, v26;
	[tilespmem:s24+$0xFFFFFEB0] =	vst v10  }
0x179: {  	v4 =	vsel vm13, v4, v33;
	(erf) = vpow2.f32 v6;
	v6 =	vld [tilespmem:s24+$0xFFFFFE70];
	v56 =	vpop (erf);
	v2 =	vsel vm4, $0x2EDBE6FF, v14;
	[tilespmem:s24+$0xFFFFFF00] =	vst v12  }
0x17a: {  	v52 =	vld [tilespmem:s24+$0xF0];
	vm6 =	vlt.f32 v3, $-1.000000010e-01;
	v27 =	vmul.f32 v27, v31;
	v3 =	vsel vm5, $0x2EDBE6FF, v56;
	[tilespmem:s24+$0xFFFFFF50] =	vst v2  }
0x17b: {  	v53 =	vld [tilespmem:s24+$0x110];
	vm11 =	vlt.f32 v11, $-1.000000010e-01;
	v11 =	vperm.xlane v12, v0;
	v12 =	vmul.f32 v13, v31;
	[tilespmem:s24+$0xFFFFFFA0] =	vst v3  }
0x17c: {  	v21 =	vld [tilespmem:s24+$0xFFFFFE50];
	v18 =	vmul.f32 $2.000000030e-01, v22;
	vm9 =	vge.f32 v22, $0.0e+00;
	v10 =	vperm.xlane v10, v0;
	v40 =	vpop (erf);
	[tilespmem:s24+$0xFFFFFE20] =	vst v27  }
0x17d: {  	v25 =	vld [tilespmem:s24+$0xFFFFFD80];
	v30 =	vperm.xlane v2, v0;
	v2 =	vmul.f32 v24, v31;
	v5 =	vsel vm7, $0x2EDBE6FF, v40;
	[tilespmem:s24+$0xFFFFFE30] =	vst v12  }
0x17e: {  	v15 =	vld [tilespmem:s24+$0xFFFFFDA0];
	v19 =	vmul.f32 $1.442695020e+00, v4;
	vm12 =	vlt.f32 v4, $-1.000000010e-01;
	v4 =	vmul.f32 v6, v10;
	[tilespmem:s24+$0xFFFFFFF0] =	vst v5  }
0x17f: {  	v55 =	vld [tilespmem:s24+$0x140];
	v39 =	vmul.f32 $1.442695020e+00, v17;
	v18 =	vsel vm9, v22, v18;
	v6 =	vmul.f32 v35, v10;
	[tilespmem:s24+$0xFFFFFE40] =	vst v2  }
0x180: {  	vm13 =	vlt.f32 v8, $-1.000000010e-01;
	vm10 =	vlt.f32 v7, $-1.000000010e-01;
	v46 =	vmul.f32 $1.442695020e+00, v18;
	v23 =	vld [tilespmem:s24+$0xFFFFFFD0];
	v20 =	vpop (erf);
	[tilespmem:s24+$0xFFFFFE70] =	vst v4  }
0x181: {  	v9 =	vld [tilespmem:s24+$0xFFFFFFE0];
	v8 =	vperm.xlane v3, v0;
	v3 =	vmul.f32 v21, v31;
	v7 =	vsel vm8, $0x2EDBE6FF, v20;
	[tilespmem:s24+$0xFFFFFE90] =	vst v6  }
0x182: {  	(erf) = vpow2.f32 v19;
	v28 =	vld [tilespmem:s24+$0x0];
	v60 =	vmul.f32 v37, v11;
	[tilespmem:s24+$0x40] =	vst v7  }
0x183: {  	(erf) = vpow2.f32 v38;
	v13 =	vld [tilespmem:s24+$0x10];
	v62 =	vmul.f32 v41, v11;
	[tilespmem:s24+$0xFFFFFE50] =	vst v3  }
0x184: {  	v24 =	vld [tilespmem:s24+$0x20];
	v48 =	vmul.f32 v42, v11;
	v11 =	vmul.f32 v43, v11;
	[tilespmem:s24+$0xFFFFFEC0] =	vst v60  }
0x185: {  	vm14 =	vlt.f32 v17, $-1.000000010e-01;
	v12 =	vld [tilespmem:s24+$0x30];
	v17 =	vperm.xlane v5, v0;
	v5 =	vmul.f32 v34, v10;
	[tilespmem:s24+$0xFFFFFED0] =	vst v62  }
0x186: {  	vm15 =	vlt.f32 v18, $-1.000000010e-01;
	v21 =	vld [tilespmem:s24+$0x50];
	v26 =	vpop (erf);
	v51 =	vmul.f32 v44, v30;
	v33 =	vmul.f32 v58, v30;
	[tilespmem:s24+$0xFFFFFEE0] =	vst v48  }
0x187: {  	v27 =	vld [tilespmem:s24+$0x60];
	v14 =	vpop (erf);
	v22 =	vsel vm10, $0x2EDBE6FF, v26;
	(erf) = vpow2.f32 v39;
	v18 =	vperm.xlane v7, v0;
	[tilespmem:s24+$0xFFFFFEF0] =	vst v11  }
0x188: {  	v20 =	vld [tilespmem:s24+$0xFFFFFF40];
	v7 =	vmul.f32 v36, v10;
	v57 =	vpop (erf);
	[tilespmem:s24+$0x90] =	vst v22;
	(erf) = vpow2.f32 v46  }
0x189: {  	v26 =	vld [tilespmem:s24+$0xFFFFFF60];
	v2 =	vsel vm11, $0x2EDBE6FF, v14;
	v22 =	vperm.xlane v22, v0;
	[tilespmem:s24+$0xFFFFFE80] =	vst v5;
	v23 =	vmul.f32 v23, v17  }
0x18a: {  	v10 =	vld [tilespmem:s24+$0x80];
	[tilespmem:s24+$0xFFFFFF10] =	vst v51;
	v9 =	vmul.f32 v9, v17;
	v31 =	vperm.xlane v2, v0  }
0x18b: {  	v60 =	vld [tilespmem:s24+$0x190];
	[tilespmem:s24+$0xFFFFFF20] =	vst v33;
	v16 =	vsel vm6, $0x2EDBE6FF, v57;
	v28 =	vmul.f32 v28, v18;
	v56 =	vmul.f32 v13, v18  }
0x18c: {  	v62 =	vld [tilespmem:s24+$0x1C0];
	[tilespmem:s24+$0xFFFFFEA0] =	vst v7;
	v58 =	vmul.f32 v24, v18;
	v59 =	vperm.xlane v16, v0  }
0x18d: {  	v14 =	vld [tilespmem:s24+$0x70];
	[tilespmem:s24+$0xFFFFFDC0] =	vst v16;
	v12 =	vmul.f32 v12, v18;
	v20 =	vmul.f32 v20, v30  }
0x18e: {  	v57 =	vld [tilespmem:s24+$0x160];
	v3 =	vpop (erf);
	[tilespmem:s24+$0xFFFFFFE0] =	vst v9;
	v25 =	vmul.f32 v25, v59;
	v29 =	vmul.f32 v29, v59  }
0x18f: {  	v16 =	vld [tilespmem:s24+$0xFFFFFF30];
	v3 =	vsel vm12, $0x2EDBE6FF, v3;
	[tilespmem:s24+$0x0] =	vst v28;
	v15 =	vmul.f32 v15, v59;
	v19 =	vmul.f32 v45, v59  }
0x190: {  	v18 =	vld [tilespmem:s24+$0x170];
	v32 =	vperm.xlane v3, v0;
	v11 =	vmul.f32 v26, v8;
	[tilespmem:s24+$0xFFFFFF40] =	vst v20  }
0x191: {  	v4 =	vpop (erf);
	v26 =	vmul.f32 v47, v8;
	v59 =	vmul.f32 v21, v22;
	[tilespmem:s24+$0xFFFFFD80] =	vst v25;
	v25 =	vld [tilespmem:s24+$0xFFFFFF80]  }
0x192: {  	v4 =	vsel vm13, $0x2EDBE6FF, v4;
	v13 =	vmul.f32 v10, v22;
	v10 =	vmul.f32 v61, v31;
	[tilespmem:s24+$0xFFFFFD90] =	vst v29;
	v29 =	vld [tilespmem:s24+$0xFFFFFF90]  }
0x193: {  	v9 =	vld [tilespmem:s24+$0x1F0];
	v36 =	vperm.xlane v4, v0;
	v14 =	vmul.f32 v14, v22;
	[tilespmem:s24+$0xFFFFFDA0] =	vst v15  }
0x194: {  	v15 =	vld [tilespmem:s24+$0xFFFFFFB0];
	[tilespmem:s24+$0xFFFFFF60] =	vst v11;
	v11 =	vmul.f32 v63, v31;
	v20 =	vmul.f32 v52, v32  }
0x195: {  	[tilespmem:s24+$0xFFFFFDB0] =	vst v19;
	v19 =	vld [tilespmem:s24+$0xFFFFFFC0];
	v24 =	vmul.f32 v53, v32;
	v16 =	vmul.f32 v16, v30  }
0x196: {  	[tilespmem:s24+$0xFFFFFF70] =	vst v26;
	v30 =	vld [tilespmem:s24+$0x100];
	v26 =	vmul.f32 v55, v36;
	v28 =	vmul.f32 v57, v36;
	v5 =	vpop (erf)  }
0x197: {  	[tilespmem:s24+$0xFFFFFFD0] =	vst v23;
	v6 =	vpop (erf);
	v25 =	vmul.f32 v25, v8;
	v8 =	vmul.f32 v29, v8;
	v29 =	vld [tilespmem:s24+$0x120]  }
0x198: {  	v61 =	vld [tilespmem:s24+$0x1B0];
	v5 =	vsel vm14, $0x2EDBE6FF, v5;
	[tilespmem:s24+$0xFFFFFF30] =	vst v16;
	v16 =	vmul.f32 v50, v31;
	v6 =	vsel vm15, $0x2EDBE6FF, v6  }
0x199: {  	[tilespmem:s24+$0x10] =	vst v56;
	v63 =	vld [tilespmem:s24+$0x1E0];
	v39 =	vperm.xlane v5, v0;
	v7 =	vperm.xlane v6, v0  }
0x19a: {  	[tilespmem:s24+$0x20] =	vst v58;
	v15 =	vmul.f32 v15, v17;
	v54 =	vmul.f32 v19, v17;
	v17 =	vld [tilespmem:s24+$0x150]  }
0x19b: {  	v19 =	vmul.f32 v27, v22;
	v22 =	vmul.f32 v18, v36;
	[tilespmem:s24+$0xFFFFFF90] =	vst v8;
	v8 =	vld [tilespmem:s24+$0x1A0]  }
0x19c: {  	v21 =	vmul.f32 v30, v32;
	[tilespmem:s24+$0xFFFFFF80] =	vst v25;
	v25 =	vmul.f32 v29, v32;
	v29 =	vld [tilespmem:s24+$0x200]  }
0x19d: {  	[tilespmem:s24+$0x30] =	vst v12;
	v30 =	vld [tilespmem:s24+$0x210];
	v23 =	vmul.f32 v60, v39;
	v18 =	vmul.f32 v61, v39  }
0x19e: {  	[tilespmem:s24+$0xFFFFFFB0] =	vst v15;
	v15 =	vmul.f32 v49, v31;
	v31 =	vld [tilespmem:s24+$0x230];
	v12 =	vmul.f32 v63, v7  }
0x19f: {  	[tilespmem:s24+$0x50] =	vst v59;
	v9 =	vmul.f32 v9, v7;
	v27 =	vmul.f32 v17, v36;
	v32 =	vld [tilespmem:s24+$0x240]  }
0x1a0: {  	s17 =	simm.s32 $0x0;
	s21 =	simm.s32 $0x3180;
	v33 =	vld [tilespmem:s24+$0x250];
	[tilespmem:s24+$0xFFFFFFC0] =	vst v54;
	v17 =	vmul.f32 v8, v39;
	v8 =	vmul.f32 v62, v39  }
.LBB2_8:
0x1a1: {  	v34 =	vld [tilespmem:s21+$0x270];
	[tilespmem:s24+$0x60] =	vst v19;
	v19 =	vmul.f32 v29, v7;
	s3 =	sadd.s32 $0x100, s3  }
0x1a2: {  	s17 =	sadd.s32 $0x10, s17;
	v29 =	vld [tilespmem:s3+$0x70];
	[tilespmem:s24+$0x70] =	vst v14;
	v14 =	vmul.f32 v30, v7  }
0x1a3: {  	p1 =	slt.u32 s17, $0x70;
	v7 =	vld [tilespmem:s3+$0xFFFFFF80];
	[tilespmem:s24+$0x80] =	vst v13;
	v13 =	vmul.f32 v31, v1  }
0x1a4: {  	v30 =	vld [tilespmem:s21+$0xFFFFFE10];
	[tilespmem:s24+$0xA0] =	vst v10;
	v10 =	vmul.f32 v32, v1  }
0x1a5: {  	v31 =	vld [tilespmem:s3+$0xFFFFFF90];
	[tilespmem:s24+$0xB0] =	vst v11;
	v11 =	vmul.f32 v33, v1  }
0x1a6: {  	v1 =	vld [tilespmem:s21+$0xFFFFFE60];
	[tilespmem:s24+$0xC0] =	vst v15  }
0x1a7: {  	v15 =	vld [tilespmem:s3+$0xFFFFFFA0];
	v29 =	vadd.f32 v29, v34;
	[tilespmem:s24+$0xD0] =	vst v16  }
0x1a8: {  	v16 =	vld [tilespmem:s21+$0xFFFFFEB0];
	[tilespmem:s24+$0xF0] =	vst v20  }
0x1a9: {  	v20 =	vld [tilespmem:s3+$0xFFFFFFB0];
	v32 =	vmul.f32 $2.000000030e-01, v29;
	[tilespmem:s24+$0x100] =	vst v21  }
0x1aa: {  	vm0 =	vge.f32 v29, $0.0e+00;
	v21 =	vadd.f32 v31, v30;
	v30 =	vld [tilespmem:s21+$0xFFFFFF00];
	[tilespmem:s24+$0x110] =	vst v24  }
0x1ab: {  	v24 =	vld [tilespmem:s3+$0xFFFFFFC0];
	v29 =	vsel vm0, v29, v32;
	[tilespmem:s24+$0x120] =	vst v25  }
0x1ac: {  	v25 =	vmul.f32 $2.000000030e-01, v21;
	v1 =	vadd.f32 v15, v1;
	v15 =	vld [tilespmem:s21+$0xFFFFFF50];
	v31 =	vmul.f32 $1.442695020e+00, v29;
	[tilespmem:s24+$0x140] =	vst v26  }
0x1ad: {  	vm0 =	vge.f32 v21, $0.0e+00;
	v26 =	vld [tilespmem:s3+$0xFFFFFFD0];
	[tilespmem:s24+$0x150] =	vst v27  }
0x1ae: {  	v27 =	vmul.f32 $2.000000030e-01, v1;
	v16 =	vadd.f32 v20, v16;
	v20 =	vld [tilespmem:s21+$0xFFFFFFA0];
	(erf) = vpow2.f32 v31;
	[tilespmem:s24+$0x160] =	vst v28  }
0x1af: {  	v21 =	vsel vm0, v21, v25;
	vm1 =	vge.f32 v1, $0.0e+00;
	v25 =	vld [tilespmem:s3+$0xFFFFFFE0];
	[tilespmem:s24+$0x170] =	vst v22  }
0x1b0: {  	vm2 =	vge.f32 v16, $0.0e+00;
	v22 =	vmul.f32 $2.000000030e-01, v16;
	v24 =	vadd.f32 v24, v30;
	v28 =	vld [tilespmem:s21+$0xFFFFFFF0];
	[tilespmem:s24+$0x190] =	vst v23  }
0x1b1: {  	vm0 =	vlt.f32 v21, $-1.000000010e-01;
	v21 =	vmul.f32 $1.442695020e+00, v21;
	v23 =	vsel vm1, v1, v27;
	v1 =	vld [tilespmem:s3+$0xFFFFFFF0];
	[tilespmem:s24+$0x1A0] =	vst v17  }
0x1b2: {  	vm1 =	vge.f32 v24, $0.0e+00;
	v17 =	vmul.f32 $2.000000030e-01, v24;
	v15 =	vadd.f32 v26, v15;
	v26 =	vld [tilespmem:s21+$0x40];
	[tilespmem:s24+$0x1B0] =	vst v18  }
0x1b3: {  	v18 =	vmul.f32 $1.442695020e+00, v23;
	v16 =	vsel vm2, v16, v22;
	v22 =	vld [tilespmem:s3+$0x0];
	(erf) = vpow2.f32 v21;
	[tilespmem:s24+$0x1C0] =	vst v8  }
0x1b4: {  	vm2 =	vge.f32 v15, $0.0e+00;
	v21 =	vmul.f32 $2.000000030e-01, v15;
	v20 =	vadd.f32 v25, v20;
	v25 =	vld [tilespmem:s21+$0x90];
	[tilespmem:s24+$0x1E0] =	vst v12  }
0x1b5: {  	v12 =	vmul.f32 $1.442695020e+00, v16;
	v8 =	vsel vm1, v24, v17;
	v17 =	vld [tilespmem:s3+$0x10];
	(erf) = vpow2.f32 v18;
	[tilespmem:s24+$0x1F0] =	vst v9  }
0x1b6: {  	vm1 =	vge.f32 v20, $0.0e+00;
	v9 =	vmul.f32 $2.000000030e-01, v20;
	v18 =	vadd.f32 v1, v28;
	v24 =	vld [tilespmem:s21+$0x260];
	[tilespmem:s24+$0x200] =	vst v19  }
0x1b7: {  	v19 =	vmul.f32 $1.442695020e+00, v8;
	v21 =	vsel vm2, v15, v21;
	vm2 =	vlt.f32 v29, $-1.000000010e-01;
	v15 =	vld [tilespmem:s21+$0xE0];
	v1 =	vpop (erf);
	[tilespmem:s24+$0x210] =	vst v14  }
0x1b8: {  	v14 =	vmul.f32 $2.000000030e-01, v18;
	v22 =	vadd.f32 v22, v26;
	v26 =	vld [tilespmem:s3+$0x20];
	v27 =	vsel vm2, $0x2EDBE6FF, v1;
	[tilespmem:s24+$0x230] =	vst v13  }
0x1b9: {  	v9 =	vsel vm1, v20, v9;
	vm1 =	vge.f32 v18, $0.0e+00;
	v13 =	vld [tilespmem:s21+$0x130];
	v1 =	vperm.xlane v27, v0;
	[tilespmem:s24+$0x240] =	vst v10  }
0x1ba: {  	vm2 =	vge.f32 v22, $0.0e+00;
	v10 =	vmul.f32 $2.000000030e-01, v22;
	v17 =	vadd.f32 v17, v25;
	v20 =	vld [tilespmem:s3+$0x30];
	[tilespmem:s24+$0x250] =	vst v11  }
0x1bb: {  	v11 =	vmul.f32 $1.442695020e+00, v21;
	v18 =	vsel vm1, v18, v14;
	v14 =	vld [tilespmem:s21+$0x180];
	v24 =	vmul.f32 v24, v1;
	[tilespmem:s24+$0xE0] =	vst v2  }
0x1bc: {  	v2 =	vsel vm2, v22, v10;
	vm1 =	vge.f32 v17, $0.0e+00;
	v10 =	vmul.f32 $2.000000030e-01, v17;
	v22 =	vld [tilespmem:s3+$0x40];
	v25 =	vpop (erf);
	[tilespmem:s24+$0x130] =	vst v3  }
0x1bd: {  	v28 =	vmul.f32 $1.442695020e+00, v18;
	v3 =	vmul.f32 $1.442695020e+00, v9;
	v15 =	vadd.f32 v26, v15;
	v26 =	vld [tilespmem:s21+$0x1D0];
	[tilespmem:s21+$0x260] =	vst v24  }
0x1be: {  	v24 =	vmul.f32 $1.442695020e+00, v2;
	v17 =	vsel vm1, v17, v10;
	v10 =	vld [tilespmem:s3+$0x50];
	v29 =	vpop (erf);
	(erf) = vpow2.f32 v12;
	[tilespmem:s24+$0x180] =	vst v4  }
0x1bf: {  	vm3 =	vge.f32 v15, $0.0e+00;
	v4 =	vmul.f32 $2.000000030e-01, v15;
	v12 =	vadd.f32 v20, v13;
	v13 =	vld [tilespmem:s21+$0x220];
	[tilespmem:s24+$0x1D0] =	vst v5  }
0x1c0: {  	vm1 =	vlt.f32 v23, $-1.000000010e-01;
	v20 =	vmul.f32 $1.442695020e+00, v17;
	v23 =	vld [tilespmem:s3+$0x60];
	(erf) = vpow2.f32 v19;
	[tilespmem:s24+$0x220] =	vst v6;
	s24 =	smov.u32 s21  }
0x1c1: {  	v19 =	vld [tilespmem:s21+$0xFFFFFDC0];
	vm4 =	vge.f32 v12, $0.0e+00;
	v30 =	vmul.f32 $2.000000030e-01, v12;
	v14 =	vadd.f32 v22, v14;
	[tilespmem:s21+$0x270] =	vst v27  }
0x1c2: {  	vm2 =	vlt.f32 v16, $-1.000000010e-01;
	v4 =	vsel vm3, v15, v4;
	v5 =	vld [tilespmem:s21+$0xFFFFFD80];
	(erf) = vpow2.f32 v11  }
0x1c3: {  	v6 =	vld [tilespmem:s21+$0xFFFFFD90];
	vm3 =	vge.f32 v14, $0.0e+00;
	v15 =	vmul.f32 $2.000000030e-01, v14;
	v16 =	vadd.f32 v10, v26  }
0x1c4: {  	v22 =	vmul.f32 $1.442695020e+00, v4;
	v12 =	vsel vm4, v12, v30;
	v10 =	vld [tilespmem:s21+$0xFFFFFDA0];
	(erf) = vpow2.f32 v3  }
0x1c5: {  	v11 =	vld [tilespmem:s21+$0xFFFFFDB0];
	vm4 =	vge.f32 v16, $0.0e+00;
	v3 =	vmul.f32 $2.000000030e-01, v16;
	v23 =	vadd.f32 v23, v13  }
0x1c6: {  	v26 =	vsel vm3, v14, v15;
	v7 =	vadd.f32 v7, v19;
	v13 =	vld [tilespmem:s21+$0xFFFFFDD0];
	v19 =	vmul.f32 $1.442695020e+00, v12  }
0x1c7: {  	v14 =	vld [tilespmem:s21+$0xFFFFFDE0];
	v3 =	vsel vm4, v16, v3;
	vm3 =	vge.f32 v23, $0.0e+00;
	v34 =	vmul.f32 $2.000000030e-01, v23;
	v30 =	vpop (erf)  }
0x1c8: {  	v32 =	vmul.f32 $1.442695020e+00, v26;
	vm4 =	vge.f32 v7, $0.0e+00;
	v31 =	vmul.f32 $2.000000030e-01, v7;
	v16 =	vld [tilespmem:s21+$0xFFFFFDF0]  }
0x1c9: {  	v33 =	vmul.f32 $1.442695020e+00, v3;
	v15 =	vld [tilespmem:s21+$0xFFFFFE00];
	v23 =	vsel vm3, v23, v34;
	v27 =	vpop (erf);
	(erf) = vpow2.f32 v28  }
0x1ca: {  	v7 =	vsel vm4, v7, v31;
	v28 =	vld [tilespmem:s21+$0xFFFFFE20];
	v31 =	vmul.f32 $1.442695020e+00, v23;
	(erf) = vpow2.f32 v24  }
0x1cb: {  	vm3 =	vlt.f32 v7, $-1.000000010e-01;
	v35 =	vmul.f32 $1.442695020e+00, v7;
	v24 =	vld [tilespmem:s21+$0xFFFFFE30];
	v34 =	vpop (erf);
	(erf) = vpow2.f32 v20  }
0x1cc: {  	vm13 =	vlt.f32 v8, $-1.000000010e-01;
	vm9 =	vlt.f32 v21, $-1.000000010e-01;
	v20 =	vld [tilespmem:s21+$0xFFFFFE40];
	(erf) = vpow2.f32 v22  }
0x1cd: {  	vm11 =	vlt.f32 v9, $-1.000000010e-01;
	vm12 =	vlt.f32 v18, $-1.000000010e-01;
	v21 =	vld [tilespmem:s21+$0xFFFFFE50];
	(erf) = vpow2.f32 v35;
	v7 =	vpop (erf)  }
0x1ce: {  	vm10 =	vlt.f32 v2, $-1.000000010e-01;
	vm8 =	vlt.f32 v17, $-1.000000010e-01;
	v18 =	vld [tilespmem:s21+$0xFFFFFE70];
	(erf) = vpow2.f32 v19  }
0x1cf: {  	vm7 =	vlt.f32 v4, $-1.000000010e-01;
	vm6 =	vlt.f32 v12, $-1.000000010e-01;
	v17 =	vld [tilespmem:s21+$0xFFFFFE80];
	(erf) = vpow2.f32 v32  }
0x1d0: {  	vm5 =	vlt.f32 v26, $-1.000000010e-01;
	vm4 =	vlt.f32 v3, $-1.000000010e-01;
	v19 =	vld [tilespmem:s21+$0xFFFFFE90];
	(erf) = vpow2.f32 v33  }
0x1d1: {  	v2 =	vsel vm0, $0x2EDBE6FF, v25;
	vm0 =	vlt.f32 v23, $-1.000000010e-01;
	v22 =	vld [tilespmem:s21+$0xFFFFFEA0];
	(erf) = vpow2.f32 v31  }
0x1d2: {  	v4 =	vsel vm2, $0x2EDBE6FF, v30;
	v3 =	vsel vm1, $0x2EDBE6FF, v29;
	v8 =	vsel vm13, $0x2EDBE6FF, v27;
	[tilespmem:s21+$0xFFFFFE10] =	vst v2;
	v23 =	vld [tilespmem:s21+$0xFFFFFEC0];
	v9 =	vpop (erf)  }
0x1d3: {  	v12 =	vsel vm9, $0x2EDBE6FF, v34;
	v7 =	vsel vm11, $0x2EDBE6FF, v7;
	[tilespmem:s21+$0xFFFFFE60] =	vst v3;
	v25 =	vld [tilespmem:s21+$0xFFFFFED0];
	v9 =	vsel vm12, $0x2EDBE6FF, v9;
	v26 =	vpop (erf)  }
0x1d4: {  	v27 =	vperm.xlane v2, v0;
	v29 =	vperm.xlane v3, v0;
	[tilespmem:s21+$0xFFFFFEB0] =	vst v4;
	v30 =	vld [tilespmem:s21+$0xFFFFFEE0];
	v26 =	vsel vm10, $0x2EDBE6FF, v26;
	v2 =	vpop (erf)  }
0x1d5: {  	v32 =	vperm.xlane v8, v0;
	v31 =	vperm.xlane v4, v0;
	v33 =	vld [tilespmem:s21+$0xFFFFFEF0];
	[tilespmem:s21+$0xFFFFFF00] =	vst v8;
	v8 =	vsel vm8, $0x2EDBE6FF, v2;
	v2 =	vpop (erf)  }
0x1d6: {  	v34 =	vperm.xlane v12, v0;
	v36 =	vperm.xlane v7, v0;
	v35 =	vld [tilespmem:s21+$0xFFFFFF10];
	[tilespmem:s21+$0xFFFFFF50] =	vst v12;
	v2 =	vsel vm7, $0x2EDBE6FF, v2;
	v3 =	vpop (erf)  }
0x1d7: {  	v38 =	vperm.xlane v9, v0;
	v39 =	vperm.xlane v26, v0;
	v3 =	vsel vm3, $0x2EDBE6FF, v3;
	v37 =	vld [tilespmem:s21+$0xFFFFFF20];
	[tilespmem:s21+$0xFFFFFFA0] =	vst v7;
	v4 =	vpop (erf)  }
0x1d8: {  	v42 =	vperm.xlane v8, v0;
	v40 =	vperm.xlane v3, v0;
	[tilespmem:s21+$0xFFFFFDC0] =	vst v3;
	v41 =	vld [tilespmem:s21+$0xFFFFFF30];
	v3 =	vsel vm6, $0x2EDBE6FF, v4;
	v4 =	vpop (erf)  }
0x1d9: {  	v44 =	vperm.xlane v2, v0;
	v43 =	vld [tilespmem:s21+$0xFFFFFF40];
	[tilespmem:s21+$0xFFFFFFF0] =	vst v9;
	v12 =	vperm.xlane v3, v0;
	v4 =	vsel vm5, $0x2EDBE6FF, v4;
	v7 =	vpop (erf)  }
0x1da: {  	v45 =	vmul.f32 v5, v40;
	v46 =	vld [tilespmem:s21+$0xFFFFFF60];
	[tilespmem:s21+$0x40] =	vst v26;
	v9 =	vperm.xlane v4, v0;
	v5 =	vsel vm4, $0x2EDBE6FF, v7;
	v7 =	vpop (erf)  }
0x1db: {  	v26 =	vmul.f32 v6, v40;
	v47 =	vld [tilespmem:s21+$0xFFFFFF70];
	[tilespmem:s21+$0x90] =	vst v8;
	v8 =	vperm.xlane v5, v0;
	v6 =	vsel vm0, $0x2EDBE6FF, v7  }
0x1dc: {  	v10 =	vmul.f32 v10, v40;
	[tilespmem:s21+$0xFFFFFD80] =	vst v45;
	v45 =	vld [tilespmem:s21+$0xFFFFFF80];
	v7 =	vperm.xlane v6, v0  }
0x1dd: {  	v13 =	vmul.f32 v13, v27;
	v11 =	vmul.f32 v11, v40;
	[tilespmem:s21+$0xFFFFFD90] =	vst v26;
	v26 =	vld [tilespmem:s21+$0xFFFFFF90]  }
0x1de: {  	[tilespmem:s21+$0xFFFFFDA0] =	vst v10;
	v10 =	vmul.f32 v14, v27;
	v14 =	vmul.f32 v16, v27;
	v16 =	vld [tilespmem:s21+$0xFFFFFFB0]  }
0x1df: {  	[tilespmem:s21+$0xFFFFFDB0] =	vst v11;
	v11 =	vmul.f32 v15, v27;
	v15 =	vmul.f32 v28, v29;
	v27 =	vld [tilespmem:s21+$0xFFFFFFC0]  }
0x1e0: {  	v20 =	vmul.f32 v20, v29;
	[tilespmem:s21+$0xFFFFFDD0] =	vst v13;
	v13 =	vmul.f32 v24, v29;
	v24 =	vld [tilespmem:s21+$0xFFFFFFD0]  }
0x1e1: {  	v18 =	vmul.f32 v18, v31;
	[tilespmem:s21+$0xFFFFFDE0] =	vst v10;
	v10 =	vmul.f32 v21, v29;
	v21 =	vld [tilespmem:s21+$0xFFFFFFE0]  }
0x1e2: {  	[tilespmem:s21+$0xFFFFFDF0] =	vst v14;
	v14 =	vmul.f32 v17, v31;
	v17 =	vmul.f32 v19, v31;
	v19 =	vld [tilespmem:s21+$0x0]  }
0x1e3: {  	[tilespmem:s21+$0xFFFFFE00] =	vst v11;
	v11 =	vmul.f32 v22, v31;
	v22 =	vmul.f32 v23, v32;
	v23 =	vld [tilespmem:s21+$0x10]  }
0x1e4: {  	[tilespmem:s21+$0xFFFFFE20] =	vst v15;
	v15 =	vmul.f32 v25, v32;
	v25 =	vmul.f32 v30, v32;
	v28 =	vld [tilespmem:s21+$0x20]  }
0x1e5: {  	v29 =	vmul.f32 v35, v34;
	[tilespmem:s21+$0xFFFFFE30] =	vst v13;
	v13 =	vmul.f32 v33, v32;
	v30 =	vld [tilespmem:s21+$0x30]  }
0x1e6: {  	v31 =	vmul.f32 v41, v34;
	[tilespmem:s21+$0xFFFFFE40] =	vst v20;
	v20 =	vmul.f32 v37, v34;
	v32 =	vld [tilespmem:s21+$0x50]  }
0x1e7: {  	v33 =	vmul.f32 v43, v34;
	v34 =	vmul.f32 v46, v36;
	[tilespmem:s21+$0xFFFFFE50] =	vst v10;
	v10 =	vld [tilespmem:s21+$0x60]  }
0x1e8: {  	v35 =	vmul.f32 v45, v36;
	[tilespmem:s21+$0xFFFFFE70] =	vst v18;
	v18 =	vmul.f32 v47, v36;
	v37 =	vld [tilespmem:s21+$0x70]  }
0x1e9: {  	v26 =	vmul.f32 v26, v36;
	v36 =	vmul.f32 v16, v38;
	[tilespmem:s21+$0xFFFFFE80] =	vst v14;
	v16 =	vld [tilespmem:s21+$0x80]  }
0x1ea: {  	v40 =	vmul.f32 v24, v38;
	[tilespmem:s21+$0xFFFFFE90] =	vst v17;
	v17 =	vmul.f32 v27, v38;
	v24 =	vld [tilespmem:s21+$0xA0]  }
0x1eb: {  	v41 =	vmul.f32 v19, v39;
	v38 =	vmul.f32 v21, v38;
	[tilespmem:s21+$0xFFFFFEA0] =	vst v11;
	v11 =	vld [tilespmem:s21+$0xB0]  }
0x1ec: {  	v43 =	vmul.f32 v23, v39;
	v45 =	vmul.f32 v28, v39;
	[tilespmem:s21+$0xFFFFFEC0] =	vst v22;
	v21 =	vld [tilespmem:s21+$0xC0]  }
0x1ed: {  	v39 =	vmul.f32 v30, v39;
	v46 =	vmul.f32 v32, v42;
	[tilespmem:s21+$0xFFFFFED0] =	vst v15;
	v22 =	vld [tilespmem:s21+$0xD0]  }
0x1ee: {  	v19 =	vmul.f32 v10, v42;
	v14 =	vmul.f32 v37, v42;
	[tilespmem:s21+$0xFFFFFEE0] =	vst v25;
	v23 =	vld [tilespmem:s21+$0xF0]  }
0x1ef: {  	[tilespmem:s21+$0xFFFFFEF0] =	vst v13;
	v13 =	vmul.f32 v16, v42;
	v10 =	vmul.f32 v24, v44;
	v24 =	vld [tilespmem:s21+$0x100]  }
0x1f0: {  	[tilespmem:s21+$0xFFFFFF10] =	vst v29;
	v11 =	vmul.f32 v11, v44;
	v25 =	vld [tilespmem:s21+$0x110]  }
0x1f1: {  	[tilespmem:s21+$0xFFFFFF20] =	vst v20;
	v15 =	vmul.f32 v21, v44;
	v27 =	vld [tilespmem:s21+$0x120]  }
0x1f2: {  	[tilespmem:s21+$0xFFFFFF30] =	vst v31;
	v16 =	vmul.f32 v22, v44;
	v22 =	vld [tilespmem:s21+$0x140]  }
0x1f3: {  	[tilespmem:s21+$0xFFFFFF40] =	vst v33;
	v20 =	vmul.f32 v23, v12;
	v23 =	vld [tilespmem:s21+$0x150]  }
0x1f4: {  	[tilespmem:s21+$0xFFFFFF60] =	vst v34;
	v21 =	vmul.f32 v24, v12;
	v28 =	vld [tilespmem:s21+$0x160]  }
0x1f5: {  	[tilespmem:s21+$0xFFFFFF70] =	vst v18;
	v24 =	vmul.f32 v25, v12;
	v18 =	vld [tilespmem:s21+$0x170]  }
0x1f6: {  	[tilespmem:s21+$0xFFFFFF80] =	vst v35;
	v25 =	vmul.f32 v27, v12;
	v12 =	vld [tilespmem:s21+$0x190]  }
0x1f7: {  	[tilespmem:s21+$0xFFFFFF90] =	vst v26;
	v26 =	vmul.f32 v22, v9;
	v29 =	vld [tilespmem:s21+$0x1A0]  }
0x1f8: {  	[tilespmem:s21+$0xFFFFFFB0] =	vst v36;
	v27 =	vmul.f32 v23, v9;
	v30 =	vld [tilespmem:s21+$0x1B0]  }
0x1f9: {  	[tilespmem:s21+$0xFFFFFFC0] =	vst v17;
	v28 =	vmul.f32 v28, v9;
	v31 =	vld [tilespmem:s21+$0x1C0]  }
0x1fa: {  	[tilespmem:s21+$0xFFFFFFD0] =	vst v40;
	v22 =	vmul.f32 v18, v9;
	v9 =	vld [tilespmem:s21+$0x1E0]  }
0x1fb: {  	[tilespmem:s21+$0xFFFFFFE0] =	vst v38;
	v23 =	vmul.f32 v12, v8;
	v33 =	vld [tilespmem:s21+$0x1F0]  }
.Ltmp7:
0x1fc: {  	[tilespmem:s21+$0x0] =	vst v41;
	v17 =	vmul.f32 v29, v8;
	v29 =	vld [tilespmem:s21+$0x200];
	(pc) =	sbr.rel @p1 .LBB2_8-.Ltmp7, $4  }
0x1fd: {  	[tilespmem:s21+$0x10] =	vst v43;
	v18 =	vmul.f32 v30, v8;
	v30 =	vld [tilespmem:s21+$0x210]  }
0x1fe: {  	[tilespmem:s21+$0x20] =	vst v45;
	v8 =	vmul.f32 v31, v8;
	v31 =	vld [tilespmem:s21+$0x230]  }
0x1ff: {  	[tilespmem:s21+$0x30] =	vst v39;
	v12 =	vmul.f32 v9, v7;
	v32 =	vld [tilespmem:s21+$0x240]  }
0x200: {  	s21 =	sadd.s32 $0x500, s21;
	[tilespmem:s24+$0x50] =	vst v46;
	v9 =	vmul.f32 v33, v7;
	v33 =	vld [tilespmem:s24+$0x250]  }
0x201: {  	[tilespmem:s24+$0x60] =	vst v19  }
0x202: {  	[tilespmem:s24+$0x70] =	vst v14  }
0x203: {  	[tilespmem:s24+$0x80] =	vst v13  }
0x204: {  	[tilespmem:s24+$0xA0] =	vst v10  }
0x205: {  	[tilespmem:s24+$0xB0] =	vst v11  }
0x206: {  	[tilespmem:s24+$0xC0] =	vst v15  }
0x207: {  	[tilespmem:s24+$0xD0] =	vst v16  }
0x208: {  	[tilespmem:s24+$0xF0] =	vst v20  }
0x209: {  	[tilespmem:s24+$0x100] =	vst v21  }
0x20a: {  	[tilespmem:s24+$0x110] =	vst v24  }
0x20b: {  	[tilespmem:s24+$0x120] =	vst v25  }
0x20c: {  	[tilespmem:s24+$0x140] =	vst v26  }
0x20d: {  	[tilespmem:s24+$0x150] =	vst v27  }
0x20e: {  	[tilespmem:s24+$0x160] =	vst v28  }
0x20f: {  	[tilespmem:s24+$0x170] =	vst v22  }
0x210: {  	[tilespmem:s24+$0x190] =	vst v23  }
0x211: {  	[tilespmem:s24+$0x1A0] =	vst v17  }
0x212: {  	[tilespmem:s24+$0x1B0] =	vst v18  }
0x213: {  	[tilespmem:s24+$0x1C0] =	vst v8  }
0x214: {  	[tilespmem:s24+$0x1E0] =	vst v12  }
0x215: {  	[tilespmem:s24+$0xE0] =	vst v2  }
0x216: {  	[tilespmem:s24+$0x130] =	vst v3  }
0x217: {  	[tilespmem:s24+$0x180] =	vst v4  }
0x218: {  	[tilespmem:s24+$0x1D0] =	vst v5  }
0x219: {  	v60 =	vmul.f32 v29, v7;
	[tilespmem:s24+$0x220] =	vst v6  }
0x21a: {  	v61 =	vmul.f32 v30, v7;
	[tilespmem:s24+$0x1F0] =	vst v9  }
0x21b: {  	v62 =	vmul.f32 v31, v1;
	[tilespmem:s24+$0x200] =	vst v60  }
0x21c: {  	v63 =	vmul.f32 v32, v1;
	[tilespmem:s24+$0x210] =	vst v61  }
0x21d: {  	v1 =	vmul.f32 v33, v1;
	[tilespmem:s24+$0x230] =	vst v62  }
0x21e: {  	[tilespmem:s24+$0x240] =	vst v63  }
.Ltmp8:
0x21f: {  	[tilespmem:s24+$0x250] =	vst v1;
	(pc) =	sbr.rel .LBB2_10-.Ltmp8, $4  }
0x220: {  	[spmem:s2] =	stream.indirect.scatter.add.f32 [tilespmem:s22], [sflag:$0x5], $0x50, s23, s16, $0xb8;
	[tilespmem:$0x12780] =	vst v63  }
0x221: {  	_ =	swait.ge [sflag:s18], $0x2800  }
0x222: {  	[sflag:s18] =	ssyncset.done $0x0  }
0x223: {  	[sflag:s18] =	ssyncadd.s32 $0xFFFFD800  }
.LBB2_12:
0x224: {  	_ =	sfence.sel $0x180000  }
0x225: {  	[bflag:$0x0] =	sbarrier.arrive $0xFFFF  }
0x226: {  	_ =	strace $0x9000004A  }
0x227: {  	[bflag:$0x2] =	sbarrier.arrive $0xFFFF  }
0x228: {  	s0 =	rddreg [dreg:$0x3]  }
0x229: {  	s0 =	sadd.s32 @!p0 $0x100000, s0  }
0x22a: {  	[sflag:s0] =	ssyncadd.tile.s32 @!p0 $0x1;
	_ =	shalt  }
.Lfunc_end2:
_tile_overlayer_lowered:
.L_overlay_start_2:
0x22b: {  	(tag) =	ssettag $0x2  }
0x22c: {  	s0 =	rddreg [dreg:$0x0];
	s2 =	stileid.u32  }
0x22d: {  	s1 =	rddreg [dreg:$0x1];
	p0 =	sne.s32 s2, $0x0  }
0x22e: {  	s3 =	rddreg [dreg:$0x2];
	[bflag:$0x3] =	sbarrier.arrive $0xFFFF;
	s2 =	simm.s32 @!p0 $0x1C05  }
0x22f: {  	[timem:s3], [sflag:s2] =	dma.local @!p0 [hbm:s0], s1  }
0x230: {  	s0 =	simm.s32 @!p0 $0x5  }
0x231: {  	_ =	swait.ge @!p0 [sflag:s0], s1  }
0x232: {  	s1 =	ssub.s32 @!p0 $0x0, s1;
	[sflag:s0] =	ssyncset.done @!p0 $0x0  }
0x233: {  	[sflag:s0] =	ssyncadd.s32 @!p0 s1  }
0x234: {  	[bflag:$0x3] =	sbarrier.arrive $0xFFFF  }
0x235: {  	_ =	shalt  }

// kernel: kernel.7.cloned.1.call-start
scs
__scs_entry_jumppad:
0x0: {  	(pc) =	sbr.rel $0x88, $3  }
0x1: {  	(tag) =	ssettag $0x0;
	lr =	simm.s32 $0x1  }
0x2: {  	[smem:$0x3F97] =	sst lr;
	_ =	strace $0xD0000000  }
0x3: {  	_ = 	snop  }
0x4: {  	_ = 	snop  }
0x5: {  	_ = 	snop  }
0x6: {  	_ = 	snop  }
0x7: {  	_ = 	snop  }
__scs_overlays_trampoline_lowered:
0x8: {  	[smem:$0x3FA6] =	sst s0  }
0x9: {  	[smem:$0x3FA7] =	sst s1  }
0xa: {  	[smem:$0x3FA8] =	sst s2  }
0xb: {  	[smem:$0x3FA9] =	sst s3  }
0xc: {  	[smem:$0x3FAA] =	sst s4  }
0xd: {  	[smem:$0x3FAB] =	sst s5  }
0xe: {  	[smem:$0x3FAC] =	sst s6  }
0xf: {  	[smem:$0x3FAD] =	sst s7  }
0x10: {  	[smem:$0x3FAE] =	sst s8  }
0x11: {  	[smem:$0x3FAF] =	sst s9;
	s0 =	simm.s32 @!p0 $0x0  }
0x12: {  	s1 =	sld [smem:$0x3F95];
	s0 =	simm.s32 @p0 $0x1  }
0x13: {  	[smem:$0x3FB0] =	sst s0;
	s0 =	simm.s32 @!p1 $0x0  }
0x14: {  	s2 =	sld [smem:$0x3F94];
	s0 =	simm.s32 @p1 $0x1  }
0x15: {  	[smem:$0x3FB1] =	sst s0;
	s0 =	simm.s32 @!p2 $0x0  }
0x16: {  	s3 =	sld [smem:$0x3FDB];
	s0 =	simm.s32 @p2 $0x1  }
0x17: {  	s4 =	simm.s32 $0x1BF5;
	[smem:$0x3FB3] =	sst s0  }
0x18: {  	s0 =	sld [smem:$0x3F96];
	_ =	swait.ge [sflag:s4], $0x0  }
0x19: {  	s7 =	sld [smem:$0x3F97]  }
0x1a: {  	s8 =	sadd.s32 $0xFFFFE003, lr  }
0x1b: {  	s9 =	sadd.s32 $0xFFFFFEF7, lr;
	s5 =	simm.s32 $0xFFFFFFFF;
	p2 =	slt.u32 s8, $0xFFFFF086  }
0x1c: {  	p1 =	slt.u32 s9, $0xF7A;
	s5 =	simm.s32 @!p2 $0x0  }
0x1d: {  	s5 =	simm.s32 @p1 $0x1;
	p0 =	seq.s32 s7, s2  }
0x1e: {  	s7 =	smul.u32 @!p0 $0xF7A, s2;
	p2 =	seq.s32 @!p0 s5, $0x0  }
0x1f: {  	s9 =	smul.u32 $0xF7A, s1;
	s8 =	simm.s32 @!p0 $0x1BF5;
	p2 =	por !p2, p0  }
0x20: {  	[sflag:s8] =	ssyncset.s32 @!p0 $0xFFFFF086;
	s6 =	sadd.s32 @!p0 s3, s7;
	s7 =	simm.s32 @!p0 $0x108  }
0x21: {  	s3 =	sadd.s32 s3, s9;
	s6 =	sadd.s32 @!p0 $0x88, s6;
	s7 =	simm.s32 @p2 $0x1082  }
0x22: {  	[simem:s7], [sflag:s8] =	dma.local @!p0 [hbm:s6], $0xF7A  }
0x23: {  	s9 =	sor.u32 $0xD0000000, s2;
	s6 =	simm.s32 $0x108;
	_ =	swait.ge @!p0 [sflag:s8], $0x0  }
0x24: {  	s3 =	sadd.s32 $0x88, s3;
	s6 =	simm.s32 @!p1 $0x1082;
	[sflag:s4] =	ssyncset.s32 $0xFFFFF086  }
0x25: {  	[simem:s6], [sflag:s4] =	dma.local [hbm:s3], $0xF7A  }
0x26: {  	[smem:$0x3F97] =	sst s1;
	(tag) =	ssettag s2;
	_ =	strace s9  }
0x27: {  	s1 =	sld [smem:$0x3FA7]  }
0x28: {  	s2 =	sld [smem:$0x3FA8]  }
0x29: {  	s4 =	sld [smem:$0x3FAA]  }
0x2a: {  	p0 =	seq.s32 s5, $0x0;
	s5 =	sld [smem:$0x3FAB]  }
0x2b: {  	s6 =	sld [smem:$0x3FAC]  }
0x2c: {  	s7 =	sld [smem:$0x3FAD]  }
0x2d: {  	s3 =	simm.s32 $0x108;
	s8 =	sld [smem:$0x3FAE]  }
0x2e: {  	s3 =	simm.s32 @!p0 $0x1082;
	s9 =	sld [smem:$0x3FAF]  }
0x2f: {  	lr =	sadd.s32 s0, s3;
	s0 =	sld [smem:$0x3FA6]  }
0x30: {  	s3 =	sld [smem:$0x3FA9]  }
0x31: {  	[smem:$0x3FB2] =	sst s10  }
0x32: {  	s10 =	sld [smem:$0x3FB0];
	_ =	sdelay $0x3  }
0x33: {  	p0 =	seq.s32 s10, $0x1;
	s10 =	sld [smem:$0x3FB2];
	_ =	sdelay $0x3  }
0x34: {  	[smem:$0x3FB2] =	sst s10  }
0x35: {  	s10 =	sld [smem:$0x3FB1];
	_ =	sdelay $0x3  }
0x36: {  	p1 =	seq.s32 s10, $0x1;
	s10 =	sld [smem:$0x3FB2];
	_ =	sdelay $0x3  }
0x37: {  	[smem:$0x3FB2] =	sst s10  }
0x38: {  	s10 =	sld [smem:$0x3FB3]  }
0x39: {  	_ = 	snop;
	(pc) =	sbr.ind lr, $3  }
0x3a: {  	_ = 	snop  }
0x3b: {  	_ = 	snop  }
0x3c: {  	p2 =	seq.s32 s10, $0x1;
	s10 =	sld [smem:$0x3FB2]  }
0x3d: {  	_ =	shalt  }
0x3e: {  	_ =	shalt  }
0x3f: {  	_ =	shalt  }
0x40: {  	_ =	shalt  }
0x41: {  	_ =	shalt  }
0x42: {  	_ =	shalt  }
0x43: {  	_ =	shalt  }
0x44: {  	_ =	shalt  }
0x45: {  	_ =	shalt  }
0x46: {  	_ =	shalt  }
0x47: {  	_ =	shalt  }
0x48: {  	_ =	shalt  }
0x49: {  	_ =	shalt  }
0x4a: {  	_ =	shalt  }
0x4b: {  	_ =	shalt  }
0x4c: {  	_ =	shalt  }
0x4d: {  	_ =	shalt  }
0x4e: {  	_ =	shalt  }
0x4f: {  	_ =	shalt  }
0x50: {  	_ =	shalt  }
0x51: {  	_ =	shalt  }
0x52: {  	_ =	shalt  }
0x53: {  	_ =	shalt  }
0x54: {  	_ =	shalt  }
0x55: {  	_ =	shalt  }
0x56: {  	_ =	shalt  }
0x57: {  	_ =	shalt  }
0x58: {  	_ =	shalt  }
0x59: {  	_ =	shalt  }
0x5a: {  	_ =	shalt  }
0x5b: {  	_ =	shalt  }
0x5c: {  	_ =	shalt  }
0x5d: {  	_ =	shalt  }
0x5e: {  	_ =	shalt  }
0x5f: {  	_ =	shalt  }
0x60: {  	_ =	shalt  }
0x61: {  	_ =	shalt  }
0x62: {  	_ =	shalt  }
0x63: {  	_ =	shalt  }
0x64: {  	_ =	shalt  }
0x65: {  	_ =	shalt  }
0x66: {  	_ =	shalt  }
0x67: {  	_ =	shalt  }
0x68: {  	_ =	shalt  }
0x69: {  	_ =	shalt  }
0x6a: {  	_ =	shalt  }
0x6b: {  	_ =	shalt  }
0x6c: {  	_ =	shalt  }
0x6d: {  	_ =	shalt  }
0x6e: {  	_ =	shalt  }
0x6f: {  	_ =	shalt  }
0x70: {  	_ =	shalt  }
0x71: {  	_ =	shalt  }
0x72: {  	_ =	shalt  }
0x73: {  	_ =	shalt  }
0x74: {  	_ =	shalt  }
0x75: {  	_ =	shalt  }
0x76: {  	_ =	shalt  }
0x77: {  	_ =	shalt  }
0x78: {  	_ =	shalt  }
0x79: {  	_ =	shalt  }
0x7a: {  	_ =	shalt  }
0x7b: {  	_ =	shalt  }
0x7c: {  	_ =	shalt  }
0x7d: {  	_ =	shalt  }
0x7e: {  	_ =	shalt  }
0x7f: {  	_ =	shalt  }
0x80: {  	_ =	shalt  }
0x81: {  	_ =	shalt  }
0x82: {  	_ =	shalt  }
0x83: {  	_ =	shalt  }
0x84: {  	_ =	shalt  }
0x85: {  	_ =	shalt  }
0x86: {  	_ =	shalt  }
0x87: {  	_ =	shalt  }
.Lfunc_end0:
.L_simem_size_0:
called_computation_lowered:
.L_overlay_start_0:
0x88: {  	s2 =	sld [smem:$0x3FD9]  }
0x89: {  	s3 =	sld [smem:$0x3FFE];
	_ =	sdelay $0x1  }
0x8a: {  	s1 =	srdreg.scid  }
0x8b: {  	s0 =	sand.u32 $0x1, s1  }
0x8c: {  	s17 =	sshll.u32 s0, $0xA;
	s2 =	sadd.s32 s3, s2  }
0x8d: {  	s2 =	sadd.s32 s2, s17  }
0x8e: {  	[smem:$0x3FBE] =	sst s2  }
0x8f: {  	_ = 	snop  }
0x90: {  	s2 =	sld [smem:$0x3FD0];
	(tm) =	ssettm $0x1  }
0x91: {  	s18 =	sld [smem:$0x3FFB];
	_ =	sdelay $0x3  }
0x92: {  	_ =	strace s18  }
0x93: {  	s3 =	sld [smem:$0x3FFC];
	_ =	sdelay $0x3  }
0x94: {  	_ =	strace s3  }
0x95: {  	s3 =	sld [smem:$0x3FFD];
	_ =	sdelay $0x3  }
0x96: {  	_ =	strace s3  }
0x97: {  	_ =	strace $0x8FFFFFFF  }
0x98: {  	s19 =	sld [smem:$0x3FDB];
	_ =	sdelay $0x1  }
0x99: {  	s4 =	simm.s32 $_scs_section_size  }
0x9a: {  	s5 =	simm.s32 $_size__tile_overlayer_lowered;
	s6 =	simm.s32 $_tile_overlayer_lowered  }
0x9b: {  	s22 =	simm.s32 $0x1BFF;
	s21 =	sshll.u32 s6, $0x1;
	s3 =	sadd.s32 s4, s19  }
0x9c: {  	s7 =	simm.s32 $0x0;
	s20 =	sshll.u32 s5, $0x1;
	s5 =	sadd.s32 s21, s3  }
0x9d: {  	[timem:s7], [sflag:s22] =	dma.local [hbm:s5], s20  }
0x9e: {  	_ =	swait.ge [sflag:s22], s20  }
0x9f: {  	s4 =	ssub.s32 $0x0, s20;
	[sflag:s22] =	ssyncset.done $0x0  }
0xa0: {  	[sflag:s22] =	ssyncadd.s32 s4;
	_ =	sdelay $0x1  }
0xa1: {  	s23 =	simm.s32 $0x1B8B  }
0xa2: {  	_ =	swait.ge [sflag:s23], $0x1  }
0xa3: {  	[sflag:s23] =	ssyncset.done $0x0  }
0xa4: {  	s25 =	simm.s32 $0x1B8E;
	s24 =	sld [smem:$0x3FFE];
	[sflag:s23] =	ssyncadd.s32 $0xFFFFFFFF  }
0xa5: {  	s26 =	simm.s32 $execute0_lowered;
	[smem:$0x3FD2] =	sst s25  }
0xa6: {  	s5 =	sshll.u32 s26, $0x1;
	_ =	strace $0x80000046;
	[dreg:$0x1] =	wrdreg $0xFFFFFFFF  }
0xa7: {  	s28 =	simm.s32 $_size_execute0_lowered;
	s3 =	sadd.s32 s3, s5;
	[dreg:$0x0] =	wrdreg $0x0  }
0xa8: {  	s5 =	sshll.u32 s28, $0x1;
	[dreg:$0x2] =	wrdreg s3  }
0xa9: {  	[dreg:$0x3] =	wrdreg s5  }
0xaa: {  	[dreg:$0x4] =	wrdreg $0xC0  }
0xab: {  	_ =	task [dreg:s7], $0x5FFFF  }
0xac: {  	[dreg:$0x1] =	wrdreg $0xFFFFFFFF  }
0xad: {  	[dreg:$0x0] =	wrdreg $0x60  }
0xae: {  	[dreg:$0x2] =	wrdreg s24  }
0xaf: {  	[dreg:$0x3] =	wrdreg s2  }
0xb0: {  	[dreg:$0x4] =	wrdreg $0x65400  }
0xb1: {  	[dreg:$0x5] =	wrdreg $0x9  }
0xb2: {  	_ =	task.clear_ibuf [dreg:s7], $0x6FFFF;
	_ =	strace $0x90000046  }
0xb3: {  	s29 =	simm.s32 $0x9;
	_ =	strace $0x80000048  }
0xb4: {  	_ =	swait.ge [sflag:s29], $0x1  }
0xb5: {  	[sflag:s29] =	ssyncadd.s32 $0xFFFFFFFF  }
0xb6: {  	_ =	strace $0x90000048  }
0xb7: {  	_ =	sfence  }
0xb8: {  	s30 =	sld [smem:$0x0];
	_ =	sdelay $0x2  }
0xb9: {  	s31 =	sshll.u32 s1, $0xD;
	s1 =	sshrl.u32 s1, $0x2  }
0xba: {  	s3 =	sand.u32 $0x4000, s31;
	s1 =	sadd.s32 s1, s30  }
0xbb: {  	s0 =	sor.u32 s3, s0;
	s1 =	sshll.u32 s1, $0x11  }
0xbc: {  	s0 =	sor.u32 s1, s0  }
0xbd: {  	s0 =	sadd.s32 $0x8F2B, s0  }
0xbe: {  	[sflag:s0] =	ssyncadd.remote.s32 $0x1  }
0xbf: {  	_ =	sfence.sel $0xFFFF  }
0xc0: {  	[dreg:$0x0] =	wrdreg $0xFFFFFFFF;
	(pc) =	sbr.abs _section_cstart, $3  }
0xc1: {  	[dreg:$0x1] =	wrdreg $0xFFFFFFFF  }
0xc2: {  	_ =	task.clear_ibuf [dreg:s7], $0x2FFFF;
	_ =	strace $0x9FFFFFFF  }
0xc3: {  	(tm) =	ssettm $0x7FFFFFFF  }
tec
execute0_lowered:
.L_overlay_start_1:
0x0: {  	(tag) =	ssettag $0x1  }
0x1: {  	s0 =	rddreg [dreg:$0x0]  }
0x2: {  	s1 =	rddreg [dreg:$0x1]  }
0x3: {  	s3 =	srdreg.scid;
	s2 =	rddreg [dreg:$0x2];
	s5 =	simm.s32 $0x0  }
0x4: {  	s12 =	stileid.u32;
	s15 =	simm.s32 $0x50;
	s16 =	simm.s32 $0x4E200  }
0x5: {  	s17 =	simm.s32 $0x5;
	s18 =	simm.s32 $0x140;
	s19 =	simm.s32 $0x5B40  }
0x6: {  	s21 =	simm.s32 $0x2E40;
	s22 =	simm.s32 $0xF0;
	s28 =	simm.s32 $0x2  }
0x7: {  	s29 =	simm.s32 $0x4;
	s30 =	simm.s32 $0x0;
	s3 =	sand.u32 $0x1, s3  }
0x8: {  	[smem:$0x7FF] =	sst s5;
	s7 =	smul.u32 $0x16380, s12;
	s5 =	sadd.s32 $0x2200, s0  }
0x9: {  	s10 =	sadd.s32 $0x33A00, s0;
	p0 =	sne.s32 s12, $0x0;
	s4 =	smul.u32 $0x163800, s3  }
0xa: {  	s6 =	smul.u32 $0x7D0, s3;
	_ =	strace $0x80000047;
	s3 =	ssub.s32 $0x2, s3  }
0xb: {  	[dreg:$0x4] =	wrdreg s10;
	s14 =	sshrl.u32 @!p0 s2, $0x3;
	s24 =	sshrl.u32 s3, $0x1  }
0xc: {  	s31 =	sadd.s32 s7, s2;
	s8 =	sor.u32 s12, s6;
	s6 =	sadd.s32 $0x2EA00, s0  }
0xd: {  	s4 =	sadd.s32 s7, s4;
	s3 =	ssub.s32 s3, s24;
	s9 =	smul.u32 $0x50, s8  }
0xe: {  	s24 =	simm.s32 $0x1;
	s4 =	sshrl.u32 s4, $0x3;
	s11 =	smul.u32 $0xA, s8  }
.Ltmp0:
0xf: {  	s10 =	sadd.s32 $0x20, s8;
	s13 =	smax.u32 s3, $0x1;
	(pc) =	sbr.rel .LBB2_1-.Ltmp0, $4  }
0x10: {  	s0 =	sadd.s32 s4, s0;
	s9 =	sshrl.u32 s9, $0x3;
	s26 =	sadd.s32 s1, s11  }
0x11: {  	v0 =	vimm.s32 $0x0;
	v1 =	vimm.s32 $0x1;
	s0 =	sadd.s32 $0x60200, s0;
	s25 =	sadd.s32 s1, s9;
	[dreg:$0x5] =	wrdreg s26  }
0x12: {  	v2 =	vimm.s32 $0x2;
	v3 =	vimm.s32 $0x3;
	v4 =	vimm.s32 $0x4;
	s11 =	sadd.s32 $0x30, s8;
	[dreg:$0x7] =	wrdreg s0;
	s4 =	sadd.s32 $0xA0, s25  }
0x13: {  	v5 =	vimm.s32 $0x5;
	v6 =	vimm.s32 $0x6;
	v7 =	vimm.s32 $0x7;
	s26 =	simm.s32 $0x3;
	s25 =	sshrl.u32 s31, $0x3;
	[dreg:$0x6] =	wrdreg s4  }
.LBB2_8:
0x14: {  	s0 =	stileid.u32;
	s30 =	sadd.s32 $0x1, s30  }
0x15: {  	[bflag:$0x0] =	sbarrier.arrive $0xFFFF;
	s0 =	sshll.u32 s0, $0x6;
	p1 =	sne.s32 s30, s13  }
.Ltmp1:
0x16: {  	s3 =	rddreg [dreg:$0x7];
	s0 =	sor.u32 $0x1C05, s0;
	(pc) =	sbr.rel @!p1 .LBB2_9-.Ltmp1, $4  }
0x17: {  	[hbm:s3], [sflag:s0] =	dma.local [spmem:s25], $0x2C70  }
0x18: {  	_ =	swait.ge [sflag:s17], $0x2C70  }
0x19: {  	[sflag:s17] =	ssyncset.done $0x0  }
0x1a: {  	[sflag:s17] =	ssyncadd.s32 $0xFFFFD390  }
.LBB2_1:
0x1b: {  	s0 =	simm.s32 @!p0 $0x1C05;
	s3 =	rddreg [dreg:$0x4]  }
0x1c: {  	[spmem:s14], [sflag:s0] =	dma.local @!p0 [hbm:s3], $0x2C700  }
0x1d: {  	s0 =	simm.s32 @!p0 $0x5  }
0x1e: {  	_ =	swait.ge @!p0 [sflag:s0], $0x2C700  }
0x1f: {  	[sflag:s0] =	ssyncset.done @!p0 $0x0  }
0x20: {  	[sflag:s0] =	ssyncadd.s32 @!p0 $0xFFFD3900  }
0x21: {  	[bflag:$0x0] =	sbarrier.arrive $0xFFFF  }
0x22: {  	s8 =	simm.s32 $0x0;
	s9 =	rddreg [dreg:$0x5]  }
0x23: {  	[tilespmem:s8], [sflag:$0x5] =	stream.strided.gather [hbm4b:s9+s15], $0xA0, s16, s15, $0x38;
	[tilespmem:$0x1C8C0] =	vst v63  }
0x24: {  	_ =	swait.ge [sflag:s17], $0xA0  }
0x25: {  	[sflag:s17] =	ssyncset.done $0x0  }
0x26: {  	[sflag:s17] =	ssyncadd.s32 $0xFFFFFF60  }
0x27: {  	[tilespmem:s18], [sflag:$0x1] =	stream.indirect.gather [hbm4b:s5+s15], $0x90, s8, s15, $0xb8;
	[tilespmem:$0x1C8C0] =	vst v63  }
0x28: {  	_ = 	snop  }
0x29: {  	[tilespmem:s19], [sflag:$0x3] =	stream.indirect.gather [hbm4b:s6+s15], $0x10, s15, s15, $0xb8;
	[tilespmem:$0x1C8C0] =	vst v63  }
0x2a: {  	s20 =	simm.s32 $0xA0;
	s12 =	rddreg [dreg:$0x6]  }
0x2b: {  	[tilespmem:s20], [sflag:$0x5] =	stream.strided.gather [hbm4b:s12+s15], $0xA0, s16, s15, $0x38;
	[tilespmem:$0x1C8C0] =	vst v63  }
0x2c: {  	_ =	swait.ge [sflag:s17], $0xA0  }
0x2d: {  	[sflag:s17] =	ssyncset.done $0x0  }
0x2e: {  	[sflag:s17] =	ssyncadd.s32 $0xFFFFFF60  }
0x2f: {  	[tilespmem:s21], [sflag:$0x2] =	stream.indirect.gather [hbm4b:s5+s15], $0x90, s20, s15, $0xb8;
	[tilespmem:$0x1C8C0] =	vst v63  }
0x30: {  	s23 =	simm.s32 $0x6040;
	s31 =	simm.s32 $0x0  }
0x31: {  	[tilespmem:s23], [sflag:$0x4] =	stream.indirect.gather [hbm4b:s6+s15], $0x10, s22, s15, $0xb8;
	[tilespmem:$0x1C8C0] =	vst v63  }
.LBB2_2:
0x32: {  	_ =	swait.ge [sflag:s24], $0x2D00  }
0x33: {  	[sflag:s24] =	ssyncset.done $0x0  }
0x34: {  	[sflag:s24] =	ssyncadd.s32 $0xFFFFD300  }
0x35: {  	_ =	swait.ge [sflag:s26], $0x500  }
0x36: {  	[sflag:s26] =	ssyncset.done $0x0  }
0x37: {  	s0 =	simm.s32 $0x0;
	[sflag:s26] =	ssyncadd.s32 $0xFFFFFB00  }
.LBB2_3:
0x38: {  	s3 =	smul.u32 $0x240, s0;
	_ =	sdelay $0x1  }
0x39: {  	s12 =	sshll.u32 s0, $0x4;
	s4 =	sshra.s32 s3, $0x2  }
0x3a: {  	s3 =	sand.u32 $0x3FFFFFF0, s12;
	v8 =	vld [tilespmem:s4+$0x1C0]  }
0x3b: {  	v9 =	vld [tilespmem:s3+$0x5B40]  }
0x3c: {  	s7 =	sor.u32 $0x1, s0  }
0x3d: {  	s20 =	smul.u32 $0x240, s7;
	s7 =	sshll.u32 s7, $0x4  }
0x3e: {  	s7 =	sand.u32 $0x3FFFFFF0, s7  }
0x3f: {  	s3 =	sshra.s32 s20, $0x2;
	v44 =	vld [tilespmem:s7+$0x5B40]  }
0x40: {  	s8 =	sor.u32 $0x2, s0;
	v10 =	vld [tilespmem:s3+$0x1C0];
	v8 =	vadd.f32 v9, v8  }
0x41: {  	s23 =	smul.u32 $0x240, s8;
	s8 =	sshll.u32 s8, $0x4  }
0x42: {  	s8 =	sand.u32 $0x3FFFFFF0, s8;
	v9 =	vmul.f32 $2.000000030e-01, v8  }
0x43: {  	s7 =	sshra.s32 s23, $0x2;
	v47 =	vld [tilespmem:s8+$0x5B40];
	vm0 =	vge.f32 v8, $0.0e+00  }
0x44: {  	s9 =	sor.u32 $0x3, s0;
	v17 =	vld [tilespmem:s7+$0x1C0];
	v8 =	vsel vm0, v8, v9  }
0x45: {  	s20 =	smul.u32 $0x240, s9;
	s8 =	sshll.u32 s9, $0x4;
	v9 =	vadd.f32 v44, v10;
	v11 =	vmul.f32 $1.442695020e+00, v8  }
0x46: {  	s8 =	sand.u32 $0x3FFFFFF0, s8  }
0x47: {  	s20 =	sshra.s32 s20, $0x2;
	v29 =	vld [tilespmem:s8+$0x5B40];
	v16 =	vmul.f32 $2.000000030e-01, v9;
	(erf) = vpow2.f32 v11  }
0x48: {  	v52 =	vld [tilespmem:s20+$0x1C0];
	vm9 =	vge.f32 v9, $0.0e+00  }
0x49: {  	v9 =	vsel vm9, v9, v16;
	v16 =	vadd.f32 v47, v17  }
0x4a: {  	v12 =	vld [tilespmem:s4+$0x140]  }
0x4b: {  	v45 =	vld [tilespmem:s4+$0x150];
	v25 =	vmul.f32 $2.000000030e-01, v16  }
0x4c: {  	v13 =	vld [tilespmem:s4+$0x160];
	vm11 =	vge.f32 v16, $0.0e+00  }
0x4d: {  	v14 =	vld [tilespmem:s4+$0x170];
	v16 =	vsel vm11, v16, v25;
	v25 =	vadd.f32 v29, v52  }
0x4e: {  	v46 =	vld [tilespmem:s4+$0x180];
	v19 =	vmul.f32 $1.442695020e+00, v9  }
0x4f: {  	v15 =	vld [tilespmem:s4+$0x190];
	v34 =	vmul.f32 $2.000000030e-01, v25  }
0x50: {  	v18 =	vld [tilespmem:s4+$0x1A0];
	vm10 =	vlt.f32 v8, $-1.000000010e-01;
	vm13 =	vge.f32 v25, $0.0e+00;
	v8 =	vpop (erf);
	(erf) = vpow2.f32 v19  }
0x51: {  	v20 =	vld [tilespmem:s4+$0x1B0];
	v37 =	vsel vm13, v25, v34  }
0x52: {  	v48 =	vld [tilespmem:s3+$0x140];
	v53 =	vmul.f32 $1.442695020e+00, v16;
	v8 =	vsel vm10, $0x2EDBE6FF, v8;
	v40 =	vmul.f32 $1.442695020e+00, v37  }
0x53: {  	v21 =	vld [tilespmem:s3+$0x150];
	v22 =	vperm.xlane v8, v0;
	v49 =	vperm.xlane v8, v1  }
0x54: {  	v23 =	vld [tilespmem:s3+$0x160];
	v51 =	vperm.xlane v8, v2;
	v27 =	vperm.xlane v8, v3  }
0x55: {  	v24 =	vld [tilespmem:s3+$0x170];
	v28 =	vperm.xlane v8, v4;
	v55 =	vperm.xlane v8, v5  }
0x56: {  	v50 =	vld [tilespmem:s3+$0x180];
	v57 =	vperm.xlane v8, v6;
	v31 =	vperm.xlane v8, v7  }
0x57: {  	s12 =	sor.u32 $0x4, s0;
	v26 =	vld [tilespmem:s3+$0x190];
	v12 =	vmul.f32 v12, v22;
	v11 =	vmul.f32 v45, v49  }
0x58: {  	s23 =	smul.u32 $0x240, s12;
	v54 =	vld [tilespmem:s3+$0x1A0];
	v13 =	vmul.f32 v13, v51;
	v14 =	vmul.f32 v14, v27  }
0x59: {  	v30 =	vld [tilespmem:s3+$0x1B0];
	vm12 =	vlt.f32 v9, $-1.000000010e-01;
	v10 =	vmul.f32 v46, v28;
	v56 =	vpop (erf);
	(erf) = vpow2.f32 v53  }
0x5a: {  	v32 =	vld [tilespmem:s7+$0x140];
	s23 =	sshra.s32 s23, $0x2;
	s8 =	sshll.u32 s12, $0x4;
	[tilespmem:s4+$0x1C0] =	vst v8;
	v15 =	vmul.f32 v15, v55;
	v17 =	vmul.f32 v18, v57;
	v9 =	vsel vm12, $0x2EDBE6FF, v56  }
0x5b: {  	v38 =	vld [tilespmem:s23+$0x1C0];
	s8 =	sand.u32 $0x3FFFFFF0, s8;
	v59 =	vmul.f32 v20, v31;
	[tilespmem:s4+$0x140] =	vst v12;
	v58 =	vperm.xlane v9, v0  }
0x5c: {  	v41 =	vld [tilespmem:s8+$0x5B40];
	[tilespmem:s4+$0x150] =	vst v11;
	v60 =	vperm.xlane v9, v1;
	v61 =	vperm.xlane v9, v2  }
0x5d: {  	v33 =	vld [tilespmem:s7+$0x150];
	[tilespmem:s4+$0x160] =	vst v13;
	v35 =	vperm.xlane v9, v3;
	v36 =	vperm.xlane v9, v4  }
0x5e: {  	v62 =	vld [tilespmem:s7+$0x180];
	[tilespmem:s4+$0x170] =	vst v14;
	v43 =	vperm.xlane v9, v5;
	v46 =	vperm.xlane v9, v6  }
0x5f: {  	s9 =	sor.u32 $0x5, s0;
	v47 =	vld [tilespmem:s7+$0x1B0];
	[tilespmem:s4+$0x180] =	vst v10;
	v19 =	vmul.f32 v48, v58;
	v63 =	vmul.f32 v21, v60  }
0x60: {  	s12 =	smul.u32 $0x240, s9;
	v29 =	vld [tilespmem:s7+$0x170];
	[tilespmem:s4+$0x190] =	vst v15;
	v12 =	vmul.f32 v23, v61;
	v39 =	vmul.f32 v24, v35  }
0x61: {  	s8 =	sshll.u32 s9, $0x4;
	v52 =	vld [tilespmem:s20+$0x160];
	[tilespmem:s4+$0x1A0] =	vst v17;
	v42 =	vmul.f32 v50, v36;
	v48 =	vperm.xlane v9, v7;
	v24 =	vadd.f32 v41, v38  }
0x62: {  	s8 =	sand.u32 $0x3FFFFFF0, s8;
	vm14 =	vlt.f32 v16, $-1.000000010e-01;
	v20 =	vld [tilespmem:s7+$0x160];
	[tilespmem:s4+$0x1B0] =	vst v59;
	s4 =	sshra.s32 s12, $0x2;
	v13 =	vmul.f32 v26, v43;
	v15 =	vmul.f32 v54, v46;
	v44 =	vpop (erf)  }
0x63: {  	v59 =	vld [tilespmem:s4+$0x1C0];
	v8 =	vmul.f32 v30, v48;
	v56 =	vmul.f32 $2.000000030e-01, v24;
	v16 =	vsel vm14, $0x2EDBE6FF, v44  }
0x64: {  	[tilespmem:s3+$0x1C0] =	vst v9;
	v61 =	vld [tilespmem:s8+$0x5B40];
	(erf) = vpow2.f32 v40;
	v49 =	vperm.xlane v16, v0  }
0x65: {  	v28 =	vld [tilespmem:s7+$0x190];
	[tilespmem:s3+$0x140] =	vst v19;
	v53 =	vperm.xlane v16, v1;
	v54 =	vperm.xlane v16, v2  }
0x66: {  	v45 =	vld [tilespmem:s7+$0x1A0];
	[tilespmem:s3+$0x150] =	vst v63;
	v55 =	vperm.xlane v16, v3;
	v58 =	vperm.xlane v16, v4  }
0x67: {  	v27 =	vld [tilespmem:s20+$0x180];
	[tilespmem:s3+$0x170] =	vst v39;
	v36 =	vperm.xlane v16, v6;
	v39 =	vperm.xlane v16, v7  }
0x68: {  	v31 =	vld [tilespmem:s23+$0x170];
	[tilespmem:s3+$0x160] =	vst v12;
	vm15 =	vge.f32 v24, $0.0e+00;
	v51 =	vmul.f32 v32, v49;
	v57 =	vmul.f32 v33, v53  }
0x69: {  	v35 =	vld [tilespmem:s20+$0x140];
	[tilespmem:s3+$0x180] =	vst v42;
	v60 =	vmul.f32 v20, v54;
	v20 =	vsel vm15, v24, v56;
	v24 =	vadd.f32 v61, v59  }
0x6a: {  	vm4 =	vlt.f32 v37, $-1.000000010e-01;
	v50 =	vld [tilespmem:s20+$0x150];
	[tilespmem:s3+$0x190] =	vst v13;
	v11 =	vmul.f32 v29, v55;
	v62 =	vmul.f32 v62, v58  }
0x6b: {  	v26 =	vld [tilespmem:s20+$0x170];
	[tilespmem:s3+$0x1A0] =	vst v15;
	v63 =	vmul.f32 $1.442695020e+00, v20;
	v32 =	vmul.f32 $2.000000030e-01, v24  }
0x6c: {  	v38 =	vld [tilespmem:s20+$0x1A0];
	[tilespmem:s3+$0x1B0] =	vst v8;
	v33 =	vperm.xlane v16, v5;
	v43 =	vmul.f32 v45, v36;
	vm5 =	vge.f32 v24, $0.0e+00  }
0x6d: {  	v19 =	vld [tilespmem:s20+$0x190];
	[tilespmem:s7+$0x1C0] =	vst v16;
	v44 =	vmul.f32 v47, v39;
	v53 =	vsel vm5, v24, v32;
	v37 =	vpop (erf);
	(erf) = vpow2.f32 v63  }
0x6e: {  	s9 =	sor.u32 $0x6, s0;
	v42 =	vld [tilespmem:s23+$0x140];
	v8 =	vmul.f32 v28, v33;
	[tilespmem:s7+$0x150] =	vst v57;
	v57 =	vmul.f32 $1.442695020e+00, v53;
	v15 =	vsel vm4, $0x2EDBE6FF, v37  }
0x6f: {  	s12 =	smul.u32 $0x240, s9;
	s8 =	sshll.u32 s9, $0x4;
	v40 =	vld [tilespmem:s20+$0x1B0];
	[tilespmem:s7+$0x140] =	vst v51;
	v41 =	vperm.xlane v15, v0;
	v46 =	vperm.xlane v15, v1  }
0x70: {  	s8 =	sand.u32 $0x3FFFFFF0, s8;
	v45 =	vld [tilespmem:s23+$0x150];
	[tilespmem:s7+$0x160] =	vst v60;
	v47 =	vperm.xlane v15, v2;
	v49 =	vperm.xlane v15, v3  }
0x71: {  	s3 =	sshra.s32 s12, $0x2;
	v54 =	vld [tilespmem:s8+$0x5B40];
	[tilespmem:s7+$0x170] =	vst v11;
	v58 =	vperm.xlane v15, v5;
	v60 =	vperm.xlane v15, v6  }
0x72: {  	[tilespmem:s7+$0x180] =	vst v62;
	v63 =	vperm.xlane v15, v7;
	v48 =	vmul.f32 v50, v46;
	v50 =	vld [tilespmem:s3+$0x1C0]  }
0x73: {  	v29 =	vld [tilespmem:s23+$0x160];
	[tilespmem:s7+$0x1A0] =	vst v43;
	v13 =	vmul.f32 v35, v41;
	v51 =	vmul.f32 v52, v47  }
0x74: {  	v56 =	vld [tilespmem:s23+$0x180];
	[tilespmem:s7+$0x1B0] =	vst v44;
	v52 =	vperm.xlane v15, v4;
	v55 =	vmul.f32 v26, v49  }
0x75: {  	s9 =	sor.u32 $0x7, s0;
	v59 =	vld [tilespmem:s23+$0x190];
	[tilespmem:s7+$0x190] =	vst v8;
	v12 =	vmul.f32 v19, v58;
	v9 =	vmul.f32 v38, v60  }
0x76: {  	s12 =	smul.u32 $0x240, s9;
	vm6 =	vlt.f32 v20, $-1.000000010e-01;
	v62 =	vld [tilespmem:s23+$0x1A0];
	[tilespmem:s20+$0x1C0] =	vst v15;
	v36 =	vmul.f32 v40, v63;
	v8 =	vmul.f32 v27, v52;
	v61 =	vpop (erf)  }
0x77: {  	v33 =	vld [tilespmem:s23+$0x1B0];
	[tilespmem:s20+$0x140] =	vst v13;
	(erf) = vpow2.f32 v57;
	v18 =	vadd.f32 v54, v50;
	v20 =	vsel vm6, $0x2EDBE6FF, v61  }
0x78: {  	s8 =	sshll.u32 s9, $0x4;
	v44 =	vld [tilespmem:s4+$0x170];
	s7 =	sshra.s32 s12, $0x2;
	[tilespmem:s20+$0x150] =	vst v48;
	v34 =	vperm.xlane v20, v0;
	v37 =	vperm.xlane v20, v1  }
0x79: {  	s8 =	sand.u32 $0x3FFFFFF0, s8;
	v47 =	vld [tilespmem:s7+$0x1C0];
	[tilespmem:s20+$0x160] =	vst v51;
	v41 =	vmul.f32 $2.000000030e-01, v18;
	v43 =	vperm.xlane v20, v2  }
0x7a: {  	v49 =	vld [tilespmem:s8+$0x5B40];
	[tilespmem:s20+$0x170] =	vst v55;
	v46 =	vperm.xlane v20, v4;
	v52 =	vperm.xlane v20, v5  }
0x7b: {  	v35 =	vld [tilespmem:s4+$0x140];
	[tilespmem:s20+$0x190] =	vst v12;
	v55 =	vperm.xlane v20, v6;
	v39 =	vmul.f32 v42, v34  }
0x7c: {  	v38 =	vld [tilespmem:s4+$0x150];
	[tilespmem:s20+$0x1A0] =	vst v9;
	vm7 =	vge.f32 v18, $0.0e+00;
	v42 =	vmul.f32 v45, v37;
	v45 =	vperm.xlane v20, v3  }
0x7d: {  	v40 =	vld [tilespmem:s4+$0x160];
	[tilespmem:s20+$0x180] =	vst v8;
	v18 =	vsel vm7, v18, v41;
	v8 =	vmul.f32 v29, v43;
	v50 =	vmul.f32 v56, v46  }
0x7e: {  	v51 =	vld [tilespmem:s4+$0x180];
	[tilespmem:s20+$0x1B0] =	vst v36;
	v56 =	vperm.xlane v20, v7;
	v48 =	vmul.f32 $1.442695020e+00, v18  }
0x7f: {  	s9 =	sor.u32 $0x8, s0;
	v54 =	vld [tilespmem:s4+$0x190];
	[tilespmem:s23+$0x1C0] =	vst v20;
	v9 =	vmul.f32 v59, v52;
	v13 =	vmul.f32 v62, v55;
	v62 =	vadd.f32 v49, v47  }
0x80: {  	s12 =	smul.u32 $0x240, s9;
	vm8 =	vlt.f32 v53, $-1.000000010e-01;
	v57 =	vld [tilespmem:s4+$0x1A0];
	v10 =	vmul.f32 v31, v45;
	[tilespmem:s23+$0x140] =	vst v39;
	v53 =	vpop (erf);
	(erf) = vpow2.f32 v48  }
0x81: {  	v61 =	vld [tilespmem:s3+$0x140];
	v60 =	vmul.f32 v33, v56;
	[tilespmem:s23+$0x150] =	vst v42;
	v29 =	vmul.f32 $2.000000030e-01, v62;
	v21 =	vsel vm8, $0x2EDBE6FF, v53  }
0x82: {  	v59 =	vld [tilespmem:s4+$0x1B0];
	[tilespmem:s23+$0x160] =	vst v8;
	v58 =	vperm.xlane v21, v0;
	v33 =	vperm.xlane v21, v1  }
0x83: {  	s20 =	sshra.s32 s12, $0x2;
	v34 =	vld [tilespmem:s3+$0x150];
	[tilespmem:s23+$0x180] =	vst v50;
	v8 =	vperm.xlane v21, v2;
	v37 =	vperm.xlane v21, v3  }
0x84: {  	s8 =	sshll.u32 s9, $0x4;
	v41 =	vld [tilespmem:s20+$0x1C0];
	[tilespmem:s23+$0x190] =	vst v9;
	v39 =	vperm.xlane v21, v4;
	v45 =	vperm.xlane v21, v5  }
0x85: {  	s8 =	sand.u32 $0x3FFFFFF0, s8;
	v47 =	vld [tilespmem:s3+$0x180];
	vm9 =	vge.f32 v62, $0.0e+00;
	[tilespmem:s23+$0x1A0] =	vst v13;
	v48 =	vperm.xlane v21, v6;
	v50 =	vperm.xlane v21, v7  }
0x86: {  	[tilespmem:s23+$0x170] =	vst v10;
	v8 =	vmul.f32 v40, v8;
	v40 =	vsel vm9, v62, v29;
	v42 =	vmul.f32 v44, v37;
	v44 =	vld [tilespmem:s8+$0x5B40]  }
0x87: {  	v49 =	vld [tilespmem:s3+$0x190];
	[tilespmem:s23+$0x1B0] =	vst v60;
	v63 =	vmul.f32 v35, v58;
	v43 =	vmul.f32 $1.442695020e+00, v40  }
0x88: {  	v52 =	vld [tilespmem:s3+$0x1A0];
	[tilespmem:s4+$0x1C0] =	vst v21;
	v36 =	vmul.f32 v38, v33;
	v12 =	vmul.f32 v51, v39  }
0x89: {  	v55 =	vld [tilespmem:s3+$0x1B0];
	vm10 =	vlt.f32 v18, $-1.000000010e-01;
	v53 =	vmul.f32 v54, v45;
	[tilespmem:s4+$0x140] =	vst v63;
	v46 =	vpop (erf);
	(erf) = vpow2.f32 v43  }
0x8a: {  	s9 =	sor.u32 $0x9, s0;
	v35 =	vld [tilespmem:s3+$0x160];
	v54 =	vmul.f32 v57, v48;
	v56 =	vmul.f32 v59, v50;
	[tilespmem:s4+$0x150] =	vst v36;
	v17 =	vsel vm10, $0x2EDBE6FF, v46  }
0x8b: {  	s12 =	smul.u32 $0x240, s9;
	v38 =	vld [tilespmem:s3+$0x170];
	[tilespmem:s4+$0x160] =	vst v8;
	v59 =	vadd.f32 v44, v41;
	v51 =	vperm.xlane v17, v0;
	v8 =	vperm.xlane v17, v1  }
0x8c: {  	v58 =	vld [tilespmem:s7+$0x140];
	[tilespmem:s4+$0x170] =	vst v42;
	v60 =	vperm.xlane v17, v2;
	v62 =	vperm.xlane v17, v3  }
0x8d: {  	s23 =	sshll.u32 s9, $0x4;
	s8 =	sshra.s32 s12, $0x2;
	v45 =	vld [tilespmem:s7+$0x1A0];
	[tilespmem:s4+$0x180] =	vst v12;
	v31 =	vmul.f32 $2.000000030e-01, v59;
	v32 =	vperm.xlane v17, v4  }
0x8e: {  	s9 =	sor.u32 $0xA, s0;
	s23 =	sand.u32 $0x3FFFFFF0, s23;
	v33 =	vld [tilespmem:s8+$0x1C0];
	[tilespmem:s4+$0x190] =	vst v53;
	v39 =	vperm.xlane v17, v6;
	v42 =	vperm.xlane v17, v7  }
0x8f: {  	s12 =	smul.u32 $0x240, s9;
	[tilespmem:s4+$0x1A0] =	vst v54;
	vm11 =	vge.f32 v59, $0.0e+00;
	v8 =	vmul.f32 v34, v8;
	v34 =	vmul.f32 v35, v60;
	v35 =	vld [tilespmem:s23+$0x5B40]  }
0x90: {  	v63 =	vld [tilespmem:s7+$0x160];
	[tilespmem:s4+$0x1B0] =	vst v56;
	v57 =	vmul.f32 v61, v51;
	v9 =	vmul.f32 v38, v62;
	v20 =	vsel vm11, v59, v31  }
0x91: {  	v36 =	vld [tilespmem:s7+$0x170];
	s4 =	sshra.s32 s12, $0x2;
	[tilespmem:s3+$0x1C0] =	vst v17;
	v38 =	vperm.xlane v17, v5;
	s23 =	sshll.u32 s9, $0x4;
	v37 =	vmul.f32 $1.442695020e+00, v20  }
0x92: {  	vm12 =	vlt.f32 v40, $-1.000000010e-01;
	v54 =	vld [tilespmem:s4+$0x1C0];
	v12 =	vmul.f32 v47, v32;
	v14 =	vmul.f32 v55, v42;
	s23 =	sand.u32 $0x3FFFFFF0, s23;
	[tilespmem:s3+$0x140] =	vst v57;
	v40 =	vpop (erf)  }
0x93: {  	v10 =	vmul.f32 v49, v38;
	[tilespmem:s3+$0x150] =	vst v8;
	v56 =	vld [tilespmem:s23+$0x5B40];
	(erf) = vpow2.f32 v37;
	v16 =	vsel vm12, $0x2EDBE6FF, v40  }
0x94: {  	v61 =	vld [tilespmem:s7+$0x150];
	v8 =	vmul.f32 v52, v39;
	[tilespmem:s3+$0x160] =	vst v34;
	v22 =	vadd.f32 v35, v33;
	v44 =	vperm.xlane v16, v0  }
0x95: {  	v41 =	vld [tilespmem:s7+$0x180];
	[tilespmem:s3+$0x170] =	vst v9;
	v48 =	vperm.xlane v16, v1;
	v50 =	vperm.xlane v16, v2  }
0x96: {  	v43 =	vld [tilespmem:s7+$0x190];
	[tilespmem:s3+$0x180] =	vst v12;
	v26 =	vmul.f32 $2.000000030e-01, v22;
	v53 =	vperm.xlane v16, v3  }
0x97: {  	v46 =	vld [tilespmem:s7+$0x1B0];
	[tilespmem:s3+$0x1B0] =	vst v14;
	vm13 =	vge.f32 v22, $0.0e+00;
	v55 =	vperm.xlane v16, v4;
	v59 =	vperm.xlane v16, v5  }
0x98: {  	v51 =	vld [tilespmem:s20+$0x150];
	[tilespmem:s3+$0x190] =	vst v10;
	v31 =	vperm.xlane v16, v7;
	v23 =	vadd.f32 v56, v54;
	v47 =	vmul.f32 v58, v44  }
0x99: {  	v60 =	vld [tilespmem:s20+$0x170];
	[tilespmem:s3+$0x1A0] =	vst v8;
	v52 =	vmul.f32 v61, v48;
	v9 =	vmul.f32 v63, v50;
	v22 =	vsel vm13, v22, v26  }
0x9a: {  	v32 =	vld [tilespmem:s20+$0x190];
	[tilespmem:s7+$0x1C0] =	vst v16;
	v8 =	vmul.f32 v36, v53;
	v58 =	vmul.f32 $1.442695020e+00, v22  }
0x9b: {  	vm14 =	vlt.f32 v20, $-1.000000010e-01;
	v49 =	vld [tilespmem:s20+$0x140];
	v10 =	vmul.f32 v41, v55;
	v40 =	vmul.f32 $2.000000030e-01, v23;
	[tilespmem:s7+$0x140] =	vst v47  }
0x9c: {  	v57 =	vld [tilespmem:s20+$0x160];
	v61 =	vperm.xlane v16, v6;
	vm15 =	vge.f32 v23, $0.0e+00;
	[tilespmem:s7+$0x150] =	vst v52;
	v62 =	vpop (erf);
	(erf) = vpow2.f32 v58  }
0x9d: {  	v38 =	vld [tilespmem:s20+$0x1B0];
	v30 =	vmul.f32 v43, v59;
	v36 =	vmul.f32 v46, v31;
	[tilespmem:s7+$0x160] =	vst v9;
	v19 =	vsel vm15, v23, v40  }
0x9e: {  	v39 =	vld [tilespmem:s8+$0x140];
	v33 =	vmul.f32 v45, v61;
	[tilespmem:s7+$0x170] =	vst v8;
	v48 =	vmul.f32 $1.442695020e+00, v19;
	v18 =	vsel vm14, $0x2EDBE6FF, v62  }
0x9f: {  	v35 =	vld [tilespmem:s20+$0x1A0];
	[tilespmem:s7+$0x180] =	vst v10;
	v34 =	vperm.xlane v18, v0;
	v37 =	vperm.xlane v18, v1  }
0xa0: {  	s9 =	sor.u32 $0xB, s0;
	v63 =	vld [tilespmem:s20+$0x180];
	[tilespmem:s7+$0x190] =	vst v30;
	v42 =	vperm.xlane v18, v2;
	v44 =	vperm.xlane v18, v3  }
0xa1: {  	s12 =	smul.u32 $0x240, s9;
	s23 =	sshll.u32 s9, $0x4;
	v43 =	vld [tilespmem:s8+$0x150];
	[tilespmem:s7+$0x1B0] =	vst v36;
	v45 =	vperm.xlane v18, v4;
	v53 =	vperm.xlane v18, v5  }
0xa2: {  	s9 =	sor.u32 $0xC, s0;
	s23 =	sand.u32 $0x3FFFFFF0, s23;
	v46 =	vld [tilespmem:s8+$0x160];
	[tilespmem:s7+$0x1A0] =	vst v33;
	v56 =	vperm.xlane v18, v7;
	v8 =	vmul.f32 v49, v34  }
0xa3: {  	s3 =	sshra.s32 s12, $0x2;
	s12 =	smul.u32 $0x240, s9;
	v52 =	vld [tilespmem:s23+$0x5B40];
	[tilespmem:s20+$0x1C0] =	vst v18;
	v41 =	vmul.f32 v51, v37;
	v47 =	vmul.f32 v57, v42  }
0xa4: {  	v49 =	vld [tilespmem:s3+$0x1C0];
	v50 =	vmul.f32 v60, v44;
	[tilespmem:s20+$0x140] =	vst v8;
	v8 =	vperm.xlane v18, v6  }
0xa5: {  	v55 =	vld [tilespmem:s8+$0x170];
	vm4 =	vlt.f32 v22, $-1.000000010e-01;
	s23 =	sshll.u32 s9, $0x4;
	s7 =	sshra.s32 s12, $0x2;
	v51 =	vmul.f32 v63, v45;
	v58 =	vmul.f32 v32, v53;
	[tilespmem:s20+$0x150] =	vst v41;
	v54 =	vpop (erf)  }
0xa6: {  	s23 =	sand.u32 $0x3FFFFFF0, s23;
	v40 =	vld [tilespmem:s7+$0x1C0];
	v61 =	vmul.f32 v38, v56;
	[tilespmem:s20+$0x160] =	vst v47;
	v8 =	vmul.f32 v35, v8;
	v22 =	vsel vm4, $0x2EDBE6FF, v54  }
0xa7: {  	v42 =	vld [tilespmem:s23+$0x5B40];
	[tilespmem:s20+$0x170] =	vst v50;
	(erf) = vpow2.f32 v48;
	v59 =	vperm.xlane v22, v0  }
0xa8: {  	v57 =	vld [tilespmem:s8+$0x180];
	[tilespmem:s20+$0x180] =	vst v51;
	v32 =	vperm.xlane v22, v1;
	v34 =	vperm.xlane v22, v2  }
0xa9: {  	v60 =	vld [tilespmem:s8+$0x190];
	[tilespmem:s20+$0x190] =	vst v58;
	v14 =	vadd.f32 v52, v49;
	v35 =	vperm.xlane v22, v3;
	v37 =	vperm.xlane v22, v4  }
0xaa: {  	v33 =	vld [tilespmem:s8+$0x1B0];
	[tilespmem:s20+$0x1B0] =	vst v61;
	v47 =	vperm.xlane v22, v6;
	v48 =	vperm.xlane v22, v7  }
0xab: {  	vm6 =	vlt.f32 v19, $-1.000000010e-01;
	v62 =	vld [tilespmem:s8+$0x1A0];
	[tilespmem:s20+$0x1A0] =	vst v8;
	v63 =	vmul.f32 v39, v59;
	v39 =	vmul.f32 $2.000000030e-01, v14  }
0xac: {  	v36 =	vld [tilespmem:s4+$0x140];
	s9 =	sor.u32 $0xD, s0;
	v15 =	vadd.f32 v42, v40;
	[tilespmem:s8+$0x1C0] =	vst v22;
	v8 =	vmul.f32 v43, v32;
	v43 =	vperm.xlane v22, v5  }
0xad: {  	v38 =	vld [tilespmem:s4+$0x150];
	s23 =	sshll.u32 s9, $0x4;
	vm5 =	vge.f32 v14, $0.0e+00;
	v11 =	vmul.f32 v46, v34;
	v41 =	vmul.f32 v55, v35;
	[tilespmem:s8+$0x140] =	vst v63  }
0xae: {  	s12 =	smul.u32 $0x240, s9;
	v45 =	vld [tilespmem:s4+$0x160];
	s23 =	sand.u32 $0x3FFFFFF0, s23;
	v10 =	vmul.f32 v57, v37;
	v14 =	vsel vm5, v14, v39;
	[tilespmem:s8+$0x150] =	vst v8;
	v51 =	vmul.f32 v60, v43  }
0xaf: {  	v50 =	vld [tilespmem:s4+$0x180];
	[tilespmem:s8+$0x160] =	vst v11;
	v60 =	vmul.f32 $2.000000030e-01, v15;
	v46 =	vmul.f32 $1.442695020e+00, v14  }
0xb0: {  	v29 =	vld [tilespmem:s23+$0x5B40];
	vm7 =	vge.f32 v15, $0.0e+00;
	v9 =	vmul.f32 v62, v47;
	v53 =	vmul.f32 v33, v48;
	[tilespmem:s8+$0x170] =	vst v41;
	v44 =	vpop (erf)  }
0xb1: {  	v49 =	vld [tilespmem:s4+$0x170];
	s20 =	sshra.s32 s12, $0x2;
	[tilespmem:s8+$0x180] =	vst v10;
	v15 =	vsel vm7, v15, v60;
	(erf) = vpow2.f32 v46;
	v19 =	vsel vm6, $0x2EDBE6FF, v44  }
0xb2: {  	[tilespmem:s8+$0x1A0] =	vst v9;
	v63 =	vld [tilespmem:s20+$0x1C0];
	v31 =	vmul.f32 $1.442695020e+00, v15;
	v8 =	vperm.xlane v19, v0  }
0xb3: {  	v54 =	vld [tilespmem:s4+$0x1A0];
	[tilespmem:s8+$0x1B0] =	vst v53;
	v55 =	vperm.xlane v19, v1;
	v56 =	vperm.xlane v19, v2  }
0xb4: {  	v30 =	vld [tilespmem:s3+$0x150];
	[tilespmem:s8+$0x190] =	vst v51;
	v58 =	vperm.xlane v19, v3;
	v8 =	vmul.f32 v36, v8  }
0xb5: {  	v57 =	vld [tilespmem:s4+$0x1B0];
	v62 =	vperm.xlane v19, v4;
	[tilespmem:s4+$0x1C0] =	vst v19;
	v61 =	vmul.f32 v38, v55  }
0xb6: {  	v52 =	vld [tilespmem:s4+$0x190];
	v32 =	vperm.xlane v19, v6;
	v28 =	vmul.f32 v45, v56;
	[tilespmem:s4+$0x140] =	vst v8  }
0xb7: {  	v59 =	vld [tilespmem:s3+$0x140];
	v34 =	vperm.xlane v19, v7;
	v16 =	vadd.f32 v29, v63;
	v11 =	vmul.f32 v49, v58;
	[tilespmem:s4+$0x150] =	vst v61  }
0xb8: {  	v33 =	vld [tilespmem:s3+$0x160];
	v10 =	vmul.f32 v50, v62;
	v37 =	vmul.f32 v54, v32;
	[tilespmem:s4+$0x160] =	vst v28  }
0xb9: {  	s9 =	sor.u32 $0xE, s0;
	v39 =	vld [tilespmem:s3+$0x180];
	v46 =	vmul.f32 $2.000000030e-01, v16;
	v8 =	vperm.xlane v19, v5;
	[tilespmem:s4+$0x170] =	vst v11  }
0xba: {  	v41 =	vld [tilespmem:s3+$0x190];
	vm8 =	vlt.f32 v14, $-1.000000010e-01;
	s8 =	sshll.u32 s9, $0x4;
	v9 =	vmul.f32 v57, v34;
	vm9 =	vge.f32 v16, $0.0e+00;
	[tilespmem:s4+$0x180] =	vst v10  }
0xbb: {  	s12 =	smul.u32 $0x240, s9;
	s8 =	sand.u32 $0x3FFFFFF0, s8;
	v44 =	vld [tilespmem:s3+$0x1A0];
	[tilespmem:s4+$0x1A0] =	vst v37;
	v16 =	vsel vm9, v16, v46;
	v8 =	vmul.f32 v52, v8;
	v35 =	vpop (erf);
	(erf) = vpow2.f32 v31  }
0xbc: {  	v53 =	vld [tilespmem:s8+$0x5B40];
	[tilespmem:s4+$0x1B0] =	vst v9;
	v20 =	vmul.f32 $1.442695020e+00, v16;
	v38 =	vsel vm8, $0x2EDBE6FF, v35  }
0xbd: {  	v45 =	vld [tilespmem:s3+$0x1B0];
	[tilespmem:s4+$0x190] =	vst v8;
	s4 =	sshra.s32 s12, $0x2;
	v40 =	vperm.xlane v38, v0;
	v42 =	vperm.xlane v38, v1  }
0xbe: {  	v43 =	vperm.xlane v38, v2;
	v49 =	vperm.xlane v38, v3;
	v55 =	vld [tilespmem:s4+$0x1C0]  }
0xbf: {  	v36 =	vld [tilespmem:s3+$0x170];
	v50 =	vperm.xlane v38, v4;
	v52 =	vperm.xlane v38, v5  }
0xc0: {  	v60 =	vperm.xlane v38, v7;
	v8 =	vmul.f32 v59, v40  }
0xc1: {  	v48 =	vld [tilespmem:s7+$0x140];
	s9 =	sor.u32 $0xF, s0;
	[tilespmem:s3+$0x1C0] =	vst v38;
	v10 =	vmul.f32 v30, v42;
	v47 =	vmul.f32 v33, v43  }
0xc2: {  	v51 =	vld [tilespmem:s7+$0x150];
	s23 =	sshll.u32 s9, $0x4;
	v54 =	vmul.f32 v39, v50;
	v59 =	vperm.xlane v38, v6;
	[tilespmem:s3+$0x140] =	vst v8  }
0xc3: {  	s9 =	smul.u32 $0x240, s9;
	s8 =	sand.u32 $0x3FFFFFF0, s23;
	v29 =	vld [tilespmem:s7+$0x180];
	v57 =	vmul.f32 v41, v52;
	v11 =	vmul.f32 v45, v60;
	[tilespmem:s3+$0x150] =	vst v10;
	v14 =	vadd.f32 v53, v55  }
0xc4: {  	vm10 =	vlt.f32 v15, $-1.000000010e-01;
	v56 =	vld [tilespmem:s8+$0x5B40];
	v8 =	vmul.f32 v36, v49;
	[tilespmem:s3+$0x160] =	vst v47;
	v28 =	vmul.f32 v44, v59;
	v58 =	vpop (erf)  }
0xc5: {  	v61 =	vld [tilespmem:s7+$0x160];
	s12 =	sshra.s32 s9, $0x2;
	[tilespmem:s3+$0x180] =	vst v54;
	(erf) = vpow2.f32 v20;
	v37 =	vmul.f32 $2.000000030e-01, v14;
	v15 =	vsel vm10, $0x2EDBE6FF, v58  }
0xc6: {  	v41 =	vld [tilespmem:s12+$0x1C0];
	[tilespmem:s3+$0x170] =	vst v8;
	v8 =	vperm.xlane v15, v0;
	v62 =	vperm.xlane v15, v1  }
0xc7: {  	v31 =	vld [tilespmem:s7+$0x190];
	[tilespmem:s3+$0x190] =	vst v57;
	v32 =	vperm.xlane v15, v2;
	v33 =	vperm.xlane v15, v3  }
0xc8: {  	[tilespmem:s3+$0x1B0] =	vst v11;
	v36 =	vld [tilespmem:s7+$0x1B0];
	v35 =	vperm.xlane v15, v4;
	v38 =	vperm.xlane v15, v5  }
0xc9: {  	v63 =	vld [tilespmem:s7+$0x170];
	[tilespmem:s3+$0x1A0] =	vst v28;
	vm11 =	vge.f32 v14, $0.0e+00;
	v46 =	vperm.xlane v15, v6;
	v8 =	vmul.f32 v48, v8  }
0xca: {  	v34 =	vld [tilespmem:s7+$0x1A0];
	v40 =	vsel vm11, v14, v37;
	v47 =	vperm.xlane v15, v7;
	[tilespmem:s7+$0x1C0] =	vst v15;
	v30 =	vmul.f32 v51, v62  }
0xcb: {  	v14 =	vadd.f32 v56, v41;
	v45 =	vmul.f32 $1.442695020e+00, v40;
	v9 =	vmul.f32 v61, v32;
	[tilespmem:s7+$0x140] =	vst v8  }
0xcc: {  	v39 =	vld [tilespmem:s20+$0x140];
	v11 =	vmul.f32 v29, v35;
	v42 =	vmul.f32 v31, v38;
	[tilespmem:s7+$0x150] =	vst v30  }
0xcd: {  	vm12 =	vlt.f32 v16, $-1.000000010e-01;
	v50 =	vld [tilespmem:s20+$0x170];
	v51 =	vmul.f32 v36, v47;
	v57 =	vmul.f32 $2.000000030e-01, v14;
	[tilespmem:s7+$0x160] =	vst v9  }
0xce: {  	v44 =	vld [tilespmem:s20+$0x150];
	vm13 =	vge.f32 v14, $0.0e+00;
	v8 =	vmul.f32 v63, v33;
	[tilespmem:s7+$0x180] =	vst v11;
	v43 =	vpop (erf);
	(erf) = vpow2.f32 v45  }
0xcf: {  	v48 =	vld [tilespmem:s20+$0x160];
	v9 =	vmul.f32 v34, v46;
	[tilespmem:s7+$0x190] =	vst v42;
	v60 =	vsel vm13, v14, v57;
	v13 =	vsel vm12, $0x2EDBE6FF, v43  }
0xd0: {  	v52 =	vld [tilespmem:s20+$0x180];
	v20 =	vmul.f32 $1.442695020e+00, v60;
	[tilespmem:s7+$0x170] =	vst v8;
	v8 =	vperm.xlane v13, v0  }
0xd1: {  	v55 =	vld [tilespmem:s20+$0x190];
	[tilespmem:s7+$0x1B0] =	vst v51;
	v49 =	vperm.xlane v13, v1;
	v54 =	vperm.xlane v13, v2  }
0xd2: {  	[tilespmem:s7+$0x1A0] =	vst v9;
	v56 =	vperm.xlane v13, v3;
	v8 =	vmul.f32 v39, v8  }
0xd3: {  	v59 =	vld [tilespmem:s20+$0x1A0];
	v58 =	vperm.xlane v13, v4;
	[tilespmem:s20+$0x1C0] =	vst v13;
	v53 =	vmul.f32 v44, v49  }
0xd4: {  	v62 =	vld [tilespmem:s20+$0x1B0];
	v61 =	vperm.xlane v13, v5;
	v11 =	vmul.f32 v48, v54;
	[tilespmem:s20+$0x140] =	vst v8  }
0xd5: {  	v22 =	vperm.xlane v13, v6;
	v8 =	vmul.f32 v50, v56;
	[tilespmem:s20+$0x150] =	vst v53  }
0xd6: {  	v23 =	vld [tilespmem:s4+$0x140];
	v63 =	vmul.f32 v52, v58;
	v21 =	vmul.f32 v55, v61;
	[tilespmem:s20+$0x160] =	vst v11  }
0xd7: {  	v25 =	vld [tilespmem:s4+$0x150];
	vm14 =	vlt.f32 v40, $-1.000000010e-01;
	[tilespmem:s20+$0x170] =	vst v8;
	v8 =	vperm.xlane v13, v7;
	v24 =	vpop (erf);
	(erf) = vpow2.f32 v20  }
0xd8: {  	v27 =	vld [tilespmem:s4+$0x160];
	v26 =	vmul.f32 v59, v22;
	[tilespmem:s20+$0x180] =	vst v63;
	v12 =	vsel vm14, $0x2EDBE6FF, v24  }
0xd9: {  	v29 =	vld [tilespmem:s4+$0x170];
	[tilespmem:s20+$0x190] =	vst v21;
	v8 =	vmul.f32 v62, v8;
	v28 =	vperm.xlane v12, v0  }
0xda: {  	v31 =	vld [tilespmem:s4+$0x180];
	[tilespmem:s20+$0x1A0] =	vst v26;
	v30 =	vperm.xlane v12, v1  }
0xdb: {  	v33 =	vld [tilespmem:s4+$0x190];
	v32 =	vperm.xlane v12, v2;
	[tilespmem:s20+$0x1B0] =	vst v8;
	v8 =	vmul.f32 v23, v28  }
0xdc: {  	v35 =	vld [tilespmem:s4+$0x1A0];
	v34 =	vperm.xlane v12, v3;
	[tilespmem:s4+$0x1C0] =	vst v12;
	v9 =	vmul.f32 v25, v30  }
0xdd: {  	v37 =	vld [tilespmem:s4+$0x1B0];
	v36 =	vperm.xlane v12, v4;
	[tilespmem:s4+$0x140] =	vst v8;
	v8 =	vmul.f32 v27, v32  }
0xde: {  	v39 =	vperm.xlane v12, v5;
	v38 =	vmul.f32 v29, v34;
	[tilespmem:s4+$0x150] =	vst v9  }
0xdf: {  	v41 =	vld [tilespmem:s12+$0x140];
	v40 =	vperm.xlane v12, v6;
	[tilespmem:s4+$0x160] =	vst v8;
	v8 =	vmul.f32 v31, v36  }
0xe0: {  	vm15 =	vlt.f32 v60, $-1.000000010e-01;
	v45 =	vld [tilespmem:s12+$0x150];
	v43 =	vperm.xlane v12, v7;
	v42 =	vmul.f32 v33, v39;
	[tilespmem:s4+$0x170] =	vst v38;
	v44 =	vpop (erf)  }
0xe1: {  	v46 =	vld [tilespmem:s12+$0x160];
	[tilespmem:s4+$0x180] =	vst v8;
	v8 =	vmul.f32 v35, v40;
	v10 =	vsel vm15, $0x2EDBE6FF, v44  }
0xe2: {  	v49 =	vld [tilespmem:s12+$0x170];
	v47 =	vmul.f32 v37, v43;
	[tilespmem:s4+$0x190] =	vst v42;
	v48 =	vperm.xlane v10, v0  }
0xe3: {  	v50 =	vld [tilespmem:s12+$0x180];
	[tilespmem:s4+$0x1A0] =	vst v8;
	v8 =	vperm.xlane v10, v1  }
0xe4: {  	v53 =	vld [tilespmem:s12+$0x190];
	[tilespmem:s4+$0x1B0] =	vst v47;
	v52 =	vperm.xlane v10, v2;
	v51 =	vmul.f32 v41, v48  }
0xe5: {  	v55 =	vld [tilespmem:s12+$0x1A0];
	v54 =	vperm.xlane v10, v3;
	[tilespmem:s12+$0x1C0] =	vst v10;
	v8 =	vmul.f32 v45, v8  }
0xe6: {  	v58 =	vld [tilespmem:s12+$0x1B0];
	v57 =	vperm.xlane v10, v4;
	v56 =	vmul.f32 v46, v52;
	[tilespmem:s12+$0x140] =	vst v51  }
0xe7: {  	v59 =	vperm.xlane v10, v5;
	[tilespmem:s12+$0x150] =	vst v8;
	v8 =	vmul.f32 v49, v54  }
0xe8: {  	p1 =	slt.u32 s0, $0x40;
	v61 =	vperm.xlane v10, v6;
	v60 =	vmul.f32 v50, v57;
	[tilespmem:s12+$0x160] =	vst v56  }
.Ltmp2:
0xe9: {  	v62 =	vperm.xlane v10, v7;
	[tilespmem:s12+$0x170] =	vst v8;
	v8 =	vmul.f32 v53, v59;
	(pc) =	sbr.rel @p1 .LBB2_3-.Ltmp2, $4  }
0xea: {  	v63 =	vmul.f32 v55, v61;
	[tilespmem:s12+$0x180] =	vst v60  }
0xeb: {  	[tilespmem:s12+$0x190] =	vst v8;
	v8 =	vmul.f32 v58, v62  }
0xec: {  	s23 =	sadd.s32 $0x10, s0;
	[tilespmem:s12+$0x1A0] =	vst v63  }
0xed: {  	s0 =	smov.u32 s23;
	[tilespmem:s12+$0x1B0] =	vst v8  }
0xee: {  	p1 =	seq.s32 s31, $0x3E  }
.Ltmp3:
0xef: {  	_ = 	snop;
	(pc) =	sbr.rel @p1 .LBB2_8-.Ltmp3, $4  }
0xf0: {  	[spmem:s2] =	stream.indirect.scatter.add.f32 [tilespmem:s18], [sflag:$0x5], $0x90, s15, s15, $0xb8;
	[tilespmem:$0x1C8C0] =	vst v63  }
0xf1: {  	_ =	swait.ge [sflag:s17], $0x2D00  }
0xf2: {  	[sflag:s17] =	ssyncset.done $0x0  }
0xf3: {  	[sflag:s17] =	ssyncadd.s32 $0xFFFFD300  }
0xf4: {  	s0 =	sshll.u32 s31, $0x5  }
0xf5: {  	s3 =	sadd.s32 s0, s10  }
0xf6: {  	s3 =	smul.u32 $0xA, s3;
	_ =	sdelay $0x1  }
0xf7: {  	s23 =	simm.s32 $0x0;
	s3 =	sadd.s32 s1, s3  }
0xf8: {  	[tilespmem:s23], [sflag:$0x5] =	stream.strided.gather [hbm4b:s3+s15], $0xA0, s16, s15, $0x38;
	[tilespmem:$0x1C8C0] =	vst v63  }
0xf9: {  	_ =	swait.ge [sflag:s17], $0xA0  }
0xfa: {  	[sflag:s17] =	ssyncset.done $0x0  }
0xfb: {  	[sflag:s17] =	ssyncadd.s32 $0xFFFFFF60  }
0xfc: {  	[tilespmem:s18], [sflag:$0x1] =	stream.indirect.gather [hbm4b:s5+s15], $0x90, s23, s15, $0xb8;
	[tilespmem:$0x1C8C0] =	vst v63  }
0xfd: {  	_ = 	snop  }
0xfe: {  	[tilespmem:s19], [sflag:$0x3] =	stream.indirect.gather [hbm4b:s6+s15], $0x10, s15, s15, $0xb8;
	[tilespmem:$0x1C8C0] =	vst v63  }
0xff: {  	_ =	swait.ge [sflag:s28], $0x2D00  }
0x100: {  	[sflag:s28] =	ssyncset.done $0x0  }
0x101: {  	[sflag:s28] =	ssyncadd.s32 $0xFFFFD300  }
0x102: {  	_ =	swait.ge [sflag:s29], $0x500  }
0x103: {  	[sflag:s29] =	ssyncset.done $0x0  }
0x104: {  	[sflag:s29] =	ssyncadd.s32 $0xFFFFFB00  }
.LBB2_6:
0x105: {  	s3 =	smul.u32 $0x240, s23;
	s4 =	sshll.u32 s23, $0x4  }
0x106: {  	s4 =	sand.u32 $0x3FFFFFF0, s4  }
0x107: {  	s3 =	sshra.s32 s3, $0x2;
	v9 =	vld [tilespmem:s4+$0x6040]  }
0x108: {  	s9 =	sor.u32 $0x1, s23;
	v8 =	vld [tilespmem:s3+$0x2EC0]  }
0x109: {  	s7 =	smul.u32 $0x240, s9;
	_ =	sdelay $0x1  }
0x10a: {  	s4 =	sshll.u32 s9, $0x4;
	s20 =	sshra.s32 s7, $0x2  }
0x10b: {  	s12 =	sor.u32 $0x2, s23;
	s4 =	sand.u32 $0x3FFFFFF0, s4;
	v10 =	vld [tilespmem:s20+$0x2EC0]  }
0x10c: {  	s9 =	smul.u32 $0x240, s12;
	v44 =	vld [tilespmem:s4+$0x6040];
	v8 =	vadd.f32 v9, v8;
	_ =	sdelay $0x1  }
0x10d: {  	s8 =	sshra.s32 s9, $0x2;
	s4 =	sshll.u32 s12, $0x4;
	v9 =	vmul.f32 $2.000000030e-01, v8  }
0x10e: {  	s12 =	sor.u32 $0x3, s23;
	v17 =	vld [tilespmem:s8+$0x2EC0];
	s4 =	sand.u32 $0x3FFFFFF0, s4;
	vm0 =	vge.f32 v8, $0.0e+00  }
0x10f: {  	s9 =	smul.u32 $0x240, s12;
	v47 =	vld [tilespmem:s4+$0x6040];
	v8 =	vsel vm0, v8, v9  }
0x110: {  	v9 =	vadd.f32 v44, v10;
	v11 =	vmul.f32 $1.442695020e+00, v8  }
0x111: {  	s4 =	sshll.u32 s12, $0x4;
	s7 =	sshra.s32 s9, $0x2  }
0x112: {  	s4 =	sand.u32 $0x3FFFFFF0, s4;
	v52 =	vld [tilespmem:s7+$0x2EC0];
	v16 =	vmul.f32 $2.000000030e-01, v9;
	(erf) = vpow2.f32 v11  }
0x113: {  	v29 =	vld [tilespmem:s4+$0x6040];
	vm9 =	vge.f32 v9, $0.0e+00  }
0x114: {  	v9 =	vsel vm9, v9, v16;
	v16 =	vadd.f32 v47, v17;
	_ =	sdelay $0x1  }
0x115: {  	v12 =	vld [tilespmem:s3+$0x2E40];
	v25 =	vmul.f32 $2.000000030e-01, v16  }
0x116: {  	v45 =	vld [tilespmem:s3+$0x2E50];
	vm11 =	vge.f32 v16, $0.0e+00  }
0x117: {  	v13 =	vld [tilespmem:s3+$0x2E60];
	v16 =	vsel vm11, v16, v25;
	v25 =	vadd.f32 v29, v52  }
0x118: {  	v14 =	vld [tilespmem:s3+$0x2E70];
	v19 =	vmul.f32 $1.442695020e+00, v9  }
0x119: {  	v46 =	vld [tilespmem:s3+$0x2E80];
	v34 =	vmul.f32 $2.000000030e-01, v25  }
0x11a: {  	v15 =	vld [tilespmem:s3+$0x2E90];
	vm10 =	vlt.f32 v8, $-1.000000010e-01;
	vm13 =	vge.f32 v25, $0.0e+00;
	v8 =	vpop (erf);
	(erf) = vpow2.f32 v19  }
0x11b: {  	v18 =	vld [tilespmem:s3+$0x2EA0];
	v37 =	vsel vm13, v25, v34  }
0x11c: {  	v20 =	vld [tilespmem:s3+$0x2EB0];
	v53 =	vmul.f32 $1.442695020e+00, v16;
	v8 =	vsel vm10, $0x2EDBE6FF, v8;
	v40 =	vmul.f32 $1.442695020e+00, v37  }
0x11d: {  	v48 =	vld [tilespmem:s20+$0x2E40];
	v22 =	vperm.xlane v8, v0;
	v49 =	vperm.xlane v8, v1  }
0x11e: {  	v21 =	vld [tilespmem:s20+$0x2E50];
	v51 =	vperm.xlane v8, v2;
	v27 =	vperm.xlane v8, v3  }
0x11f: {  	v23 =	vld [tilespmem:s20+$0x2E60];
	v28 =	vperm.xlane v8, v4;
	v55 =	vperm.xlane v8, v5  }
0x120: {  	v24 =	vld [tilespmem:s20+$0x2E70];
	v57 =	vperm.xlane v8, v6;
	v31 =	vperm.xlane v8, v7  }
0x121: {  	v50 =	vld [tilespmem:s20+$0x2E80];
	v12 =	vmul.f32 v12, v22;
	v11 =	vmul.f32 v45, v49  }
0x122: {  	v26 =	vld [tilespmem:s20+$0x2E90];
	s9 =	sor.u32 $0x4, s23;
	v13 =	vmul.f32 v13, v51;
	v14 =	vmul.f32 v14, v27  }
0x123: {  	v54 =	vld [tilespmem:s20+$0x2EA0];
	s12 =	smul.u32 $0x240, s9;
	s9 =	sshll.u32 s9, $0x4;
	vm12 =	vlt.f32 v9, $-1.000000010e-01;
	v10 =	vmul.f32 v46, v28;
	v56 =	vpop (erf);
	(erf) = vpow2.f32 v53  }
0x124: {  	v30 =	vld [tilespmem:s20+$0x2EB0];
	s9 =	sand.u32 $0x3FFFFFF0, s9;
	[tilespmem:s3+$0x2EC0] =	vst v8;
	v15 =	vmul.f32 v15, v55;
	v17 =	vmul.f32 v18, v57;
	v9 =	vsel vm12, $0x2EDBE6FF, v56  }
0x125: {  	s4 =	sshra.s32 s12, $0x2;
	v41 =	vld [tilespmem:s9+$0x6040];
	v59 =	vmul.f32 v20, v31;
	[tilespmem:s3+$0x2E40] =	vst v12;
	v58 =	vperm.xlane v9, v0  }
0x126: {  	v38 =	vld [tilespmem:s4+$0x2EC0];
	[tilespmem:s3+$0x2E50] =	vst v11;
	v60 =	vperm.xlane v9, v1;
	v61 =	vperm.xlane v9, v2  }
0x127: {  	v32 =	vld [tilespmem:s8+$0x2E40];
	[tilespmem:s3+$0x2E60] =	vst v13;
	v35 =	vperm.xlane v9, v3;
	v36 =	vperm.xlane v9, v4  }
0x128: {  	v33 =	vld [tilespmem:s8+$0x2E50];
	[tilespmem:s3+$0x2E70] =	vst v14;
	v43 =	vperm.xlane v9, v5;
	v46 =	vperm.xlane v9, v6  }
0x129: {  	v62 =	vld [tilespmem:s8+$0x2E80];
	s9 =	sor.u32 $0x5, s23;
	[tilespmem:s3+$0x2E80] =	vst v10;
	v19 =	vmul.f32 v48, v58;
	v63 =	vmul.f32 v21, v60  }
0x12a: {  	s12 =	smul.u32 $0x240, s9;
	v47 =	vld [tilespmem:s8+$0x2EB0];
	[tilespmem:s3+$0x2E90] =	vst v15;
	v12 =	vmul.f32 v23, v61;
	v39 =	vmul.f32 v24, v35  }
0x12b: {  	s9 =	sshll.u32 s9, $0x4;
	v29 =	vld [tilespmem:s8+$0x2E70];
	[tilespmem:s3+$0x2EA0] =	vst v17;
	v42 =	vmul.f32 v50, v36;
	v48 =	vperm.xlane v9, v7;
	v24 =	vadd.f32 v41, v38  }
0x12c: {  	s9 =	sand.u32 $0x3FFFFFF0, s9;
	vm14 =	vlt.f32 v16, $-1.000000010e-01;
	v20 =	vld [tilespmem:s8+$0x2E60];
	[tilespmem:s3+$0x2EB0] =	vst v59;
	s3 =	sshra.s32 s12, $0x2;
	v13 =	vmul.f32 v26, v43;
	v15 =	vmul.f32 v54, v46;
	v44 =	vpop (erf)  }
0x12d: {  	v59 =	vld [tilespmem:s3+$0x2EC0];
	v8 =	vmul.f32 v30, v48;
	v56 =	vmul.f32 $2.000000030e-01, v24;
	v16 =	vsel vm14, $0x2EDBE6FF, v44  }
0x12e: {  	v61 =	vld [tilespmem:s9+$0x6040];
	(erf) = vpow2.f32 v40;
	v49 =	vperm.xlane v16, v0  }
0x12f: {  	v52 =	vld [tilespmem:s7+$0x2E60];
	[tilespmem:s20+$0x2EC0] =	vst v9;
	v53 =	vperm.xlane v16, v1;
	v54 =	vperm.xlane v16, v2  }
0x130: {  	v28 =	vld [tilespmem:s8+$0x2E90];
	[tilespmem:s20+$0x2E40] =	vst v19;
	v55 =	vperm.xlane v16, v3;
	v58 =	vperm.xlane v16, v4  }
0x131: {  	v45 =	vld [tilespmem:s8+$0x2EA0];
	[tilespmem:s20+$0x2E70] =	vst v39;
	v36 =	vperm.xlane v16, v6;
	v39 =	vperm.xlane v16, v7  }
0x132: {  	v27 =	vld [tilespmem:s7+$0x2E80];
	[tilespmem:s20+$0x2E50] =	vst v63;
	vm15 =	vge.f32 v24, $0.0e+00;
	v51 =	vmul.f32 v32, v49;
	v57 =	vmul.f32 v33, v53  }
0x133: {  	v31 =	vld [tilespmem:s4+$0x2E70];
	[tilespmem:s20+$0x2E60] =	vst v12;
	v60 =	vmul.f32 v20, v54;
	v20 =	vsel vm15, v24, v56;
	v24 =	vadd.f32 v61, v59  }
0x134: {  	vm4 =	vlt.f32 v37, $-1.000000010e-01;
	v35 =	vld [tilespmem:s7+$0x2E40];
	[tilespmem:s20+$0x2E80] =	vst v42;
	v11 =	vmul.f32 v29, v55;
	v62 =	vmul.f32 v62, v58  }
0x135: {  	v50 =	vld [tilespmem:s7+$0x2E50];
	[tilespmem:s20+$0x2E90] =	vst v13;
	v63 =	vmul.f32 $1.442695020e+00, v20;
	v32 =	vmul.f32 $2.000000030e-01, v24  }
0x136: {  	v26 =	vld [tilespmem:s7+$0x2E70];
	[tilespmem:s20+$0x2EA0] =	vst v15;
	v33 =	vperm.xlane v16, v5;
	v43 =	vmul.f32 v45, v36;
	vm5 =	vge.f32 v24, $0.0e+00  }
0x137: {  	v38 =	vld [tilespmem:s7+$0x2EA0];
	[tilespmem:s20+$0x2EB0] =	vst v8;
	v44 =	vmul.f32 v47, v39;
	v53 =	vsel vm5, v24, v32;
	v37 =	vpop (erf);
	(erf) = vpow2.f32 v63  }
0x138: {  	s9 =	sor.u32 $0x6, s23;
	v19 =	vld [tilespmem:s7+$0x2E90];
	v8 =	vmul.f32 v28, v33;
	[tilespmem:s8+$0x2E50] =	vst v57;
	v57 =	vmul.f32 $1.442695020e+00, v53;
	v15 =	vsel vm4, $0x2EDBE6FF, v37  }
0x139: {  	s12 =	smul.u32 $0x240, s9;
	s9 =	sshll.u32 s9, $0x4;
	v42 =	vld [tilespmem:s4+$0x2E40];
	[tilespmem:s8+$0x2EC0] =	vst v16;
	v41 =	vperm.xlane v15, v0;
	v46 =	vperm.xlane v15, v1  }
0x13a: {  	s9 =	sand.u32 $0x3FFFFFF0, s9;
	v40 =	vld [tilespmem:s7+$0x2EB0];
	[tilespmem:s8+$0x2E40] =	vst v51;
	v47 =	vperm.xlane v15, v2;
	v49 =	vperm.xlane v15, v3  }
0x13b: {  	s20 =	sshra.s32 s12, $0x2;
	v54 =	vld [tilespmem:s9+$0x6040];
	[tilespmem:s8+$0x2E60] =	vst v60;
	v58 =	vperm.xlane v15, v5;
	v60 =	vperm.xlane v15, v6  }
0x13c: {  	[tilespmem:s8+$0x2E70] =	vst v11;
	v63 =	vperm.xlane v15, v7;
	v48 =	vmul.f32 v50, v46;
	v50 =	vld [tilespmem:s20+$0x2EC0]  }
0x13d: {  	v45 =	vld [tilespmem:s4+$0x2E50];
	[tilespmem:s8+$0x2E80] =	vst v62;
	v13 =	vmul.f32 v35, v41;
	v51 =	vmul.f32 v52, v47  }
0x13e: {  	v29 =	vld [tilespmem:s4+$0x2E60];
	[tilespmem:s8+$0x2EA0] =	vst v43;
	v52 =	vperm.xlane v15, v4;
	v55 =	vmul.f32 v26, v49  }
0x13f: {  	v56 =	vld [tilespmem:s4+$0x2E80];
	s9 =	sor.u32 $0x7, s23;
	[tilespmem:s8+$0x2EB0] =	vst v44;
	v12 =	vmul.f32 v19, v58;
	v9 =	vmul.f32 v38, v60  }
0x140: {  	v59 =	vld [tilespmem:s4+$0x2E90];
	vm6 =	vlt.f32 v20, $-1.000000010e-01;
	s12 =	smul.u32 $0x240, s9;
	[tilespmem:s8+$0x2E90] =	vst v8;
	v36 =	vmul.f32 v40, v63;
	v8 =	vmul.f32 v27, v52;
	v61 =	vpop (erf)  }
0x141: {  	v62 =	vld [tilespmem:s4+$0x2EA0];
	[tilespmem:s7+$0x2EC0] =	vst v15;
	(erf) = vpow2.f32 v57;
	v18 =	vadd.f32 v54, v50;
	v20 =	vsel vm6, $0x2EDBE6FF, v61  }
0x142: {  	s9 =	sshll.u32 s9, $0x4;
	v33 =	vld [tilespmem:s4+$0x2EB0];
	s8 =	sshra.s32 s12, $0x2;
	[tilespmem:s7+$0x2E40] =	vst v13;
	v34 =	vperm.xlane v20, v0;
	v37 =	vperm.xlane v20, v1  }
0x143: {  	s9 =	sand.u32 $0x3FFFFFF0, s9;
	v47 =	vld [tilespmem:s8+$0x2EC0];
	[tilespmem:s7+$0x2E50] =	vst v48;
	v41 =	vmul.f32 $2.000000030e-01, v18;
	v43 =	vperm.xlane v20, v2  }
0x144: {  	v49 =	vld [tilespmem:s9+$0x6040];
	[tilespmem:s7+$0x2E60] =	vst v51;
	v46 =	vperm.xlane v20, v4;
	v52 =	vperm.xlane v20, v5  }
0x145: {  	v44 =	vld [tilespmem:s3+$0x2E70];
	[tilespmem:s7+$0x2E70] =	vst v55;
	v55 =	vperm.xlane v20, v6;
	v39 =	vmul.f32 v42, v34  }
0x146: {  	v35 =	vld [tilespmem:s3+$0x2E40];
	[tilespmem:s7+$0x2E90] =	vst v12;
	vm7 =	vge.f32 v18, $0.0e+00;
	v42 =	vmul.f32 v45, v37;
	v45 =	vperm.xlane v20, v3  }
0x147: {  	v38 =	vld [tilespmem:s3+$0x2E50];
	[tilespmem:s7+$0x2E80] =	vst v8;
	v18 =	vsel vm7, v18, v41;
	v8 =	vmul.f32 v29, v43;
	v50 =	vmul.f32 v56, v46  }
0x148: {  	v40 =	vld [tilespmem:s3+$0x2E60];
	[tilespmem:s7+$0x2EA0] =	vst v9;
	v56 =	vperm.xlane v20, v7;
	v48 =	vmul.f32 $1.442695020e+00, v18  }
0x149: {  	v51 =	vld [tilespmem:s3+$0x2E80];
	[tilespmem:s7+$0x2EB0] =	vst v36;
	v9 =	vmul.f32 v59, v52;
	v13 =	vmul.f32 v62, v55;
	v62 =	vadd.f32 v49, v47  }
0x14a: {  	vm8 =	vlt.f32 v53, $-1.000000010e-01;
	v54 =	vld [tilespmem:s3+$0x2E90];
	[tilespmem:s4+$0x2EC0] =	vst v20;
	v10 =	vmul.f32 v31, v45;
	v53 =	vpop (erf);
	(erf) = vpow2.f32 v48  }
0x14b: {  	s9 =	sor.u32 $0x8, s23;
	v57 =	vld [tilespmem:s3+$0x2EA0];
	[tilespmem:s4+$0x2E40] =	vst v39;
	v60 =	vmul.f32 v33, v56;
	v29 =	vmul.f32 $2.000000030e-01, v62;
	v21 =	vsel vm8, $0x2EDBE6FF, v53  }
0x14c: {  	s12 =	smul.u32 $0x240, s9;
	v61 =	vld [tilespmem:s20+$0x2E40];
	[tilespmem:s4+$0x2E50] =	vst v42;
	v58 =	vperm.xlane v21, v0;
	v33 =	vperm.xlane v21, v1  }
0x14d: {  	v59 =	vld [tilespmem:s3+$0x2EB0];
	[tilespmem:s4+$0x2E60] =	vst v8;
	v8 =	vperm.xlane v21, v2;
	v37 =	vperm.xlane v21, v3  }
0x14e: {  	s9 =	sshll.u32 s9, $0x4;
	s7 =	sshra.s32 s12, $0x2;
	v34 =	vld [tilespmem:s20+$0x2E50];
	[tilespmem:s4+$0x2E80] =	vst v50;
	v39 =	vperm.xlane v21, v4;
	v45 =	vperm.xlane v21, v5  }
0x14f: {  	s9 =	sand.u32 $0x3FFFFFF0, s9;
	v41 =	vld [tilespmem:s7+$0x2EC0];
	[tilespmem:s4+$0x2E90] =	vst v9;
	v48 =	vperm.xlane v21, v6;
	v50 =	vperm.xlane v21, v7  }
0x150: {  	vm9 =	vge.f32 v62, $0.0e+00;
	[tilespmem:s4+$0x2EA0] =	vst v13;
	v63 =	vmul.f32 v35, v58;
	v42 =	vmul.f32 v44, v37;
	v44 =	vld [tilespmem:s9+$0x6040]  }
0x151: {  	v47 =	vld [tilespmem:s20+$0x2E80];
	[tilespmem:s4+$0x2E70] =	vst v10;
	v36 =	vmul.f32 v38, v33;
	v8 =	vmul.f32 v40, v8;
	v40 =	vsel vm9, v62, v29  }
0x152: {  	v49 =	vld [tilespmem:s20+$0x2E90];
	[tilespmem:s4+$0x2EB0] =	vst v60;
	v12 =	vmul.f32 v51, v39;
	v43 =	vmul.f32 $1.442695020e+00, v40  }
0x153: {  	v52 =	vld [tilespmem:s20+$0x2EA0];
	vm10 =	vlt.f32 v18, $-1.000000010e-01;
	[tilespmem:s3+$0x2EC0] =	vst v21;
	v53 =	vmul.f32 v54, v45;
	v54 =	vmul.f32 v57, v48;
	v46 =	vpop (erf)  }
0x154: {  	v35 =	vld [tilespmem:s20+$0x2E60];
	s9 =	sor.u32 $0x9, s23;
	v56 =	vmul.f32 v59, v50;
	[tilespmem:s3+$0x2E40] =	vst v63;
	(erf) = vpow2.f32 v43;
	v17 =	vsel vm10, $0x2EDBE6FF, v46  }
0x155: {  	v38 =	vld [tilespmem:s20+$0x2E70];
	s12 =	smul.u32 $0x240, s9;
	[tilespmem:s3+$0x2E60] =	vst v8;
	v59 =	vadd.f32 v44, v41;
	v51 =	vperm.xlane v17, v0;
	v8 =	vperm.xlane v17, v1  }
0x156: {  	v55 =	vld [tilespmem:s20+$0x2EB0];
	[tilespmem:s3+$0x2E50] =	vst v36;
	v60 =	vperm.xlane v17, v2;
	v62 =	vperm.xlane v17, v3  }
0x157: {  	v58 =	vld [tilespmem:s8+$0x2E40];
	s9 =	sshll.u32 s9, $0x4;
	[tilespmem:s3+$0x2E70] =	vst v42;
	s4 =	sshra.s32 s12, $0x2;
	v31 =	vmul.f32 $2.000000030e-01, v59;
	v32 =	vperm.xlane v17, v4  }
0x158: {  	[tilespmem:s3+$0x2E80] =	vst v12;
	s9 =	sand.u32 $0x3FFFFFF0, s9;
	v33 =	vld [tilespmem:s4+$0x2EC0];
	v39 =	vperm.xlane v17, v6;
	v42 =	vperm.xlane v17, v7  }
0x159: {  	[tilespmem:s3+$0x2E90] =	vst v53;
	v8 =	vmul.f32 v34, v8;
	v34 =	vmul.f32 v35, v60;
	v35 =	vld [tilespmem:s9+$0x6040]  }
0x15a: {  	v45 =	vld [tilespmem:s8+$0x2EA0];
	[tilespmem:s3+$0x2EA0] =	vst v54;
	vm11 =	vge.f32 v59, $0.0e+00;
	v57 =	vmul.f32 v61, v51;
	v9 =	vmul.f32 v38, v62  }
0x15b: {  	v63 =	vld [tilespmem:s8+$0x2E60];
	[tilespmem:s3+$0x2EB0] =	vst v56;
	v20 =	vsel vm11, v59, v31;
	v12 =	vmul.f32 v47, v32;
	v38 =	vperm.xlane v17, v5;
	s9 =	sor.u32 $0xA, s23  }
0x15c: {  	v36 =	vld [tilespmem:s8+$0x2E70];
	[tilespmem:s20+$0x2EC0] =	vst v17;
	v14 =	vmul.f32 v55, v42;
	v37 =	vmul.f32 $1.442695020e+00, v20;
	s12 =	smul.u32 $0x240, s9;
	s9 =	sshll.u32 s9, $0x4  }
0x15d: {  	vm12 =	vlt.f32 v40, $-1.000000010e-01;
	v61 =	vld [tilespmem:s8+$0x2E50];
	v10 =	vmul.f32 v49, v38;
	[tilespmem:s20+$0x2E50] =	vst v8;
	v8 =	vmul.f32 v52, v39;
	s9 =	sand.u32 $0x3FFFFFF0, s9;
	v40 =	vpop (erf)  }
0x15e: {  	[tilespmem:s20+$0x2E40] =	vst v57;
	s3 =	sshra.s32 s12, $0x2;
	v56 =	vld [tilespmem:s9+$0x6040];
	(erf) = vpow2.f32 v37;
	v22 =	vadd.f32 v35, v33;
	v16 =	vsel vm12, $0x2EDBE6FF, v40  }
0x15f: {  	[tilespmem:s20+$0x2E60] =	vst v34;
	v54 =	vld [tilespmem:s3+$0x2EC0];
	v44 =	vperm.xlane v16, v0;
	v48 =	vperm.xlane v16, v1  }
0x160: {  	v41 =	vld [tilespmem:s8+$0x2E80];
	[tilespmem:s20+$0x2E70] =	vst v9;
	v50 =	vperm.xlane v16, v2;
	v26 =	vmul.f32 $2.000000030e-01, v22  }
0x161: {  	v43 =	vld [tilespmem:s8+$0x2E90];
	[tilespmem:s20+$0x2E80] =	vst v12;
	v53 =	vperm.xlane v16, v3;
	v55 =	vperm.xlane v16, v4  }
0x162: {  	v46 =	vld [tilespmem:s8+$0x2EB0];
	[tilespmem:s20+$0x2EB0] =	vst v14;
	v59 =	vperm.xlane v16, v5;
	v31 =	vperm.xlane v16, v7  }
0x163: {  	v51 =	vld [tilespmem:s7+$0x2E50];
	[tilespmem:s20+$0x2E90] =	vst v10;
	vm13 =	vge.f32 v22, $0.0e+00;
	v47 =	vmul.f32 v58, v44;
	v52 =	vmul.f32 v61, v48  }
0x164: {  	v60 =	vld [tilespmem:s7+$0x2E70];
	[tilespmem:s20+$0x2EA0] =	vst v8;
	v9 =	vmul.f32 v63, v50;
	v22 =	vsel vm13, v22, v26;
	v23 =	vadd.f32 v56, v54  }
0x165: {  	v32 =	vld [tilespmem:s7+$0x2E90];
	[tilespmem:s8+$0x2EC0] =	vst v16;
	v8 =	vmul.f32 v36, v53;
	v58 =	vmul.f32 $1.442695020e+00, v22  }
0x166: {  	vm14 =	vlt.f32 v20, $-1.000000010e-01;
	v49 =	vld [tilespmem:s7+$0x2E40];
	v10 =	vmul.f32 v41, v55;
	[tilespmem:s8+$0x2E40] =	vst v47;
	v40 =	vmul.f32 $2.000000030e-01, v23  }
0x167: {  	v57 =	vld [tilespmem:s7+$0x2E60];
	v61 =	vperm.xlane v16, v6;
	[tilespmem:s8+$0x2E50] =	vst v52;
	vm15 =	vge.f32 v23, $0.0e+00;
	v62 =	vpop (erf);
	(erf) = vpow2.f32 v58  }
0x168: {  	v38 =	vld [tilespmem:s7+$0x2EB0];
	v30 =	vmul.f32 v43, v59;
	v36 =	vmul.f32 v46, v31;
	[tilespmem:s8+$0x2E60] =	vst v9;
	v19 =	vsel vm15, v23, v40  }
0x169: {  	v39 =	vld [tilespmem:s4+$0x2E40];
	v33 =	vmul.f32 v45, v61;
	[tilespmem:s8+$0x2E70] =	vst v8;
	v48 =	vmul.f32 $1.442695020e+00, v19;
	v18 =	vsel vm14, $0x2EDBE6FF, v62  }
0x16a: {  	s9 =	sor.u32 $0xB, s23;
	v35 =	vld [tilespmem:s7+$0x2EA0];
	[tilespmem:s8+$0x2E80] =	vst v10;
	v34 =	vperm.xlane v18, v0;
	v37 =	vperm.xlane v18, v1  }
0x16b: {  	s12 =	smul.u32 $0x240, s9;
	s9 =	sshll.u32 s9, $0x4;
	v63 =	vld [tilespmem:s7+$0x2E80];
	[tilespmem:s8+$0x2E90] =	vst v30;
	v42 =	vperm.xlane v18, v2;
	v44 =	vperm.xlane v18, v3  }
0x16c: {  	s9 =	sand.u32 $0x3FFFFFF0, s9;
	v43 =	vld [tilespmem:s4+$0x2E50];
	[tilespmem:s8+$0x2EB0] =	vst v36;
	v45 =	vperm.xlane v18, v4;
	v53 =	vperm.xlane v18, v5  }
0x16d: {  	v52 =	vld [tilespmem:s9+$0x6040];
	s9 =	sor.u32 $0xC, s23;
	[tilespmem:s8+$0x2EA0] =	vst v33;
	v56 =	vperm.xlane v18, v7;
	v8 =	vmul.f32 v49, v34  }
0x16e: {  	s20 =	sshra.s32 s12, $0x2;
	v46 =	vld [tilespmem:s4+$0x2E60];
	s12 =	smul.u32 $0x240, s9;
	[tilespmem:s7+$0x2EC0] =	vst v18;
	v41 =	vmul.f32 v51, v37;
	v47 =	vmul.f32 v57, v42  }
0x16f: {  	v49 =	vld [tilespmem:s20+$0x2EC0];
	v50 =	vmul.f32 v60, v44;
	[tilespmem:s7+$0x2E40] =	vst v8;
	v8 =	vperm.xlane v18, v6  }
0x170: {  	v55 =	vld [tilespmem:s4+$0x2E70];
	vm4 =	vlt.f32 v22, $-1.000000010e-01;
	s9 =	sshll.u32 s9, $0x4;
	s8 =	sshra.s32 s12, $0x2;
	v51 =	vmul.f32 v63, v45;
	v58 =	vmul.f32 v32, v53;
	[tilespmem:s7+$0x2E50] =	vst v41;
	v54 =	vpop (erf)  }
0x171: {  	s9 =	sand.u32 $0x3FFFFFF0, s9;
	v40 =	vld [tilespmem:s8+$0x2EC0];
	v61 =	vmul.f32 v38, v56;
	[tilespmem:s7+$0x2E60] =	vst v47;
	v8 =	vmul.f32 v35, v8;
	v22 =	vsel vm4, $0x2EDBE6FF, v54  }
0x172: {  	v42 =	vld [tilespmem:s9+$0x6040];
	[tilespmem:s7+$0x2E70] =	vst v50;
	(erf) = vpow2.f32 v48;
	v59 =	vperm.xlane v22, v0  }
0x173: {  	v57 =	vld [tilespmem:s4+$0x2E80];
	[tilespmem:s7+$0x2E80] =	vst v51;
	v32 =	vperm.xlane v22, v1;
	v34 =	vperm.xlane v22, v2  }
0x174: {  	v60 =	vld [tilespmem:s4+$0x2E90];
	[tilespmem:s7+$0x2E90] =	vst v58;
	v14 =	vadd.f32 v52, v49;
	v35 =	vperm.xlane v22, v3;
	v37 =	vperm.xlane v22, v4  }
0x175: {  	v33 =	vld [tilespmem:s4+$0x2EB0];
	[tilespmem:s7+$0x2EB0] =	vst v61;
	v47 =	vperm.xlane v22, v6;
	v48 =	vperm.xlane v22, v7  }
0x176: {  	vm6 =	vlt.f32 v19, $-1.000000010e-01;
	v62 =	vld [tilespmem:s4+$0x2EA0];
	[tilespmem:s7+$0x2EA0] =	vst v8;
	v63 =	vmul.f32 v39, v59;
	v39 =	vmul.f32 $2.000000030e-01, v14  }
0x177: {  	v36 =	vld [tilespmem:s3+$0x2E40];
	s9 =	sor.u32 $0xD, s23;
	v15 =	vadd.f32 v42, v40;
	[tilespmem:s4+$0x2EC0] =	vst v22;
	v8 =	vmul.f32 v43, v32;
	v43 =	vperm.xlane v22, v5  }
0x178: {  	v38 =	vld [tilespmem:s3+$0x2E50];
	s12 =	smul.u32 $0x240, s9;
	s9 =	sshll.u32 s9, $0x4;
	vm5 =	vge.f32 v14, $0.0e+00;
	v11 =	vmul.f32 v46, v34;
	v41 =	vmul.f32 v55, v35;
	[tilespmem:s4+$0x2E40] =	vst v63  }
0x179: {  	v45 =	vld [tilespmem:s3+$0x2E60];
	s9 =	sand.u32 $0x3FFFFFF0, s9;
	v10 =	vmul.f32 v57, v37;
	v14 =	vsel vm5, v14, v39;
	[tilespmem:s4+$0x2E50] =	vst v8;
	v51 =	vmul.f32 v60, v43  }
0x17a: {  	v50 =	vld [tilespmem:s3+$0x2E80];
	[tilespmem:s4+$0x2E60] =	vst v11;
	v60 =	vmul.f32 $2.000000030e-01, v15;
	v46 =	vmul.f32 $1.442695020e+00, v14  }
0x17b: {  	v29 =	vld [tilespmem:s9+$0x6040];
	vm7 =	vge.f32 v15, $0.0e+00;
	v9 =	vmul.f32 v62, v47;
	v53 =	vmul.f32 v33, v48;
	[tilespmem:s4+$0x2E70] =	vst v41;
	v44 =	vpop (erf)  }
0x17c: {  	v49 =	vld [tilespmem:s3+$0x2E70];
	s7 =	sshra.s32 s12, $0x2;
	[tilespmem:s4+$0x2E80] =	vst v10;
	v15 =	vsel vm7, v15, v60;
	(erf) = vpow2.f32 v46;
	v19 =	vsel vm6, $0x2EDBE6FF, v44  }
0x17d: {  	[tilespmem:s4+$0x2EA0] =	vst v9;
	v63 =	vld [tilespmem:s7+$0x2EC0];
	v31 =	vmul.f32 $1.442695020e+00, v15;
	v8 =	vperm.xlane v19, v0  }
0x17e: {  	v54 =	vld [tilespmem:s3+$0x2EA0];
	[tilespmem:s4+$0x2EB0] =	vst v53;
	v55 =	vperm.xlane v19, v1;
	v56 =	vperm.xlane v19, v2  }
0x17f: {  	v30 =	vld [tilespmem:s20+$0x2E50];
	[tilespmem:s4+$0x2E90] =	vst v51;
	v58 =	vperm.xlane v19, v3;
	v8 =	vmul.f32 v36, v8  }
0x180: {  	v57 =	vld [tilespmem:s3+$0x2EB0];
	v62 =	vperm.xlane v19, v4;
	[tilespmem:s3+$0x2EC0] =	vst v19;
	v61 =	vmul.f32 v38, v55  }
0x181: {  	v52 =	vld [tilespmem:s3+$0x2E90];
	v32 =	vperm.xlane v19, v6;
	v28 =	vmul.f32 v45, v56;
	[tilespmem:s3+$0x2E40] =	vst v8  }
0x182: {  	v59 =	vld [tilespmem:s20+$0x2E40];
	v34 =	vperm.xlane v19, v7;
	v16 =	vadd.f32 v29, v63;
	v11 =	vmul.f32 v49, v58;
	[tilespmem:s3+$0x2E50] =	vst v61  }
0x183: {  	v33 =	vld [tilespmem:s20+$0x2E60];
	v10 =	vmul.f32 v50, v62;
	v37 =	vmul.f32 v54, v32;
	[tilespmem:s3+$0x2E60] =	vst v28  }
0x184: {  	s12 =	sor.u32 $0xE, s23;
	v39 =	vld [tilespmem:s20+$0x2E80];
	v46 =	vmul.f32 $2.000000030e-01, v16;
	v8 =	vperm.xlane v19, v5;
	[tilespmem:s3+$0x2E70] =	vst v11  }
0x185: {  	v41 =	vld [tilespmem:s20+$0x2E90];
	vm8 =	vlt.f32 v14, $-1.000000010e-01;
	s4 =	sshll.u32 s12, $0x4;
	v9 =	vmul.f32 v57, v34;
	vm9 =	vge.f32 v16, $0.0e+00;
	[tilespmem:s3+$0x2E80] =	vst v10  }
0x186: {  	s9 =	smul.u32 $0x240, s12;
	s4 =	sand.u32 $0x3FFFFFF0, s4;
	v44 =	vld [tilespmem:s20+$0x2EA0];
	[tilespmem:s3+$0x2EA0] =	vst v37;
	v16 =	vsel vm9, v16, v46;
	v8 =	vmul.f32 v52, v8;
	v35 =	vpop (erf);
	(erf) = vpow2.f32 v31  }
0x187: {  	v53 =	vld [tilespmem:s4+$0x6040];
	[tilespmem:s3+$0x2EB0] =	vst v9;
	v20 =	vmul.f32 $1.442695020e+00, v16;
	v38 =	vsel vm8, $0x2EDBE6FF, v35  }
0x188: {  	v45 =	vld [tilespmem:s20+$0x2EB0];
	[tilespmem:s3+$0x2E90] =	vst v8;
	s3 =	sshra.s32 s9, $0x2;
	v40 =	vperm.xlane v38, v0;
	v42 =	vperm.xlane v38, v1  }
0x189: {  	v43 =	vperm.xlane v38, v2;
	v49 =	vperm.xlane v38, v3;
	v55 =	vld [tilespmem:s3+$0x2EC0]  }
0x18a: {  	v36 =	vld [tilespmem:s20+$0x2E70];
	v50 =	vperm.xlane v38, v4;
	v52 =	vperm.xlane v38, v5  }
0x18b: {  	v60 =	vperm.xlane v38, v7;
	v8 =	vmul.f32 v59, v40  }
0x18c: {  	v48 =	vld [tilespmem:s8+$0x2E40];
	[tilespmem:s20+$0x2EC0] =	vst v38;
	v10 =	vmul.f32 v30, v42;
	v47 =	vmul.f32 v33, v43  }
0x18d: {  	v51 =	vld [tilespmem:s8+$0x2E50];
	s12 =	sor.u32 $0xF, s23;
	v54 =	vmul.f32 v39, v50;
	v59 =	vperm.xlane v38, v6;
	[tilespmem:s20+$0x2E40] =	vst v8  }
0x18e: {  	v29 =	vld [tilespmem:s8+$0x2E80];
	s9 =	sshll.u32 s12, $0x4;
	s12 =	smul.u32 $0x240, s12;
	v57 =	vmul.f32 v41, v52;
	v11 =	vmul.f32 v45, v60;
	[tilespmem:s20+$0x2E50] =	vst v10;
	v14 =	vadd.f32 v53, v55  }
0x18f: {  	vm10 =	vlt.f32 v15, $-1.000000010e-01;
	v61 =	vld [tilespmem:s8+$0x2E60];
	s4 =	sand.u32 $0x3FFFFFF0, s9;
	v8 =	vmul.f32 v36, v49;
	[tilespmem:s20+$0x2E60] =	vst v47;
	v28 =	vmul.f32 v44, v59;
	v58 =	vpop (erf)  }
0x190: {  	v56 =	vld [tilespmem:s4+$0x6040];
	s4 =	sshra.s32 s12, $0x2;
	[tilespmem:s20+$0x2E80] =	vst v54;
	(erf) = vpow2.f32 v20;
	v37 =	vmul.f32 $2.000000030e-01, v14;
	v15 =	vsel vm10, $0x2EDBE6FF, v58  }
0x191: {  	v41 =	vld [tilespmem:s4+$0x2EC0];
	[tilespmem:s20+$0x2E70] =	vst v8;
	v8 =	vperm.xlane v15, v0;
	v62 =	vperm.xlane v15, v1  }
0x192: {  	v31 =	vld [tilespmem:s8+$0x2E90];
	[tilespmem:s20+$0x2E90] =	vst v57;
	v32 =	vperm.xlane v15, v2;
	v33 =	vperm.xlane v15, v3  }
0x193: {  	[tilespmem:s20+$0x2EB0] =	vst v11;
	v36 =	vld [tilespmem:s8+$0x2EB0];
	v35 =	vperm.xlane v15, v4;
	v38 =	vperm.xlane v15, v5  }
0x194: {  	v63 =	vld [tilespmem:s8+$0x2E70];
	[tilespmem:s20+$0x2EA0] =	vst v28;
	vm11 =	vge.f32 v14, $0.0e+00;
	v46 =	vperm.xlane v15, v6;
	v8 =	vmul.f32 v48, v8  }
0x195: {  	v34 =	vld [tilespmem:s8+$0x2EA0];
	v40 =	vsel vm11, v14, v37;
	v47 =	vperm.xlane v15, v7;
	[tilespmem:s8+$0x2EC0] =	vst v15;
	v30 =	vmul.f32 v51, v62  }
0x196: {  	v14 =	vadd.f32 v56, v41;
	v45 =	vmul.f32 $1.442695020e+00, v40;
	v9 =	vmul.f32 v61, v32;
	[tilespmem:s8+$0x2E40] =	vst v8  }
0x197: {  	v39 =	vld [tilespmem:s7+$0x2E40];
	v11 =	vmul.f32 v29, v35;
	v42 =	vmul.f32 v31, v38;
	[tilespmem:s8+$0x2E50] =	vst v30  }
0x198: {  	vm12 =	vlt.f32 v16, $-1.000000010e-01;
	v50 =	vld [tilespmem:s7+$0x2E70];
	v51 =	vmul.f32 v36, v47;
	v57 =	vmul.f32 $2.000000030e-01, v14;
	[tilespmem:s8+$0x2E60] =	vst v9  }
0x199: {  	v44 =	vld [tilespmem:s7+$0x2E50];
	vm13 =	vge.f32 v14, $0.0e+00;
	v8 =	vmul.f32 v63, v33;
	[tilespmem:s8+$0x2E80] =	vst v11;
	v43 =	vpop (erf);
	(erf) = vpow2.f32 v45  }
0x19a: {  	v48 =	vld [tilespmem:s7+$0x2E60];
	v9 =	vmul.f32 v34, v46;
	[tilespmem:s8+$0x2E90] =	vst v42;
	v60 =	vsel vm13, v14, v57;
	v13 =	vsel vm12, $0x2EDBE6FF, v43  }
0x19b: {  	v52 =	vld [tilespmem:s7+$0x2E80];
	v20 =	vmul.f32 $1.442695020e+00, v60;
	[tilespmem:s8+$0x2E70] =	vst v8;
	v8 =	vperm.xlane v13, v0  }
0x19c: {  	v55 =	vld [tilespmem:s7+$0x2E90];
	[tilespmem:s8+$0x2EB0] =	vst v51;
	v49 =	vperm.xlane v13, v1;
	v54 =	vperm.xlane v13, v2  }
0x19d: {  	[tilespmem:s8+$0x2EA0] =	vst v9;
	v56 =	vperm.xlane v13, v3;
	v8 =	vmul.f32 v39, v8  }
0x19e: {  	v59 =	vld [tilespmem:s7+$0x2EA0];
	v58 =	vperm.xlane v13, v4;
	[tilespmem:s7+$0x2EC0] =	vst v13;
	v53 =	vmul.f32 v44, v49  }
0x19f: {  	v62 =	vld [tilespmem:s7+$0x2EB0];
	v61 =	vperm.xlane v13, v5;
	v11 =	vmul.f32 v48, v54;
	[tilespmem:s7+$0x2E40] =	vst v8  }
0x1a0: {  	v22 =	vperm.xlane v13, v6;
	v8 =	vmul.f32 v50, v56;
	[tilespmem:s7+$0x2E50] =	vst v53  }
0x1a1: {  	v23 =	vld [tilespmem:s3+$0x2E40];
	v63 =	vmul.f32 v52, v58;
	v21 =	vmul.f32 v55, v61;
	[tilespmem:s7+$0x2E60] =	vst v11  }
0x1a2: {  	v25 =	vld [tilespmem:s3+$0x2E50];
	vm14 =	vlt.f32 v40, $-1.000000010e-01;
	[tilespmem:s7+$0x2E70] =	vst v8;
	v8 =	vperm.xlane v13, v7;
	v24 =	vpop (erf);
	(erf) = vpow2.f32 v20  }
0x1a3: {  	v27 =	vld [tilespmem:s3+$0x2E60];
	v26 =	vmul.f32 v59, v22;
	[tilespmem:s7+$0x2E80] =	vst v63;
	v12 =	vsel vm14, $0x2EDBE6FF, v24  }
0x1a4: {  	v29 =	vld [tilespmem:s3+$0x2E70];
	[tilespmem:s7+$0x2E90] =	vst v21;
	v8 =	vmul.f32 v62, v8;
	v28 =	vperm.xlane v12, v0  }
0x1a5: {  	v31 =	vld [tilespmem:s3+$0x2E80];
	[tilespmem:s7+$0x2EA0] =	vst v26;
	v30 =	vperm.xlane v12, v1  }
0x1a6: {  	v33 =	vld [tilespmem:s3+$0x2E90];
	v32 =	vperm.xlane v12, v2;
	[tilespmem:s7+$0x2EB0] =	vst v8;
	v8 =	vmul.f32 v23, v28  }
0x1a7: {  	v35 =	vld [tilespmem:s3+$0x2EA0];
	v34 =	vperm.xlane v12, v3;
	[tilespmem:s3+$0x2EC0] =	vst v12;
	v9 =	vmul.f32 v25, v30  }
0x1a8: {  	v37 =	vld [tilespmem:s3+$0x2EB0];
	v36 =	vperm.xlane v12, v4;
	[tilespmem:s3+$0x2E40] =	vst v8;
	v8 =	vmul.f32 v27, v32  }
0x1a9: {  	v39 =	vperm.xlane v12, v5;
	v38 =	vmul.f32 v29, v34;
	[tilespmem:s3+$0x2E50] =	vst v9  }
0x1aa: {  	v41 =	vld [tilespmem:s4+$0x2E40];
	v40 =	vperm.xlane v12, v6;
	[tilespmem:s3+$0x2E60] =	vst v8;
	v8 =	vmul.f32 v31, v36  }
0x1ab: {  	vm15 =	vlt.f32 v60, $-1.000000010e-01;
	v45 =	vld [tilespmem:s4+$0x2E50];
	v43 =	vperm.xlane v12, v7;
	v42 =	vmul.f32 v33, v39;
	[tilespmem:s3+$0x2E70] =	vst v38;
	v44 =	vpop (erf)  }
0x1ac: {  	v46 =	vld [tilespmem:s4+$0x2E60];
	[tilespmem:s3+$0x2E80] =	vst v8;
	v8 =	vmul.f32 v35, v40;
	v10 =	vsel vm15, $0x2EDBE6FF, v44  }
0x1ad: {  	v49 =	vld [tilespmem:s4+$0x2E70];
	v47 =	vmul.f32 v37, v43;
	[tilespmem:s3+$0x2E90] =	vst v42;
	v48 =	vperm.xlane v10, v0  }
0x1ae: {  	v50 =	vld [tilespmem:s4+$0x2E80];
	[tilespmem:s3+$0x2EA0] =	vst v8;
	v8 =	vperm.xlane v10, v1  }
0x1af: {  	v53 =	vld [tilespmem:s4+$0x2E90];
	[tilespmem:s3+$0x2EB0] =	vst v47;
	v52 =	vperm.xlane v10, v2;
	v51 =	vmul.f32 v41, v48  }
0x1b0: {  	v55 =	vld [tilespmem:s4+$0x2EA0];
	v54 =	vperm.xlane v10, v3;
	[tilespmem:s4+$0x2EC0] =	vst v10;
	v8 =	vmul.f32 v45, v8  }
0x1b1: {  	v58 =	vld [tilespmem:s4+$0x2EB0];
	v57 =	vperm.xlane v10, v4;
	v56 =	vmul.f32 v46, v52;
	[tilespmem:s4+$0x2E40] =	vst v51  }
0x1b2: {  	v59 =	vperm.xlane v10, v5;
	[tilespmem:s4+$0x2E50] =	vst v8;
	v8 =	vmul.f32 v49, v54  }
0x1b3: {  	p1 =	slt.u32 s23, $0x40;
	v61 =	vperm.xlane v10, v6;
	v60 =	vmul.f32 v50, v57;
	[tilespmem:s4+$0x2E60] =	vst v56  }
.Ltmp4:
0x1b4: {  	v62 =	vperm.xlane v10, v7;
	[tilespmem:s4+$0x2E70] =	vst v8;
	v8 =	vmul.f32 v53, v59;
	(pc) =	sbr.rel @p1 .LBB2_6-.Ltmp4, $4  }
0x1b5: {  	v63 =	vmul.f32 v55, v61;
	[tilespmem:s4+$0x2E80] =	vst v60  }
0x1b6: {  	[tilespmem:s4+$0x2E90] =	vst v8;
	v8 =	vmul.f32 v58, v62  }
0x1b7: {  	s20 =	sadd.s32 $0x10, s23;
	[tilespmem:s4+$0x2EA0] =	vst v63  }
0x1b8: {  	s23 =	smov.u32 s20;
	[tilespmem:s4+$0x2EB0] =	vst v8  }
0x1b9: {  	[spmem:s2] =	stream.indirect.scatter.add.f32 [tilespmem:s21], [sflag:$0x5], $0x90, s22, s15, $0xb8;
	[tilespmem:$0x1C8C0] =	vst v63  }
0x1ba: {  	p1 =	sgt.u32 s31, $0x3C  }
0x1bb: {  	s0 =	sadd.s32 @!p1 s0, s11  }
0x1bc: {  	_ =	swait.ge [sflag:s17], $0x2D00;
	s0 =	smul.u32 @!p1 $0xA, s0  }
0x1bd: {  	s3 =	simm.s32 @!p1 $0x50;
	s4 =	simm.s32 @!p1 $0x4E200;
	[sflag:s17] =	ssyncset.done $0x0  }
0x1be: {  	s7 =	simm.s32 @!p1 $0xA0;
	[sflag:s17] =	ssyncadd.s32 $0xFFFFD300;
	s0 =	sadd.s32 @!p1 s1, s0  }
0x1bf: {  	[tilespmem:s7], [sflag:$0x5] =	stream.strided.gather @!p1 [hbm4b:s0+s3], $0xA0, s4, s3, $0x38;
	[tilespmem:$0x1C8C0] =	vst v63  }
0x1c0: {  	s0 =	simm.s32 @!p1 $0x5  }
0x1c1: {  	_ =	swait.ge @!p1 [sflag:s0], $0xA0  }
0x1c2: {  	[sflag:s0] =	ssyncset.done @!p1 $0x0  }
0x1c3: {  	[sflag:s0] =	ssyncadd.s32 @!p1 $0xFFFFFF60;
	s0 =	simm.s32 @!p1 $0x2E40  }
0x1c4: {  	[tilespmem:s0], [sflag:$0x2] =	stream.indirect.gather @!p1 [hbm4b:s5+s3], $0x90, s7, s3, $0xb8;
	[tilespmem:$0x1C8C0] =	vst v63  }
0x1c5: {  	s31 =	sadd.s32 $0x1, s31;
	s4 =	simm.s32 @!p1 $0x6040;
	s0 =	simm.s32 @!p1 $0xF0  }
0x1c6: {  	[tilespmem:s4], [sflag:$0x4] =	stream.indirect.gather @!p1 [hbm4b:s6+s3], $0x10, s0, s3, $0xb8;
	[tilespmem:$0x1C8C0] =	vst v63  }
0x1c7: {  	p1 =	sne.s32 s31, $0x3F  }
.Ltmp5:
0x1c8: {  	_ = 	snop;
	(pc) =	sbr.rel @p1 .LBB2_2-.Ltmp5, $4  }
.Ltmp6:
0x1c9: {  	_ = 	snop;
	(pc) =	sbr.rel @!p1 .LBB2_8-.Ltmp6, $4  }
0x1ca: {  	_ = 	snop  }
0x1cb: {  	_ = 	snop  }
0x1cc: {  	_ = 	snop  }
0x1cd: {  	_ = 	snop  }
.LBB2_9:
0x1ce: {  	_ =	sfence.sel $0x180000  }
0x1cf: {  	[bflag:$0x0] =	sbarrier.arrive $0xFFFF  }
0x1d0: {  	_ =	strace $0x90000047  }
0x1d1: {  	[bflag:$0x2] =	sbarrier.arrive $0xFFFF  }
0x1d2: {  	s0 =	rddreg [dreg:$0x3]  }
0x1d3: {  	s0 =	sadd.s32 @!p0 $0x100000, s0  }
0x1d4: {  	[sflag:s0] =	ssyncadd.tile.s32 @!p0 $0x1;
	_ =	shalt  }
.Lfunc_end2:
_tile_overlayer_lowered:
.L_overlay_start_2:
0x1d5: {  	(tag) =	ssettag $0x2  }
0x1d6: {  	s0 =	rddreg [dreg:$0x0];
	s2 =	stileid.u32  }
0x1d7: {  	s1 =	rddreg [dreg:$0x1];
	p0 =	sne.s32 s2, $0x0  }
0x1d8: {  	s3 =	rddreg [dreg:$0x2];
	[bflag:$0x3] =	sbarrier.arrive $0xFFFF;
	s2 =	simm.s32 @!p0 $0x1C05  }
0x1d9: {  	[timem:s3], [sflag:s2] =	dma.local @!p0 [hbm:s0], s1  }
0x1da: {  	s0 =	simm.s32 @!p0 $0x5  }
0x1db: {  	_ =	swait.ge @!p0 [sflag:s0], s1  }
0x1dc: {  	s1 =	ssub.s32 @!p0 $0x0, s1;
	[sflag:s0] =	ssyncset.done @!p0 $0x0  }
0x1dd: {  	[sflag:s0] =	ssyncadd.s32 @!p0 s1  }
0x1de: {  	[bflag:$0x3] =	sbarrier.arrive $0xFFFF  }
0x1df: {  	_ =	shalt  }

</sc_bundles>
